<compile_context>
chip_gen: v7x
topology: tpu7x:2x2x1
jax: 0.10.2.dev20260603
libtpu: 0.0.44.dev20260713+nightly
codegen_flags: <defaults>
</compile_context>

<pallas_src>
import functools

import jax
import jax.numpy as jnp
from jax import lax
from jax.experimental import pallas as pl
from jax.experimental.pallas import tpu as pltpu
from jax.experimental.pallas import tpu_sc as plsc

N = 10000
NPAD = 10240
H = 64
AUG = 128

f32 = jnp.float32
bf16 = jnp.bfloat16


def _cast_body(b_ref, o_ref, *, cb):
    o_ref[...] = b_ref[...].reshape(cb, NPAD).astype(bf16)


def _cast_to_bf16(b_flat):
    CB = 256
    return pl.pallas_call(
        functools.partial(_cast_body, cb=CB),
        grid=(NPAD // CB,),
        in_specs=[pl.BlockSpec((CB * NPAD,), lambda i: (i,))],
        out_specs=pl.BlockSpec((CB, NPAD), lambda i: (i, 0)),
        out_shape=jax.ShapeDtypeStruct((NPAD, NPAD), bf16),
        compiler_params=pltpu.CompilerParams(
            dimension_semantics=("arbitrary",)),
    )(b_flat)


_NI = 10


def _stair_ij(a, b):
    i = jnp.where(b > a, a, _NI - 1 - a)
    j = jnp.where(b > a, b - 1, _NI - 1 - b)
    return i, j


def _mask2_body(bl_ref, br_ref, be_ref, o_ref, acc_ref, *, bm, bn, nk):
    k = pl.program_id(2)

    @pl.when(k == 0)
    def _():
        acc_ref[...] = jnp.zeros_like(acc_ref)

    acc_ref[...] += jnp.dot(bl_ref[...], br_ref[...],
                            preferred_element_type=f32)

    @pl.when(k == nk - 1)
    def _():
        i, j = _stair_ij(pl.program_id(0), pl.program_id(1))
        c = acc_ref[...]
        m = (c > 0.5) & (be_ref[...] < bf16(0.5))
        rows = i * bm + lax.broadcasted_iota(jnp.int32, (bm, bn), 0)
        cols = j * bn + lax.broadcasted_iota(jnp.int32, (bm, bn), 1)
        m = m & (rows != cols)
        o_ref[...] = m.astype(bf16)


def _mask2(b_bf):
    BM, BN, BK = 1024, 1024, 2048
    nk = NPAD // BK

    def lhs_map(a, b, k):
        i, _ = _stair_ij(a, b)
        return (i, k)

    def rhs_map(a, b, k):
        _, j = _stair_ij(a, b)
        return (k, j)

    def out_map(a, b, k):
        return _stair_ij(a, b)

    return pl.pallas_call(
        functools.partial(_mask2_body, bm=BM, bn=BN, nk=nk),
        grid=(_NI // 2, _NI + 1, nk),
        in_specs=[
            pl.BlockSpec((BM, BK), lhs_map),
            pl.BlockSpec((BK, BN), rhs_map),
            pl.BlockSpec((BM, BN), out_map),
        ],
        out_specs=pl.BlockSpec((BM, BN), out_map),
        out_shape=jax.ShapeDtypeStruct((NPAD, NPAD), bf16),
        scratch_shapes=[pltpu.VMEM((BM, BN), f32)],
        compiler_params=pltpu.CompilerParams(
            dimension_semantics=("parallel", "parallel", "arbitrary")),
    )(b_bf, b_bf, b_bf)


def _embed_body(x_ref, w_ref, b_ref, o_ref, *, bm):
    h = jnp.dot(x_ref[...], w_ref[...], preferred_element_type=f32)
    h = jnp.maximum(h + b_ref[...], 0.0)
    ones = jnp.ones((bm, 1), f32)
    zeros = jnp.zeros((bm, AUG - H - 1), f32)
    o_ref[...] = jnp.concatenate([h, ones, zeros], axis=1)


def _embed(xp, w_embed, b_embed):
    BM = 1024
    return pl.pallas_call(
        functools.partial(_embed_body, bm=BM),
        grid=(NPAD // BM,),
        in_specs=[
            pl.BlockSpec((BM, 128), lambda i: (i, 0)),
            pl.BlockSpec((128, H), lambda i: (0, 0)),
            pl.BlockSpec((1, H), lambda i: (0, 0)),
        ],
        out_specs=pl.BlockSpec((BM, AUG), lambda i: (i, 0)),
        out_shape=jax.ShapeDtypeStruct((NPAD, AUG), f32),
        compiler_params=pltpu.CompilerParams(
            dimension_semantics=("arbitrary",)),
    )(xp, w_embed, b_embed)


def _layer_body(b_ref, m_ref, r_ref, ri_ref, wr_ref, w1_ref, w2_ref,
                bias_ref, o_ref, acc1_ref, acc2_ref, *, bm, nk):
    k = pl.program_id(1)

    @pl.when(k == 0)
    def _():
        acc1_ref[...] = jnp.zeros_like(acc1_ref)
        acc2_ref[...] = jnp.zeros_like(acc2_ref)

    i = pl.program_id(0)
    r = r_ref[...]
    acc1_ref[...] += jnp.dot(b_ref[...].astype(f32), r,
                             preferred_element_type=f32)
    m = m_ref[...].astype(f32)

    @pl.when(k >= i)
    def _():
        acc2_ref[...] += jnp.dot(m, r, preferred_element_type=f32)

    @pl.when(k < i)
    def _():
        acc2_ref[...] += lax.dot_general(
            m, r, (((0,), (0,)), ((), ())), preferred_element_type=f32)

    @pl.when(k == nk - 1)
    def _():
        a1 = acc1_ref[...]
        a2 = acc2_ref[...]
        n1 = a1[:, :H] / jnp.maximum(a1[:, H:H + 1], 1.0)
        n2 = a2[:, :H] / jnp.maximum(a2[:, H:H + 1], 1.0)
        rloc = ri_ref[:, :H]
        h = (jnp.dot(rloc, wr_ref[...], preferred_element_type=f32)
             + jnp.dot(n1, w1_ref[...], preferred_element_type=f32)
             + jnp.dot(n2, w2_ref[...], preferred_element_type=f32)
             + bias_ref[...])
        h = jnp.maximum(h, 0.0)
        ones = jnp.ones((bm, 1), f32)
        zeros = jnp.zeros((bm, AUG - H - 1), f32)
        o_ref[...] = jnp.concatenate([h, ones, zeros], axis=1)


def _layer(b_bf, m2_bf, raug, w_r, w_n1, w_n2, bias):
    BM, BK = 1024, 1024
    nk = NPAD // BK
    return pl.pallas_call(
        functools.partial(_layer_body, bm=BM, nk=nk),
        grid=(NPAD // BM, nk),
        in_specs=[
            pl.BlockSpec((BM, BK), lambda i, k: (i, k)),
            pl.BlockSpec((BM, BK),
                         lambda i, k: (jnp.minimum(i, k), jnp.maximum(i, k))),
            pl.BlockSpec((BK, AUG), lambda i, k: (k, 0)),
            pl.BlockSpec((BM, AUG), lambda i, k: (i, 0)),
            pl.BlockSpec((H, H), lambda i, k: (0, 0)),
            pl.BlockSpec((H, H), lambda i, k: (0, 0)),
            pl.BlockSpec((H, H), lambda i, k: (0, 0)),
            pl.BlockSpec((1, H), lambda i, k: (0, 0)),
        ],
        out_specs=pl.BlockSpec((BM, AUG), lambda i, k: (i, 0)),
        out_shape=jax.ShapeDtypeStruct((NPAD, AUG), f32),
        scratch_shapes=[pltpu.VMEM((BM, AUG), f32),
                        pltpu.VMEM((BM, AUG), f32)],
        compiler_params=pltpu.CompilerParams(
            dimension_semantics=("parallel", "arbitrary")),
    )(b_bf, m2_bf, raug, raug, w_r, w_n1, w_n2, bias)


def _cls_body(r0_ref, r1_ref, r2_ref, w0_ref, w1_ref, w2_ref, b_ref, o_ref):
    h = (jnp.dot(r0_ref[:, :H], w0_ref[...], preferred_element_type=f32)
         + jnp.dot(r1_ref[:, :H], w1_ref[...], preferred_element_type=f32)
         + jnp.dot(r2_ref[:, :H], w2_ref[...], preferred_element_type=f32)
         + b_ref[...])
    o_ref[...] = h


def _classifier(r0, r1, r2, wc0, wc1, wc2, b_cls, n_cls):
    BM = 1024
    return pl.pallas_call(
        _cls_body,
        grid=(NPAD // BM,),
        in_specs=[
            pl.BlockSpec((BM, AUG), lambda i: (i, 0)),
            pl.BlockSpec((BM, AUG), lambda i: (i, 0)),
            pl.BlockSpec((BM, AUG), lambda i: (i, 0)),
            pl.BlockSpec((H, n_cls), lambda i: (0, 0)),
            pl.BlockSpec((H, n_cls), lambda i: (0, 0)),
            pl.BlockSpec((H, n_cls), lambda i: (0, 0)),
            pl.BlockSpec((1, n_cls), lambda i: (0, 0)),
        ],
        out_specs=pl.BlockSpec((BM, n_cls), lambda i: (i, 0)),
        out_shape=jax.ShapeDtypeStruct((NPAD, n_cls), f32),
        compiler_params=pltpu.CompilerParams(
            dimension_semantics=("arbitrary",)),
    )(r0, r1, r2, wc0, wc1, wc2, b_cls)


_NW = 32
_CE = 8000
_ZCH = 32768
_CAP = 24608
_WIN = 8


def _sc_body(src_hbm, dst_hbm, b_hbm, zbuf, sbuf, dbuf, idx_a, idx_b,
             ones16, sem_z, sem_s):
    rows = NPAD // _NW
    nz = rows * NPAD // _ZCH
    e_total = src_hbm.shape[0]
    nch = e_total // _CE
    i32 = jnp.int32

    wid = lax.axis_index("s") * 2 + lax.axis_index("c")
    lo = wid * rows
    hi = lo + rows
    base = lo * NPAD
    safe = base + NPAD - 16
    safe_vec = jnp.full((16,), safe, i32)

    def zb(i, _):
        zbuf[pl.ds(i * 16, 16)] = jnp.zeros((16,), f32)
        return 0
    lax.fori_loop(0, _ZCH // 16, zb, 0)
    ones16[...] = jnp.ones((16,), f32)

    def fire_z(i, _):
        pltpu.async_copy(zbuf, b_hbm.at[pl.ds(base + i * _ZCH, _ZCH)], sem_z)
        return 0
    lax.fori_loop(0, nz, fire_z, 0)

    trash = _CAP - 16
    lov = jnp.full((16,), 1, i32) * lo
    hiv = lov + rows

    def scan_body(i, carry):
        ca, cb = carry
        s = sbuf[pl.ds(i * 16, 16)]
        d = dbuf[pl.ds(i * 16, 16)]
        ns = s != d
        ma = ns & (s >= lov) & (s < hiv)
        mb = ns & (d >= lov) & (d < hiv)
        ia = s * NPAD + d
        ib = d * NPAD + s
        pa = plsc.cumsum(ma.astype(i32))
        pb = plsc.cumsum(mb.astype(i32))
        plsc.store_scatter(idx_a, [jnp.where(ma, ca + pa - 1, trash)], ia)
        plsc.store_scatter(idx_b, [jnp.where(mb, cb + pb - 1, trash)], ib)
        ca = ca + jnp.sum(ma.astype(i32))
        cb = cb + jnp.sum(mb.astype(i32))
        return ca, cb

    ca = jnp.int32(0)
    cb = jnp.int32(0)
    for c in range(nch):
        pltpu.sync_copy(src_hbm.at[pl.ds(c * _CE, _CE)], sbuf)
        pltpu.sync_copy(dst_hbm.at[pl.ds(c * _CE, _CE)], dbuf)
        ca, cb = lax.fori_loop(0, _CE // 16, scan_body, (ca, cb))

    idx_a[pl.ds(ca, 16)] = safe_vec
    idx_b[pl.ds(cb, 16)] = safe_vec

    def drain_z(i, _):
        pltpu.make_async_copy(
            zbuf, b_hbm.at[pl.ds(base, _ZCH)], sem_z).wait()
        return 0
    lax.fori_loop(0, nz, drain_z, 0)

    def wait_one():
        pltpu.make_async_copy(ones16, b_hbm.at[safe_vec], sem_s).wait()

    def scatter(idx_ref, cnt):
        ng = (cnt + 15) // 16

        def body(j, _):
            @pl.when(j >= _WIN)
            def _():
                wait_one()
            v = idx_ref[pl.ds(j * 16, 16)]
            pltpu.async_copy(ones16, b_hbm.at[v], sem_s)
            return 0
        lax.fori_loop(0, ng, body, 0)

        def drain(j, _):
            wait_one()
            return 0
        lax.fori_loop(0, jnp.minimum(ng, _WIN), drain, 0)

    scatter(idx_a, ca)
    scatter(idx_b, cb)

    pltpu.sync_copy(zbuf.at[pl.ds(0, 16)], b_hbm.at[pl.ds(safe, 16)])


def _build_b_flat_sc(src, dst):
    mesh = plsc.VectorSubcoreMesh(core_axis_name="c", subcore_axis_name="s",
                                  num_cores=2, num_subcores=16)
    fn = pl.kernel(
        _sc_body,
        out_type=jax.ShapeDtypeStruct((NPAD * NPAD,), f32),
        mesh=mesh,
        compiler_params=pltpu.CompilerParams(needs_layout_passes=False),
        scratch_types=[
            pltpu.VMEM((_ZCH,), f32),
            pltpu.VMEM((_CE,), jnp.int32),
            pltpu.VMEM((_CE,), jnp.int32),
            pltpu.VMEM((_CAP,), jnp.int32),
            pltpu.VMEM((_CAP,), jnp.int32),
            pltpu.VMEM((16,), f32),
            pltpu.SemaphoreType.DMA,
            pltpu.SemaphoreType.DMA,
        ],
    )
    return fn(src, dst)


def _build_b_dense(src, dst):
    return _build_b_flat_sc(src, dst)


def kernel(x, W_embed, b_embed, W0, b0, W1, b1, W_cls, b_cls, edge_index):
    src = edge_index[0].astype(jnp.int32)
    dst = edge_index[1].astype(jnp.int32)

    b_flat = _build_b_dense(src, dst)
    b_bf = _cast_to_bf16(b_flat)
    m2_bf = _mask2(b_bf)

    xp = jnp.pad(x, ((0, NPAD - N), (0, 0)))
    r0 = _embed(xp, W_embed, b_embed.reshape(1, H))

    def layer_weights(W, b):
        w_r = W[0:H] + W[2 * H:3 * H]
        return w_r, W[H:2 * H], W[3 * H:4 * H], b.reshape(1, H)

    r1 = _layer(b_bf, m2_bf, r0, *layer_weights(W0, b0))
    r2 = _layer(b_bf, m2_bf, r1, *layer_weights(W1, b1))

    n_cls = W_cls.shape[1]
    out = _classifier(r0, r1, r2, W_cls[0:H], W_cls[H:2 * H],
                      W_cls[2 * H:3 * H], b_cls.reshape(1, n_cls), n_cls)
    return out[:N]

# --- scband reference (transcript-rebuilt; emitter-appended) ---
"""Pipeline reference for scband-h2-gcn-78176994721832 (READ-ONLY COPY).

The authoritative reference and input builder live on the scoring server;
editing this copy changes nothing except your own understanding.
"""

import jax, jax.numpy as jnp
import numpy as np

N_NODES = 10000

def _build_adj(edge_index):
    n = N_NODES
    src = edge_index[0].astype(jnp.int32)
    dst = edge_index[1].astype(jnp.int32)
    SENT = n * n
    m = src != dst
    ca = jnp.where(m, src * n + dst, SENT)
    cb = jnp.where(m, dst * n + src, SENT)
    codes = jnp.sort(jnp.concatenate([ca, cb]))
    first = jnp.concatenate([jnp.ones((1,), dtype=bool), codes[1:] != codes[:-1]])
    codes = jnp.sort(jnp.where(first & (codes < SENT), codes, SENT))
    valid1 = codes < SENT
    s1 = jnp.where(valid1, codes // n, 0).astype(jnp.int32)
    d1 = jnp.where(valid1, codes % n, 0).astype(jnp.int32)
    deg = jnp.zeros((n,), dtype=jnp.float32).at[s1].add(valid1.astype(jnp.float32))
    deg = jnp.maximum(deg, 1.0)
    v1 = jnp.where(valid1, 1.0 / deg[s1], 0.0).astype(jnp.float32)
    Bf = jnp.zeros((n, n), dtype=jnp.float32).at[src, dst].set(1.0).at[dst, src].set(1.0)
    di = jnp.arange(n)
    Bf = Bf.at[di, di].set(0.0)
    two = Bf @ Bf
    mask2 = (two > 0.5) & (Bf < 0.5)
    mask2 = mask2.at[di, di].set(False)
    deg2 = jnp.maximum(mask2.sum(axis=1).astype(jnp.float32), 1.0)
    codes2 = jnp.sort(jnp.where(mask2.reshape(-1), jnp.arange(n * n, dtype=jnp.int32), SENT))
    valid2 = codes2 < SENT
    r2 = jnp.where(valid2, codes2 // n, 0).astype(jnp.int32)
    c2 = jnp.where(valid2, codes2 % n, 0).astype(jnp.int32)
    v2 = jnp.where(valid2, 1.0 / deg2[r2], 0.0).astype(jnp.float32)
    return (s1, d1, v1, r2, c2, v2)

def _spmm(rows, cols, vals, X):
    out = jnp.zeros((N_NODES, X.shape[1]), dtype=X.dtype)
    nnz = int(rows.shape[0])
    CH = 1000000
    for st in range(0, nnz, CH):
        r = rows[st:st + CH]
        c = cols[st:st + CH]
        v = vals[st:st + CH]
        out = out.at[r].add(v[:, None] * jnp.take(X, c, axis=0))
    return out

def _forward(x, W_embed, b_embed, W0, b0, W1, b1, W_cls, b_cls, adj):
    A1r, A1c, A1v, A2r, A2c, A2v = adj
    r0 = jax.nn.relu(x @ W_embed + b_embed)
    reps = [r0]
    r_prev = r0
    for Wk, bk in ((W0, b0), (W1, b1)):
        n1 = _spmm(A1r, A1c, A1v, r_prev)
        n2 = _spmm(A2r, A2c, A2v, r_prev)
        concat = jnp.concatenate([r_prev, n1, r_prev, n2], axis=1)
        r_k = jax.nn.relu(concat @ Wk + bk)
        reps.append(r_k)
        r_prev = r_k
    emb = jnp.concatenate(reps, axis=1)
    return emb @ W_cls + b_cls

def setup_inputs(seed: int = 0):
    key = jax.random.key(seed)
    ks = jax.random.split(key, 10)
    n, E, in_dim, h, C = N_NODES, 160000, 128, 64, 40
    x = jax.random.normal(ks[0], (n, in_dim), dtype=jnp.float32)
    edge_index = jax.random.randint(ks[1], (2, E), 0, n).astype(jnp.int64)
    def lin(k, fi, fo):
        bound = 1.0 / np.sqrt(fi)
        k1, k2 = jax.random.split(k)
        W = jax.random.uniform(k1, (fi, fo), jnp.float32, -bound, bound)
        b = jax.random.uniform(k2, (fo,), jnp.float32, -bound, bound)
        return W, b
    W_embed, b_embed = lin(ks[2], in_dim, h)
    W0, b0 = lin(ks[3], 4 * h, h)
    W1, b1 = lin(ks[4], 4 * h, h)
    W_cls, b_cls = lin(ks[5], 3 * h, C)
    return {"x": x, "W_embed": W_embed, "b_embed": b_embed, "W0": W0, "b0": b0, "W1": W1, "b1": b1, "W_cls": W_cls, "b_cls": b_cls, "edge_index": edge_index}

def reference(x, W_embed, b_embed, W0, b0, W1, b1, W_cls, b_cls, edge_index):
    adj = _build_adj(edge_index)
    return _forward(x, W_embed, b_embed, W0, b0, W1, b1, W_cls, b_cls, adj)

if __name__ == "__main__":
    import jax
    _d = setup_inputs()
    print(jax.jit(kernel)(*tuple(_d.values())))

</pallas_src>

<mosaic_0001>
#map = affine_map<(d0, d1) -> (0)>
module attributes {stable_mosaic.version = 14 : i64} {
  func.func @_sc_body(%arg0: i32, %arg1: i32, %arg2: memref<160000xi32, #tpu.memory_space<hbm>>, %arg3: memref<160000xi32, #tpu.memory_space<hbm>>, %arg4: memref<104857600xf32, #tpu.memory_space<hbm>>, %arg5: memref<32768xf32, #tpu.memory_space<vmem>>, %arg6: memref<8000xi32, #tpu.memory_space<vmem>>, %arg7: memref<8000xi32, #tpu.memory_space<vmem>>, %arg8: memref<24608xi32, #tpu.memory_space<vmem>>, %arg9: memref<24608xi32, #tpu.memory_space<vmem>>, %arg10: memref<16xf32, #tpu.memory_space<vmem>>, %arg11: memref<!tpu.dma_semaphore, #tpu.memory_space<semaphore_mem>>, %arg12: memref<!tpu.dma_semaphore, #tpu.memory_space<semaphore_mem>>) attributes {dimension_semantics = [#tpu.dimension_semantics<core_parallel>, #tpu.dimension_semantics<subcore_parallel>], iteration_bounds = array<i64: 2, 16>, scalar_prefetch = 0 : i64, scratch_operands = 8 : i64, tpu.core_type = #tpu.core_type<sc_vector_subcore>, window_params = [{transform_indices = #map}, {transform_indices = #map}, {transform_indices = #map}]} {
    %mul3A = arith.constant 2 : i32
    %mul3A_0 = arith.muli %arg1, %mul3A : i32
    %add3A = arith.addi %mul3A_0, %arg0 : i32
    %mul3A_1 = arith.constant 320 : i32
    %mul3A_2 = arith.muli %add3A, %mul3A_1 : i32
    %add3A_3 = arith.constant 320 : i32
    %add3A_4 = arith.addi %mul3A_2, %add3A_3 : i32
    %mul3A_5 = arith.constant 10240 : i32
    %mul3A_6 = arith.muli %mul3A_2, %mul3A_5 : i32
    %add3A_7 = arith.constant 10240 : i32
    %add3A_8 = arith.addi %mul3A_6, %add3A_7 : i32
    %sub3A = arith.constant 16 : i32
    %sub3A_9 = arith.subi %add3A_8, %sub3A : i32
    %broadcast_in_dim3A = vector.broadcast %sub3A_9 : i32 to vector<16xi32>
    %scan3A = arith.constant 0 : i32
    %scan3A_10 = arith.constant 0 : i32
    %scan3A_11 = arith.constant 2048 : i32
    %scan3A_12 = arith.addi %scan3A_10, %scan3A_11 : i32
    %scan3A_13 = arith.constant 1 : i32
    %scan3A_14 = scf.for %scan3A_261 = %scan3A_10 to %scan3A_12 step %scan3A_13 iter_args(%scan3A_262 = %scan3A) -> (i32)  : i32 {
      %broadcast_in_dim3A_263 = arith.constant 0.000000e+00 : f32
      %broadcast_in_dim3A_264 = vector.broadcast %broadcast_in_dim3A_263 : f32 to vector<16xf32>
      %mul3A_265 = arith.constant 16 : i32
      %mul3A_266 = arith.muli %scan3A_261, %mul3A_265 : i32
      %swap3A_267 = arith.index_cast %mul3A_266 : i32 to index
      %swap3A_268 = tpu.vector_load %arg5[%swap3A_267] {strides = array<i32>} : memref<32768xf32, #tpu.memory_space<vmem>>, vector<16xf32>,
      tpu.vector_store %arg5[%swap3A_267], %broadcast_in_dim3A_264 {strides = array<i32>} : memref<32768xf32, #tpu.memory_space<vmem>>, vector<16xf32>,
      %scan3A_269 = arith.constant 0 : i32
      scf.yield %scan3A_269 : i32
    }
    %scan3A_15 = arith.constant 2048 : i32
    %broadcast_in_dim3A_16 = arith.constant 1.000000e+00 : f32
    %broadcast_in_dim3A_17 = vector.broadcast %broadcast_in_dim3A_16 : f32 to vector<16xf32>
    %swap3A = arith.constant 0 : index
    %swap3A_18 = tpu.vector_load %arg10[%swap3A] {strides = array<i32>} : memref<16xf32, #tpu.memory_space<vmem>>, vector<16xf32>,
    tpu.vector_store %arg10[%swap3A], %broadcast_in_dim3A_17 {strides = array<i32>} : memref<16xf32, #tpu.memory_space<vmem>>, vector<16xf32>,
    %scan3A_19 = arith.constant 0 : i32
    %scan3A_20 = arith.constant 0 : i32
    %scan3A_21 = arith.constant 100 : i32
    %scan3A_22 = arith.addi %scan3A_20, %scan3A_21 : i32
    %scan3A_23 = arith.constant 1 : i32
    %scan3A_24 = scf.for %scan3A_261 = %scan3A_20 to %scan3A_22 step %scan3A_23 iter_args(%scan3A_262 = %scan3A_19) -> (i32)  : i32 {
      %mul3A_263 = arith.constant 32768 : i32
      %mul3A_264 = arith.muli %scan3A_261, %mul3A_263 : i32
      %add3A_265 = arith.addi %mul3A_6, %mul3A_264 : i32
      %dma_start3A = tpu.memref_slice %arg4[%add3A_265] : memref<104857600xf32, #tpu.memory_space<hbm>> -> memref<32768xf32, #tpu.memory_space<hbm>>
      %dma_start3A_266 = tpu.memref_slice %arg4[%add3A_265] : memref<104857600xf32, #tpu.memory_space<hbm>> -> memref<32768xf32, #tpu.memory_space<hbm>>
      tpu.enqueue_dma source(%arg5 : memref<32768xf32, #tpu.memory_space<vmem>>) target(%dma_start3A_266 : memref<32768xf32, #tpu.memory_space<hbm>>) target_semaphore(%arg11 : memref<!tpu.dma_semaphore, #tpu.memory_space<semaphore_mem>>)
      %scan3A_267 = arith.constant 0 : i32
      scf.yield %scan3A_267 : i32
    }
    %scan3A_25 = arith.constant 100 : i32
    %broadcast_in_dim3A_26 = arith.constant 1 : i32
    %broadcast_in_dim3A_27 = vector.broadcast %broadcast_in_dim3A_26 : i32 to vector<16xi32>
    %mul3A_28 = vector.broadcast %mul3A_2 : i32 to vector<16xi32>
    %mul3A_29 = arith.muli %broadcast_in_dim3A_27, %mul3A_28 : vector<16xi32>
    %add3A_30 = arith.constant 320 : i32
    %add3A_31 = vector.broadcast %add3A_30 : i32 to vector<16xi32>
    %add3A_32 = arith.addi %mul3A_29, %add3A_31 : vector<16xi32>
    "tpu.region"() ({
      %run_scoped3A = tpu.sem_alloc : memref<!tpu.dma_semaphore, #tpu.memory_space<semaphore_mem>>
      %dma_start3A = arith.constant 0 : i32
      %dma_start3A_261 = tpu.memref_slice %arg2[%dma_start3A] : memref<160000xi32, #tpu.memory_space<hbm>> -> memref<8000xi32, #tpu.memory_space<hbm>>
      %dma_start3A_262 = arith.constant 0 : i32
      %dma_start3A_263 = tpu.memref_slice %arg2[%dma_start3A_262] : memref<160000xi32, #tpu.memory_space<hbm>> -> memref<8000xi32, #tpu.memory_space<hbm>>
      tpu.enqueue_dma source(%dma_start3A_263 : memref<8000xi32, #tpu.memory_space<hbm>>) target(%arg6 : memref<8000xi32, #tpu.memory_space<vmem>>) target_semaphore(%run_scoped3A : memref<!tpu.dma_semaphore, #tpu.memory_space<semaphore_mem>>)
      %dma_wait3A = arith.constant 0 : i32
      %dma_wait3A_264 = tpu.memref_slice %arg2[%dma_wait3A] : memref<160000xi32, #tpu.memory_space<hbm>> -> memref<8000xi32, #tpu.memory_space<hbm>>
      %dma_wait3A_265 = arith.constant 0 : i32
      %dma_wait3A_266 = tpu.memref_slice %arg2[%dma_wait3A_265] : memref<160000xi32, #tpu.memory_space<hbm>> -> memref<8000xi32, #tpu.memory_space<hbm>>
      tpu.wait_dma2 semaphore(%run_scoped3A : memref<!tpu.dma_semaphore, #tpu.memory_space<semaphore_mem>>) src(%dma_wait3A_266 : memref<8000xi32, #tpu.memory_space<hbm>>) dst(%arg6 : memref<8000xi32, #tpu.memory_space<vmem>>)
      tpu.yield
    }) : () -> ()
    "tpu.region"() ({
      %run_scoped3A = tpu.sem_alloc : memref<!tpu.dma_semaphore, #tpu.memory_space<semaphore_mem>>
      %dma_start3A = arith.constant 0 : i32
      %dma_start3A_261 = tpu.memref_slice %arg3[%dma_start3A] : memref<160000xi32, #tpu.memory_space<hbm>> -> memref<8000xi32, #tpu.memory_space<hbm>>
      %dma_start3A_262 = arith.constant 0 : i32
      %dma_start3A_263 = tpu.memref_slice %arg3[%dma_start3A_262] : memref<160000xi32, #tpu.memory_space<hbm>> -> memref<8000xi32, #tpu.memory_space<hbm>>
      tpu.enqueue_dma source(%dma_start3A_263 : memref<8000xi32, #tpu.memory_space<hbm>>) target(%arg7 : memref<8000xi32, #tpu.memory_space<vmem>>) target_semaphore(%run_scoped3A : memref<!tpu.dma_semaphore, #tpu.memory_space<semaphore_mem>>)
      %dma_wait3A = arith.constant 0 : i32
      %dma_wait3A_264 = tpu.memref_slice %arg3[%dma_wait3A] : memref<160000xi32, #tpu.memory_space<hbm>> -> memref<8000xi32, #tpu.memory_space<hbm>>
      %dma_wait3A_265 = arith.constant 0 : i32
      %dma_wait3A_266 = tpu.memref_slice %arg3[%dma_wait3A_265] : memref<160000xi32, #tpu.memory_space<hbm>> -> memref<8000xi32, #tpu.memory_space<hbm>>
      tpu.wait_dma2 semaphore(%run_scoped3A : memref<!tpu.dma_semaphore, #tpu.memory_space<semaphore_mem>>) src(%dma_wait3A_266 : memref<8000xi32, #tpu.memory_space<hbm>>) dst(%arg7 : memref<8000xi32, #tpu.memory_space<vmem>>)
      tpu.yield
    }) : () -> ()
    %scan3A_33 = arith.constant 0 : i32
    %scan3A_34 = arith.constant 0 : i32
    %scan3A_35 = arith.constant 0 : i32
    %scan3A_36 = arith.constant 500 : i32
    %scan3A_37 = arith.addi %scan3A_35, %scan3A_36 : i32
    %scan3A_38 = arith.constant 1 : i32
    %scan3A_39:2 = scf.for %scan3A_261 = %scan3A_35 to %scan3A_37 step %scan3A_38 iter_args(%scan3A_262 = %scan3A_33, %scan3A_263 = %scan3A_34) -> (i32, i32)  : i32 {
      %mul3A_264 = arith.constant 16 : i32
      %mul3A_265 = arith.muli %scan3A_261, %mul3A_264 : i32
      %get3A = arith.index_cast %mul3A_265 : i32 to index
      %get3A_266 = tpu.vector_load %arg6[%get3A] {strides = array<i32>} : memref<8000xi32, #tpu.memory_space<vmem>>, vector<16xi32>,
      %mul3A_267 = arith.constant 16 : i32
      %mul3A_268 = arith.muli %scan3A_261, %mul3A_267 : i32
      %get3A_269 = arith.index_cast %mul3A_268 : i32 to index
      %get3A_270 = tpu.vector_load %arg7[%get3A_269] {strides = array<i32>} : memref<8000xi32, #tpu.memory_space<vmem>>, vector<16xi32>,
      %ne3A_271 = arith.cmpi ne, %get3A_266, %get3A_270 : vector<16xi32>
      %ge3A = arith.cmpi sge, %get3A_266, %mul3A_29 : vector<16xi32>
      %and3A_272 = arith.andi %ne3A_271, %ge3A : vector<16xi1>
      %lt3A = arith.cmpi slt, %get3A_266, %add3A_32 : vector<16xi32>
      %and3A_273 = arith.andi %and3A_272, %lt3A : vector<16xi1>
      %ge3A_274 = arith.cmpi sge, %get3A_270, %mul3A_29 : vector<16xi32>
      %and3A_275 = arith.andi %ne3A_271, %ge3A_274 : vector<16xi1>
      %lt3A_276 = arith.cmpi slt, %get3A_270, %add3A_32 : vector<16xi32>
      %and3A_277 = arith.andi %and3A_275, %lt3A_276 : vector<16xi1>
      %mul3A_278 = arith.constant 10240 : i32
      %mul3A_279 = vector.broadcast %mul3A_278 : i32 to vector<16xi32>
      %mul3A_280 = arith.muli %get3A_266, %mul3A_279 : vector<16xi32>
      %add3A_281 = arith.addi %mul3A_280, %get3A_270 : vector<16xi32>
      %mul3A_282 = arith.constant 10240 : i32
      %mul3A_283 = vector.broadcast %mul3A_282 : i32 to vector<16xi32>
      %mul3A_284 = arith.muli %get3A_270, %mul3A_283 : vector<16xi32>
      %add3A_285 = arith.addi %mul3A_284, %get3A_266 : vector<16xi32>
      %convert_element_type3A = arith.extui %and3A_273 : vector<16xi1> to vector<16xi32>
      %broadcast_in_dim3A_286 = arith.constant true
      %broadcast_in_dim3A_287 = vector.broadcast %broadcast_in_dim3A_286 : i1 to vector<16xi1>
      %masked_cumsum3A = tpu.scan <sum>, %convert_element_type3A masked %broadcast_in_dim3A_287 : vector<16xi32>, vector<16xi1> -> vector<16xi32>
      %convert_element_type3A_288 = arith.extui %and3A_277 : vector<16xi1> to vector<16xi32>
      %broadcast_in_dim3A_289 = arith.constant true
      %broadcast_in_dim3A_290 = vector.broadcast %broadcast_in_dim3A_289 : i1 to vector<16xi1>
      %masked_cumsum3A_291 = tpu.scan <sum>, %convert_element_type3A_288 masked %broadcast_in_dim3A_290 : vector<16xi32>, vector<16xi1> -> vector<16xi32>
      %add3A_292 = vector.broadcast %scan3A_262 : i32 to vector<16xi32>
      %add3A_293 = arith.addi %add3A_292, %masked_cumsum3A : vector<16xi32>
      %sub3A_294 = arith.constant 1 : i32
      %sub3A_295 = vector.broadcast %sub3A_294 : i32 to vector<16xi32>
      %sub3A_296 = arith.subi %add3A_293, %sub3A_295 : vector<16xi32>
      %jit3A_297 = arith.constant 24592 : i32
      %broadcast_in_dim3A_298 = vector.broadcast %jit3A_297 : i32 to vector<16xi32>
      %select_n3A_299 = arith.select %and3A_273, %sub3A_296, %broadcast_in_dim3A_298 : vector<16xi1>, vector<16xi32>
      tpu.vector_store_idx %arg8[%select_n3A_299], %add3A_281 : memref<24608xi32, #tpu.memory_space<vmem>>[vector<16xi32>], vector<16xi32>,
      %add3A_300 = vector.broadcast %scan3A_263 : i32 to vector<16xi32>
      %add3A_301 = arith.addi %add3A_300, %masked_cumsum3A_291 : vector<16xi32>
      %sub3A_302 = arith.constant 1 : i32
      %sub3A_303 = vector.broadcast %sub3A_302 : i32 to vector<16xi32>
      %sub3A_304 = arith.subi %add3A_301, %sub3A_303 : vector<16xi32>
      %jit3A_305 = arith.constant 24592 : i32
      %broadcast_in_dim3A_306 = vector.broadcast %jit3A_305 : i32 to vector<16xi32>
      %select_n3A_307 = arith.select %and3A_277, %sub3A_304, %broadcast_in_dim3A_306 : vector<16xi1>, vector<16xi32>
      tpu.vector_store_idx %arg9[%select_n3A_307], %add3A_285 : memref<24608xi32, #tpu.memory_space<vmem>>[vector<16xi32>], vector<16xi32>,
      %convert_element_type3A_308 = arith.extui %and3A_273 : vector<16xi1> to vector<16xi32>
      %reduce_sum3A = arith.constant true
      %reduce_sum3A_309 = vector.broadcast %reduce_sum3A : i1 to vector<16xi1>
      %reduce_sum3A_310 = tpu.scan <sum>, %convert_element_type3A_308 masked %reduce_sum3A_309 : vector<16xi32>, vector<16xi1> -> vector<16xi32>
      %reduce_sum3A_311 = vector.extract %reduce_sum3A_310[15] : i32 from vector<16xi32>
      %add3A_312 = arith.addi %scan3A_262, %reduce_sum3A_311 : i32
      %convert_element_type3A_313 = arith.extui %and3A_277 : vector<16xi1> to vector<16xi32>
      %reduce_sum3A_314 = arith.constant true
      %reduce_sum3A_315 = vector.broadcast %reduce_sum3A_314 : i1 to vector<16xi1>
      %reduce_sum3A_316 = tpu.scan <sum>, %convert_element_type3A_313 masked %reduce_sum3A_315 : vector<16xi32>, vector<16xi1> -> vector<16xi32>
      %reduce_sum3A_317 = vector.extract %reduce_sum3A_316[15] : i32 from vector<16xi32>
      %add3A_318 = arith.addi %scan3A_263, %reduce_sum3A_317 : i32
      scf.yield %add3A_312, %add3A_318 : i32, i32
    }
    %scan3A_40 = arith.constant 500 : i32
    "tpu.region"() ({
      %run_scoped3A = tpu.sem_alloc : memref<!tpu.dma_semaphore, #tpu.memory_space<semaphore_mem>>
      %dma_start3A = arith.constant 8000 : i32
      %dma_start3A_261 = tpu.memref_slice %arg2[%dma_start3A] : memref<160000xi32, #tpu.memory_space<hbm>> -> memref<8000xi32, #tpu.memory_space<hbm>>
      %dma_start3A_262 = arith.constant 8000 : i32
      %dma_start3A_263 = tpu.memref_slice %arg2[%dma_start3A_262] : memref<160000xi32, #tpu.memory_space<hbm>> -> memref<8000xi32, #tpu.memory_space<hbm>>
      tpu.enqueue_dma source(%dma_start3A_263 : memref<8000xi32, #tpu.memory_space<hbm>>) target(%arg6 : memref<8000xi32, #tpu.memory_space<vmem>>) target_semaphore(%run_scoped3A : memref<!tpu.dma_semaphore, #tpu.memory_space<semaphore_mem>>)
      %dma_wait3A = arith.constant 8000 : i32
      %dma_wait3A_264 = tpu.memref_slice %arg2[%dma_wait3A] : memref<160000xi32, #tpu.memory_space<hbm>> -> memref<8000xi32, #tpu.memory_space<hbm>>
      %dma_wait3A_265 = arith.constant 8000 : i32
      %dma_wait3A_266 = tpu.memref_slice %arg2[%dma_wait3A_265] : memref<160000xi32, #tpu.memory_space<hbm>> -> memref<8000xi32, #tpu.memory_space<hbm>>
      tpu.wait_dma2 semaphore(%run_scoped3A : memref<!tpu.dma_semaphore, #tpu.memory_space<semaphore_mem>>) src(%dma_wait3A_266 : memref<8000xi32, #tpu.memory_space<hbm>>) dst(%arg6 : memref<8000xi32, #tpu.memory_space<vmem>>)
      tpu.yield
    }) : () -> ()
    "tpu.region"() ({
      %run_scoped3A = tpu.sem_alloc : memref<!tpu.dma_semaphore, #tpu.memory_space<semaphore_mem>>
      %dma_start3A = arith.constant 8000 : i32
      %dma_start3A_261 = tpu.memref_slice %arg3[%dma_start3A] : memref<160000xi32, #tpu.memory_space<hbm>> -> memref<8000xi32, #tpu.memory_space<hbm>>
      %dma_start3A_262 = arith.constant 8000 : i32
      %dma_start3A_263 = tpu.memref_slice %arg3[%dma_start3A_262] : memref<160000xi32, #tpu.memory_space<hbm>> -> memref<8000xi32, #tpu.memory_space<hbm>>
      tpu.enqueue_dma source(%dma_start3A_263 : memref<8000xi32, #tpu.memory_space<hbm>>) target(%arg7 : memref<8000xi32, #tpu.memory_space<vmem>>) target_semaphore(%run_scoped3A : memref<!tpu.dma_semaphore, #tpu.memory_space<semaphore_mem>>)
      %dma_wait3A = arith.constant 8000 : i32
      %dma_wait3A_264 = tpu.memref_slice %arg3[%dma_wait3A] : memref<160000xi32, #tpu.memory_space<hbm>> -> memref<8000xi32, #tpu.memory_space<hbm>>
      %dma_wait3A_265 = arith.constant 8000 : i32
      %dma_wait3A_266 = tpu.memref_slice %arg3[%dma_wait3A_265] : memref<160000xi32, #tpu.memory_space<hbm>> -> memref<8000xi32, #tpu.memory_space<hbm>>
      tpu.wait_dma2 semaphore(%run_scoped3A : memref<!tpu.dma_semaphore, #tpu.memory_space<semaphore_mem>>) src(%dma_wait3A_266 : memref<8000xi32, #tpu.memory_space<hbm>>) dst(%arg7 : memref<8000xi32, #tpu.memory_space<vmem>>)
      tpu.yield
    }) : () -> ()
    %scan3A_41 = arith.constant 0 : i32
    %scan3A_42 = arith.constant 500 : i32
    %scan3A_43 = arith.addi %scan3A_41, %scan3A_42 : i32
    %scan3A_44 = arith.constant 1 : i32
    %scan3A_45:2 = scf.for %scan3A_261 = %scan3A_41 to %scan3A_43 step %scan3A_44 iter_args(%scan3A_262 = %scan3A_39#0, %scan3A_263 = %scan3A_39#1) -> (i32, i32)  : i32 {
      %mul3A_264 = arith.constant 16 : i32
      %mul3A_265 = arith.muli %scan3A_261, %mul3A_264 : i32
      %get3A = arith.index_cast %mul3A_265 : i32 to index
      %get3A_266 = tpu.vector_load %arg6[%get3A] {strides = array<i32>} : memref<8000xi32, #tpu.memory_space<vmem>>, vector<16xi32>,
      %mul3A_267 = arith.constant 16 : i32
      %mul3A_268 = arith.muli %scan3A_261, %mul3A_267 : i32
      %get3A_269 = arith.index_cast %mul3A_268 : i32 to index
      %get3A_270 = tpu.vector_load %arg7[%get3A_269] {strides = array<i32>} : memref<8000xi32, #tpu.memory_space<vmem>>, vector<16xi32>,
      %ne3A_271 = arith.cmpi ne, %get3A_266, %get3A_270 : vector<16xi32>
      %ge3A = arith.cmpi sge, %get3A_266, %mul3A_29 : vector<16xi32>
      %and3A_272 = arith.andi %ne3A_271, %ge3A : vector<16xi1>
      %lt3A = arith.cmpi slt, %get3A_266, %add3A_32 : vector<16xi32>
      %and3A_273 = arith.andi %and3A_272, %lt3A : vector<16xi1>
      %ge3A_274 = arith.cmpi sge, %get3A_270, %mul3A_29 : vector<16xi32>
      %and3A_275 = arith.andi %ne3A_271, %ge3A_274 : vector<16xi1>
      %lt3A_276 = arith.cmpi slt, %get3A_270, %add3A_32 : vector<16xi32>
      %and3A_277 = arith.andi %and3A_275, %lt3A_276 : vector<16xi1>
      %mul3A_278 = arith.constant 10240 : i32
      %mul3A_279 = vector.broadcast %mul3A_278 : i32 to vector<16xi32>
      %mul3A_280 = arith.muli %get3A_266, %mul3A_279 : vector<16xi32>
      %add3A_281 = arith.addi %mul3A_280, %get3A_270 : vector<16xi32>
      %mul3A_282 = arith.constant 10240 : i32
      %mul3A_283 = vector.broadcast %mul3A_282 : i32 to vector<16xi32>
      %mul3A_284 = arith.muli %get3A_270, %mul3A_283 : vector<16xi32>
      %add3A_285 = arith.addi %mul3A_284, %get3A_266 : vector<16xi32>
      %convert_element_type3A = arith.extui %and3A_273 : vector<16xi1> to vector<16xi32>
      %broadcast_in_dim3A_286 = arith.constant true
      %broadcast_in_dim3A_287 = vector.broadcast %broadcast_in_dim3A_286 : i1 to vector<16xi1>
      %masked_cumsum3A = tpu.scan <sum>, %convert_element_type3A masked %broadcast_in_dim3A_287 : vector<16xi32>, vector<16xi1> -> vector<16xi32>
      %convert_element_type3A_288 = arith.extui %and3A_277 : vector<16xi1> to vector<16xi32>
      %broadcast_in_dim3A_289 = arith.constant true
      %broadcast_in_dim3A_290 = vector.broadcast %broadcast_in_dim3A_289 : i1 to vector<16xi1>
      %masked_cumsum3A_291 = tpu.scan <sum>, %convert_element_type3A_288 masked %broadcast_in_dim3A_290 : vector<16xi32>, vector<16xi1> -> vector<16xi32>
      %add3A_292 = vector.broadcast %scan3A_262 : i32 to vector<16xi32>
      %add3A_293 = arith.addi %add3A_292, %masked_cumsum3A : vector<16xi32>
      %sub3A_294 = arith.constant 1 : i32
      %sub3A_295 = vector.broadcast %sub3A_294 : i32 to vector<16xi32>
      %sub3A_296 = arith.subi %add3A_293, %sub3A_295 : vector<16xi32>
      %jit3A_297 = arith.constant 24592 : i32
      %broadcast_in_dim3A_298 = vector.broadcast %jit3A_297 : i32 to vector<16xi32>
      %select_n3A_299 = arith.select %and3A_273, %sub3A_296, %broadcast_in_dim3A_298 : vector<16xi1>, vector<16xi32>
      tpu.vector_store_idx %arg8[%select_n3A_299], %add3A_281 : memref<24608xi32, #tpu.memory_space<vmem>>[vector<16xi32>], vector<16xi32>,
      %add3A_300 = vector.broadcast %scan3A_263 : i32 to vector<16xi32>
      %add3A_301 = arith.addi %add3A_300, %masked_cumsum3A_291 : vector<16xi32>
      %sub3A_302 = arith.constant 1 : i32
      %sub3A_303 = vector.broadcast %sub3A_302 : i32 to vector<16xi32>
      %sub3A_304 = arith.subi %add3A_301, %sub3A_303 : vector<16xi32>
      %jit3A_305 = arith.constant 24592 : i32
      %broadcast_in_dim3A_306 = vector.broadcast %jit3A_305 : i32 to vector<16xi32>
      %select_n3A_307 = arith.select %and3A_277, %sub3A_304, %broadcast_in_dim3A_306 : vector<16xi1>, vector<16xi32>
      tpu.vector_store_idx %arg9[%select_n3A_307], %add3A_285 : memref<24608xi32, #tpu.memory_space<vmem>>[vector<16xi32>], vector<16xi32>,
      %convert_element_type3A_308 = arith.extui %and3A_273 : vector<16xi1> to vector<16xi32>
      %reduce_sum3A = arith.constant true
      %reduce_sum3A_309 = vector.broadcast %reduce_sum3A : i1 to vector<16xi1>
      %reduce_sum3A_310 = tpu.scan <sum>, %convert_element_type3A_308 masked %reduce_sum3A_309 : vector<16xi32>, vector<16xi1> -> vector<16xi32>
      %reduce_sum3A_311 = vector.extract %reduce_sum3A_310[15] : i32 from vector<16xi32>
      %add3A_312 = arith.addi %scan3A_262, %reduce_sum3A_311 : i32
      %convert_element_type3A_313 = arith.extui %and3A_277 : vector<16xi1> to vector<16xi32>
      %reduce_sum3A_314 = arith.constant true
      %reduce_sum3A_315 = vector.broadcast %reduce_sum3A_314 : i1 to vector<16xi1>
      %reduce_sum3A_316 = tpu.scan <sum>, %convert_element_type3A_313 masked %reduce_sum3A_315 : vector<16xi32>, vector<16xi1> -> vector<16xi32>
      %reduce_sum3A_317 = vector.extract %reduce_sum3A_316[15] : i32 from vector<16xi32>
      %add3A_318 = arith.addi %scan3A_263, %reduce_sum3A_317 : i32
      scf.yield %add3A_312, %add3A_318 : i32, i32
    }
    %scan3A_46 = arith.constant 500 : i32
    "tpu.region"() ({
      %run_scoped3A = tpu.sem_alloc : memref<!tpu.dma_semaphore, #tpu.memory_space<semaphore_mem>>
      %dma_start3A = arith.constant 16000 : i32
      %dma_start3A_261 = tpu.memref_slice %arg2[%dma_start3A] : memref<160000xi32, #tpu.memory_space<hbm>> -> memref<8000xi32, #tpu.memory_space<hbm>>
      %dma_start3A_262 = arith.constant 16000 : i32
      %dma_start3A_263 = tpu.memref_slice %arg2[%dma_start3A_262] : memref<160000xi32, #tpu.memory_space<hbm>> -> memref<8000xi32, #tpu.memory_space<hbm>>
      tpu.enqueue_dma source(%dma_start3A_263 : memref<8000xi32, #tpu.memory_space<hbm>>) target(%arg6 : memref<8000xi32, #tpu.memory_space<vmem>>) target_semaphore(%run_scoped3A : memref<!tpu.dma_semaphore, #tpu.memory_space<semaphore_mem>>)
      %dma_wait3A = arith.constant 16000 : i32
      %dma_wait3A_264 = tpu.memref_slice %arg2[%dma_wait3A] : memref<160000xi32, #tpu.memory_space<hbm>> -> memref<8000xi32, #tpu.memory_space<hbm>>
      %dma_wait3A_265 = arith.constant 16000 : i32
      %dma_wait3A_266 = tpu.memref_slice %arg2[%dma_wait3A_265] : memref<160000xi32, #tpu.memory_space<hbm>> -> memref<8000xi32, #tpu.memory_space<hbm>>
      tpu.wait_dma2 semaphore(%run_scoped3A : memref<!tpu.dma_semaphore, #tpu.memory_space<semaphore_mem>>) src(%dma_wait3A_266 : memref<8000xi32, #tpu.memory_space<hbm>>) dst(%arg6 : memref<8000xi32, #tpu.memory_space<vmem>>)
      tpu.yield
    }) : () -> ()
    "tpu.region"() ({
      %run_scoped3A = tpu.sem_alloc : memref<!tpu.dma_semaphore, #tpu.memory_space<semaphore_mem>>
      %dma_start3A = arith.constant 16000 : i32
      %dma_start3A_261 = tpu.memref_slice %arg3[%dma_start3A] : memref<160000xi32, #tpu.memory_space<hbm>> -> memref<8000xi32, #tpu.memory_space<hbm>>
      %dma_start3A_262 = arith.constant 16000 : i32
      %dma_start3A_263 = tpu.memref_slice %arg3[%dma_start3A_262] : memref<160000xi32, #tpu.memory_space<hbm>> -> memref<8000xi32, #tpu.memory_space<hbm>>
      tpu.enqueue_dma source(%dma_start3A_263 : memref<8000xi32, #tpu.memory_space<hbm>>) target(%arg7 : memref<8000xi32, #tpu.memory_space<vmem>>) target_semaphore(%run_scoped3A : memref<!tpu.dma_semaphore, #tpu.memory_space<semaphore_mem>>)
      %dma_wait3A = arith.constant 16000 : i32
      %dma_wait3A_264 = tpu.memref_slice %arg3[%dma_wait3A] : memref<160000xi32, #tpu.memory_space<hbm>> -> memref<8000xi32, #tpu.memory_space<hbm>>
      %dma_wait3A_265 = arith.constant 16000 : i32
      %dma_wait3A_266 = tpu.memref_slice %arg3[%dma_wait3A_265] : memref<160000xi32, #tpu.memory_space<hbm>> -> memref<8000xi32, #tpu.memory_space<hbm>>
      tpu.wait_dma2 semaphore(%run_scoped3A : memref<!tpu.dma_semaphore, #tpu.memory_space<semaphore_mem>>) src(%dma_wait3A_266 : memref<8000xi32, #tpu.memory_space<hbm>>) dst(%arg7 : memref<8000xi32, #tpu.memory_space<vmem>>)
      tpu.yield
    }) : () -> ()
    %scan3A_47 = arith.constant 0 : i32
    %scan3A_48 = arith.constant 500 : i32
    %scan3A_49 = arith.addi %scan3A_47, %scan3A_48 : i32
    %scan3A_50 = arith.constant 1 : i32
    %scan3A_51:2 = scf.for %scan3A_261 = %scan3A_47 to %scan3A_49 step %scan3A_50 iter_args(%scan3A_262 = %scan3A_45#0, %scan3A_263 = %scan3A_45#1) -> (i32, i32)  : i32 {
      %mul3A_264 = arith.constant 16 : i32
      %mul3A_265 = arith.muli %scan3A_261, %mul3A_264 : i32
      %get3A = arith.index_cast %mul3A_265 : i32 to index
      %get3A_266 = tpu.vector_load %arg6[%get3A] {strides = array<i32>} : memref<8000xi32, #tpu.memory_space<vmem>>, vector<16xi32>,
      %mul3A_267 = arith.constant 16 : i32
      %mul3A_268 = arith.muli %scan3A_261, %mul3A_267 : i32
      %get3A_269 = arith.index_cast %mul3A_268 : i32 to index
      %get3A_270 = tpu.vector_load %arg7[%get3A_269] {strides = array<i32>} : memref<8000xi32, #tpu.memory_space<vmem>>, vector<16xi32>,
      %ne3A_271 = arith.cmpi ne, %get3A_266, %get3A_270 : vector<16xi32>
      %ge3A = arith.cmpi sge, %get3A_266, %mul3A_29 : vector<16xi32>
      %and3A_272 = arith.andi %ne3A_271, %ge3A : vector<16xi1>
      %lt3A = arith.cmpi slt, %get3A_266, %add3A_32 : vector<16xi32>
      %and3A_273 = arith.andi %and3A_272, %lt3A : vector<16xi1>
      %ge3A_274 = arith.cmpi sge, %get3A_270, %mul3A_29 : vector<16xi32>
      %and3A_275 = arith.andi %ne3A_271, %ge3A_274 : vector<16xi1>
      %lt3A_276 = arith.cmpi slt, %get3A_270, %add3A_32 : vector<16xi32>
      %and3A_277 = arith.andi %and3A_275, %lt3A_276 : vector<16xi1>
      %mul3A_278 = arith.constant 10240 : i32
      %mul3A_279 = vector.broadcast %mul3A_278 : i32 to vector<16xi32>
      %mul3A_280 = arith.muli %get3A_266, %mul3A_279 : vector<16xi32>
      %add3A_281 = arith.addi %mul3A_280, %get3A_270 : vector<16xi32>
      %mul3A_282 = arith.constant 10240 : i32
      %mul3A_283 = vector.broadcast %mul3A_282 : i32 to vector<16xi32>
      %mul3A_284 = arith.muli %get3A_270, %mul3A_283 : vector<16xi32>
      %add3A_285 = arith.addi %mul3A_284, %get3A_266 : vector<16xi32>
      %convert_element_type3A = arith.extui %and3A_273 : vector<16xi1> to vector<16xi32>
      %broadcast_in_dim3A_286 = arith.constant true
      %broadcast_in_dim3A_287 = vector.broadcast %broadcast_in_dim3A_286 : i1 to vector<16xi1>
      %masked_cumsum3A = tpu.scan <sum>, %convert_element_type3A masked %broadcast_in_dim3A_287 : vector<16xi32>, vector<16xi1> -> vector<16xi32>
      %convert_element_type3A_288 = arith.extui %and3A_277 : vector<16xi1> to vector<16xi32>
      %broadcast_in_dim3A_289 = arith.constant true
      %broadcast_in_dim3A_290 = vector.broadcast %broadcast_in_dim3A_289 : i1 to vector<16xi1>
      %masked_cumsum3A_291 = tpu.scan <sum>, %convert_element_type3A_288 masked %broadcast_in_dim3A_290 : vector<16xi32>, vector<16xi1> -> vector<16xi32>
      %add3A_292 = vector.broadcast %scan3A_262 : i32 to vector<16xi32>
      %add3A_293 = arith.addi %add3A_292, %masked_cumsum3A : vector<16xi32>
      %sub3A_294 = arith.constant 1 : i32
      %sub3A_295 = vector.broadcast %sub3A_294 : i32 to vector<16xi32>
      %sub3A_296 = arith.subi %add3A_293, %sub3A_295 : vector<16xi32>
      %jit3A_297 = arith.constant 24592 : i32
      %broadcast_in_dim3A_298 = vector.broadcast %jit3A_297 : i32 to vector<16xi32>
      %select_n3A_299 = arith.select %and3A_273, %sub3A_296, %broadcast_in_dim3A_298 : vector<16xi1>, vector<16xi32>
      tpu.vector_store_idx %arg8[%select_n3A_299], %add3A_281 : memref<24608xi32, #tpu.memory_space<vmem>>[vector<16xi32>], vector<16xi32>,
      %add3A_300 = vector.broadcast %scan3A_263 : i32 to vector<16xi32>
      %add3A_301 = arith.addi %add3A_300, %masked_cumsum3A_291 : vector<16xi32>
      %sub3A_302 = arith.constant 1 : i32
      %sub3A_303 = vector.broadcast %sub3A_302 : i32 to vector<16xi32>
      %sub3A_304 = arith.subi %add3A_301, %sub3A_303 : vector<16xi32>
      %jit3A_305 = arith.constant 24592 : i32
      %broadcast_in_dim3A_306 = vector.broadcast %jit3A_305 : i32 to vector<16xi32>
      %select_n3A_307 = arith.select %and3A_277, %sub3A_304, %broadcast_in_dim3A_306 : vector<16xi1>, vector<16xi32>
      tpu.vector_store_idx %arg9[%select_n3A_307], %add3A_285 : memref<24608xi32, #tpu.memory_space<vmem>>[vector<16xi32>], vector<16xi32>,
      %convert_element_type3A_308 = arith.extui %and3A_273 : vector<16xi1> to vector<16xi32>
      %reduce_sum3A = arith.constant true
      %reduce_sum3A_309 = vector.broadcast %reduce_sum3A : i1 to vector<16xi1>
      %reduce_sum3A_310 = tpu.scan <sum>, %convert_element_type3A_308 masked %reduce_sum3A_309 : vector<16xi32>, vector<16xi1> -> vector<16xi32>
      %reduce_sum3A_311 = vector.extract %reduce_sum3A_310[15] : i32 from vector<16xi32>
      %add3A_312 = arith.addi %scan3A_262, %reduce_sum3A_311 : i32
      %convert_element_type3A_313 = arith.extui %and3A_277 : vector<16xi1> to vector<16xi32>
      %reduce_sum3A_314 = arith.constant true
      %reduce_sum3A_315 = vector.broadcast %reduce_sum3A_314 : i1 to vector<16xi1>
      %reduce_sum3A_316 = tpu.scan <sum>, %convert_element_type3A_313 masked %reduce_sum3A_315 : vector<16xi32>, vector<16xi1> -> vector<16xi32>
      %reduce_sum3A_317 = vector.extract %reduce_sum3A_316[15] : i32 from vector<16xi32>
      %add3A_318 = arith.addi %scan3A_263, %reduce_sum3A_317 : i32
      scf.yield %add3A_312, %add3A_318 : i32, i32
    }
    %scan3A_52 = arith.constant 500 : i32
    "tpu.region"() ({
      %run_scoped3A = tpu.sem_alloc : memref<!tpu.dma_semaphore, #tpu.memory_space<semaphore_mem>>
      %dma_start3A = arith.constant 24000 : i32
      %dma_start3A_261 = tpu.memref_slice %arg2[%dma_start3A] : memref<160000xi32, #tpu.memory_space<hbm>> -> memref<8000xi32, #tpu.memory_space<hbm>>
      %dma_start3A_262 = arith.constant 24000 : i32
      %dma_start3A_263 = tpu.memref_slice %arg2[%dma_start3A_262] : memref<160000xi32, #tpu.memory_space<hbm>> -> memref<8000xi32, #tpu.memory_space<hbm>>
      tpu.enqueue_dma source(%dma_start3A_263 : memref<8000xi32, #tpu.memory_space<hbm>>) target(%arg6 : memref<8000xi32, #tpu.memory_space<vmem>>) target_semaphore(%run_scoped3A : memref<!tpu.dma_semaphore, #tpu.memory_space<semaphore_mem>>)
      %dma_wait3A = arith.constant 24000 : i32
      %dma_wait3A_264 = tpu.memref_slice %arg2[%dma_wait3A] : memref<160000xi32, #tpu.memory_space<hbm>> -> memref<8000xi32, #tpu.memory_space<hbm>>
      %dma_wait3A_265 = arith.constant 24000 : i32
      %dma_wait3A_266 = tpu.memref_slice %arg2[%dma_wait3A_265] : memref<160000xi32, #tpu.memory_space<hbm>> -> memref<8000xi32, #tpu.memory_space<hbm>>
      tpu.wait_dma2 semaphore(%run_scoped3A : memref<!tpu.dma_semaphore, #tpu.memory_space<semaphore_mem>>) src(%dma_wait3A_266 : memref<8000xi32, #tpu.memory_space<hbm>>) dst(%arg6 : memref<8000xi32, #tpu.memory_space<vmem>>)
      tpu.yield
    }) : () -> ()
    "tpu.region"() ({
      %run_scoped3A = tpu.sem_alloc : memref<!tpu.dma_semaphore, #tpu.memory_space<semaphore_mem>>
      %dma_start3A = arith.constant 24000 : i32
      %dma_start3A_261 = tpu.memref_slice %arg3[%dma_start3A] : memref<160000xi32, #tpu.memory_space<hbm>> -> memref<8000xi32, #tpu.memory_space<hbm>>
      %dma_start3A_262 = arith.constant 24000 : i32
      %dma_start3A_263 = tpu.memref_slice %arg3[%dma_start3A_262] : memref<160000xi32, #tpu.memory_space<hbm>> -> memref<8000xi32, #tpu.memory_space<hbm>>
      tpu.enqueue_dma source(%dma_start3A_263 : memref<8000xi32, #tpu.memory_space<hbm>>) target(%arg7 : memref<8000xi32, #tpu.memory_space<vmem>>) target_semaphore(%run_scoped3A : memref<!tpu.dma_semaphore, #tpu.memory_space<semaphore_mem>>)
      %dma_wait3A = arith.constant 24000 : i32
      %dma_wait3A_264 = tpu.memref_slice %arg3[%dma_wait3A] : memref<160000xi32, #tpu.memory_space<hbm>> -> memref<8000xi32, #tpu.memory_space<hbm>>
      %dma_wait3A_265 = arith.constant 24000 : i32
      %dma_wait3A_266 = tpu.memref_slice %arg3[%dma_wait3A_265] : memref<160000xi32, #tpu.memory_space<hbm>> -> memref<8000xi32, #tpu.memory_space<hbm>>
      tpu.wait_dma2 semaphore(%run_scoped3A : memref<!tpu.dma_semaphore, #tpu.memory_space<semaphore_mem>>) src(%dma_wait3A_266 : memref<8000xi32, #tpu.memory_space<hbm>>) dst(%arg7 : memref<8000xi32, #tpu.memory_space<vmem>>)
      tpu.yield
    }) : () -> ()
    %scan3A_53 = arith.constant 0 : i32
    %scan3A_54 = arith.constant 500 : i32
    %scan3A_55 = arith.addi %scan3A_53, %scan3A_54 : i32
    %scan3A_56 = arith.constant 1 : i32
    %scan3A_57:2 = scf.for %scan3A_261 = %scan3A_53 to %scan3A_55 step %scan3A_56 iter_args(%scan3A_262 = %scan3A_51#0, %scan3A_263 = %scan3A_51#1) -> (i32, i32)  : i32 {
      %mul3A_264 = arith.constant 16 : i32
      %mul3A_265 = arith.muli %scan3A_261, %mul3A_264 : i32
      %get3A = arith.index_cast %mul3A_265 : i32 to index
      %get3A_266 = tpu.vector_load %arg6[%get3A] {strides = array<i32>} : memref<8000xi32, #tpu.memory_space<vmem>>, vector<16xi32>,
      %mul3A_267 = arith.constant 16 : i32
      %mul3A_268 = arith.muli %scan3A_261, %mul3A_267 : i32
      %get3A_269 = arith.index_cast %mul3A_268 : i32 to index
      %get3A_270 = tpu.vector_load %arg7[%get3A_269] {strides = array<i32>} : memref<8000xi32, #tpu.memory_space<vmem>>, vector<16xi32>,
      %ne3A_271 = arith.cmpi ne, %get3A_266, %get3A_270 : vector<16xi32>
      %ge3A = arith.cmpi sge, %get3A_266, %mul3A_29 : vector<16xi32>
      %and3A_272 = arith.andi %ne3A_271, %ge3A : vector<16xi1>
      %lt3A = arith.cmpi slt, %get3A_266, %add3A_32 : vector<16xi32>
      %and3A_273 = arith.andi %and3A_272, %lt3A : vector<16xi1>
      %ge3A_274 = arith.cmpi sge, %get3A_270, %mul3A_29 : vector<16xi32>
      %and3A_275 = arith.andi %ne3A_271, %ge3A_274 : vector<16xi1>
      %lt3A_276 = arith.cmpi slt, %get3A_270, %add3A_32 : vector<16xi32>
      %and3A_277 = arith.andi %and3A_275, %lt3A_276 : vector<16xi1>
      %mul3A_278 = arith.constant 10240 : i32
      %mul3A_279 = vector.broadcast %mul3A_278 : i32 to vector<16xi32>
      %mul3A_280 = arith.muli %get3A_266, %mul3A_279 : vector<16xi32>
      %add3A_281 = arith.addi %mul3A_280, %get3A_270 : vector<16xi32>
      %mul3A_282 = arith.constant 10240 : i32
      %mul3A_283 = vector.broadcast %mul3A_282 : i32 to vector<16xi32>
      %mul3A_284 = arith.muli %get3A_270, %mul3A_283 : vector<16xi32>
      %add3A_285 = arith.addi %mul3A_284, %get3A_266 : vector<16xi32>
      %convert_element_type3A = arith.extui %and3A_273 : vector<16xi1> to vector<16xi32>
      %broadcast_in_dim3A_286 = arith.constant true
      %broadcast_in_dim3A_287 = vector.broadcast %broadcast_in_dim3A_286 : i1 to vector<16xi1>
      %masked_cumsum3A = tpu.scan <sum>, %convert_element_type3A masked %broadcast_in_dim3A_287 : vector<16xi32>, vector<16xi1> -> vector<16xi32>
      %convert_element_type3A_288 = arith.extui %and3A_277 : vector<16xi1> to vector<16xi32>
      %broadcast_in_dim3A_289 = arith.constant true
      %broadcast_in_dim3A_290 = vector.broadcast %broadcast_in_dim3A_289 : i1 to vector<16xi1>
      %masked_cumsum3A_291 = tpu.scan <sum>, %convert_element_type3A_288 masked %broadcast_in_dim3A_290 : vector<16xi32>, vector<16xi1> -> vector<16xi32>
      %add3A_292 = vector.broadcast %scan3A_262 : i32 to vector<16xi32>
      %add3A_293 = arith.addi %add3A_292, %masked_cumsum3A : vector<16xi32>
      %sub3A_294 = arith.constant 1 : i32
      %sub3A_295 = vector.broadcast %sub3A_294 : i32 to vector<16xi32>
      %sub3A_296 = arith.subi %add3A_293, %sub3A_295 : vector<16xi32>
      %jit3A_297 = arith.constant 24592 : i32
      %broadcast_in_dim3A_298 = vector.broadcast %jit3A_297 : i32 to vector<16xi32>
      %select_n3A_299 = arith.select %and3A_273, %sub3A_296, %broadcast_in_dim3A_298 : vector<16xi1>, vector<16xi32>
      tpu.vector_store_idx %arg8[%select_n3A_299], %add3A_281 : memref<24608xi32, #tpu.memory_space<vmem>>[vector<16xi32>], vector<16xi32>,
      %add3A_300 = vector.broadcast %scan3A_263 : i32 to vector<16xi32>
      %add3A_301 = arith.addi %add3A_300, %masked_cumsum3A_291 : vector<16xi32>
      %sub3A_302 = arith.constant 1 : i32
      %sub3A_303 = vector.broadcast %sub3A_302 : i32 to vector<16xi32>
      %sub3A_304 = arith.subi %add3A_301, %sub3A_303 : vector<16xi32>
      %jit3A_305 = arith.constant 24592 : i32
      %broadcast_in_dim3A_306 = vector.broadcast %jit3A_305 : i32 to vector<16xi32>
      %select_n3A_307 = arith.select %and3A_277, %sub3A_304, %broadcast_in_dim3A_306 : vector<16xi1>, vector<16xi32>
      tpu.vector_store_idx %arg9[%select_n3A_307], %add3A_285 : memref<24608xi32, #tpu.memory_space<vmem>>[vector<16xi32>], vector<16xi32>,
      %convert_element_type3A_308 = arith.extui %and3A_273 : vector<16xi1> to vector<16xi32>
      %reduce_sum3A = arith.constant true
      %reduce_sum3A_309 = vector.broadcast %reduce_sum3A : i1 to vector<16xi1>
      %reduce_sum3A_310 = tpu.scan <sum>, %convert_element_type3A_308 masked %reduce_sum3A_309 : vector<16xi32>, vector<16xi1> -> vector<16xi32>
      %reduce_sum3A_311 = vector.extract %reduce_sum3A_310[15] : i32 from vector<16xi32>
      %add3A_312 = arith.addi %scan3A_262, %reduce_sum3A_311 : i32
      %convert_element_type3A_313 = arith.extui %and3A_277 : vector<16xi1> to vector<16xi32>
      %reduce_sum3A_314 = arith.constant true
      %reduce_sum3A_315 = vector.broadcast %reduce_sum3A_314 : i1 to vector<16xi1>
      %reduce_sum3A_316 = tpu.scan <sum>, %convert_element_type3A_313 masked %reduce_sum3A_315 : vector<16xi32>, vector<16xi1> -> vector<16xi32>
      %reduce_sum3A_317 = vector.extract %reduce_sum3A_316[15] : i32 from vector<16xi32>
      %add3A_318 = arith.addi %scan3A_263, %reduce_sum3A_317 : i32
      scf.yield %add3A_312, %add3A_318 : i32, i32
    }
    %scan3A_58 = arith.constant 500 : i32
    "tpu.region"() ({
      %run_scoped3A = tpu.sem_alloc : memref<!tpu.dma_semaphore, #tpu.memory_space<semaphore_mem>>
      %dma_start3A = arith.constant 32000 : i32
      %dma_start3A_261 = tpu.memref_slice %arg2[%dma_start3A] : memref<160000xi32, #tpu.memory_space<hbm>> -> memref<8000xi32, #tpu.memory_space<hbm>>
      %dma_start3A_262 = arith.constant 32000 : i32
      %dma_start3A_263 = tpu.memref_slice %arg2[%dma_start3A_262] : memref<160000xi32, #tpu.memory_space<hbm>> -> memref<8000xi32, #tpu.memory_space<hbm>>
      tpu.enqueue_dma source(%dma_start3A_263 : memref<8000xi32, #tpu.memory_space<hbm>>) target(%arg6 : memref<8000xi32, #tpu.memory_space<vmem>>) target_semaphore(%run_scoped3A : memref<!tpu.dma_semaphore, #tpu.memory_space<semaphore_mem>>)
      %dma_wait3A = arith.constant 32000 : i32
      %dma_wait3A_264 = tpu.memref_slice %arg2[%dma_wait3A] : memref<160000xi32, #tpu.memory_space<hbm>> -> memref<8000xi32, #tpu.memory_space<hbm>>
      %dma_wait3A_265 = arith.constant 32000 : i32
      %dma_wait3A_266 = tpu.memref_slice %arg2[%dma_wait3A_265] : memref<160000xi32, #tpu.memory_space<hbm>> -> memref<8000xi32, #tpu.memory_space<hbm>>
      tpu.wait_dma2 semaphore(%run_scoped3A : memref<!tpu.dma_semaphore, #tpu.memory_space<semaphore_mem>>) src(%dma_wait3A_266 : memref<8000xi32, #tpu.memory_space<hbm>>) dst(%arg6 : memref<8000xi32, #tpu.memory_space<vmem>>)
      tpu.yield
    }) : () -> ()
    "tpu.region"() ({
      %run_scoped3A = tpu.sem_alloc : memref<!tpu.dma_semaphore, #tpu.memory_space<semaphore_mem>>
      %dma_start3A = arith.constant 32000 : i32
      %dma_start3A_261 = tpu.memref_slice %arg3[%dma_start3A] : memref<160000xi32, #tpu.memory_space<hbm>> -> memref<8000xi32, #tpu.memory_space<hbm>>
      %dma_start3A_262 = arith.constant 32000 : i32
      %dma_start3A_263 = tpu.memref_slice %arg3[%dma_start3A_262] : memref<160000xi32, #tpu.memory_space<hbm>> -> memref<8000xi32, #tpu.memory_space<hbm>>
      tpu.enqueue_dma source(%dma_start3A_263 : memref<8000xi32, #tpu.memory_space<hbm>>) target(%arg7 : memref<8000xi32, #tpu.memory_space<vmem>>) target_semaphore(%run_scoped3A : memref<!tpu.dma_semaphore, #tpu.memory_space<semaphore_mem>>)
      %dma_wait3A = arith.constant 32000 : i32
      %dma_wait3A_264 = tpu.memref_slice %arg3[%dma_wait3A] : memref<160000xi32, #tpu.memory_space<hbm>> -> memref<8000xi32, #tpu.memory_space<hbm>>
      %dma_wait3A_265 = arith.constant 32000 : i32
      %dma_wait3A_266 = tpu.memref_slice %arg3[%dma_wait3A_265] : memref<160000xi32, #tpu.memory_space<hbm>> -> memref<8000xi32, #tpu.memory_space<hbm>>
      tpu.wait_dma2 semaphore(%run_scoped3A : memref<!tpu.dma_semaphore, #tpu.memory_space<semaphore_mem>>) src(%dma_wait3A_266 : memref<8000xi32, #tpu.memory_space<hbm>>) dst(%arg7 : memref<8000xi32, #tpu.memory_space<vmem>>)
      tpu.yield
    }) : () -> ()
    %scan3A_59 = arith.constant 0 : i32
    %scan3A_60 = arith.constant 500 : i32
    %scan3A_61 = arith.addi %scan3A_59, %scan3A_60 : i32
    %scan3A_62 = arith.constant 1 : i32
    %scan3A_63:2 = scf.for %scan3A_261 = %scan3A_59 to %scan3A_61 step %scan3A_62 iter_args(%scan3A_262 = %scan3A_57#0, %scan3A_263 = %scan3A_57#1) -> (i32, i32)  : i32 {
      %mul3A_264 = arith.constant 16 : i32
      %mul3A_265 = arith.muli %scan3A_261, %mul3A_264 : i32
      %get3A = arith.index_cast %mul3A_265 : i32 to index
      %get3A_266 = tpu.vector_load %arg6[%get3A] {strides = array<i32>} : memref<8000xi32, #tpu.memory_space<vmem>>, vector<16xi32>,
      %mul3A_267 = arith.constant 16 : i32
      %mul3A_268 = arith.muli %scan3A_261, %mul3A_267 : i32
      %get3A_269 = arith.index_cast %mul3A_268 : i32 to index
      %get3A_270 = tpu.vector_load %arg7[%get3A_269] {strides = array<i32>} : memref<8000xi32, #tpu.memory_space<vmem>>, vector<16xi32>,
      %ne3A_271 = arith.cmpi ne, %get3A_266, %get3A_270 : vector<16xi32>
      %ge3A = arith.cmpi sge, %get3A_266, %mul3A_29 : vector<16xi32>
      %and3A_272 = arith.andi %ne3A_271, %ge3A : vector<16xi1>
      %lt3A = arith.cmpi slt, %get3A_266, %add3A_32 : vector<16xi32>
      %and3A_273 = arith.andi %and3A_272, %lt3A : vector<16xi1>
      %ge3A_274 = arith.cmpi sge, %get3A_270, %mul3A_29 : vector<16xi32>
      %and3A_275 = arith.andi %ne3A_271, %ge3A_274 : vector<16xi1>
      %lt3A_276 = arith.cmpi slt, %get3A_270, %add3A_32 : vector<16xi32>
      %and3A_277 = arith.andi %and3A_275, %lt3A_276 : vector<16xi1>
      %mul3A_278 = arith.constant 10240 : i32
      %mul3A_279 = vector.broadcast %mul3A_278 : i32 to vector<16xi32>
      %mul3A_280 = arith.muli %get3A_266, %mul3A_279 : vector<16xi32>
      %add3A_281 = arith.addi %mul3A_280, %get3A_270 : vector<16xi32>
      %mul3A_282 = arith.constant 10240 : i32
      %mul3A_283 = vector.broadcast %mul3A_282 : i32 to vector<16xi32>
      %mul3A_284 = arith.muli %get3A_270, %mul3A_283 : vector<16xi32>
      %add3A_285 = arith.addi %mul3A_284, %get3A_266 : vector<16xi32>
      %convert_element_type3A = arith.extui %and3A_273 : vector<16xi1> to vector<16xi32>
      %broadcast_in_dim3A_286 = arith.constant true
      %broadcast_in_dim3A_287 = vector.broadcast %broadcast_in_dim3A_286 : i1 to vector<16xi1>
      %masked_cumsum3A = tpu.scan <sum>, %convert_element_type3A masked %broadcast_in_dim3A_287 : vector<16xi32>, vector<16xi1> -> vector<16xi32>
      %convert_element_type3A_288 = arith.extui %and3A_277 : vector<16xi1> to vector<16xi32>
      %broadcast_in_dim3A_289 = arith.constant true
      %broadcast_in_dim3A_290 = vector.broadcast %broadcast_in_dim3A_289 : i1 to vector<16xi1>
      %masked_cumsum3A_291 = tpu.scan <sum>, %convert_element_type3A_288 masked %broadcast_in_dim3A_290 : vector<16xi32>, vector<16xi1> -> vector<16xi32>
      %add3A_292 = vector.broadcast %scan3A_262 : i32 to vector<16xi32>
      %add3A_293 = arith.addi %add3A_292, %masked_cumsum3A : vector<16xi32>
      %sub3A_294 = arith.constant 1 : i32
      %sub3A_295 = vector.broadcast %sub3A_294 : i32 to vector<16xi32>
      %sub3A_296 = arith.subi %add3A_293, %sub3A_295 : vector<16xi32>
      %jit3A_297 = arith.constant 24592 : i32
      %broadcast_in_dim3A_298 = vector.broadcast %jit3A_297 : i32 to vector<16xi32>
      %select_n3A_299 = arith.select %and3A_273, %sub3A_296, %broadcast_in_dim3A_298 : vector<16xi1>, vector<16xi32>
      tpu.vector_store_idx %arg8[%select_n3A_299], %add3A_281 : memref<24608xi32, #tpu.memory_space<vmem>>[vector<16xi32>], vector<16xi32>,
      %add3A_300 = vector.broadcast %scan3A_263 : i32 to vector<16xi32>
      %add3A_301 = arith.addi %add3A_300, %masked_cumsum3A_291 : vector<16xi32>
      %sub3A_302 = arith.constant 1 : i32
      %sub3A_303 = vector.broadcast %sub3A_302 : i32 to vector<16xi32>
      %sub3A_304 = arith.subi %add3A_301, %sub3A_303 : vector<16xi32>
      %jit3A_305 = arith.constant 24592 : i32
      %broadcast_in_dim3A_306 = vector.broadcast %jit3A_305 : i32 to vector<16xi32>
      %select_n3A_307 = arith.select %and3A_277, %sub3A_304, %broadcast_in_dim3A_306 : vector<16xi1>, vector<16xi32>
      tpu.vector_store_idx %arg9[%select_n3A_307], %add3A_285 : memref<24608xi32, #tpu.memory_space<vmem>>[vector<16xi32>], vector<16xi32>,
      %convert_element_type3A_308 = arith.extui %and3A_273 : vector<16xi1> to vector<16xi32>
      %reduce_sum3A = arith.constant true
      %reduce_sum3A_309 = vector.broadcast %reduce_sum3A : i1 to vector<16xi1>
      %reduce_sum3A_310 = tpu.scan <sum>, %convert_element_type3A_308 masked %reduce_sum3A_309 : vector<16xi32>, vector<16xi1> -> vector<16xi32>
      %reduce_sum3A_311 = vector.extract %reduce_sum3A_310[15] : i32 from vector<16xi32>
      %add3A_312 = arith.addi %scan3A_262, %reduce_sum3A_311 : i32
      %convert_element_type3A_313 = arith.extui %and3A_277 : vector<16xi1> to vector<16xi32>
      %reduce_sum3A_314 = arith.constant true
      %reduce_sum3A_315 = vector.broadcast %reduce_sum3A_314 : i1 to vector<16xi1>
      %reduce_sum3A_316 = tpu.scan <sum>, %convert_element_type3A_313 masked %reduce_sum3A_315 : vector<16xi32>, vector<16xi1> -> vector<16xi32>
      %reduce_sum3A_317 = vector.extract %reduce_sum3A_316[15] : i32 from vector<16xi32>
      %add3A_318 = arith.addi %scan3A_263, %reduce_sum3A_317 : i32
      scf.yield %add3A_312, %add3A_318 : i32, i32
    }
    %scan3A_64 = arith.constant 500 : i32
    "tpu.region"() ({
      %run_scoped3A = tpu.sem_alloc : memref<!tpu.dma_semaphore, #tpu.memory_space<semaphore_mem>>
      %dma_start3A = arith.constant 40000 : i32
      %dma_start3A_261 = tpu.memref_slice %arg2[%dma_start3A] : memref<160000xi32, #tpu.memory_space<hbm>> -> memref<8000xi32, #tpu.memory_space<hbm>>
      %dma_start3A_262 = arith.constant 40000 : i32
      %dma_start3A_263 = tpu.memref_slice %arg2[%dma_start3A_262] : memref<160000xi32, #tpu.memory_space<hbm>> -> memref<8000xi32, #tpu.memory_space<hbm>>
      tpu.enqueue_dma source(%dma_start3A_263 : memref<8000xi32, #tpu.memory_space<hbm>>) target(%arg6 : memref<8000xi32, #tpu.memory_space<vmem>>) target_semaphore(%run_scoped3A : memref<!tpu.dma_semaphore, #tpu.memory_space<semaphore_mem>>)
      %dma_wait3A = arith.constant 40000 : i32
      %dma_wait3A_264 = tpu.memref_slice %arg2[%dma_wait3A] : memref<160000xi32, #tpu.memory_space<hbm>> -> memref<8000xi32, #tpu.memory_space<hbm>>
      %dma_wait3A_265 = arith.constant 40000 : i32
      %dma_wait3A_266 = tpu.memref_slice %arg2[%dma_wait3A_265] : memref<160000xi32, #tpu.memory_space<hbm>> -> memref<8000xi32, #tpu.memory_space<hbm>>
      tpu.wait_dma2 semaphore(%run_scoped3A : memref<!tpu.dma_semaphore, #tpu.memory_space<semaphore_mem>>) src(%dma_wait3A_266 : memref<8000xi32, #tpu.memory_space<hbm>>) dst(%arg6 : memref<8000xi32, #tpu.memory_space<vmem>>)
      tpu.yield
    }) : () -> ()
    "tpu.region"() ({
      %run_scoped3A = tpu.sem_alloc : memref<!tpu.dma_semaphore, #tpu.memory_space<semaphore_mem>>
      %dma_start3A = arith.constant 40000 : i32
      %dma_start3A_261 = tpu.memref_slice %arg3[%dma_start3A] : memref<160000xi32, #tpu.memory_space<hbm>> -> memref<8000xi32, #tpu.memory_space<hbm>>
      %dma_start3A_262 = arith.constant 40000 : i32
      %dma_start3A_263 = tpu.memref_slice %arg3[%dma_start3A_262] : memref<160000xi32, #tpu.memory_space<hbm>> -> memref<8000xi32, #tpu.memory_space<hbm>>
      tpu.enqueue_dma source(%dma_start3A_263 : memref<8000xi32, #tpu.memory_space<hbm>>) target(%arg7 : memref<8000xi32, #tpu.memory_space<vmem>>) target_semaphore(%run_scoped3A : memref<!tpu.dma_semaphore, #tpu.memory_space<semaphore_mem>>)
      %dma_wait3A = arith.constant 40000 : i32
      %dma_wait3A_264 = tpu.memref_slice %arg3[%dma_wait3A] : memref<160000xi32, #tpu.memory_space<hbm>> -> memref<8000xi32, #tpu.memory_space<hbm>>
      %dma_wait3A_265 = arith.constant 40000 : i32
      %dma_wait3A_266 = tpu.memref_slice %arg3[%dma_wait3A_265] : memref<160000xi32, #tpu.memory_space<hbm>> -> memref<8000xi32, #tpu.memory_space<hbm>>
      tpu.wait_dma2 semaphore(%run_scoped3A : memref<!tpu.dma_semaphore, #tpu.memory_space<semaphore_mem>>) src(%dma_wait3A_266 : memref<8000xi32, #tpu.memory_space<hbm>>) dst(%arg7 : memref<8000xi32, #tpu.memory_space<vmem>>)
      tpu.yield
    }) : () -> ()
    %scan3A_65 = arith.constant 0 : i32
    %scan3A_66 = arith.constant 500 : i32
    %scan3A_67 = arith.addi %scan3A_65, %scan3A_66 : i32
    %scan3A_68 = arith.constant 1 : i32
    %scan3A_69:2 = scf.for %scan3A_261 = %scan3A_65 to %scan3A_67 step %scan3A_68 iter_args(%scan3A_262 = %scan3A_63#0, %scan3A_263 = %scan3A_63#1) -> (i32, i32)  : i32 {
      %mul3A_264 = arith.constant 16 : i32
      %mul3A_265 = arith.muli %scan3A_261, %mul3A_264 : i32
      %get3A = arith.index_cast %mul3A_265 : i32 to index
      %get3A_266 = tpu.vector_load %arg6[%get3A] {strides = array<i32>} : memref<8000xi32, #tpu.memory_space<vmem>>, vector<16xi32>,
      %mul3A_267 = arith.constant 16 : i32
      %mul3A_268 = arith.muli %scan3A_261, %mul3A_267 : i32
      %get3A_269 = arith.index_cast %mul3A_268 : i32 to index
      %get3A_270 = tpu.vector_load %arg7[%get3A_269] {strides = array<i32>} : memref<8000xi32, #tpu.memory_space<vmem>>, vector<16xi32>,
      %ne3A_271 = arith.cmpi ne, %get3A_266, %get3A_270 : vector<16xi32>
      %ge3A = arith.cmpi sge, %get3A_266, %mul3A_29 : vector<16xi32>
      %and3A_272 = arith.andi %ne3A_271, %ge3A : vector<16xi1>
      %lt3A = arith.cmpi slt, %get3A_266, %add3A_32 : vector<16xi32>
      %and3A_273 = arith.andi %and3A_272, %lt3A : vector<16xi1>
      %ge3A_274 = arith.cmpi sge, %get3A_270, %mul3A_29 : vector<16xi32>
      %and3A_275 = arith.andi %ne3A_271, %ge3A_274 : vector<16xi1>
      %lt3A_276 = arith.cmpi slt, %get3A_270, %add3A_32 : vector<16xi32>
      %and3A_277 = arith.andi %and3A_275, %lt3A_276 : vector<16xi1>
      %mul3A_278 = arith.constant 10240 : i32
      %mul3A_279 = vector.broadcast %mul3A_278 : i32 to vector<16xi32>
      %mul3A_280 = arith.muli %get3A_266, %mul3A_279 : vector<16xi32>
      %add3A_281 = arith.addi %mul3A_280, %get3A_270 : vector<16xi32>
      %mul3A_282 = arith.constant 10240 : i32
      %mul3A_283 = vector.broadcast %mul3A_282 : i32 to vector<16xi32>
      %mul3A_284 = arith.muli %get3A_270, %mul3A_283 : vector<16xi32>
      %add3A_285 = arith.addi %mul3A_284, %get3A_266 : vector<16xi32>
      %convert_element_type3A = arith.extui %and3A_273 : vector<16xi1> to vector<16xi32>
      %broadcast_in_dim3A_286 = arith.constant true
      %broadcast_in_dim3A_287 = vector.broadcast %broadcast_in_dim3A_286 : i1 to vector<16xi1>
      %masked_cumsum3A = tpu.scan <sum>, %convert_element_type3A masked %broadcast_in_dim3A_287 : vector<16xi32>, vector<16xi1> -> vector<16xi32>
      %convert_element_type3A_288 = arith.extui %and3A_277 : vector<16xi1> to vector<16xi32>
      %broadcast_in_dim3A_289 = arith.constant true
      %broadcast_in_dim3A_290 = vector.broadcast %broadcast_in_dim3A_289 : i1 to vector<16xi1>
      %masked_cumsum3A_291 = tpu.scan <sum>, %convert_element_type3A_288 masked %broadcast_in_dim3A_290 : vector<16xi32>, vector<16xi1> -> vector<16xi32>
      %add3A_292 = vector.broadcast %scan3A_262 : i32 to vector<16xi32>
      %add3A_293 = arith.addi %add3A_292, %masked_cumsum3A : vector<16xi32>
      %sub3A_294 = arith.constant 1 : i32
      %sub3A_295 = vector.broadcast %sub3A_294 : i32 to vector<16xi32>
      %sub3A_296 = arith.subi %add3A_293, %sub3A_295 : vector<16xi32>
      %jit3A_297 = arith.constant 24592 : i32
      %broadcast_in_dim3A_298 = vector.broadcast %jit3A_297 : i32 to vector<16xi32>
      %select_n3A_299 = arith.select %and3A_273, %sub3A_296, %broadcast_in_dim3A_298 : vector<16xi1>, vector<16xi32>
      tpu.vector_store_idx %arg8[%select_n3A_299], %add3A_281 : memref<24608xi32, #tpu.memory_space<vmem>>[vector<16xi32>], vector<16xi32>,
      %add3A_300 = vector.broadcast %scan3A_263 : i32 to vector<16xi32>
      %add3A_301 = arith.addi %add3A_300, %masked_cumsum3A_291 : vector<16xi32>
      %sub3A_302 = arith.constant 1 : i32
      %sub3A_303 = vector.broadcast %sub3A_302 : i32 to vector<16xi32>
      %sub3A_304 = arith.subi %add3A_301, %sub3A_303 : vector<16xi32>
      %jit3A_305 = arith.constant 24592 : i32
      %broadcast_in_dim3A_306 = vector.broadcast %jit3A_305 : i32 to vector<16xi32>
      %select_n3A_307 = arith.select %and3A_277, %sub3A_304, %broadcast_in_dim3A_306 : vector<16xi1>, vector<16xi32>
      tpu.vector_store_idx %arg9[%select_n3A_307], %add3A_285 : memref<24608xi32, #tpu.memory_space<vmem>>[vector<16xi32>], vector<16xi32>,
      %convert_element_type3A_308 = arith.extui %and3A_273 : vector<16xi1> to vector<16xi32>
      %reduce_sum3A = arith.constant true
      %reduce_sum3A_309 = vector.broadcast %reduce_sum3A : i1 to vector<16xi1>
      %reduce_sum3A_310 = tpu.scan <sum>, %convert_element_type3A_308 masked %reduce_sum3A_309 : vector<16xi32>, vector<16xi1> -> vector<16xi32>
      %reduce_sum3A_311 = vector.extract %reduce_sum3A_310[15] : i32 from vector<16xi32>
      %add3A_312 = arith.addi %scan3A_262, %reduce_sum3A_311 : i32
      %convert_element_type3A_313 = arith.extui %and3A_277 : vector<16xi1> to vector<16xi32>
      %reduce_sum3A_314 = arith.constant true
      %reduce_sum3A_315 = vector.broadcast %reduce_sum3A_314 : i1 to vector<16xi1>
      %reduce_sum3A_316 = tpu.scan <sum>, %convert_element_type3A_313 masked %reduce_sum3A_315 : vector<16xi32>, vector<16xi1> -> vector<16xi32>
      %reduce_sum3A_317 = vector.extract %reduce_sum3A_316[15] : i32 from vector<16xi32>
      %add3A_318 = arith.addi %scan3A_263, %reduce_sum3A_317 : i32
      scf.yield %add3A_312, %add3A_318 : i32, i32
    }
    %scan3A_70 = arith.constant 500 : i32
    "tpu.region"() ({
      %run_scoped3A = tpu.sem_alloc : memref<!tpu.dma_semaphore, #tpu.memory_space<semaphore_mem>>
      %dma_start3A = arith.constant 48000 : i32
      %dma_start3A_261 = tpu.memref_slice %arg2[%dma_start3A] : memref<160000xi32, #tpu.memory_space<hbm>> -> memref<8000xi32, #tpu.memory_space<hbm>>
      %dma_start3A_262 = arith.constant 48000 : i32
      %dma_start3A_263 = tpu.memref_slice %arg2[%dma_start3A_262] : memref<160000xi32, #tpu.memory_space<hbm>> -> memref<8000xi32, #tpu.memory_space<hbm>>
      tpu.enqueue_dma source(%dma_start3A_263 : memref<8000xi32, #tpu.memory_space<hbm>>) target(%arg6 : memref<8000xi32, #tpu.memory_space<vmem>>) target_semaphore(%run_scoped3A : memref<!tpu.dma_semaphore, #tpu.memory_space<semaphore_mem>>)
      %dma_wait3A = arith.constant 48000 : i32
      %dma_wait3A_264 = tpu.memref_slice %arg2[%dma_wait3A] : memref<160000xi32, #tpu.memory_space<hbm>> -> memref<8000xi32, #tpu.memory_space<hbm>>
      %dma_wait3A_265 = arith.constant 48000 : i32
      %dma_wait3A_266 = tpu.memref_slice %arg2[%dma_wait3A_265] : memref<160000xi32, #tpu.memory_space<hbm>> -> memref<8000xi32, #tpu.memory_space<hbm>>
      tpu.wait_dma2 semaphore(%run_scoped3A : memref<!tpu.dma_semaphore, #tpu.memory_space<semaphore_mem>>) src(%dma_wait3A_266 : memref<8000xi32, #tpu.memory_space<hbm>>) dst(%arg6 : memref<8000xi32, #tpu.memory_space<vmem>>)
      tpu.yield
    }) : () -> ()
    "tpu.region"() ({
      %run_scoped3A = tpu.sem_alloc : memref<!tpu.dma_semaphore, #tpu.memory_space<semaphore_mem>>
      %dma_start3A = arith.constant 48000 : i32
      %dma_start3A_261 = tpu.memref_slice %arg3[%dma_start3A] : memref<160000xi32, #tpu.memory_space<hbm>> -> memref<8000xi32, #tpu.memory_space<hbm>>
      %dma_start3A_262 = arith.constant 48000 : i32
      %dma_start3A_263 = tpu.memref_slice %arg3[%dma_start3A_262] : memref<160000xi32, #tpu.memory_space<hbm>> -> memref<8000xi32, #tpu.memory_space<hbm>>
      tpu.enqueue_dma source(%dma_start3A_263 : memref<8000xi32, #tpu.memory_space<hbm>>) target(%arg7 : memref<8000xi32, #tpu.memory_space<vmem>>) target_semaphore(%run_scoped3A : memref<!tpu.dma_semaphore, #tpu.memory_space<semaphore_mem>>)
      %dma_wait3A = arith.constant 48000 : i32
      %dma_wait3A_264 = tpu.memref_slice %arg3[%dma_wait3A] : memref<160000xi32, #tpu.memory_space<hbm>> -> memref<8000xi32, #tpu.memory_space<hbm>>
      %dma_wait3A_265 = arith.constant 48000 : i32
      %dma_wait3A_266 = tpu.memref_slice %arg3[%dma_wait3A_265] : memref<160000xi32, #tpu.memory_space<hbm>> -> memref<8000xi32, #tpu.memory_space<hbm>>
      tpu.wait_dma2 semaphore(%run_scoped3A : memref<!tpu.dma_semaphore, #tpu.memory_space<semaphore_mem>>) src(%dma_wait3A_266 : memref<8000xi32, #tpu.memory_space<hbm>>) dst(%arg7 : memref<8000xi32, #tpu.memory_space<vmem>>)
      tpu.yield
    }) : () -> ()
    %scan3A_71 = arith.constant 0 : i32
    %scan3A_72 = arith.constant 500 : i32
    %scan3A_73 = arith.addi %scan3A_71, %scan3A_72 : i32
    %scan3A_74 = arith.constant 1 : i32
    %scan3A_75:2 = scf.for %scan3A_261 = %scan3A_71 to %scan3A_73 step %scan3A_74 iter_args(%scan3A_262 = %scan3A_69#0, %scan3A_263 = %scan3A_69#1) -> (i32, i32)  : i32 {
      %mul3A_264 = arith.constant 16 : i32
      %mul3A_265 = arith.muli %scan3A_261, %mul3A_264 : i32
      %get3A = arith.index_cast %mul3A_265 : i32 to index
      %get3A_266 = tpu.vector_load %arg6[%get3A] {strides = array<i32>} : memref<8000xi32, #tpu.memory_space<vmem>>, vector<16xi32>,
      %mul3A_267 = arith.constant 16 : i32
      %mul3A_268 = arith.muli %scan3A_261, %mul3A_267 : i32
      %get3A_269 = arith.index_cast %mul3A_268 : i32 to index
      %get3A_270 = tpu.vector_load %arg7[%get3A_269] {strides = array<i32>} : memref<8000xi32, #tpu.memory_space<vmem>>, vector<16xi32>,
      %ne3A_271 = arith.cmpi ne, %get3A_266, %get3A_270 : vector<16xi32>
      %ge3A = arith.cmpi sge, %get3A_266, %mul3A_29 : vector<16xi32>
      %and3A_272 = arith.andi %ne3A_271, %ge3A : vector<16xi1>
      %lt3A = arith.cmpi slt, %get3A_266, %add3A_32 : vector<16xi32>
      %and3A_273 = arith.andi %and3A_272, %lt3A : vector<16xi1>
      %ge3A_274 = arith.cmpi sge, %get3A_270, %mul3A_29 : vector<16xi32>
      %and3A_275 = arith.andi %ne3A_271, %ge3A_274 : vector<16xi1>
      %lt3A_276 = arith.cmpi slt, %get3A_270, %add3A_32 : vector<16xi32>
      %and3A_277 = arith.andi %and3A_275, %lt3A_276 : vector<16xi1>
      %mul3A_278 = arith.constant 10240 : i32
      %mul3A_279 = vector.broadcast %mul3A_278 : i32 to vector<16xi32>
      %mul3A_280 = arith.muli %get3A_266, %mul3A_279 : vector<16xi32>
      %add3A_281 = arith.addi %mul3A_280, %get3A_270 : vector<16xi32>
      %mul3A_282 = arith.constant 10240 : i32
      %mul3A_283 = vector.broadcast %mul3A_282 : i32 to vector<16xi32>
      %mul3A_284 = arith.muli %get3A_270, %mul3A_283 : vector<16xi32>
      %add3A_285 = arith.addi %mul3A_284, %get3A_266 : vector<16xi32>
      %convert_element_type3A = arith.extui %and3A_273 : vector<16xi1> to vector<16xi32>
      %broadcast_in_dim3A_286 = arith.constant true
      %broadcast_in_dim3A_287 = vector.broadcast %broadcast_in_dim3A_286 : i1 to vector<16xi1>
      %masked_cumsum3A = tpu.scan <sum>, %convert_element_type3A masked %broadcast_in_dim3A_287 : vector<16xi32>, vector<16xi1> -> vector<16xi32>
      %convert_element_type3A_288 = arith.extui %and3A_277 : vector<16xi1> to vector<16xi32>
      %broadcast_in_dim3A_289 = arith.constant true
      %broadcast_in_dim3A_290 = vector.broadcast %broadcast_in_dim3A_289 : i1 to vector<16xi1>
      %masked_cumsum3A_291 = tpu.scan <sum>, %convert_element_type3A_288 masked %broadcast_in_dim3A_290 : vector<16xi32>, vector<16xi1> -> vector<16xi32>
      %add3A_292 = vector.broadcast %scan3A_262 : i32 to vector<16xi32>
      %add3A_293 = arith.addi %add3A_292, %masked_cumsum3A : vector<16xi32>
      %sub3A_294 = arith.constant 1 : i32
      %sub3A_295 = vector.broadcast %sub3A_294 : i32 to vector<16xi32>
      %sub3A_296 = arith.subi %add3A_293, %sub3A_295 : vector<16xi32>
      %jit3A_297 = arith.constant 24592 : i32
      %broadcast_in_dim3A_298 = vector.broadcast %jit3A_297 : i32 to vector<16xi32>
      %select_n3A_299 = arith.select %and3A_273, %sub3A_296, %broadcast_in_dim3A_298 : vector<16xi1>, vector<16xi32>
      tpu.vector_store_idx %arg8[%select_n3A_299], %add3A_281 : memref<24608xi32, #tpu.memory_space<vmem>>[vector<16xi32>], vector<16xi32>,
      %add3A_300 = vector.broadcast %scan3A_263 : i32 to vector<16xi32>
      %add3A_301 = arith.addi %add3A_300, %masked_cumsum3A_291 : vector<16xi32>
      %sub3A_302 = arith.constant 1 : i32
      %sub3A_303 = vector.broadcast %sub3A_302 : i32 to vector<16xi32>
      %sub3A_304 = arith.subi %add3A_301, %sub3A_303 : vector<16xi32>
      %jit3A_305 = arith.constant 24592 : i32
      %broadcast_in_dim3A_306 = vector.broadcast %jit3A_305 : i32 to vector<16xi32>
      %select_n3A_307 = arith.select %and3A_277, %sub3A_304, %broadcast_in_dim3A_306 : vector<16xi1>, vector<16xi32>
      tpu.vector_store_idx %arg9[%select_n3A_307], %add3A_285 : memref<24608xi32, #tpu.memory_space<vmem>>[vector<16xi32>], vector<16xi32>,
      %convert_element_type3A_308 = arith.extui %and3A_273 : vector<16xi1> to vector<16xi32>
      %reduce_sum3A = arith.constant true
      %reduce_sum3A_309 = vector.broadcast %reduce_sum3A : i1 to vector<16xi1>
      %reduce_sum3A_310 = tpu.scan <sum>, %convert_element_type3A_308 masked %reduce_sum3A_309 : vector<16xi32>, vector<16xi1> -> vector<16xi32>
      %reduce_sum3A_311 = vector.extract %reduce_sum3A_310[15] : i32 from vector<16xi32>
      %add3A_312 = arith.addi %scan3A_262, %reduce_sum3A_311 : i32
      %convert_element_type3A_313 = arith.extui %and3A_277 : vector<16xi1> to vector<16xi32>
      %reduce_sum3A_314 = arith.constant true
      %reduce_sum3A_315 = vector.broadcast %reduce_sum3A_314 : i1 to vector<16xi1>
      %reduce_sum3A_316 = tpu.scan <sum>, %convert_element_type3A_313 masked %reduce_sum3A_315 : vector<16xi32>, vector<16xi1> -> vector<16xi32>
      %reduce_sum3A_317 = vector.extract %reduce_sum3A_316[15] : i32 from vector<16xi32>
      %add3A_318 = arith.addi %scan3A_263, %reduce_sum3A_317 : i32
      scf.yield %add3A_312, %add3A_318 : i32, i32
    }
    %scan3A_76 = arith.constant 500 : i32
    "tpu.region"() ({
      %run_scoped3A = tpu.sem_alloc : memref<!tpu.dma_semaphore, #tpu.memory_space<semaphore_mem>>
      %dma_start3A = arith.constant 56000 : i32
      %dma_start3A_261 = tpu.memref_slice %arg2[%dma_start3A] : memref<160000xi32, #tpu.memory_space<hbm>> -> memref<8000xi32, #tpu.memory_space<hbm>>
      %dma_start3A_262 = arith.constant 56000 : i32
      %dma_start3A_263 = tpu.memref_slice %arg2[%dma_start3A_262] : memref<160000xi32, #tpu.memory_space<hbm>> -> memref<8000xi32, #tpu.memory_space<hbm>>
      tpu.enqueue_dma source(%dma_start3A_263 : memref<8000xi32, #tpu.memory_space<hbm>>) target(%arg6 : memref<8000xi32, #tpu.memory_space<vmem>>) target_semaphore(%run_scoped3A : memref<!tpu.dma_semaphore, #tpu.memory_space<semaphore_mem>>)
      %dma_wait3A = arith.constant 56000 : i32
      %dma_wait3A_264 = tpu.memref_slice %arg2[%dma_wait3A] : memref<160000xi32, #tpu.memory_space<hbm>> -> memref<8000xi32, #tpu.memory_space<hbm>>
      %dma_wait3A_265 = arith.constant 56000 : i32
      %dma_wait3A_266 = tpu.memref_slice %arg2[%dma_wait3A_265] : memref<160000xi32, #tpu.memory_space<hbm>> -> memref<8000xi32, #tpu.memory_space<hbm>>
      tpu.wait_dma2 semaphore(%run_scoped3A : memref<!tpu.dma_semaphore, #tpu.memory_space<semaphore_mem>>) src(%dma_wait3A_266 : memref<8000xi32, #tpu.memory_space<hbm>>) dst(%arg6 : memref<8000xi32, #tpu.memory_space<vmem>>)
      tpu.yield
    }) : () -> ()
    "tpu.region"() ({
      %run_scoped3A = tpu.sem_alloc : memref<!tpu.dma_semaphore, #tpu.memory_space<semaphore_mem>>
      %dma_start3A = arith.constant 56000 : i32
      %dma_start3A_261 = tpu.memref_slice %arg3[%dma_start3A] : memref<160000xi32, #tpu.memory_space<hbm>> -> memref<8000xi32, #tpu.memory_space<hbm>>
      %dma_start3A_262 = arith.constant 56000 : i32
      %dma_start3A_263 = tpu.memref_slice %arg3[%dma_start3A_262] : memref<160000xi32, #tpu.memory_space<hbm>> -> memref<8000xi32, #tpu.memory_space<hbm>>
      tpu.enqueue_dma source(%dma_start3A_263 : memref<8000xi32, #tpu.memory_space<hbm>>) target(%arg7 : memref<8000xi32, #tpu.memory_space<vmem>>) target_semaphore(%run_scoped3A : memref<!tpu.dma_semaphore, #tpu.memory_space<semaphore_mem>>)
      %dma_wait3A = arith.constant 56000 : i32
      %dma_wait3A_264 = tpu.memref_slice %arg3[%dma_wait3A] : memref<160000xi32, #tpu.memory_space<hbm>> -> memref<8000xi32, #tpu.memory_space<hbm>>
      %dma_wait3A_265 = arith.constant 56000 : i32
      %dma_wait3A_266 = tpu.memref_slice %arg3[%dma_wait3A_265] : memref<160000xi32, #tpu.memory_space<hbm>> -> memref<8000xi32, #tpu.memory_space<hbm>>
      tpu.wait_dma2 semaphore(%run_scoped3A : memref<!tpu.dma_semaphore, #tpu.memory_space<semaphore_mem>>) src(%dma_wait3A_266 : memref<8000xi32, #tpu.memory_space<hbm>>) dst(%arg7 : memref<8000xi32, #tpu.memory_space<vmem>>)
      tpu.yield
    }) : () -> ()
    %scan3A_77 = arith.constant 0 : i32
    %scan3A_78 = arith.constant 500 : i32
    %scan3A_79 = arith.addi %scan3A_77, %scan3A_78 : i32
    %scan3A_80 = arith.constant 1 : i32
    %scan3A_81:2 = scf.for %scan3A_261 = %scan3A_77 to %scan3A_79 step %scan3A_80 iter_args(%scan3A_262 = %scan3A_75#0, %scan3A_263 = %scan3A_75#1) -> (i32, i32)  : i32 {
      %mul3A_264 = arith.constant 16 : i32
      %mul3A_265 = arith.muli %scan3A_261, %mul3A_264 : i32
      %get3A = arith.index_cast %mul3A_265 : i32 to index
      %get3A_266 = tpu.vector_load %arg6[%get3A] {strides = array<i32>} : memref<8000xi32, #tpu.memory_space<vmem>>, vector<16xi32>,
      %mul3A_267 = arith.constant 16 : i32
      %mul3A_268 = arith.muli %scan3A_261, %mul3A_267 : i32
      %get3A_269 = arith.index_cast %mul3A_268 : i32 to index
      %get3A_270 = tpu.vector_load %arg7[%get3A_269] {strides = array<i32>} : memref<8000xi32, #tpu.memory_space<vmem>>, vector<16xi32>,
      %ne3A_271 = arith.cmpi ne, %get3A_266, %get3A_270 : vector<16xi32>
      %ge3A = arith.cmpi sge, %get3A_266, %mul3A_29 : vector<16xi32>
      %and3A_272 = arith.andi %ne3A_271, %ge3A : vector<16xi1>
      %lt3A = arith.cmpi slt, %get3A_266, %add3A_32 : vector<16xi32>
      %and3A_273 = arith.andi %and3A_272, %lt3A : vector<16xi1>
      %ge3A_274 = arith.cmpi sge, %get3A_270, %mul3A_29 : vector<16xi32>
      %and3A_275 = arith.andi %ne3A_271, %ge3A_274 : vector<16xi1>
      %lt3A_276 = arith.cmpi slt, %get3A_270, %add3A_32 : vector<16xi32>
      %and3A_277 = arith.andi %and3A_275, %lt3A_276 : vector<16xi1>
      %mul3A_278 = arith.constant 10240 : i32
      %mul3A_279 = vector.broadcast %mul3A_278 : i32 to vector<16xi32>
      %mul3A_280 = arith.muli %get3A_266, %mul3A_279 : vector<16xi32>
      %add3A_281 = arith.addi %mul3A_280, %get3A_270 : vector<16xi32>
      %mul3A_282 = arith.constant 10240 : i32
      %mul3A_283 = vector.broadcast %mul3A_282 : i32 to vector<16xi32>
      %mul3A_284 = arith.muli %get3A_270, %mul3A_283 : vector<16xi32>
      %add3A_285 = arith.addi %mul3A_284, %get3A_266 : vector<16xi32>
      %convert_element_type3A = arith.extui %and3A_273 : vector<16xi1> to vector<16xi32>
      %broadcast_in_dim3A_286 = arith.constant true
      %broadcast_in_dim3A_287 = vector.broadcast %broadcast_in_dim3A_286 : i1 to vector<16xi1>
      %masked_cumsum3A = tpu.scan <sum>, %convert_element_type3A masked %broadcast_in_dim3A_287 : vector<16xi32>, vector<16xi1> -> vector<16xi32>
      %convert_element_type3A_288 = arith.extui %and3A_277 : vector<16xi1> to vector<16xi32>
      %broadcast_in_dim3A_289 = arith.constant true
      %broadcast_in_dim3A_290 = vector.broadcast %broadcast_in_dim3A_289 : i1 to vector<16xi1>
      %masked_cumsum3A_291 = tpu.scan <sum>, %convert_element_type3A_288 masked %broadcast_in_dim3A_290 : vector<16xi32>, vector<16xi1> -> vector<16xi32>
      %add3A_292 = vector.broadcast %scan3A_262 : i32 to vector<16xi32>
      %add3A_293 = arith.addi %add3A_292, %masked_cumsum3A : vector<16xi32>
      %sub3A_294 = arith.constant 1 : i32
      %sub3A_295 = vector.broadcast %sub3A_294 : i32 to vector<16xi32>
      %sub3A_296 = arith.subi %add3A_293, %sub3A_295 : vector<16xi32>
      %jit3A_297 = arith.constant 24592 : i32
      %broadcast_in_dim3A_298 = vector.broadcast %jit3A_297 : i32 to vector<16xi32>
      %select_n3A_299 = arith.select %and3A_273, %sub3A_296, %broadcast_in_dim3A_298 : vector<16xi1>, vector<16xi32>
      tpu.vector_store_idx %arg8[%select_n3A_299], %add3A_281 : memref<24608xi32, #tpu.memory_space<vmem>>[vector<16xi32>], vector<16xi32>,
      %add3A_300 = vector.broadcast %scan3A_263 : i32 to vector<16xi32>
      %add3A_301 = arith.addi %add3A_300, %masked_cumsum3A_291 : vector<16xi32>
      %sub3A_302 = arith.constant 1 : i32
      %sub3A_303 = vector.broadcast %sub3A_302 : i32 to vector<16xi32>
      %sub3A_304 = arith.subi %add3A_301, %sub3A_303 : vector<16xi32>
      %jit3A_305 = arith.constant 24592 : i32
      %broadcast_in_dim3A_306 = vector.broadcast %jit3A_305 : i32 to vector<16xi32>
      %select_n3A_307 = arith.select %and3A_277, %sub3A_304, %broadcast_in_dim3A_306 : vector<16xi1>, vector<16xi32>
      tpu.vector_store_idx %arg9[%select_n3A_307], %add3A_285 : memref<24608xi32, #tpu.memory_space<vmem>>[vector<16xi32>], vector<16xi32>,
      %convert_element_type3A_308 = arith.extui %and3A_273 : vector<16xi1> to vector<16xi32>
      %reduce_sum3A = arith.constant true
      %reduce_sum3A_309 = vector.broadcast %reduce_sum3A : i1 to vector<16xi1>
      %reduce_sum3A_310 = tpu.scan <sum>, %convert_element_type3A_308 masked %reduce_sum3A_309 : vector<16xi32>, vector<16xi1> -> vector<16xi32>
      %reduce_sum3A_311 = vector.extract %reduce_sum3A_310[15] : i32 from vector<16xi32>
      %add3A_312 = arith.addi %scan3A_262, %reduce_sum3A_311 : i32
      %convert_element_type3A_313 = arith.extui %and3A_277 : vector<16xi1> to vector<16xi32>
      %reduce_sum3A_314 = arith.constant true
      %reduce_sum3A_315 = vector.broadcast %reduce_sum3A_314 : i1 to vector<16xi1>
      %reduce_sum3A_316 = tpu.scan <sum>, %convert_element_type3A_313 masked %reduce_sum3A_315 : vector<16xi32>, vector<16xi1> -> vector<16xi32>
      %reduce_sum3A_317 = vector.extract %reduce_sum3A_316[15] : i32 from vector<16xi32>
      %add3A_318 = arith.addi %scan3A_263, %reduce_sum3A_317 : i32
      scf.yield %add3A_312, %add3A_318 : i32, i32
    }
    %scan3A_82 = arith.constant 500 : i32
    "tpu.region"() ({
      %run_scoped3A = tpu.sem_alloc : memref<!tpu.dma_semaphore, #tpu.memory_space<semaphore_mem>>
      %dma_start3A = arith.constant 64000 : i32
      %dma_start3A_261 = tpu.memref_slice %arg2[%dma_start3A] : memref<160000xi32, #tpu.memory_space<hbm>> -> memref<8000xi32, #tpu.memory_space<hbm>>
      %dma_start3A_262 = arith.constant 64000 : i32
      %dma_start3A_263 = tpu.memref_slice %arg2[%dma_start3A_262] : memref<160000xi32, #tpu.memory_space<hbm>> -> memref<8000xi32, #tpu.memory_space<hbm>>
      tpu.enqueue_dma source(%dma_start3A_263 : memref<8000xi32, #tpu.memory_space<hbm>>) target(%arg6 : memref<8000xi32, #tpu.memory_space<vmem>>) target_semaphore(%run_scoped3A : memref<!tpu.dma_semaphore, #tpu.memory_space<semaphore_mem>>)
      %dma_wait3A = arith.constant 64000 : i32
      %dma_wait3A_264 = tpu.memref_slice %arg2[%dma_wait3A] : memref<160000xi32, #tpu.memory_space<hbm>> -> memref<8000xi32, #tpu.memory_space<hbm>>
      %dma_wait3A_265 = arith.constant 64000 : i32
      %dma_wait3A_266 = tpu.memref_slice %arg2[%dma_wait3A_265] : memref<160000xi32, #tpu.memory_space<hbm>> -> memref<8000xi32, #tpu.memory_space<hbm>>
      tpu.wait_dma2 semaphore(%run_scoped3A : memref<!tpu.dma_semaphore, #tpu.memory_space<semaphore_mem>>) src(%dma_wait3A_266 : memref<8000xi32, #tpu.memory_space<hbm>>) dst(%arg6 : memref<8000xi32, #tpu.memory_space<vmem>>)
      tpu.yield
    }) : () -> ()
    "tpu.region"() ({
      %run_scoped3A = tpu.sem_alloc : memref<!tpu.dma_semaphore, #tpu.memory_space<semaphore_mem>>
      %dma_start3A = arith.constant 64000 : i32
      %dma_start3A_261 = tpu.memref_slice %arg3[%dma_start3A] : memref<160000xi32, #tpu.memory_space<hbm>> -> memref<8000xi32, #tpu.memory_space<hbm>>
      %dma_start3A_262 = arith.constant 64000 : i32
      %dma_start3A_263 = tpu.memref_slice %arg3[%dma_start3A_262] : memref<160000xi32, #tpu.memory_space<hbm>> -> memref<8000xi32, #tpu.memory_space<hbm>>
      tpu.enqueue_dma source(%dma_start3A_263 : memref<8000xi32, #tpu.memory_space<hbm>>) target(%arg7 : memref<8000xi32, #tpu.memory_space<vmem>>) target_semaphore(%run_scoped3A : memref<!tpu.dma_semaphore, #tpu.memory_space<semaphore_mem>>)
      %dma_wait3A = arith.constant 64000 : i32
      %dma_wait3A_264 = tpu.memref_slice %arg3[%dma_wait3A] : memref<160000xi32, #tpu.memory_space<hbm>> -> memref<8000xi32, #tpu.memory_space<hbm>>
      %dma_wait3A_265 = arith.constant 64000 : i32
      %dma_wait3A_266 = tpu.memref_slice %arg3[%dma_wait3A_265] : memref<160000xi32, #tpu.memory_space<hbm>> -> memref<8000xi32, #tpu.memory_space<hbm>>
      tpu.wait_dma2 semaphore(%run_scoped3A : memref<!tpu.dma_semaphore, #tpu.memory_space<semaphore_mem>>) src(%dma_wait3A_266 : memref<8000xi32, #tpu.memory_space<hbm>>) dst(%arg7 : memref<8000xi32, #tpu.memory_space<vmem>>)
      tpu.yield
    }) : () -> ()
    %scan3A_83 = arith.constant 0 : i32
    %scan3A_84 = arith.constant 500 : i32
    %scan3A_85 = arith.addi %scan3A_83, %scan3A_84 : i32
    %scan3A_86 = arith.constant 1 : i32
    %scan3A_87:2 = scf.for %scan3A_261 = %scan3A_83 to %scan3A_85 step %scan3A_86 iter_args(%scan3A_262 = %scan3A_81#0, %scan3A_263 = %scan3A_81#1) -> (i32, i32)  : i32 {
      %mul3A_264 = arith.constant 16 : i32
      %mul3A_265 = arith.muli %scan3A_261, %mul3A_264 : i32
      %get3A = arith.index_cast %mul3A_265 : i32 to index
      %get3A_266 = tpu.vector_load %arg6[%get3A] {strides = array<i32>} : memref<8000xi32, #tpu.memory_space<vmem>>, vector<16xi32>,
      %mul3A_267 = arith.constant 16 : i32
      %mul3A_268 = arith.muli %scan3A_261, %mul3A_267 : i32
      %get3A_269 = arith.index_cast %mul3A_268 : i32 to index
      %get3A_270 = tpu.vector_load %arg7[%get3A_269] {strides = array<i32>} : memref<8000xi32, #tpu.memory_space<vmem>>, vector<16xi32>,
      %ne3A_271 = arith.cmpi ne, %get3A_266, %get3A_270 : vector<16xi32>
      %ge3A = arith.cmpi sge, %get3A_266, %mul3A_29 : vector<16xi32>
      %and3A_272 = arith.andi %ne3A_271, %ge3A : vector<16xi1>
      %lt3A = arith.cmpi slt, %get3A_266, %add3A_32 : vector<16xi32>
      %and3A_273 = arith.andi %and3A_272, %lt3A : vector<16xi1>
      %ge3A_274 = arith.cmpi sge, %get3A_270, %mul3A_29 : vector<16xi32>
      %and3A_275 = arith.andi %ne3A_271, %ge3A_274 : vector<16xi1>
      %lt3A_276 = arith.cmpi slt, %get3A_270, %add3A_32 : vector<16xi32>
      %and3A_277 = arith.andi %and3A_275, %lt3A_276 : vector<16xi1>
      %mul3A_278 = arith.constant 10240 : i32
      %mul3A_279 = vector.broadcast %mul3A_278 : i32 to vector<16xi32>
      %mul3A_280 = arith.muli %get3A_266, %mul3A_279 : vector<16xi32>
      %add3A_281 = arith.addi %mul3A_280, %get3A_270 : vector<16xi32>
      %mul3A_282 = arith.constant 10240 : i32
      %mul3A_283 = vector.broadcast %mul3A_282 : i32 to vector<16xi32>
      %mul3A_284 = arith.muli %get3A_270, %mul3A_283 : vector<16xi32>
      %add3A_285 = arith.addi %mul3A_284, %get3A_266 : vector<16xi32>
      %convert_element_type3A = arith.extui %and3A_273 : vector<16xi1> to vector<16xi32>
      %broadcast_in_dim3A_286 = arith.constant true
      %broadcast_in_dim3A_287 = vector.broadcast %broadcast_in_dim3A_286 : i1 to vector<16xi1>
      %masked_cumsum3A = tpu.scan <sum>, %convert_element_type3A masked %broadcast_in_dim3A_287 : vector<16xi32>, vector<16xi1> -> vector<16xi32>
      %convert_element_type3A_288 = arith.extui %and3A_277 : vector<16xi1> to vector<16xi32>
      %broadcast_in_dim3A_289 = arith.constant true
      %broadcast_in_dim3A_290 = vector.broadcast %broadcast_in_dim3A_289 : i1 to vector<16xi1>
      %masked_cumsum3A_291 = tpu.scan <sum>, %convert_element_type3A_288 masked %broadcast_in_dim3A_290 : vector<16xi32>, vector<16xi1> -> vector<16xi32>
      %add3A_292 = vector.broadcast %scan3A_262 : i32 to vector<16xi32>
      %add3A_293 = arith.addi %add3A_292, %masked_cumsum3A : vector<16xi32>
      %sub3A_294 = arith.constant 1 : i32
      %sub3A_295 = vector.broadcast %sub3A_294 : i32 to vector<16xi32>
      %sub3A_296 = arith.subi %add3A_293, %sub3A_295 : vector<16xi32>
      %jit3A_297 = arith.constant 24592 : i32
      %broadcast_in_dim3A_298 = vector.broadcast %jit3A_297 : i32 to vector<16xi32>
      %select_n3A_299 = arith.select %and3A_273, %sub3A_296, %broadcast_in_dim3A_298 : vector<16xi1>, vector<16xi32>
      tpu.vector_store_idx %arg8[%select_n3A_299], %add3A_281 : memref<24608xi32, #tpu.memory_space<vmem>>[vector<16xi32>], vector<16xi32>,
      %add3A_300 = vector.broadcast %scan3A_263 : i32 to vector<16xi32>
      %add3A_301 = arith.addi %add3A_300, %masked_cumsum3A_291 : vector<16xi32>
      %sub3A_302 = arith.constant 1 : i32
      %sub3A_303 = vector.broadcast %sub3A_302 : i32 to vector<16xi32>
      %sub3A_304 = arith.subi %add3A_301, %sub3A_303 : vector<16xi32>
      %jit3A_305 = arith.constant 24592 : i32
      %broadcast_in_dim3A_306 = vector.broadcast %jit3A_305 : i32 to vector<16xi32>
      %select_n3A_307 = arith.select %and3A_277, %sub3A_304, %broadcast_in_dim3A_306 : vector<16xi1>, vector<16xi32>
      tpu.vector_store_idx %arg9[%select_n3A_307], %add3A_285 : memref<24608xi32, #tpu.memory_space<vmem>>[vector<16xi32>], vector<16xi32>,
      %convert_element_type3A_308 = arith.extui %and3A_273 : vector<16xi1> to vector<16xi32>
      %reduce_sum3A = arith.constant true
      %reduce_sum3A_309 = vector.broadcast %reduce_sum3A : i1 to vector<16xi1>
      %reduce_sum3A_310 = tpu.scan <sum>, %convert_element_type3A_308 masked %reduce_sum3A_309 : vector<16xi32>, vector<16xi1> -> vector<16xi32>
      %reduce_sum3A_311 = vector.extract %reduce_sum3A_310[15] : i32 from vector<16xi32>
      %add3A_312 = arith.addi %scan3A_262, %reduce_sum3A_311 : i32
      %convert_element_type3A_313 = arith.extui %and3A_277 : vector<16xi1> to vector<16xi32>
      %reduce_sum3A_314 = arith.constant true
      %reduce_sum3A_315 = vector.broadcast %reduce_sum3A_314 : i1 to vector<16xi1>
      %reduce_sum3A_316 = tpu.scan <sum>, %convert_element_type3A_313 masked %reduce_sum3A_315 : vector<16xi32>, vector<16xi1> -> vector<16xi32>
      %reduce_sum3A_317 = vector.extract %reduce_sum3A_316[15] : i32 from vector<16xi32>
      %add3A_318 = arith.addi %scan3A_263, %reduce_sum3A_317 : i32
      scf.yield %add3A_312, %add3A_318 : i32, i32
    }
    %scan3A_88 = arith.constant 500 : i32
    "tpu.region"() ({
      %run_scoped3A = tpu.sem_alloc : memref<!tpu.dma_semaphore, #tpu.memory_space<semaphore_mem>>
      %dma_start3A = arith.constant 72000 : i32
      %dma_start3A_261 = tpu.memref_slice %arg2[%dma_start3A] : memref<160000xi32, #tpu.memory_space<hbm>> -> memref<8000xi32, #tpu.memory_space<hbm>>
      %dma_start3A_262 = arith.constant 72000 : i32
      %dma_start3A_263 = tpu.memref_slice %arg2[%dma_start3A_262] : memref<160000xi32, #tpu.memory_space<hbm>> -> memref<8000xi32, #tpu.memory_space<hbm>>
      tpu.enqueue_dma source(%dma_start3A_263 : memref<8000xi32, #tpu.memory_space<hbm>>) target(%arg6 : memref<8000xi32, #tpu.memory_space<vmem>>) target_semaphore(%run_scoped3A : memref<!tpu.dma_semaphore, #tpu.memory_space<semaphore_mem>>)
      %dma_wait3A = arith.constant 72000 : i32
      %dma_wait3A_264 = tpu.memref_slice %arg2[%dma_wait3A] : memref<160000xi32, #tpu.memory_space<hbm>> -> memref<8000xi32, #tpu.memory_space<hbm>>
      %dma_wait3A_265 = arith.constant 72000 : i32
      %dma_wait3A_266 = tpu.memref_slice %arg2[%dma_wait3A_265] : memref<160000xi32, #tpu.memory_space<hbm>> -> memref<8000xi32, #tpu.memory_space<hbm>>
      tpu.wait_dma2 semaphore(%run_scoped3A : memref<!tpu.dma_semaphore, #tpu.memory_space<semaphore_mem>>) src(%dma_wait3A_266 : memref<8000xi32, #tpu.memory_space<hbm>>) dst(%arg6 : memref<8000xi32, #tpu.memory_space<vmem>>)
      tpu.yield
    }) : () -> ()
    "tpu.region"() ({
      %run_scoped3A = tpu.sem_alloc : memref<!tpu.dma_semaphore, #tpu.memory_space<semaphore_mem>>
      %dma_start3A = arith.constant 72000 : i32
      %dma_start3A_261 = tpu.memref_slice %arg3[%dma_start3A] : memref<160000xi32, #tpu.memory_space<hbm>> -> memref<8000xi32, #tpu.memory_space<hbm>>
      %dma_start3A_262 = arith.constant 72000 : i32
      %dma_start3A_263 = tpu.memref_slice %arg3[%dma_start3A_262] : memref<160000xi32, #tpu.memory_space<hbm>> -> memref<8000xi32, #tpu.memory_space<hbm>>
      tpu.enqueue_dma source(%dma_start3A_263 : memref<8000xi32, #tpu.memory_space<hbm>>) target(%arg7 : memref<8000xi32, #tpu.memory_space<vmem>>) target_semaphore(%run_scoped3A : memref<!tpu.dma_semaphore, #tpu.memory_space<semaphore_mem>>)
      %dma_wait3A = arith.constant 72000 : i32
      %dma_wait3A_264 = tpu.memref_slice %arg3[%dma_wait3A] : memref<160000xi32, #tpu.memory_space<hbm>> -> memref<8000xi32, #tpu.memory_space<hbm>>
      %dma_wait3A_265 = arith.constant 72000 : i32
      %dma_wait3A_266 = tpu.memref_slice %arg3[%dma_wait3A_265] : memref<160000xi32, #tpu.memory_space<hbm>> -> memref<8000xi32, #tpu.memory_space<hbm>>
      tpu.wait_dma2 semaphore(%run_scoped3A : memref<!tpu.dma_semaphore, #tpu.memory_space<semaphore_mem>>) src(%dma_wait3A_266 : memref<8000xi32, #tpu.memory_space<hbm>>) dst(%arg7 : memref<8000xi32, #tpu.memory_space<vmem>>)
      tpu.yield
    }) : () -> ()
    %scan3A_89 = arith.constant 0 : i32
    %scan3A_90 = arith.constant 500 : i32
    %scan3A_91 = arith.addi %scan3A_89, %scan3A_90 : i32
    %scan3A_92 = arith.constant 1 : i32
    %scan3A_93:2 = scf.for %scan3A_261 = %scan3A_89 to %scan3A_91 step %scan3A_92 iter_args(%scan3A_262 = %scan3A_87#0, %scan3A_263 = %scan3A_87#1) -> (i32, i32)  : i32 {
      %mul3A_264 = arith.constant 16 : i32
      %mul3A_265 = arith.muli %scan3A_261, %mul3A_264 : i32
      %get3A = arith.index_cast %mul3A_265 : i32 to index
      %get3A_266 = tpu.vector_load %arg6[%get3A] {strides = array<i32>} : memref<8000xi32, #tpu.memory_space<vmem>>, vector<16xi32>,
      %mul3A_267 = arith.constant 16 : i32
      %mul3A_268 = arith.muli %scan3A_261, %mul3A_267 : i32
      %get3A_269 = arith.index_cast %mul3A_268 : i32 to index
      %get3A_270 = tpu.vector_load %arg7[%get3A_269] {strides = array<i32>} : memref<8000xi32, #tpu.memory_space<vmem>>, vector<16xi32>,
      %ne3A_271 = arith.cmpi ne, %get3A_266, %get3A_270 : vector<16xi32>
      %ge3A = arith.cmpi sge, %get3A_266, %mul3A_29 : vector<16xi32>
      %and3A_272 = arith.andi %ne3A_271, %ge3A : vector<16xi1>
      %lt3A = arith.cmpi slt, %get3A_266, %add3A_32 : vector<16xi32>
      %and3A_273 = arith.andi %and3A_272, %lt3A : vector<16xi1>
      %ge3A_274 = arith.cmpi sge, %get3A_270, %mul3A_29 : vector<16xi32>
      %and3A_275 = arith.andi %ne3A_271, %ge3A_274 : vector<16xi1>
      %lt3A_276 = arith.cmpi slt, %get3A_270, %add3A_32 : vector<16xi32>
      %and3A_277 = arith.andi %and3A_275, %lt3A_276 : vector<16xi1>
      %mul3A_278 = arith.constant 10240 : i32
      %mul3A_279 = vector.broadcast %mul3A_278 : i32 to vector<16xi32>
      %mul3A_280 = arith.muli %get3A_266, %mul3A_279 : vector<16xi32>
      %add3A_281 = arith.addi %mul3A_280, %get3A_270 : vector<16xi32>
      %mul3A_282 = arith.constant 10240 : i32
      %mul3A_283 = vector.broadcast %mul3A_282 : i32 to vector<16xi32>
      %mul3A_284 = arith.muli %get3A_270, %mul3A_283 : vector<16xi32>
      %add3A_285 = arith.addi %mul3A_284, %get3A_266 : vector<16xi32>
      %convert_element_type3A = arith.extui %and3A_273 : vector<16xi1> to vector<16xi32>
      %broadcast_in_dim3A_286 = arith.constant true
      %broadcast_in_dim3A_287 = vector.broadcast %broadcast_in_dim3A_286 : i1 to vector<16xi1>
      %masked_cumsum3A = tpu.scan <sum>, %convert_element_type3A masked %broadcast_in_dim3A_287 : vector<16xi32>, vector<16xi1> -> vector<16xi32>
      %convert_element_type3A_288 = arith.extui %and3A_277 : vector<16xi1> to vector<16xi32>
      %broadcast_in_dim3A_289 = arith.constant true
      %broadcast_in_dim3A_290 = vector.broadcast %broadcast_in_dim3A_289 : i1 to vector<16xi1>
      %masked_cumsum3A_291 = tpu.scan <sum>, %convert_element_type3A_288 masked %broadcast_in_dim3A_290 : vector<16xi32>, vector<16xi1> -> vector<16xi32>
      %add3A_292 = vector.broadcast %scan3A_262 : i32 to vector<16xi32>
      %add3A_293 = arith.addi %add3A_292, %masked_cumsum3A : vector<16xi32>
      %sub3A_294 = arith.constant 1 : i32
      %sub3A_295 = vector.broadcast %sub3A_294 : i32 to vector<16xi32>
      %sub3A_296 = arith.subi %add3A_293, %sub3A_295 : vector<16xi32>
      %jit3A_297 = arith.constant 24592 : i32
      %broadcast_in_dim3A_298 = vector.broadcast %jit3A_297 : i32 to vector<16xi32>
      %select_n3A_299 = arith.select %and3A_273, %sub3A_296, %broadcast_in_dim3A_298 : vector<16xi1>, vector<16xi32>
      tpu.vector_store_idx %arg8[%select_n3A_299], %add3A_281 : memref<24608xi32, #tpu.memory_space<vmem>>[vector<16xi32>], vector<16xi32>,
      %add3A_300 = vector.broadcast %scan3A_263 : i32 to vector<16xi32>
      %add3A_301 = arith.addi %add3A_300, %masked_cumsum3A_291 : vector<16xi32>
      %sub3A_302 = arith.constant 1 : i32
      %sub3A_303 = vector.broadcast %sub3A_302 : i32 to vector<16xi32>
      %sub3A_304 = arith.subi %add3A_301, %sub3A_303 : vector<16xi32>
      %jit3A_305 = arith.constant 24592 : i32
      %broadcast_in_dim3A_306 = vector.broadcast %jit3A_305 : i32 to vector<16xi32>
      %select_n3A_307 = arith.select %and3A_277, %sub3A_304, %broadcast_in_dim3A_306 : vector<16xi1>, vector<16xi32>
      tpu.vector_store_idx %arg9[%select_n3A_307], %add3A_285 : memref<24608xi32, #tpu.memory_space<vmem>>[vector<16xi32>], vector<16xi32>,
      %convert_element_type3A_308 = arith.extui %and3A_273 : vector<16xi1> to vector<16xi32>
      %reduce_sum3A = arith.constant true
      %reduce_sum3A_309 = vector.broadcast %reduce_sum3A : i1 to vector<16xi1>
      %reduce_sum3A_310 = tpu.scan <sum>, %convert_element_type3A_308 masked %reduce_sum3A_309 : vector<16xi32>, vector<16xi1> -> vector<16xi32>
      %reduce_sum3A_311 = vector.extract %reduce_sum3A_310[15] : i32 from vector<16xi32>
      %add3A_312 = arith.addi %scan3A_262, %reduce_sum3A_311 : i32
      %convert_element_type3A_313 = arith.extui %and3A_277 : vector<16xi1> to vector<16xi32>
      %reduce_sum3A_314 = arith.constant true
      %reduce_sum3A_315 = vector.broadcast %reduce_sum3A_314 : i1 to vector<16xi1>
      %reduce_sum3A_316 = tpu.scan <sum>, %convert_element_type3A_313 masked %reduce_sum3A_315 : vector<16xi32>, vector<16xi1> -> vector<16xi32>
      %reduce_sum3A_317 = vector.extract %reduce_sum3A_316[15] : i32 from vector<16xi32>
      %add3A_318 = arith.addi %scan3A_263, %reduce_sum3A_317 : i32
      scf.yield %add3A_312, %add3A_318 : i32, i32
    }
    %scan3A_94 = arith.constant 500 : i32
    "tpu.region"() ({
      %run_scoped3A = tpu.sem_alloc : memref<!tpu.dma_semaphore, #tpu.memory_space<semaphore_mem>>
      %dma_start3A = arith.constant 80000 : i32
      %dma_start3A_261 = tpu.memref_slice %arg2[%dma_start3A] : memref<160000xi32, #tpu.memory_space<hbm>> -> memref<8000xi32, #tpu.memory_space<hbm>>
      %dma_start3A_262 = arith.constant 80000 : i32
      %dma_start3A_263 = tpu.memref_slice %arg2[%dma_start3A_262] : memref<160000xi32, #tpu.memory_space<hbm>> -> memref<8000xi32, #tpu.memory_space<hbm>>
      tpu.enqueue_dma source(%dma_start3A_263 : memref<8000xi32, #tpu.memory_space<hbm>>) target(%arg6 : memref<8000xi32, #tpu.memory_space<vmem>>) target_semaphore(%run_scoped3A : memref<!tpu.dma_semaphore, #tpu.memory_space<semaphore_mem>>)
      %dma_wait3A = arith.constant 80000 : i32
      %dma_wait3A_264 = tpu.memref_slice %arg2[%dma_wait3A] : memref<160000xi32, #tpu.memory_space<hbm>> -> memref<8000xi32, #tpu.memory_space<hbm>>
      %dma_wait3A_265 = arith.constant 80000 : i32
      %dma_wait3A_266 = tpu.memref_slice %arg2[%dma_wait3A_265] : memref<160000xi32, #tpu.memory_space<hbm>> -> memref<8000xi32, #tpu.memory_space<hbm>>
      tpu.wait_dma2 semaphore(%run_scoped3A : memref<!tpu.dma_semaphore, #tpu.memory_space<semaphore_mem>>) src(%dma_wait3A_266 : memref<8000xi32, #tpu.memory_space<hbm>>) dst(%arg6 : memref<8000xi32, #tpu.memory_space<vmem>>)
      tpu.yield
    }) : () -> ()
    "tpu.region"() ({
      %run_scoped3A = tpu.sem_alloc : memref<!tpu.dma_semaphore, #tpu.memory_space<semaphore_mem>>
      %dma_start3A = arith.constant 80000 : i32
      %dma_start3A_261 = tpu.memref_slice %arg3[%dma_start3A] : memref<160000xi32, #tpu.memory_space<hbm>> -> memref<8000xi32, #tpu.memory_space<hbm>>
      %dma_start3A_262 = arith.constant 80000 : i32
      %dma_start3A_263 = tpu.memref_slice %arg3[%dma_start3A_262] : memref<160000xi32, #tpu.memory_space<hbm>> -> memref<8000xi32, #tpu.memory_space<hbm>>
      tpu.enqueue_dma source(%dma_start3A_263 : memref<8000xi32, #tpu.memory_space<hbm>>) target(%arg7 : memref<8000xi32, #tpu.memory_space<vmem>>) target_semaphore(%run_scoped3A : memref<!tpu.dma_semaphore, #tpu.memory_space<semaphore_mem>>)
      %dma_wait3A = arith.constant 80000 : i32
      %dma_wait3A_264 = tpu.memref_slice %arg3[%dma_wait3A] : memref<160000xi32, #tpu.memory_space<hbm>> -> memref<8000xi32, #tpu.memory_space<hbm>>
      %dma_wait3A_265 = arith.constant 80000 : i32
      %dma_wait3A_266 = tpu.memref_slice %arg3[%dma_wait3A_265] : memref<160000xi32, #tpu.memory_space<hbm>> -> memref<8000xi32, #tpu.memory_space<hbm>>
      tpu.wait_dma2 semaphore(%run_scoped3A : memref<!tpu.dma_semaphore, #tpu.memory_space<semaphore_mem>>) src(%dma_wait3A_266 : memref<8000xi32, #tpu.memory_space<hbm>>) dst(%arg7 : memref<8000xi32, #tpu.memory_space<vmem>>)
      tpu.yield
    }) : () -> ()
    %scan3A_95 = arith.constant 0 : i32
    %scan3A_96 = arith.constant 500 : i32
    %scan3A_97 = arith.addi %scan3A_95, %scan3A_96 : i32
    %scan3A_98 = arith.constant 1 : i32
    %scan3A_99:2 = scf.for %scan3A_261 = %scan3A_95 to %scan3A_97 step %scan3A_98 iter_args(%scan3A_262 = %scan3A_93#0, %scan3A_263 = %scan3A_93#1) -> (i32, i32)  : i32 {
      %mul3A_264 = arith.constant 16 : i32
      %mul3A_265 = arith.muli %scan3A_261, %mul3A_264 : i32
      %get3A = arith.index_cast %mul3A_265 : i32 to index
      %get3A_266 = tpu.vector_load %arg6[%get3A] {strides = array<i32>} : memref<8000xi32, #tpu.memory_space<vmem>>, vector<16xi32>,
      %mul3A_267 = arith.constant 16 : i32
      %mul3A_268 = arith.muli %scan3A_261, %mul3A_267 : i32
      %get3A_269 = arith.index_cast %mul3A_268 : i32 to index
      %get3A_270 = tpu.vector_load %arg7[%get3A_269] {strides = array<i32>} : memref<8000xi32, #tpu.memory_space<vmem>>, vector<16xi32>,
      %ne3A_271 = arith.cmpi ne, %get3A_266, %get3A_270 : vector<16xi32>
      %ge3A = arith.cmpi sge, %get3A_266, %mul3A_29 : vector<16xi32>
      %and3A_272 = arith.andi %ne3A_271, %ge3A : vector<16xi1>
      %lt3A = arith.cmpi slt, %get3A_266, %add3A_32 : vector<16xi32>
      %and3A_273 = arith.andi %and3A_272, %lt3A : vector<16xi1>
      %ge3A_274 = arith.cmpi sge, %get3A_270, %mul3A_29 : vector<16xi32>
      %and3A_275 = arith.andi %ne3A_271, %ge3A_274 : vector<16xi1>
      %lt3A_276 = arith.cmpi slt, %get3A_270, %add3A_32 : vector<16xi32>
      %and3A_277 = arith.andi %and3A_275, %lt3A_276 : vector<16xi1>
      %mul3A_278 = arith.constant 10240 : i32
      %mul3A_279 = vector.broadcast %mul3A_278 : i32 to vector<16xi32>
      %mul3A_280 = arith.muli %get3A_266, %mul3A_279 : vector<16xi32>
      %add3A_281 = arith.addi %mul3A_280, %get3A_270 : vector<16xi32>
      %mul3A_282 = arith.constant 10240 : i32
      %mul3A_283 = vector.broadcast %mul3A_282 : i32 to vector<16xi32>
      %mul3A_284 = arith.muli %get3A_270, %mul3A_283 : vector<16xi32>
      %add3A_285 = arith.addi %mul3A_284, %get3A_266 : vector<16xi32>
      %convert_element_type3A = arith.extui %and3A_273 : vector<16xi1> to vector<16xi32>
      %broadcast_in_dim3A_286 = arith.constant true
      %broadcast_in_dim3A_287 = vector.broadcast %broadcast_in_dim3A_286 : i1 to vector<16xi1>
      %masked_cumsum3A = tpu.scan <sum>, %convert_element_type3A masked %broadcast_in_dim3A_287 : vector<16xi32>, vector<16xi1> -> vector<16xi32>
      %convert_element_type3A_288 = arith.extui %and3A_277 : vector<16xi1> to vector<16xi32>
      %broadcast_in_dim3A_289 = arith.constant true
      %broadcast_in_dim3A_290 = vector.broadcast %broadcast_in_dim3A_289 : i1 to vector<16xi1>
      %masked_cumsum3A_291 = tpu.scan <sum>, %convert_element_type3A_288 masked %broadcast_in_dim3A_290 : vector<16xi32>, vector<16xi1> -> vector<16xi32>
      %add3A_292 = vector.broadcast %scan3A_262 : i32 to vector<16xi32>
      %add3A_293 = arith.addi %add3A_292, %masked_cumsum3A : vector<16xi32>
      %sub3A_294 = arith.constant 1 : i32
      %sub3A_295 = vector.broadcast %sub3A_294 : i32 to vector<16xi32>
      %sub3A_296 = arith.subi %add3A_293, %sub3A_295 : vector<16xi32>
      %jit3A_297 = arith.constant 24592 : i32
      %broadcast_in_dim3A_298 = vector.broadcast %jit3A_297 : i32 to vector<16xi32>
      %select_n3A_299 = arith.select %and3A_273, %sub3A_296, %broadcast_in_dim3A_298 : vector<16xi1>, vector<16xi32>
      tpu.vector_store_idx %arg8[%select_n3A_299], %add3A_281 : memref<24608xi32, #tpu.memory_space<vmem>>[vector<16xi32>], vector<16xi32>,
      %add3A_300 = vector.broadcast %scan3A_263 : i32 to vector<16xi32>
      %add3A_301 = arith.addi %add3A_300, %masked_cumsum3A_291 : vector<16xi32>
      %sub3A_302 = arith.constant 1 : i32
      %sub3A_303 = vector.broadcast %sub3A_302 : i32 to vector<16xi32>
      %sub3A_304 = arith.subi %add3A_301, %sub3A_303 : vector<16xi32>
      %jit3A_305 = arith.constant 24592 : i32
      %broadcast_in_dim3A_306 = vector.broadcast %jit3A_305 : i32 to vector<16xi32>
      %select_n3A_307 = arith.select %and3A_277, %sub3A_304, %broadcast_in_dim3A_306 : vector<16xi1>, vector<16xi32>
      tpu.vector_store_idx %arg9[%select_n3A_307], %add3A_285 : memref<24608xi32, #tpu.memory_space<vmem>>[vector<16xi32>], vector<16xi32>,
      %convert_element_type3A_308 = arith.extui %and3A_273 : vector<16xi1> to vector<16xi32>
      %reduce_sum3A = arith.constant true
      %reduce_sum3A_309 = vector.broadcast %reduce_sum3A : i1 to vector<16xi1>
      %reduce_sum3A_310 = tpu.scan <sum>, %convert_element_type3A_308 masked %reduce_sum3A_309 : vector<16xi32>, vector<16xi1> -> vector<16xi32>
      %reduce_sum3A_311 = vector.extract %reduce_sum3A_310[15] : i32 from vector<16xi32>
      %add3A_312 = arith.addi %scan3A_262, %reduce_sum3A_311 : i32
      %convert_element_type3A_313 = arith.extui %and3A_277 : vector<16xi1> to vector<16xi32>
      %reduce_sum3A_314 = arith.constant true
      %reduce_sum3A_315 = vector.broadcast %reduce_sum3A_314 : i1 to vector<16xi1>
      %reduce_sum3A_316 = tpu.scan <sum>, %convert_element_type3A_313 masked %reduce_sum3A_315 : vector<16xi32>, vector<16xi1> -> vector<16xi32>
      %reduce_sum3A_317 = vector.extract %reduce_sum3A_316[15] : i32 from vector<16xi32>
      %add3A_318 = arith.addi %scan3A_263, %reduce_sum3A_317 : i32
      scf.yield %add3A_312, %add3A_318 : i32, i32
    }
    %scan3A_100 = arith.constant 500 : i32
    "tpu.region"() ({
      %run_scoped3A = tpu.sem_alloc : memref<!tpu.dma_semaphore, #tpu.memory_space<semaphore_mem>>
      %dma_start3A = arith.constant 88000 : i32
      %dma_start3A_261 = tpu.memref_slice %arg2[%dma_start3A] : memref<160000xi32, #tpu.memory_space<hbm>> -> memref<8000xi32, #tpu.memory_space<hbm>>
      %dma_start3A_262 = arith.constant 88000 : i32
      %dma_start3A_263 = tpu.memref_slice %arg2[%dma_start3A_262] : memref<160000xi32, #tpu.memory_space<hbm>> -> memref<8000xi32, #tpu.memory_space<hbm>>
      tpu.enqueue_dma source(%dma_start3A_263 : memref<8000xi32, #tpu.memory_space<hbm>>) target(%arg6 : memref<8000xi32, #tpu.memory_space<vmem>>) target_semaphore(%run_scoped3A : memref<!tpu.dma_semaphore, #tpu.memory_space<semaphore_mem>>)
      %dma_wait3A = arith.constant 88000 : i32
      %dma_wait3A_264 = tpu.memref_slice %arg2[%dma_wait3A] : memref<160000xi32, #tpu.memory_space<hbm>> -> memref<8000xi32, #tpu.memory_space<hbm>>
      %dma_wait3A_265 = arith.constant 88000 : i32
      %dma_wait3A_266 = tpu.memref_slice %arg2[%dma_wait3A_265] : memref<160000xi32, #tpu.memory_space<hbm>> -> memref<8000xi32, #tpu.memory_space<hbm>>
      tpu.wait_dma2 semaphore(%run_scoped3A : memref<!tpu.dma_semaphore, #tpu.memory_space<semaphore_mem>>) src(%dma_wait3A_266 : memref<8000xi32, #tpu.memory_space<hbm>>) dst(%arg6 : memref<8000xi32, #tpu.memory_space<vmem>>)
      tpu.yield
    }) : () -> ()
    "tpu.region"() ({
      %run_scoped3A = tpu.sem_alloc : memref<!tpu.dma_semaphore, #tpu.memory_space<semaphore_mem>>
      %dma_start3A = arith.constant 88000 : i32
      %dma_start3A_261 = tpu.memref_slice %arg3[%dma_start3A] : memref<160000xi32, #tpu.memory_space<hbm>> -> memref<8000xi32, #tpu.memory_space<hbm>>
      %dma_start3A_262 = arith.constant 88000 : i32
      %dma_start3A_263 = tpu.memref_slice %arg3[%dma_start3A_262] : memref<160000xi32, #tpu.memory_space<hbm>> -> memref<8000xi32, #tpu.memory_space<hbm>>
      tpu.enqueue_dma source(%dma_start3A_263 : memref<8000xi32, #tpu.memory_space<hbm>>) target(%arg7 : memref<8000xi32, #tpu.memory_space<vmem>>) target_semaphore(%run_scoped3A : memref<!tpu.dma_semaphore, #tpu.memory_space<semaphore_mem>>)
      %dma_wait3A = arith.constant 88000 : i32
      %dma_wait3A_264 = tpu.memref_slice %arg3[%dma_wait3A] : memref<160000xi32, #tpu.memory_space<hbm>> -> memref<8000xi32, #tpu.memory_space<hbm>>
      %dma_wait3A_265 = arith.constant 88000 : i32
      %dma_wait3A_266 = tpu.memref_slice %arg3[%dma_wait3A_265] : memref<160000xi32, #tpu.memory_space<hbm>> -> memref<8000xi32, #tpu.memory_space<hbm>>
      tpu.wait_dma2 semaphore(%run_scoped3A : memref<!tpu.dma_semaphore, #tpu.memory_space<semaphore_mem>>) src(%dma_wait3A_266 : memref<8000xi32, #tpu.memory_space<hbm>>) dst(%arg7 : memref<8000xi32, #tpu.memory_space<vmem>>)
      tpu.yield
    }) : () -> ()
    %scan3A_101 = arith.constant 0 : i32
    %scan3A_102 = arith.constant 500 : i32
    %scan3A_103 = arith.addi %scan3A_101, %scan3A_102 : i32
    %scan3A_104 = arith.constant 1 : i32
    %scan3A_105:2 = scf.for %scan3A_261 = %scan3A_101 to %scan3A_103 step %scan3A_104 iter_args(%scan3A_262 = %scan3A_99#0, %scan3A_263 = %scan3A_99#1) -> (i32, i32)  : i32 {
      %mul3A_264 = arith.constant 16 : i32
      %mul3A_265 = arith.muli %scan3A_261, %mul3A_264 : i32
      %get3A = arith.index_cast %mul3A_265 : i32 to index
      %get3A_266 = tpu.vector_load %arg6[%get3A] {strides = array<i32>} : memref<8000xi32, #tpu.memory_space<vmem>>, vector<16xi32>,
      %mul3A_267 = arith.constant 16 : i32
      %mul3A_268 = arith.muli %scan3A_261, %mul3A_267 : i32
      %get3A_269 = arith.index_cast %mul3A_268 : i32 to index
      %get3A_270 = tpu.vector_load %arg7[%get3A_269] {strides = array<i32>} : memref<8000xi32, #tpu.memory_space<vmem>>, vector<16xi32>,
      %ne3A_271 = arith.cmpi ne, %get3A_266, %get3A_270 : vector<16xi32>
      %ge3A = arith.cmpi sge, %get3A_266, %mul3A_29 : vector<16xi32>
      %and3A_272 = arith.andi %ne3A_271, %ge3A : vector<16xi1>
      %lt3A = arith.cmpi slt, %get3A_266, %add3A_32 : vector<16xi32>
      %and3A_273 = arith.andi %and3A_272, %lt3A : vector<16xi1>
      %ge3A_274 = arith.cmpi sge, %get3A_270, %mul3A_29 : vector<16xi32>
      %and3A_275 = arith.andi %ne3A_271, %ge3A_274 : vector<16xi1>
      %lt3A_276 = arith.cmpi slt, %get3A_270, %add3A_32 : vector<16xi32>
      %and3A_277 = arith.andi %and3A_275, %lt3A_276 : vector<16xi1>
      %mul3A_278 = arith.constant 10240 : i32
      %mul3A_279 = vector.broadcast %mul3A_278 : i32 to vector<16xi32>
      %mul3A_280 = arith.muli %get3A_266, %mul3A_279 : vector<16xi32>
      %add3A_281 = arith.addi %mul3A_280, %get3A_270 : vector<16xi32>
      %mul3A_282 = arith.constant 10240 : i32
      %mul3A_283 = vector.broadcast %mul3A_282 : i32 to vector<16xi32>
      %mul3A_284 = arith.muli %get3A_270, %mul3A_283 : vector<16xi32>
      %add3A_285 = arith.addi %mul3A_284, %get3A_266 : vector<16xi32>
      %convert_element_type3A = arith.extui %and3A_273 : vector<16xi1> to vector<16xi32>
      %broadcast_in_dim3A_286 = arith.constant true
      %broadcast_in_dim3A_287 = vector.broadcast %broadcast_in_dim3A_286 : i1 to vector<16xi1>
      %masked_cumsum3A = tpu.scan <sum>, %convert_element_type3A masked %broadcast_in_dim3A_287 : vector<16xi32>, vector<16xi1> -> vector<16xi32>
      %convert_element_type3A_288 = arith.extui %and3A_277 : vector<16xi1> to vector<16xi32>
      %broadcast_in_dim3A_289 = arith.constant true
      %broadcast_in_dim3A_290 = vector.broadcast %broadcast_in_dim3A_289 : i1 to vector<16xi1>
      %masked_cumsum3A_291 = tpu.scan <sum>, %convert_element_type3A_288 masked %broadcast_in_dim3A_290 : vector<16xi32>, vector<16xi1> -> vector<16xi32>
      %add3A_292 = vector.broadcast %scan3A_262 : i32 to vector<16xi32>
      %add3A_293 = arith.addi %add3A_292, %masked_cumsum3A : vector<16xi32>
      %sub3A_294 = arith.constant 1 : i32
      %sub3A_295 = vector.broadcast %sub3A_294 : i32 to vector<16xi32>
      %sub3A_296 = arith.subi %add3A_293, %sub3A_295 : vector<16xi32>
      %jit3A_297 = arith.constant 24592 : i32
      %broadcast_in_dim3A_298 = vector.broadcast %jit3A_297 : i32 to vector<16xi32>
      %select_n3A_299 = arith.select %and3A_273, %sub3A_296, %broadcast_in_dim3A_298 : vector<16xi1>, vector<16xi32>
      tpu.vector_store_idx %arg8[%select_n3A_299], %add3A_281 : memref<24608xi32, #tpu.memory_space<vmem>>[vector<16xi32>], vector<16xi32>,
      %add3A_300 = vector.broadcast %scan3A_263 : i32 to vector<16xi32>
      %add3A_301 = arith.addi %add3A_300, %masked_cumsum3A_291 : vector<16xi32>
      %sub3A_302 = arith.constant 1 : i32
      %sub3A_303 = vector.broadcast %sub3A_302 : i32 to vector<16xi32>
      %sub3A_304 = arith.subi %add3A_301, %sub3A_303 : vector<16xi32>
      %jit3A_305 = arith.constant 24592 : i32
      %broadcast_in_dim3A_306 = vector.broadcast %jit3A_305 : i32 to vector<16xi32>
      %select_n3A_307 = arith.select %and3A_277, %sub3A_304, %broadcast_in_dim3A_306 : vector<16xi1>, vector<16xi32>
      tpu.vector_store_idx %arg9[%select_n3A_307], %add3A_285 : memref<24608xi32, #tpu.memory_space<vmem>>[vector<16xi32>], vector<16xi32>,
      %convert_element_type3A_308 = arith.extui %and3A_273 : vector<16xi1> to vector<16xi32>
      %reduce_sum3A = arith.constant true
      %reduce_sum3A_309 = vector.broadcast %reduce_sum3A : i1 to vector<16xi1>
      %reduce_sum3A_310 = tpu.scan <sum>, %convert_element_type3A_308 masked %reduce_sum3A_309 : vector<16xi32>, vector<16xi1> -> vector<16xi32>
      %reduce_sum3A_311 = vector.extract %reduce_sum3A_310[15] : i32 from vector<16xi32>
      %add3A_312 = arith.addi %scan3A_262, %reduce_sum3A_311 : i32
      %convert_element_type3A_313 = arith.extui %and3A_277 : vector<16xi1> to vector<16xi32>
      %reduce_sum3A_314 = arith.constant true
      %reduce_sum3A_315 = vector.broadcast %reduce_sum3A_314 : i1 to vector<16xi1>
      %reduce_sum3A_316 = tpu.scan <sum>, %convert_element_type3A_313 masked %reduce_sum3A_315 : vector<16xi32>, vector<16xi1> -> vector<16xi32>
      %reduce_sum3A_317 = vector.extract %reduce_sum3A_316[15] : i32 from vector<16xi32>
      %add3A_318 = arith.addi %scan3A_263, %reduce_sum3A_317 : i32
      scf.yield %add3A_312, %add3A_318 : i32, i32
    }
    %scan3A_106 = arith.constant 500 : i32
    "tpu.region"() ({
      %run_scoped3A = tpu.sem_alloc : memref<!tpu.dma_semaphore, #tpu.memory_space<semaphore_mem>>
      %dma_start3A = arith.constant 96000 : i32
      %dma_start3A_261 = tpu.memref_slice %arg2[%dma_start3A] : memref<160000xi32, #tpu.memory_space<hbm>> -> memref<8000xi32, #tpu.memory_space<hbm>>
      %dma_start3A_262 = arith.constant 96000 : i32
      %dma_start3A_263 = tpu.memref_slice %arg2[%dma_start3A_262] : memref<160000xi32, #tpu.memory_space<hbm>> -> memref<8000xi32, #tpu.memory_space<hbm>>
      tpu.enqueue_dma source(%dma_start3A_263 : memref<8000xi32, #tpu.memory_space<hbm>>) target(%arg6 : memref<8000xi32, #tpu.memory_space<vmem>>) target_semaphore(%run_scoped3A : memref<!tpu.dma_semaphore, #tpu.memory_space<semaphore_mem>>)
      %dma_wait3A = arith.constant 96000 : i32
      %dma_wait3A_264 = tpu.memref_slice %arg2[%dma_wait3A] : memref<160000xi32, #tpu.memory_space<hbm>> -> memref<8000xi32, #tpu.memory_space<hbm>>
      %dma_wait3A_265 = arith.constant 96000 : i32
      %dma_wait3A_266 = tpu.memref_slice %arg2[%dma_wait3A_265] : memref<160000xi32, #tpu.memory_space<hbm>> -> memref<8000xi32, #tpu.memory_space<hbm>>
      tpu.wait_dma2 semaphore(%run_scoped3A : memref<!tpu.dma_semaphore, #tpu.memory_space<semaphore_mem>>) src(%dma_wait3A_266 : memref<8000xi32, #tpu.memory_space<hbm>>) dst(%arg6 : memref<8000xi32, #tpu.memory_space<vmem>>)
      tpu.yield
    }) : () -> ()
    "tpu.region"() ({
      %run_scoped3A = tpu.sem_alloc : memref<!tpu.dma_semaphore, #tpu.memory_space<semaphore_mem>>
      %dma_start3A = arith.constant 96000 : i32
      %dma_start3A_261 = tpu.memref_slice %arg3[%dma_start3A] : memref<160000xi32, #tpu.memory_space<hbm>> -> memref<8000xi32, #tpu.memory_space<hbm>>
      %dma_start3A_262 = arith.constant 96000 : i32
      %dma_start3A_263 = tpu.memref_slice %arg3[%dma_start3A_262] : memref<160000xi32, #tpu.memory_space<hbm>> -> memref<8000xi32, #tpu.memory_space<hbm>>
      tpu.enqueue_dma source(%dma_start3A_263 : memref<8000xi32, #tpu.memory_space<hbm>>) target(%arg7 : memref<8000xi32, #tpu.memory_space<vmem>>) target_semaphore(%run_scoped3A : memref<!tpu.dma_semaphore, #tpu.memory_space<semaphore_mem>>)
      %dma_wait3A = arith.constant 96000 : i32
      %dma_wait3A_264 = tpu.memref_slice %arg3[%dma_wait3A] : memref<160000xi32, #tpu.memory_space<hbm>> -> memref<8000xi32, #tpu.memory_space<hbm>>
      %dma_wait3A_265 = arith.constant 96000 : i32
      %dma_wait3A_266 = tpu.memref_slice %arg3[%dma_wait3A_265] : memref<160000xi32, #tpu.memory_space<hbm>> -> memref<8000xi32, #tpu.memory_space<hbm>>
      tpu.wait_dma2 semaphore(%run_scoped3A : memref<!tpu.dma_semaphore, #tpu.memory_space<semaphore_mem>>) src(%dma_wait3A_266 : memref<8000xi32, #tpu.memory_space<hbm>>) dst(%arg7 : memref<8000xi32, #tpu.memory_space<vmem>>)
      tpu.yield
    }) : () -> ()
    %scan3A_107 = arith.constant 0 : i32
    %scan3A_108 = arith.constant 500 : i32
    %scan3A_109 = arith.addi %scan3A_107, %scan3A_108 : i32
    %scan3A_110 = arith.constant 1 : i32
    %scan3A_111:2 = scf.for %scan3A_261 = %scan3A_107 to %scan3A_109 step %scan3A_110 iter_args(%scan3A_262 = %scan3A_105#0, %scan3A_263 = %scan3A_105#1) -> (i32, i32)  : i32 {
      %mul3A_264 = arith.constant 16 : i32
      %mul3A_265 = arith.muli %scan3A_261, %mul3A_264 : i32
      %get3A = arith.index_cast %mul3A_265 : i32 to index
      %get3A_266 = tpu.vector_load %arg6[%get3A] {strides = array<i32>} : memref<8000xi32, #tpu.memory_space<vmem>>, vector<16xi32>,
      %mul3A_267 = arith.constant 16 : i32
      %mul3A_268 = arith.muli %scan3A_261, %mul3A_267 : i32
      %get3A_269 = arith.index_cast %mul3A_268 : i32 to index
      %get3A_270 = tpu.vector_load %arg7[%get3A_269] {strides = array<i32>} : memref<8000xi32, #tpu.memory_space<vmem>>, vector<16xi32>,
      %ne3A_271 = arith.cmpi ne, %get3A_266, %get3A_270 : vector<16xi32>
      %ge3A = arith.cmpi sge, %get3A_266, %mul3A_29 : vector<16xi32>
      %and3A_272 = arith.andi %ne3A_271, %ge3A : vector<16xi1>
      %lt3A = arith.cmpi slt, %get3A_266, %add3A_32 : vector<16xi32>
      %and3A_273 = arith.andi %and3A_272, %lt3A : vector<16xi1>
      %ge3A_274 = arith.cmpi sge, %get3A_270, %mul3A_29 : vector<16xi32>
      %and3A_275 = arith.andi %ne3A_271, %ge3A_274 : vector<16xi1>
      %lt3A_276 = arith.cmpi slt, %get3A_270, %add3A_32 : vector<16xi32>
      %and3A_277 = arith.andi %and3A_275, %lt3A_276 : vector<16xi1>
      %mul3A_278 = arith.constant 10240 : i32
      %mul3A_279 = vector.broadcast %mul3A_278 : i32 to vector<16xi32>
      %mul3A_280 = arith.muli %get3A_266, %mul3A_279 : vector<16xi32>
      %add3A_281 = arith.addi %mul3A_280, %get3A_270 : vector<16xi32>
      %mul3A_282 = arith.constant 10240 : i32
      %mul3A_283 = vector.broadcast %mul3A_282 : i32 to vector<16xi32>
      %mul3A_284 = arith.muli %get3A_270, %mul3A_283 : vector<16xi32>
      %add3A_285 = arith.addi %mul3A_284, %get3A_266 : vector<16xi32>
      %convert_element_type3A = arith.extui %and3A_273 : vector<16xi1> to vector<16xi32>
      %broadcast_in_dim3A_286 = arith.constant true
      %broadcast_in_dim3A_287 = vector.broadcast %broadcast_in_dim3A_286 : i1 to vector<16xi1>
      %masked_cumsum3A = tpu.scan <sum>, %convert_element_type3A masked %broadcast_in_dim3A_287 : vector<16xi32>, vector<16xi1> -> vector<16xi32>
      %convert_element_type3A_288 = arith.extui %and3A_277 : vector<16xi1> to vector<16xi32>
      %broadcast_in_dim3A_289 = arith.constant true
      %broadcast_in_dim3A_290 = vector.broadcast %broadcast_in_dim3A_289 : i1 to vector<16xi1>
      %masked_cumsum3A_291 = tpu.scan <sum>, %convert_element_type3A_288 masked %broadcast_in_dim3A_290 : vector<16xi32>, vector<16xi1> -> vector<16xi32>
      %add3A_292 = vector.broadcast %scan3A_262 : i32 to vector<16xi32>
      %add3A_293 = arith.addi %add3A_292, %masked_cumsum3A : vector<16xi32>
      %sub3A_294 = arith.constant 1 : i32
      %sub3A_295 = vector.broadcast %sub3A_294 : i32 to vector<16xi32>
      %sub3A_296 = arith.subi %add3A_293, %sub3A_295 : vector<16xi32>
      %jit3A_297 = arith.constant 24592 : i32
      %broadcast_in_dim3A_298 = vector.broadcast %jit3A_297 : i32 to vector<16xi32>
      %select_n3A_299 = arith.select %and3A_273, %sub3A_296, %broadcast_in_dim3A_298 : vector<16xi1>, vector<16xi32>
      tpu.vector_store_idx %arg8[%select_n3A_299], %add3A_281 : memref<24608xi32, #tpu.memory_space<vmem>>[vector<16xi32>], vector<16xi32>,
      %add3A_300 = vector.broadcast %scan3A_263 : i32 to vector<16xi32>
      %add3A_301 = arith.addi %add3A_300, %masked_cumsum3A_291 : vector<16xi32>
      %sub3A_302 = arith.constant 1 : i32
      %sub3A_303 = vector.broadcast %sub3A_302 : i32 to vector<16xi32>
      %sub3A_304 = arith.subi %add3A_301, %sub3A_303 : vector<16xi32>
      %jit3A_305 = arith.constant 24592 : i32
      %broadcast_in_dim3A_306 = vector.broadcast %jit3A_305 : i32 to vector<16xi32>
      %select_n3A_307 = arith.select %and3A_277, %sub3A_304, %broadcast_in_dim3A_306 : vector<16xi1>, vector<16xi32>
      tpu.vector_store_idx %arg9[%select_n3A_307], %add3A_285 : memref<24608xi32, #tpu.memory_space<vmem>>[vector<16xi32>], vector<16xi32>,
      %convert_element_type3A_308 = arith.extui %and3A_273 : vector<16xi1> to vector<16xi32>
      %reduce_sum3A = arith.constant true
      %reduce_sum3A_309 = vector.broadcast %reduce_sum3A : i1 to vector<16xi1>
      %reduce_sum3A_310 = tpu.scan <sum>, %convert_element_type3A_308 masked %reduce_sum3A_309 : vector<16xi32>, vector<16xi1> -> vector<16xi32>
      %reduce_sum3A_311 = vector.extract %reduce_sum3A_310[15] : i32 from vector<16xi32>
      %add3A_312 = arith.addi %scan3A_262, %reduce_sum3A_311 : i32
      %convert_element_type3A_313 = arith.extui %and3A_277 : vector<16xi1> to vector<16xi32>
      %reduce_sum3A_314 = arith.constant true
      %reduce_sum3A_315 = vector.broadcast %reduce_sum3A_314 : i1 to vector<16xi1>
      %reduce_sum3A_316 = tpu.scan <sum>, %convert_element_type3A_313 masked %reduce_sum3A_315 : vector<16xi32>, vector<16xi1> -> vector<16xi32>
      %reduce_sum3A_317 = vector.extract %reduce_sum3A_316[15] : i32 from vector<16xi32>
      %add3A_318 = arith.addi %scan3A_263, %reduce_sum3A_317 : i32
      scf.yield %add3A_312, %add3A_318 : i32, i32
    }
    %scan3A_112 = arith.constant 500 : i32
    "tpu.region"() ({
      %run_scoped3A = tpu.sem_alloc : memref<!tpu.dma_semaphore, #tpu.memory_space<semaphore_mem>>
      %dma_start3A = arith.constant 104000 : i32
      %dma_start3A_261 = tpu.memref_slice %arg2[%dma_start3A] : memref<160000xi32, #tpu.memory_space<hbm>> -> memref<8000xi32, #tpu.memory_space<hbm>>
      %dma_start3A_262 = arith.constant 104000 : i32
      %dma_start3A_263 = tpu.memref_slice %arg2[%dma_start3A_262] : memref<160000xi32, #tpu.memory_space<hbm>> -> memref<8000xi32, #tpu.memory_space<hbm>>
      tpu.enqueue_dma source(%dma_start3A_263 : memref<8000xi32, #tpu.memory_space<hbm>>) target(%arg6 : memref<8000xi32, #tpu.memory_space<vmem>>) target_semaphore(%run_scoped3A : memref<!tpu.dma_semaphore, #tpu.memory_space<semaphore_mem>>)
      %dma_wait3A = arith.constant 104000 : i32
      %dma_wait3A_264 = tpu.memref_slice %arg2[%dma_wait3A] : memref<160000xi32, #tpu.memory_space<hbm>> -> memref<8000xi32, #tpu.memory_space<hbm>>
      %dma_wait3A_265 = arith.constant 104000 : i32
      %dma_wait3A_266 = tpu.memref_slice %arg2[%dma_wait3A_265] : memref<160000xi32, #tpu.memory_space<hbm>> -> memref<8000xi32, #tpu.memory_space<hbm>>
      tpu.wait_dma2 semaphore(%run_scoped3A : memref<!tpu.dma_semaphore, #tpu.memory_space<semaphore_mem>>) src(%dma_wait3A_266 : memref<8000xi32, #tpu.memory_space<hbm>>) dst(%arg6 : memref<8000xi32, #tpu.memory_space<vmem>>)
      tpu.yield
    }) : () -> ()
    "tpu.region"() ({
      %run_scoped3A = tpu.sem_alloc : memref<!tpu.dma_semaphore, #tpu.memory_space<semaphore_mem>>
      %dma_start3A = arith.constant 104000 : i32
      %dma_start3A_261 = tpu.memref_slice %arg3[%dma_start3A] : memref<160000xi32, #tpu.memory_space<hbm>> -> memref<8000xi32, #tpu.memory_space<hbm>>
      %dma_start3A_262 = arith.constant 104000 : i32
      %dma_start3A_263 = tpu.memref_slice %arg3[%dma_start3A_262] : memref<160000xi32, #tpu.memory_space<hbm>> -> memref<8000xi32, #tpu.memory_space<hbm>>
      tpu.enqueue_dma source(%dma_start3A_263 : memref<8000xi32, #tpu.memory_space<hbm>>) target(%arg7 : memref<8000xi32, #tpu.memory_space<vmem>>) target_semaphore(%run_scoped3A : memref<!tpu.dma_semaphore, #tpu.memory_space<semaphore_mem>>)
      %dma_wait3A = arith.constant 104000 : i32
      %dma_wait3A_264 = tpu.memref_slice %arg3[%dma_wait3A] : memref<160000xi32, #tpu.memory_space<hbm>> -> memref<8000xi32, #tpu.memory_space<hbm>>
      %dma_wait3A_265 = arith.constant 104000 : i32
      %dma_wait3A_266 = tpu.memref_slice %arg3[%dma_wait3A_265] : memref<160000xi32, #tpu.memory_space<hbm>> -> memref<8000xi32, #tpu.memory_space<hbm>>
      tpu.wait_dma2 semaphore(%run_scoped3A : memref<!tpu.dma_semaphore, #tpu.memory_space<semaphore_mem>>) src(%dma_wait3A_266 : memref<8000xi32, #tpu.memory_space<hbm>>) dst(%arg7 : memref<8000xi32, #tpu.memory_space<vmem>>)
      tpu.yield
    }) : () -> ()
    %scan3A_113 = arith.constant 0 : i32
    %scan3A_114 = arith.constant 500 : i32
    %scan3A_115 = arith.addi %scan3A_113, %scan3A_114 : i32
    %scan3A_116 = arith.constant 1 : i32
    %scan3A_117:2 = scf.for %scan3A_261 = %scan3A_113 to %scan3A_115 step %scan3A_116 iter_args(%scan3A_262 = %scan3A_111#0, %scan3A_263 = %scan3A_111#1) -> (i32, i32)  : i32 {
      %mul3A_264 = arith.constant 16 : i32
      %mul3A_265 = arith.muli %scan3A_261, %mul3A_264 : i32
      %get3A = arith.index_cast %mul3A_265 : i32 to index
      %get3A_266 = tpu.vector_load %arg6[%get3A] {strides = array<i32>} : memref<8000xi32, #tpu.memory_space<vmem>>, vector<16xi32>,
      %mul3A_267 = arith.constant 16 : i32
      %mul3A_268 = arith.muli %scan3A_261, %mul3A_267 : i32
      %get3A_269 = arith.index_cast %mul3A_268 : i32 to index
      %get3A_270 = tpu.vector_load %arg7[%get3A_269] {strides = array<i32>} : memref<8000xi32, #tpu.memory_space<vmem>>, vector<16xi32>,
      %ne3A_271 = arith.cmpi ne, %get3A_266, %get3A_270 : vector<16xi32>
      %ge3A = arith.cmpi sge, %get3A_266, %mul3A_29 : vector<16xi32>
      %and3A_272 = arith.andi %ne3A_271, %ge3A : vector<16xi1>
      %lt3A = arith.cmpi slt, %get3A_266, %add3A_32 : vector<16xi32>
      %and3A_273 = arith.andi %and3A_272, %lt3A : vector<16xi1>
      %ge3A_274 = arith.cmpi sge, %get3A_270, %mul3A_29 : vector<16xi32>
      %and3A_275 = arith.andi %ne3A_271, %ge3A_274 : vector<16xi1>
      %lt3A_276 = arith.cmpi slt, %get3A_270, %add3A_32 : vector<16xi32>
      %and3A_277 = arith.andi %and3A_275, %lt3A_276 : vector<16xi1>
      %mul3A_278 = arith.constant 10240 : i32
      %mul3A_279 = vector.broadcast %mul3A_278 : i32 to vector<16xi32>
      %mul3A_280 = arith.muli %get3A_266, %mul3A_279 : vector<16xi32>
      %add3A_281 = arith.addi %mul3A_280, %get3A_270 : vector<16xi32>
      %mul3A_282 = arith.constant 10240 : i32
      %mul3A_283 = vector.broadcast %mul3A_282 : i32 to vector<16xi32>
      %mul3A_284 = arith.muli %get3A_270, %mul3A_283 : vector<16xi32>
      %add3A_285 = arith.addi %mul3A_284, %get3A_266 : vector<16xi32>
      %convert_element_type3A = arith.extui %and3A_273 : vector<16xi1> to vector<16xi32>
      %broadcast_in_dim3A_286 = arith.constant true
      %broadcast_in_dim3A_287 = vector.broadcast %broadcast_in_dim3A_286 : i1 to vector<16xi1>
      %masked_cumsum3A = tpu.scan <sum>, %convert_element_type3A masked %broadcast_in_dim3A_287 : vector<16xi32>, vector<16xi1> -> vector<16xi32>
      %convert_element_type3A_288 = arith.extui %and3A_277 : vector<16xi1> to vector<16xi32>
      %broadcast_in_dim3A_289 = arith.constant true
      %broadcast_in_dim3A_290 = vector.broadcast %broadcast_in_dim3A_289 : i1 to vector<16xi1>
      %masked_cumsum3A_291 = tpu.scan <sum>, %convert_element_type3A_288 masked %broadcast_in_dim3A_290 : vector<16xi32>, vector<16xi1> -> vector<16xi32>
      %add3A_292 = vector.broadcast %scan3A_262 : i32 to vector<16xi32>
      %add3A_293 = arith.addi %add3A_292, %masked_cumsum3A : vector<16xi32>
      %sub3A_294 = arith.constant 1 : i32
      %sub3A_295 = vector.broadcast %sub3A_294 : i32 to vector<16xi32>
      %sub3A_296 = arith.subi %add3A_293, %sub3A_295 : vector<16xi32>
      %jit3A_297 = arith.constant 24592 : i32
      %broadcast_in_dim3A_298 = vector.broadcast %jit3A_297 : i32 to vector<16xi32>
      %select_n3A_299 = arith.select %and3A_273, %sub3A_296, %broadcast_in_dim3A_298 : vector<16xi1>, vector<16xi32>
      tpu.vector_store_idx %arg8[%select_n3A_299], %add3A_281 : memref<24608xi32, #tpu.memory_space<vmem>>[vector<16xi32>], vector<16xi32>,
      %add3A_300 = vector.broadcast %scan3A_263 : i32 to vector<16xi32>
      %add3A_301 = arith.addi %add3A_300, %masked_cumsum3A_291 : vector<16xi32>
      %sub3A_302 = arith.constant 1 : i32
      %sub3A_303 = vector.broadcast %sub3A_302 : i32 to vector<16xi32>
      %sub3A_304 = arith.subi %add3A_301, %sub3A_303 : vector<16xi32>
      %jit3A_305 = arith.constant 24592 : i32
      %broadcast_in_dim3A_306 = vector.broadcast %jit3A_305 : i32 to vector<16xi32>
      %select_n3A_307 = arith.select %and3A_277, %sub3A_304, %broadcast_in_dim3A_306 : vector<16xi1>, vector<16xi32>
      tpu.vector_store_idx %arg9[%select_n3A_307], %add3A_285 : memref<24608xi32, #tpu.memory_space<vmem>>[vector<16xi32>], vector<16xi32>,
      %convert_element_type3A_308 = arith.extui %and3A_273 : vector<16xi1> to vector<16xi32>
      %reduce_sum3A = arith.constant true
      %reduce_sum3A_309 = vector.broadcast %reduce_sum3A : i1 to vector<16xi1>
      %reduce_sum3A_310 = tpu.scan <sum>, %convert_element_type3A_308 masked %reduce_sum3A_309 : vector<16xi32>, vector<16xi1> -> vector<16xi32>
      %reduce_sum3A_311 = vector.extract %reduce_sum3A_310[15] : i32 from vector<16xi32>
      %add3A_312 = arith.addi %scan3A_262, %reduce_sum3A_311 : i32
      %convert_element_type3A_313 = arith.extui %and3A_277 : vector<16xi1> to vector<16xi32>
      %reduce_sum3A_314 = arith.constant true
      %reduce_sum3A_315 = vector.broadcast %reduce_sum3A_314 : i1 to vector<16xi1>
      %reduce_sum3A_316 = tpu.scan <sum>, %convert_element_type3A_313 masked %reduce_sum3A_315 : vector<16xi32>, vector<16xi1> -> vector<16xi32>
      %reduce_sum3A_317 = vector.extract %reduce_sum3A_316[15] : i32 from vector<16xi32>
      %add3A_318 = arith.addi %scan3A_263, %reduce_sum3A_317 : i32
      scf.yield %add3A_312, %add3A_318 : i32, i32
    }
    %scan3A_118 = arith.constant 500 : i32
    "tpu.region"() ({
      %run_scoped3A = tpu.sem_alloc : memref<!tpu.dma_semaphore, #tpu.memory_space<semaphore_mem>>
      %dma_start3A = arith.constant 112000 : i32
      %dma_start3A_261 = tpu.memref_slice %arg2[%dma_start3A] : memref<160000xi32, #tpu.memory_space<hbm>> -> memref<8000xi32, #tpu.memory_space<hbm>>
      %dma_start3A_262 = arith.constant 112000 : i32
      %dma_start3A_263 = tpu.memref_slice %arg2[%dma_start3A_262] : memref<160000xi32, #tpu.memory_space<hbm>> -> memref<8000xi32, #tpu.memory_space<hbm>>
      tpu.enqueue_dma source(%dma_start3A_263 : memref<8000xi32, #tpu.memory_space<hbm>>) target(%arg6 : memref<8000xi32, #tpu.memory_space<vmem>>) target_semaphore(%run_scoped3A : memref<!tpu.dma_semaphore, #tpu.memory_space<semaphore_mem>>)
      %dma_wait3A = arith.constant 112000 : i32
      %dma_wait3A_264 = tpu.memref_slice %arg2[%dma_wait3A] : memref<160000xi32, #tpu.memory_space<hbm>> -> memref<8000xi32, #tpu.memory_space<hbm>>
      %dma_wait3A_265 = arith.constant 112000 : i32
      %dma_wait3A_266 = tpu.memref_slice %arg2[%dma_wait3A_265] : memref<160000xi32, #tpu.memory_space<hbm>> -> memref<8000xi32, #tpu.memory_space<hbm>>
      tpu.wait_dma2 semaphore(%run_scoped3A : memref<!tpu.dma_semaphore, #tpu.memory_space<semaphore_mem>>) src(%dma_wait3A_266 : memref<8000xi32, #tpu.memory_space<hbm>>) dst(%arg6 : memref<8000xi32, #tpu.memory_space<vmem>>)
      tpu.yield
    }) : () -> ()
    "tpu.region"() ({
      %run_scoped3A = tpu.sem_alloc : memref<!tpu.dma_semaphore, #tpu.memory_space<semaphore_mem>>
      %dma_start3A = arith.constant 112000 : i32
      %dma_start3A_261 = tpu.memref_slice %arg3[%dma_start3A] : memref<160000xi32, #tpu.memory_space<hbm>> -> memref<8000xi32, #tpu.memory_space<hbm>>
      %dma_start3A_262 = arith.constant 112000 : i32
      %dma_start3A_263 = tpu.memref_slice %arg3[%dma_start3A_262] : memref<160000xi32, #tpu.memory_space<hbm>> -> memref<8000xi32, #tpu.memory_space<hbm>>
      tpu.enqueue_dma source(%dma_start3A_263 : memref<8000xi32, #tpu.memory_space<hbm>>) target(%arg7 : memref<8000xi32, #tpu.memory_space<vmem>>) target_semaphore(%run_scoped3A : memref<!tpu.dma_semaphore, #tpu.memory_space<semaphore_mem>>)
      %dma_wait3A = arith.constant 112000 : i32
      %dma_wait3A_264 = tpu.memref_slice %arg3[%dma_wait3A] : memref<160000xi32, #tpu.memory_space<hbm>> -> memref<8000xi32, #tpu.memory_space<hbm>>
      %dma_wait3A_265 = arith.constant 112000 : i32
      %dma_wait3A_266 = tpu.memref_slice %arg3[%dma_wait3A_265] : memref<160000xi32, #tpu.memory_space<hbm>> -> memref<8000xi32, #tpu.memory_space<hbm>>
      tpu.wait_dma2 semaphore(%run_scoped3A : memref<!tpu.dma_semaphore, #tpu.memory_space<semaphore_mem>>) src(%dma_wait3A_266 : memref<8000xi32, #tpu.memory_space<hbm>>) dst(%arg7 : memref<8000xi32, #tpu.memory_space<vmem>>)
      tpu.yield
    }) : () -> ()
    %scan3A_119 = arith.constant 0 : i32
    %scan3A_120 = arith.constant 500 : i32
    %scan3A_121 = arith.addi %scan3A_119, %scan3A_120 : i32
    %scan3A_122 = arith.constant 1 : i32
    %scan3A_123:2 = scf.for %scan3A_261 = %scan3A_119 to %scan3A_121 step %scan3A_122 iter_args(%scan3A_262 = %scan3A_117#0, %scan3A_263 = %scan3A_117#1) -> (i32, i32)  : i32 {
      %mul3A_264 = arith.constant 16 : i32
      %mul3A_265 = arith.muli %scan3A_261, %mul3A_264 : i32
      %get3A = arith.index_cast %mul3A_265 : i32 to index
      %get3A_266 = tpu.vector_load %arg6[%get3A] {strides = array<i32>} : memref<8000xi32, #tpu.memory_space<vmem>>, vector<16xi32>,
      %mul3A_267 = arith.constant 16 : i32
      %mul3A_268 = arith.muli %scan3A_261, %mul3A_267 : i32
      %get3A_269 = arith.index_cast %mul3A_268 : i32 to index
      %get3A_270 = tpu.vector_load %arg7[%get3A_269] {strides = array<i32>} : memref<8000xi32, #tpu.memory_space<vmem>>, vector<16xi32>,
      %ne3A_271 = arith.cmpi ne, %get3A_266, %get3A_270 : vector<16xi32>
      %ge3A = arith.cmpi sge, %get3A_266, %mul3A_29 : vector<16xi32>
      %and3A_272 = arith.andi %ne3A_271, %ge3A : vector<16xi1>
      %lt3A = arith.cmpi slt, %get3A_266, %add3A_32 : vector<16xi32>
      %and3A_273 = arith.andi %and3A_272, %lt3A : vector<16xi1>
      %ge3A_274 = arith.cmpi sge, %get3A_270, %mul3A_29 : vector<16xi32>
      %and3A_275 = arith.andi %ne3A_271, %ge3A_274 : vector<16xi1>
      %lt3A_276 = arith.cmpi slt, %get3A_270, %add3A_32 : vector<16xi32>
      %and3A_277 = arith.andi %and3A_275, %lt3A_276 : vector<16xi1>
      %mul3A_278 = arith.constant 10240 : i32
      %mul3A_279 = vector.broadcast %mul3A_278 : i32 to vector<16xi32>
      %mul3A_280 = arith.muli %get3A_266, %mul3A_279 : vector<16xi32>
      %add3A_281 = arith.addi %mul3A_280, %get3A_270 : vector<16xi32>
      %mul3A_282 = arith.constant 10240 : i32
      %mul3A_283 = vector.broadcast %mul3A_282 : i32 to vector<16xi32>
      %mul3A_284 = arith.muli %get3A_270, %mul3A_283 : vector<16xi32>
      %add3A_285 = arith.addi %mul3A_284, %get3A_266 : vector<16xi32>
      %convert_element_type3A = arith.extui %and3A_273 : vector<16xi1> to vector<16xi32>
      %broadcast_in_dim3A_286 = arith.constant true
      %broadcast_in_dim3A_287 = vector.broadcast %broadcast_in_dim3A_286 : i1 to vector<16xi1>
      %masked_cumsum3A = tpu.scan <sum>, %convert_element_type3A masked %broadcast_in_dim3A_287 : vector<16xi32>, vector<16xi1> -> vector<16xi32>
      %convert_element_type3A_288 = arith.extui %and3A_277 : vector<16xi1> to vector<16xi32>
      %broadcast_in_dim3A_289 = arith.constant true
      %broadcast_in_dim3A_290 = vector.broadcast %broadcast_in_dim3A_289 : i1 to vector<16xi1>
      %masked_cumsum3A_291 = tpu.scan <sum>, %convert_element_type3A_288 masked %broadcast_in_dim3A_290 : vector<16xi32>, vector<16xi1> -> vector<16xi32>
      %add3A_292 = vector.broadcast %scan3A_262 : i32 to vector<16xi32>
      %add3A_293 = arith.addi %add3A_292, %masked_cumsum3A : vector<16xi32>
      %sub3A_294 = arith.constant 1 : i32
      %sub3A_295 = vector.broadcast %sub3A_294 : i32 to vector<16xi32>
      %sub3A_296 = arith.subi %add3A_293, %sub3A_295 : vector<16xi32>
      %jit3A_297 = arith.constant 24592 : i32
      %broadcast_in_dim3A_298 = vector.broadcast %jit3A_297 : i32 to vector<16xi32>
      %select_n3A_299 = arith.select %and3A_273, %sub3A_296, %broadcast_in_dim3A_298 : vector<16xi1>, vector<16xi32>
      tpu.vector_store_idx %arg8[%select_n3A_299], %add3A_281 : memref<24608xi32, #tpu.memory_space<vmem>>[vector<16xi32>], vector<16xi32>,
      %add3A_300 = vector.broadcast %scan3A_263 : i32 to vector<16xi32>
      %add3A_301 = arith.addi %add3A_300, %masked_cumsum3A_291 : vector<16xi32>
      %sub3A_302 = arith.constant 1 : i32
      %sub3A_303 = vector.broadcast %sub3A_302 : i32 to vector<16xi32>
      %sub3A_304 = arith.subi %add3A_301, %sub3A_303 : vector<16xi32>
      %jit3A_305 = arith.constant 24592 : i32
      %broadcast_in_dim3A_306 = vector.broadcast %jit3A_305 : i32 to vector<16xi32>
      %select_n3A_307 = arith.select %and3A_277, %sub3A_304, %broadcast_in_dim3A_306 : vector<16xi1>, vector<16xi32>
      tpu.vector_store_idx %arg9[%select_n3A_307], %add3A_285 : memref<24608xi32, #tpu.memory_space<vmem>>[vector<16xi32>], vector<16xi32>,
      %convert_element_type3A_308 = arith.extui %and3A_273 : vector<16xi1> to vector<16xi32>
      %reduce_sum3A = arith.constant true
      %reduce_sum3A_309 = vector.broadcast %reduce_sum3A : i1 to vector<16xi1>
      %reduce_sum3A_310 = tpu.scan <sum>, %convert_element_type3A_308 masked %reduce_sum3A_309 : vector<16xi32>, vector<16xi1> -> vector<16xi32>
      %reduce_sum3A_311 = vector.extract %reduce_sum3A_310[15] : i32 from vector<16xi32>
      %add3A_312 = arith.addi %scan3A_262, %reduce_sum3A_311 : i32
      %convert_element_type3A_313 = arith.extui %and3A_277 : vector<16xi1> to vector<16xi32>
      %reduce_sum3A_314 = arith.constant true
      %reduce_sum3A_315 = vector.broadcast %reduce_sum3A_314 : i1 to vector<16xi1>
      %reduce_sum3A_316 = tpu.scan <sum>, %convert_element_type3A_313 masked %reduce_sum3A_315 : vector<16xi32>, vector<16xi1> -> vector<16xi32>
      %reduce_sum3A_317 = vector.extract %reduce_sum3A_316[15] : i32 from vector<16xi32>
      %add3A_318 = arith.addi %scan3A_263, %reduce_sum3A_317 : i32
      scf.yield %add3A_312, %add3A_318 : i32, i32
    }
    %scan3A_124 = arith.constant 500 : i32
    "tpu.region"() ({
      %run_scoped3A = tpu.sem_alloc : memref<!tpu.dma_semaphore, #tpu.memory_space<semaphore_mem>>
      %dma_start3A = arith.constant 120000 : i32
      %dma_start3A_261 = tpu.memref_slice %arg2[%dma_start3A] : memref<160000xi32, #tpu.memory_space<hbm>> -> memref<8000xi32, #tpu.memory_space<hbm>>
      %dma_start3A_262 = arith.constant 120000 : i32
      %dma_start3A_263 = tpu.memref_slice %arg2[%dma_start3A_262] : memref<160000xi32, #tpu.memory_space<hbm>> -> memref<8000xi32, #tpu.memory_space<hbm>>
      tpu.enqueue_dma source(%dma_start3A_263 : memref<8000xi32, #tpu.memory_space<hbm>>) target(%arg6 : memref<8000xi32, #tpu.memory_space<vmem>>) target_semaphore(%run_scoped3A : memref<!tpu.dma_semaphore, #tpu.memory_space<semaphore_mem>>)
      %dma_wait3A = arith.constant 120000 : i32
      %dma_wait3A_264 = tpu.memref_slice %arg2[%dma_wait3A] : memref<160000xi32, #tpu.memory_space<hbm>> -> memref<8000xi32, #tpu.memory_space<hbm>>
      %dma_wait3A_265 = arith.constant 120000 : i32
      %dma_wait3A_266 = tpu.memref_slice %arg2[%dma_wait3A_265] : memref<160000xi32, #tpu.memory_space<hbm>> -> memref<8000xi32, #tpu.memory_space<hbm>>
      tpu.wait_dma2 semaphore(%run_scoped3A : memref<!tpu.dma_semaphore, #tpu.memory_space<semaphore_mem>>) src(%dma_wait3A_266 : memref<8000xi32, #tpu.memory_space<hbm>>) dst(%arg6 : memref<8000xi32, #tpu.memory_space<vmem>>)
      tpu.yield
    }) : () -> ()
    "tpu.region"() ({
      %run_scoped3A = tpu.sem_alloc : memref<!tpu.dma_semaphore, #tpu.memory_space<semaphore_mem>>
      %dma_start3A = arith.constant 120000 : i32
      %dma_start3A_261 = tpu.memref_slice %arg3[%dma_start3A] : memref<160000xi32, #tpu.memory_space<hbm>> -> memref<8000xi32, #tpu.memory_space<hbm>>
      %dma_start3A_262 = arith.constant 120000 : i32
      %dma_start3A_263 = tpu.memref_slice %arg3[%dma_start3A_262] : memref<160000xi32, #tpu.memory_space<hbm>> -> memref<8000xi32, #tpu.memory_space<hbm>>
      tpu.enqueue_dma source(%dma_start3A_263 : memref<8000xi32, #tpu.memory_space<hbm>>) target(%arg7 : memref<8000xi32, #tpu.memory_space<vmem>>) target_semaphore(%run_scoped3A : memref<!tpu.dma_semaphore, #tpu.memory_space<semaphore_mem>>)
      %dma_wait3A = arith.constant 120000 : i32
      %dma_wait3A_264 = tpu.memref_slice %arg3[%dma_wait3A] : memref<160000xi32, #tpu.memory_space<hbm>> -> memref<8000xi32, #tpu.memory_space<hbm>>
      %dma_wait3A_265 = arith.constant 120000 : i32
      %dma_wait3A_266 = tpu.memref_slice %arg3[%dma_wait3A_265] : memref<160000xi32, #tpu.memory_space<hbm>> -> memref<8000xi32, #tpu.memory_space<hbm>>
      tpu.wait_dma2 semaphore(%run_scoped3A : memref<!tpu.dma_semaphore, #tpu.memory_space<semaphore_mem>>) src(%dma_wait3A_266 : memref<8000xi32, #tpu.memory_space<hbm>>) dst(%arg7 : memref<8000xi32, #tpu.memory_space<vmem>>)
      tpu.yield
    }) : () -> ()
    %scan3A_125 = arith.constant 0 : i32
    %scan3A_126 = arith.constant 500 : i32
    %scan3A_127 = arith.addi %scan3A_125, %scan3A_126 : i32
    %scan3A_128 = arith.constant 1 : i32
    %scan3A_129:2 = scf.for %scan3A_261 = %scan3A_125 to %scan3A_127 step %scan3A_128 iter_args(%scan3A_262 = %scan3A_123#0, %scan3A_263 = %scan3A_123#1) -> (i32, i32)  : i32 {
      %mul3A_264 = arith.constant 16 : i32
      %mul3A_265 = arith.muli %scan3A_261, %mul3A_264 : i32
      %get3A = arith.index_cast %mul3A_265 : i32 to index
      %get3A_266 = tpu.vector_load %arg6[%get3A] {strides = array<i32>} : memref<8000xi32, #tpu.memory_space<vmem>>, vector<16xi32>,
      %mul3A_267 = arith.constant 16 : i32
      %mul3A_268 = arith.muli %scan3A_261, %mul3A_267 : i32
      %get3A_269 = arith.index_cast %mul3A_268 : i32 to index
      %get3A_270 = tpu.vector_load %arg7[%get3A_269] {strides = array<i32>} : memref<8000xi32, #tpu.memory_space<vmem>>, vector<16xi32>,
      %ne3A_271 = arith.cmpi ne, %get3A_266, %get3A_270 : vector<16xi32>
      %ge3A = arith.cmpi sge, %get3A_266, %mul3A_29 : vector<16xi32>
      %and3A_272 = arith.andi %ne3A_271, %ge3A : vector<16xi1>
      %lt3A = arith.cmpi slt, %get3A_266, %add3A_32 : vector<16xi32>
      %and3A_273 = arith.andi %and3A_272, %lt3A : vector<16xi1>
      %ge3A_274 = arith.cmpi sge, %get3A_270, %mul3A_29 : vector<16xi32>
      %and3A_275 = arith.andi %ne3A_271, %ge3A_274 : vector<16xi1>
      %lt3A_276 = arith.cmpi slt, %get3A_270, %add3A_32 : vector<16xi32>
      %and3A_277 = arith.andi %and3A_275, %lt3A_276 : vector<16xi1>
      %mul3A_278 = arith.constant 10240 : i32
      %mul3A_279 = vector.broadcast %mul3A_278 : i32 to vector<16xi32>
      %mul3A_280 = arith.muli %get3A_266, %mul3A_279 : vector<16xi32>
      %add3A_281 = arith.addi %mul3A_280, %get3A_270 : vector<16xi32>
      %mul3A_282 = arith.constant 10240 : i32
      %mul3A_283 = vector.broadcast %mul3A_282 : i32 to vector<16xi32>
      %mul3A_284 = arith.muli %get3A_270, %mul3A_283 : vector<16xi32>
      %add3A_285 = arith.addi %mul3A_284, %get3A_266 : vector<16xi32>
      %convert_element_type3A = arith.extui %and3A_273 : vector<16xi1> to vector<16xi32>
      %broadcast_in_dim3A_286 = arith.constant true
      %broadcast_in_dim3A_287 = vector.broadcast %broadcast_in_dim3A_286 : i1 to vector<16xi1>
      %masked_cumsum3A = tpu.scan <sum>, %convert_element_type3A masked %broadcast_in_dim3A_287 : vector<16xi32>, vector<16xi1> -> vector<16xi32>
      %convert_element_type3A_288 = arith.extui %and3A_277 : vector<16xi1> to vector<16xi32>
      %broadcast_in_dim3A_289 = arith.constant true
      %broadcast_in_dim3A_290 = vector.broadcast %broadcast_in_dim3A_289 : i1 to vector<16xi1>
      %masked_cumsum3A_291 = tpu.scan <sum>, %convert_element_type3A_288 masked %broadcast_in_dim3A_290 : vector<16xi32>, vector<16xi1> -> vector<16xi32>
      %add3A_292 = vector.broadcast %scan3A_262 : i32 to vector<16xi32>
      %add3A_293 = arith.addi %add3A_292, %masked_cumsum3A : vector<16xi32>
      %sub3A_294 = arith.constant 1 : i32
      %sub3A_295 = vector.broadcast %sub3A_294 : i32 to vector<16xi32>
      %sub3A_296 = arith.subi %add3A_293, %sub3A_295 : vector<16xi32>
      %jit3A_297 = arith.constant 24592 : i32
      %broadcast_in_dim3A_298 = vector.broadcast %jit3A_297 : i32 to vector<16xi32>
      %select_n3A_299 = arith.select %and3A_273, %sub3A_296, %broadcast_in_dim3A_298 : vector<16xi1>, vector<16xi32>
      tpu.vector_store_idx %arg8[%select_n3A_299], %add3A_281 : memref<24608xi32, #tpu.memory_space<vmem>>[vector<16xi32>], vector<16xi32>,
      %add3A_300 = vector.broadcast %scan3A_263 : i32 to vector<16xi32>
      %add3A_301 = arith.addi %add3A_300, %masked_cumsum3A_291 : vector<16xi32>
      %sub3A_302 = arith.constant 1 : i32
      %sub3A_303 = vector.broadcast %sub3A_302 : i32 to vector<16xi32>
      %sub3A_304 = arith.subi %add3A_301, %sub3A_303 : vector<16xi32>
      %jit3A_305 = arith.constant 24592 : i32
      %broadcast_in_dim3A_306 = vector.broadcast %jit3A_305 : i32 to vector<16xi32>
      %select_n3A_307 = arith.select %and3A_277, %sub3A_304, %broadcast_in_dim3A_306 : vector<16xi1>, vector<16xi32>
      tpu.vector_store_idx %arg9[%select_n3A_307], %add3A_285 : memref<24608xi32, #tpu.memory_space<vmem>>[vector<16xi32>], vector<16xi32>,
      %convert_element_type3A_308 = arith.extui %and3A_273 : vector<16xi1> to vector<16xi32>
      %reduce_sum3A = arith.constant true
      %reduce_sum3A_309 = vector.broadcast %reduce_sum3A : i1 to vector<16xi1>
      %reduce_sum3A_310 = tpu.scan <sum>, %convert_element_type3A_308 masked %reduce_sum3A_309 : vector<16xi32>, vector<16xi1> -> vector<16xi32>
      %reduce_sum3A_311 = vector.extract %reduce_sum3A_310[15] : i32 from vector<16xi32>
      %add3A_312 = arith.addi %scan3A_262, %reduce_sum3A_311 : i32
      %convert_element_type3A_313 = arith.extui %and3A_277 : vector<16xi1> to vector<16xi32>
      %reduce_sum3A_314 = arith.constant true
      %reduce_sum3A_315 = vector.broadcast %reduce_sum3A_314 : i1 to vector<16xi1>
      %reduce_sum3A_316 = tpu.scan <sum>, %convert_element_type3A_313 masked %reduce_sum3A_315 : vector<16xi32>, vector<16xi1> -> vector<16xi32>
      %reduce_sum3A_317 = vector.extract %reduce_sum3A_316[15] : i32 from vector<16xi32>
      %add3A_318 = arith.addi %scan3A_263, %reduce_sum3A_317 : i32
      scf.yield %add3A_312, %add3A_318 : i32, i32
    }
    %scan3A_130 = arith.constant 500 : i32
    "tpu.region"() ({
      %run_scoped3A = tpu.sem_alloc : memref<!tpu.dma_semaphore, #tpu.memory_space<semaphore_mem>>
      %dma_start3A = arith.constant 128000 : i32
      %dma_start3A_261 = tpu.memref_slice %arg2[%dma_start3A] : memref<160000xi32, #tpu.memory_space<hbm>> -> memref<8000xi32, #tpu.memory_space<hbm>>
      %dma_start3A_262 = arith.constant 128000 : i32
      %dma_start3A_263 = tpu.memref_slice %arg2[%dma_start3A_262] : memref<160000xi32, #tpu.memory_space<hbm>> -> memref<8000xi32, #tpu.memory_space<hbm>>
      tpu.enqueue_dma source(%dma_start3A_263 : memref<8000xi32, #tpu.memory_space<hbm>>) target(%arg6 : memref<8000xi32, #tpu.memory_space<vmem>>) target_semaphore(%run_scoped3A : memref<!tpu.dma_semaphore, #tpu.memory_space<semaphore_mem>>)
      %dma_wait3A = arith.constant 128000 : i32
      %dma_wait3A_264 = tpu.memref_slice %arg2[%dma_wait3A] : memref<160000xi32, #tpu.memory_space<hbm>> -> memref<8000xi32, #tpu.memory_space<hbm>>
      %dma_wait3A_265 = arith.constant 128000 : i32
      %dma_wait3A_266 = tpu.memref_slice %arg2[%dma_wait3A_265] : memref<160000xi32, #tpu.memory_space<hbm>> -> memref<8000xi32, #tpu.memory_space<hbm>>
      tpu.wait_dma2 semaphore(%run_scoped3A : memref<!tpu.dma_semaphore, #tpu.memory_space<semaphore_mem>>) src(%dma_wait3A_266 : memref<8000xi32, #tpu.memory_space<hbm>>) dst(%arg6 : memref<8000xi32, #tpu.memory_space<vmem>>)
      tpu.yield
    }) : () -> ()
    "tpu.region"() ({
      %run_scoped3A = tpu.sem_alloc : memref<!tpu.dma_semaphore, #tpu.memory_space<semaphore_mem>>
      %dma_start3A = arith.constant 128000 : i32
      %dma_start3A_261 = tpu.memref_slice %arg3[%dma_start3A] : memref<160000xi32, #tpu.memory_space<hbm>> -> memref<8000xi32, #tpu.memory_space<hbm>>
      %dma_start3A_262 = arith.constant 128000 : i32
      %dma_start3A_263 = tpu.memref_slice %arg3[%dma_start3A_262] : memref<160000xi32, #tpu.memory_space<hbm>> -> memref<8000xi32, #tpu.memory_space<hbm>>
      tpu.enqueue_dma source(%dma_start3A_263 : memref<8000xi32, #tpu.memory_space<hbm>>) target(%arg7 : memref<8000xi32, #tpu.memory_space<vmem>>) target_semaphore(%run_scoped3A : memref<!tpu.dma_semaphore, #tpu.memory_space<semaphore_mem>>)
      %dma_wait3A = arith.constant 128000 : i32
      %dma_wait3A_264 = tpu.memref_slice %arg3[%dma_wait3A] : memref<160000xi32, #tpu.memory_space<hbm>> -> memref<8000xi32, #tpu.memory_space<hbm>>
      %dma_wait3A_265 = arith.constant 128000 : i32
      %dma_wait3A_266 = tpu.memref_slice %arg3[%dma_wait3A_265] : memref<160000xi32, #tpu.memory_space<hbm>> -> memref<8000xi32, #tpu.memory_space<hbm>>
      tpu.wait_dma2 semaphore(%run_scoped3A : memref<!tpu.dma_semaphore, #tpu.memory_space<semaphore_mem>>) src(%dma_wait3A_266 : memref<8000xi32, #tpu.memory_space<hbm>>) dst(%arg7 : memref<8000xi32, #tpu.memory_space<vmem>>)
      tpu.yield
    }) : () -> ()
    %scan3A_131 = arith.constant 0 : i32
    %scan3A_132 = arith.constant 500 : i32
    %scan3A_133 = arith.addi %scan3A_131, %scan3A_132 : i32
    %scan3A_134 = arith.constant 1 : i32
    %scan3A_135:2 = scf.for %scan3A_261 = %scan3A_131 to %scan3A_133 step %scan3A_134 iter_args(%scan3A_262 = %scan3A_129#0, %scan3A_263 = %scan3A_129#1) -> (i32, i32)  : i32 {
      %mul3A_264 = arith.constant 16 : i32
      %mul3A_265 = arith.muli %scan3A_261, %mul3A_264 : i32
      %get3A = arith.index_cast %mul3A_265 : i32 to index
      %get3A_266 = tpu.vector_load %arg6[%get3A] {strides = array<i32>} : memref<8000xi32, #tpu.memory_space<vmem>>, vector<16xi32>,
      %mul3A_267 = arith.constant 16 : i32
      %mul3A_268 = arith.muli %scan3A_261, %mul3A_267 : i32
      %get3A_269 = arith.index_cast %mul3A_268 : i32 to index
      %get3A_270 = tpu.vector_load %arg7[%get3A_269] {strides = array<i32>} : memref<8000xi32, #tpu.memory_space<vmem>>, vector<16xi32>,
      %ne3A_271 = arith.cmpi ne, %get3A_266, %get3A_270 : vector<16xi32>
      %ge3A = arith.cmpi sge, %get3A_266, %mul3A_29 : vector<16xi32>
      %and3A_272 = arith.andi %ne3A_271, %ge3A : vector<16xi1>
      %lt3A = arith.cmpi slt, %get3A_266, %add3A_32 : vector<16xi32>
      %and3A_273 = arith.andi %and3A_272, %lt3A : vector<16xi1>
      %ge3A_274 = arith.cmpi sge, %get3A_270, %mul3A_29 : vector<16xi32>
      %and3A_275 = arith.andi %ne3A_271, %ge3A_274 : vector<16xi1>
      %lt3A_276 = arith.cmpi slt, %get3A_270, %add3A_32 : vector<16xi32>
      %and3A_277 = arith.andi %and3A_275, %lt3A_276 : vector<16xi1>
      %mul3A_278 = arith.constant 10240 : i32
      %mul3A_279 = vector.broadcast %mul3A_278 : i32 to vector<16xi32>
      %mul3A_280 = arith.muli %get3A_266, %mul3A_279 : vector<16xi32>
      %add3A_281 = arith.addi %mul3A_280, %get3A_270 : vector<16xi32>
      %mul3A_282 = arith.constant 10240 : i32
      %mul3A_283 = vector.broadcast %mul3A_282 : i32 to vector<16xi32>
      %mul3A_284 = arith.muli %get3A_270, %mul3A_283 : vector<16xi32>
      %add3A_285 = arith.addi %mul3A_284, %get3A_266 : vector<16xi32>
      %convert_element_type3A = arith.extui %and3A_273 : vector<16xi1> to vector<16xi32>
      %broadcast_in_dim3A_286 = arith.constant true
      %broadcast_in_dim3A_287 = vector.broadcast %broadcast_in_dim3A_286 : i1 to vector<16xi1>
      %masked_cumsum3A = tpu.scan <sum>, %convert_element_type3A masked %broadcast_in_dim3A_287 : vector<16xi32>, vector<16xi1> -> vector<16xi32>
      %convert_element_type3A_288 = arith.extui %and3A_277 : vector<16xi1> to vector<16xi32>
      %broadcast_in_dim3A_289 = arith.constant true
      %broadcast_in_dim3A_290 = vector.broadcast %broadcast_in_dim3A_289 : i1 to vector<16xi1>
      %masked_cumsum3A_291 = tpu.scan <sum>, %convert_element_type3A_288 masked %broadcast_in_dim3A_290 : vector<16xi32>, vector<16xi1> -> vector<16xi32>
      %add3A_292 = vector.broadcast %scan3A_262 : i32 to vector<16xi32>
      %add3A_293 = arith.addi %add3A_292, %masked_cumsum3A : vector<16xi32>
      %sub3A_294 = arith.constant 1 : i32
      %sub3A_295 = vector.broadcast %sub3A_294 : i32 to vector<16xi32>
      %sub3A_296 = arith.subi %add3A_293, %sub3A_295 : vector<16xi32>
      %jit3A_297 = arith.constant 24592 : i32
      %broadcast_in_dim3A_298 = vector.broadcast %jit3A_297 : i32 to vector<16xi32>
      %select_n3A_299 = arith.select %and3A_273, %sub3A_296, %broadcast_in_dim3A_298 : vector<16xi1>, vector<16xi32>
      tpu.vector_store_idx %arg8[%select_n3A_299], %add3A_281 : memref<24608xi32, #tpu.memory_space<vmem>>[vector<16xi32>], vector<16xi32>,
      %add3A_300 = vector.broadcast %scan3A_263 : i32 to vector<16xi32>
      %add3A_301 = arith.addi %add3A_300, %masked_cumsum3A_291 : vector<16xi32>
      %sub3A_302 = arith.constant 1 : i32
      %sub3A_303 = vector.broadcast %sub3A_302 : i32 to vector<16xi32>
      %sub3A_304 = arith.subi %add3A_301, %sub3A_303 : vector<16xi32>
      %jit3A_305 = arith.constant 24592 : i32
      %broadcast_in_dim3A_306 = vector.broadcast %jit3A_305 : i32 to vector<16xi32>
      %select_n3A_307 = arith.select %and3A_277, %sub3A_304, %broadcast_in_dim3A_306 : vector<16xi1>, vector<16xi32>
      tpu.vector_store_idx %arg9[%select_n3A_307], %add3A_285 : memref<24608xi32, #tpu.memory_space<vmem>>[vector<16xi32>], vector<16xi32>,
      %convert_element_type3A_308 = arith.extui %and3A_273 : vector<16xi1> to vector<16xi32>
      %reduce_sum3A = arith.constant true
      %reduce_sum3A_309 = vector.broadcast %reduce_sum3A : i1 to vector<16xi1>
      %reduce_sum3A_310 = tpu.scan <sum>, %convert_element_type3A_308 masked %reduce_sum3A_309 : vector<16xi32>, vector<16xi1> -> vector<16xi32>
      %reduce_sum3A_311 = vector.extract %reduce_sum3A_310[15] : i32 from vector<16xi32>
      %add3A_312 = arith.addi %scan3A_262, %reduce_sum3A_311 : i32
      %convert_element_type3A_313 = arith.extui %and3A_277 : vector<16xi1> to vector<16xi32>
      %reduce_sum3A_314 = arith.constant true
      %reduce_sum3A_315 = vector.broadcast %reduce_sum3A_314 : i1 to vector<16xi1>
      %reduce_sum3A_316 = tpu.scan <sum>, %convert_element_type3A_313 masked %reduce_sum3A_315 : vector<16xi32>, vector<16xi1> -> vector<16xi32>
      %reduce_sum3A_317 = vector.extract %reduce_sum3A_316[15] : i32 from vector<16xi32>
      %add3A_318 = arith.addi %scan3A_263, %reduce_sum3A_317 : i32
      scf.yield %add3A_312, %add3A_318 : i32, i32
    }
    %scan3A_136 = arith.constant 500 : i32
    "tpu.region"() ({
      %run_scoped3A = tpu.sem_alloc : memref<!tpu.dma_semaphore, #tpu.memory_space<semaphore_mem>>
      %dma_start3A = arith.constant 136000 : i32
      %dma_start3A_261 = tpu.memref_slice %arg2[%dma_start3A] : memref<160000xi32, #tpu.memory_space<hbm>> -> memref<8000xi32, #tpu.memory_space<hbm>>
      %dma_start3A_262 = arith.constant 136000 : i32
      %dma_start3A_263 = tpu.memref_slice %arg2[%dma_start3A_262] : memref<160000xi32, #tpu.memory_space<hbm>> -> memref<8000xi32, #tpu.memory_space<hbm>>
      tpu.enqueue_dma source(%dma_start3A_263 : memref<8000xi32, #tpu.memory_space<hbm>>) target(%arg6 : memref<8000xi32, #tpu.memory_space<vmem>>) target_semaphore(%run_scoped3A : memref<!tpu.dma_semaphore, #tpu.memory_space<semaphore_mem>>)
      %dma_wait3A = arith.constant 136000 : i32
      %dma_wait3A_264 = tpu.memref_slice %arg2[%dma_wait3A] : memref<160000xi32, #tpu.memory_space<hbm>> -> memref<8000xi32, #tpu.memory_space<hbm>>
      %dma_wait3A_265 = arith.constant 136000 : i32
      %dma_wait3A_266 = tpu.memref_slice %arg2[%dma_wait3A_265] : memref<160000xi32, #tpu.memory_space<hbm>> -> memref<8000xi32, #tpu.memory_space<hbm>>
      tpu.wait_dma2 semaphore(%run_scoped3A : memref<!tpu.dma_semaphore, #tpu.memory_space<semaphore_mem>>) src(%dma_wait3A_266 : memref<8000xi32, #tpu.memory_space<hbm>>) dst(%arg6 : memref<8000xi32, #tpu.memory_space<vmem>>)
      tpu.yield
    }) : () -> ()
    "tpu.region"() ({
      %run_scoped3A = tpu.sem_alloc : memref<!tpu.dma_semaphore, #tpu.memory_space<semaphore_mem>>
      %dma_start3A = arith.constant 136000 : i32
      %dma_start3A_261 = tpu.memref_slice %arg3[%dma_start3A] : memref<160000xi32, #tpu.memory_space<hbm>> -> memref<8000xi32, #tpu.memory_space<hbm>>
      %dma_start3A_262 = arith.constant 136000 : i32
      %dma_start3A_263 = tpu.memref_slice %arg3[%dma_start3A_262] : memref<160000xi32, #tpu.memory_space<hbm>> -> memref<8000xi32, #tpu.memory_space<hbm>>
      tpu.enqueue_dma source(%dma_start3A_263 : memref<8000xi32, #tpu.memory_space<hbm>>) target(%arg7 : memref<8000xi32, #tpu.memory_space<vmem>>) target_semaphore(%run_scoped3A : memref<!tpu.dma_semaphore, #tpu.memory_space<semaphore_mem>>)
      %dma_wait3A = arith.constant 136000 : i32
      %dma_wait3A_264 = tpu.memref_slice %arg3[%dma_wait3A] : memref<160000xi32, #tpu.memory_space<hbm>> -> memref<8000xi32, #tpu.memory_space<hbm>>
      %dma_wait3A_265 = arith.constant 136000 : i32
      %dma_wait3A_266 = tpu.memref_slice %arg3[%dma_wait3A_265] : memref<160000xi32, #tpu.memory_space<hbm>> -> memref<8000xi32, #tpu.memory_space<hbm>>
      tpu.wait_dma2 semaphore(%run_scoped3A : memref<!tpu.dma_semaphore, #tpu.memory_space<semaphore_mem>>) src(%dma_wait3A_266 : memref<8000xi32, #tpu.memory_space<hbm>>) dst(%arg7 : memref<8000xi32, #tpu.memory_space<vmem>>)
      tpu.yield
    }) : () -> ()
    %scan3A_137 = arith.constant 0 : i32
    %scan3A_138 = arith.constant 500 : i32
    %scan3A_139 = arith.addi %scan3A_137, %scan3A_138 : i32
    %scan3A_140 = arith.constant 1 : i32
    %scan3A_141:2 = scf.for %scan3A_261 = %scan3A_137 to %scan3A_139 step %scan3A_140 iter_args(%scan3A_262 = %scan3A_135#0, %scan3A_263 = %scan3A_135#1) -> (i32, i32)  : i32 {
      %mul3A_264 = arith.constant 16 : i32
      %mul3A_265 = arith.muli %scan3A_261, %mul3A_264 : i32
      %get3A = arith.index_cast %mul3A_265 : i32 to index
      %get3A_266 = tpu.vector_load %arg6[%get3A] {strides = array<i32>} : memref<8000xi32, #tpu.memory_space<vmem>>, vector<16xi32>,
      %mul3A_267 = arith.constant 16 : i32
      %mul3A_268 = arith.muli %scan3A_261, %mul3A_267 : i32
      %get3A_269 = arith.index_cast %mul3A_268 : i32 to index
      %get3A_270 = tpu.vector_load %arg7[%get3A_269] {strides = array<i32>} : memref<8000xi32, #tpu.memory_space<vmem>>, vector<16xi32>,
      %ne3A_271 = arith.cmpi ne, %get3A_266, %get3A_270 : vector<16xi32>
      %ge3A = arith.cmpi sge, %get3A_266, %mul3A_29 : vector<16xi32>
      %and3A_272 = arith.andi %ne3A_271, %ge3A : vector<16xi1>
      %lt3A = arith.cmpi slt, %get3A_266, %add3A_32 : vector<16xi32>
      %and3A_273 = arith.andi %and3A_272, %lt3A : vector<16xi1>
      %ge3A_274 = arith.cmpi sge, %get3A_270, %mul3A_29 : vector<16xi32>
      %and3A_275 = arith.andi %ne3A_271, %ge3A_274 : vector<16xi1>
      %lt3A_276 = arith.cmpi slt, %get3A_270, %add3A_32 : vector<16xi32>
      %and3A_277 = arith.andi %and3A_275, %lt3A_276 : vector<16xi1>
      %mul3A_278 = arith.constant 10240 : i32
      %mul3A_279 = vector.broadcast %mul3A_278 : i32 to vector<16xi32>
      %mul3A_280 = arith.muli %get3A_266, %mul3A_279 : vector<16xi32>
      %add3A_281 = arith.addi %mul3A_280, %get3A_270 : vector<16xi32>
      %mul3A_282 = arith.constant 10240 : i32
      %mul3A_283 = vector.broadcast %mul3A_282 : i32 to vector<16xi32>
      %mul3A_284 = arith.muli %get3A_270, %mul3A_283 : vector<16xi32>
      %add3A_285 = arith.addi %mul3A_284, %get3A_266 : vector<16xi32>
      %convert_element_type3A = arith.extui %and3A_273 : vector<16xi1> to vector<16xi32>
      %broadcast_in_dim3A_286 = arith.constant true
      %broadcast_in_dim3A_287 = vector.broadcast %broadcast_in_dim3A_286 : i1 to vector<16xi1>
      %masked_cumsum3A = tpu.scan <sum>, %convert_element_type3A masked %broadcast_in_dim3A_287 : vector<16xi32>, vector<16xi1> -> vector<16xi32>
      %convert_element_type3A_288 = arith.extui %and3A_277 : vector<16xi1> to vector<16xi32>
      %broadcast_in_dim3A_289 = arith.constant true
      %broadcast_in_dim3A_290 = vector.broadcast %broadcast_in_dim3A_289 : i1 to vector<16xi1>
      %masked_cumsum3A_291 = tpu.scan <sum>, %convert_element_type3A_288 masked %broadcast_in_dim3A_290 : vector<16xi32>, vector<16xi1> -> vector<16xi32>
      %add3A_292 = vector.broadcast %scan3A_262 : i32 to vector<16xi32>
      %add3A_293 = arith.addi %add3A_292, %masked_cumsum3A : vector<16xi32>
      %sub3A_294 = arith.constant 1 : i32
      %sub3A_295 = vector.broadcast %sub3A_294 : i32 to vector<16xi32>
      %sub3A_296 = arith.subi %add3A_293, %sub3A_295 : vector<16xi32>
      %jit3A_297 = arith.constant 24592 : i32
      %broadcast_in_dim3A_298 = vector.broadcast %jit3A_297 : i32 to vector<16xi32>
      %select_n3A_299 = arith.select %and3A_273, %sub3A_296, %broadcast_in_dim3A_298 : vector<16xi1>, vector<16xi32>
      tpu.vector_store_idx %arg8[%select_n3A_299], %add3A_281 : memref<24608xi32, #tpu.memory_space<vmem>>[vector<16xi32>], vector<16xi32>,
      %add3A_300 = vector.broadcast %scan3A_263 : i32 to vector<16xi32>
      %add3A_301 = arith.addi %add3A_300, %masked_cumsum3A_291 : vector<16xi32>
      %sub3A_302 = arith.constant 1 : i32
      %sub3A_303 = vector.broadcast %sub3A_302 : i32 to vector<16xi32>
      %sub3A_304 = arith.subi %add3A_301, %sub3A_303 : vector<16xi32>
      %jit3A_305 = arith.constant 24592 : i32
      %broadcast_in_dim3A_306 = vector.broadcast %jit3A_305 : i32 to vector<16xi32>
      %select_n3A_307 = arith.select %and3A_277, %sub3A_304, %broadcast_in_dim3A_306 : vector<16xi1>, vector<16xi32>
      tpu.vector_store_idx %arg9[%select_n3A_307], %add3A_285 : memref<24608xi32, #tpu.memory_space<vmem>>[vector<16xi32>], vector<16xi32>,
      %convert_element_type3A_308 = arith.extui %and3A_273 : vector<16xi1> to vector<16xi32>
      %reduce_sum3A = arith.constant true
      %reduce_sum3A_309 = vector.broadcast %reduce_sum3A : i1 to vector<16xi1>
      %reduce_sum3A_310 = tpu.scan <sum>, %convert_element_type3A_308 masked %reduce_sum3A_309 : vector<16xi32>, vector<16xi1> -> vector<16xi32>
      %reduce_sum3A_311 = vector.extract %reduce_sum3A_310[15] : i32 from vector<16xi32>
      %add3A_312 = arith.addi %scan3A_262, %reduce_sum3A_311 : i32
      %convert_element_type3A_313 = arith.extui %and3A_277 : vector<16xi1> to vector<16xi32>
      %reduce_sum3A_314 = arith.constant true
      %reduce_sum3A_315 = vector.broadcast %reduce_sum3A_314 : i1 to vector<16xi1>
      %reduce_sum3A_316 = tpu.scan <sum>, %convert_element_type3A_313 masked %reduce_sum3A_315 : vector<16xi32>, vector<16xi1> -> vector<16xi32>
      %reduce_sum3A_317 = vector.extract %reduce_sum3A_316[15] : i32 from vector<16xi32>
      %add3A_318 = arith.addi %scan3A_263, %reduce_sum3A_317 : i32
      scf.yield %add3A_312, %add3A_318 : i32, i32
    }
    %scan3A_142 = arith.constant 500 : i32
    "tpu.region"() ({
      %run_scoped3A = tpu.sem_alloc : memref<!tpu.dma_semaphore, #tpu.memory_space<semaphore_mem>>
      %dma_start3A = arith.constant 144000 : i32
      %dma_start3A_261 = tpu.memref_slice %arg2[%dma_start3A] : memref<160000xi32, #tpu.memory_space<hbm>> -> memref<8000xi32, #tpu.memory_space<hbm>>
      %dma_start3A_262 = arith.constant 144000 : i32
      %dma_start3A_263 = tpu.memref_slice %arg2[%dma_start3A_262] : memref<160000xi32, #tpu.memory_space<hbm>> -> memref<8000xi32, #tpu.memory_space<hbm>>
      tpu.enqueue_dma source(%dma_start3A_263 : memref<8000xi32, #tpu.memory_space<hbm>>) target(%arg6 : memref<8000xi32, #tpu.memory_space<vmem>>) target_semaphore(%run_scoped3A : memref<!tpu.dma_semaphore, #tpu.memory_space<semaphore_mem>>)
      %dma_wait3A = arith.constant 144000 : i32
      %dma_wait3A_264 = tpu.memref_slice %arg2[%dma_wait3A] : memref<160000xi32, #tpu.memory_space<hbm>> -> memref<8000xi32, #tpu.memory_space<hbm>>
      %dma_wait3A_265 = arith.constant 144000 : i32
      %dma_wait3A_266 = tpu.memref_slice %arg2[%dma_wait3A_265] : memref<160000xi32, #tpu.memory_space<hbm>> -> memref<8000xi32, #tpu.memory_space<hbm>>
      tpu.wait_dma2 semaphore(%run_scoped3A : memref<!tpu.dma_semaphore, #tpu.memory_space<semaphore_mem>>) src(%dma_wait3A_266 : memref<8000xi32, #tpu.memory_space<hbm>>) dst(%arg6 : memref<8000xi32, #tpu.memory_space<vmem>>)
      tpu.yield
    }) : () -> ()
    "tpu.region"() ({
      %run_scoped3A = tpu.sem_alloc : memref<!tpu.dma_semaphore, #tpu.memory_space<semaphore_mem>>
      %dma_start3A = arith.constant 144000 : i32
      %dma_start3A_261 = tpu.memref_slice %arg3[%dma_start3A] : memref<160000xi32, #tpu.memory_space<hbm>> -> memref<8000xi32, #tpu.memory_space<hbm>>
      %dma_start3A_262 = arith.constant 144000 : i32
      %dma_start3A_263 = tpu.memref_slice %arg3[%dma_start3A_262] : memref<160000xi32, #tpu.memory_space<hbm>> -> memref<8000xi32, #tpu.memory_space<hbm>>
      tpu.enqueue_dma source(%dma_start3A_263 : memref<8000xi32, #tpu.memory_space<hbm>>) target(%arg7 : memref<8000xi32, #tpu.memory_space<vmem>>) target_semaphore(%run_scoped3A : memref<!tpu.dma_semaphore, #tpu.memory_space<semaphore_mem>>)
      %dma_wait3A = arith.constant 144000 : i32
      %dma_wait3A_264 = tpu.memref_slice %arg3[%dma_wait3A] : memref<160000xi32, #tpu.memory_space<hbm>> -> memref<8000xi32, #tpu.memory_space<hbm>>
      %dma_wait3A_265 = arith.constant 144000 : i32
      %dma_wait3A_266 = tpu.memref_slice %arg3[%dma_wait3A_265] : memref<160000xi32, #tpu.memory_space<hbm>> -> memref<8000xi32, #tpu.memory_space<hbm>>
      tpu.wait_dma2 semaphore(%run_scoped3A : memref<!tpu.dma_semaphore, #tpu.memory_space<semaphore_mem>>) src(%dma_wait3A_266 : memref<8000xi32, #tpu.memory_space<hbm>>) dst(%arg7 : memref<8000xi32, #tpu.memory_space<vmem>>)
      tpu.yield
    }) : () -> ()
    %scan3A_143 = arith.constant 0 : i32
    %scan3A_144 = arith.constant 500 : i32
    %scan3A_145 = arith.addi %scan3A_143, %scan3A_144 : i32
    %scan3A_146 = arith.constant 1 : i32
    %scan3A_147:2 = scf.for %scan3A_261 = %scan3A_143 to %scan3A_145 step %scan3A_146 iter_args(%scan3A_262 = %scan3A_141#0, %scan3A_263 = %scan3A_141#1) -> (i32, i32)  : i32 {
      %mul3A_264 = arith.constant 16 : i32
      %mul3A_265 = arith.muli %scan3A_261, %mul3A_264 : i32
      %get3A = arith.index_cast %mul3A_265 : i32 to index
      %get3A_266 = tpu.vector_load %arg6[%get3A] {strides = array<i32>} : memref<8000xi32, #tpu.memory_space<vmem>>, vector<16xi32>,
      %mul3A_267 = arith.constant 16 : i32
      %mul3A_268 = arith.muli %scan3A_261, %mul3A_267 : i32
      %get3A_269 = arith.index_cast %mul3A_268 : i32 to index
      %get3A_270 = tpu.vector_load %arg7[%get3A_269] {strides = array<i32>} : memref<8000xi32, #tpu.memory_space<vmem>>, vector<16xi32>,
      %ne3A_271 = arith.cmpi ne, %get3A_266, %get3A_270 : vector<16xi32>
      %ge3A = arith.cmpi sge, %get3A_266, %mul3A_29 : vector<16xi32>
      %and3A_272 = arith.andi %ne3A_271, %ge3A : vector<16xi1>
      %lt3A = arith.cmpi slt, %get3A_266, %add3A_32 : vector<16xi32>
      %and3A_273 = arith.andi %and3A_272, %lt3A : vector<16xi1>
      %ge3A_274 = arith.cmpi sge, %get3A_270, %mul3A_29 : vector<16xi32>
      %and3A_275 = arith.andi %ne3A_271, %ge3A_274 : vector<16xi1>
      %lt3A_276 = arith.cmpi slt, %get3A_270, %add3A_32 : vector<16xi32>
      %and3A_277 = arith.andi %and3A_275, %lt3A_276 : vector<16xi1>
      %mul3A_278 = arith.constant 10240 : i32
      %mul3A_279 = vector.broadcast %mul3A_278 : i32 to vector<16xi32>
      %mul3A_280 = arith.muli %get3A_266, %mul3A_279 : vector<16xi32>
      %add3A_281 = arith.addi %mul3A_280, %get3A_270 : vector<16xi32>
      %mul3A_282 = arith.constant 10240 : i32
      %mul3A_283 = vector.broadcast %mul3A_282 : i32 to vector<16xi32>
      %mul3A_284 = arith.muli %get3A_270, %mul3A_283 : vector<16xi32>
      %add3A_285 = arith.addi %mul3A_284, %get3A_266 : vector<16xi32>
      %convert_element_type3A = arith.extui %and3A_273 : vector<16xi1> to vector<16xi32>
      %broadcast_in_dim3A_286 = arith.constant true
      %broadcast_in_dim3A_287 = vector.broadcast %broadcast_in_dim3A_286 : i1 to vector<16xi1>
      %masked_cumsum3A = tpu.scan <sum>, %convert_element_type3A masked %broadcast_in_dim3A_287 : vector<16xi32>, vector<16xi1> -> vector<16xi32>
      %convert_element_type3A_288 = arith.extui %and3A_277 : vector<16xi1> to vector<16xi32>
      %broadcast_in_dim3A_289 = arith.constant true
      %broadcast_in_dim3A_290 = vector.broadcast %broadcast_in_dim3A_289 : i1 to vector<16xi1>
      %masked_cumsum3A_291 = tpu.scan <sum>, %convert_element_type3A_288 masked %broadcast_in_dim3A_290 : vector<16xi32>, vector<16xi1> -> vector<16xi32>
      %add3A_292 = vector.broadcast %scan3A_262 : i32 to vector<16xi32>
      %add3A_293 = arith.addi %add3A_292, %masked_cumsum3A : vector<16xi32>
      %sub3A_294 = arith.constant 1 : i32
      %sub3A_295 = vector.broadcast %sub3A_294 : i32 to vector<16xi32>
      %sub3A_296 = arith.subi %add3A_293, %sub3A_295 : vector<16xi32>
      %jit3A_297 = arith.constant 24592 : i32
      %broadcast_in_dim3A_298 = vector.broadcast %jit3A_297 : i32 to vector<16xi32>
      %select_n3A_299 = arith.select %and3A_273, %sub3A_296, %broadcast_in_dim3A_298 : vector<16xi1>, vector<16xi32>
      tpu.vector_store_idx %arg8[%select_n3A_299], %add3A_281 : memref<24608xi32, #tpu.memory_space<vmem>>[vector<16xi32>], vector<16xi32>,
      %add3A_300 = vector.broadcast %scan3A_263 : i32 to vector<16xi32>
      %add3A_301 = arith.addi %add3A_300, %masked_cumsum3A_291 : vector<16xi32>
      %sub3A_302 = arith.constant 1 : i32
      %sub3A_303 = vector.broadcast %sub3A_302 : i32 to vector<16xi32>
      %sub3A_304 = arith.subi %add3A_301, %sub3A_303 : vector<16xi32>
      %jit3A_305 = arith.constant 24592 : i32
      %broadcast_in_dim3A_306 = vector.broadcast %jit3A_305 : i32 to vector<16xi32>
      %select_n3A_307 = arith.select %and3A_277, %sub3A_304, %broadcast_in_dim3A_306 : vector<16xi1>, vector<16xi32>
      tpu.vector_store_idx %arg9[%select_n3A_307], %add3A_285 : memref<24608xi32, #tpu.memory_space<vmem>>[vector<16xi32>], vector<16xi32>,
      %convert_element_type3A_308 = arith.extui %and3A_273 : vector<16xi1> to vector<16xi32>
      %reduce_sum3A = arith.constant true
      %reduce_sum3A_309 = vector.broadcast %reduce_sum3A : i1 to vector<16xi1>
      %reduce_sum3A_310 = tpu.scan <sum>, %convert_element_type3A_308 masked %reduce_sum3A_309 : vector<16xi32>, vector<16xi1> -> vector<16xi32>
      %reduce_sum3A_311 = vector.extract %reduce_sum3A_310[15] : i32 from vector<16xi32>
      %add3A_312 = arith.addi %scan3A_262, %reduce_sum3A_311 : i32
      %convert_element_type3A_313 = arith.extui %and3A_277 : vector<16xi1> to vector<16xi32>
      %reduce_sum3A_314 = arith.constant true
      %reduce_sum3A_315 = vector.broadcast %reduce_sum3A_314 : i1 to vector<16xi1>
      %reduce_sum3A_316 = tpu.scan <sum>, %convert_element_type3A_313 masked %reduce_sum3A_315 : vector<16xi32>, vector<16xi1> -> vector<16xi32>
      %reduce_sum3A_317 = vector.extract %reduce_sum3A_316[15] : i32 from vector<16xi32>
      %add3A_318 = arith.addi %scan3A_263, %reduce_sum3A_317 : i32
      scf.yield %add3A_312, %add3A_318 : i32, i32
    }
    %scan3A_148 = arith.constant 500 : i32
    "tpu.region"() ({
      %run_scoped3A = tpu.sem_alloc : memref<!tpu.dma_semaphore, #tpu.memory_space<semaphore_mem>>
      %dma_start3A = arith.constant 152000 : i32
      %dma_start3A_261 = tpu.memref_slice %arg2[%dma_start3A] : memref<160000xi32, #tpu.memory_space<hbm>> -> memref<8000xi32, #tpu.memory_space<hbm>>
      %dma_start3A_262 = arith.constant 152000 : i32
      %dma_start3A_263 = tpu.memref_slice %arg2[%dma_start3A_262] : memref<160000xi32, #tpu.memory_space<hbm>> -> memref<8000xi32, #tpu.memory_space<hbm>>
      tpu.enqueue_dma source(%dma_start3A_263 : memref<8000xi32, #tpu.memory_space<hbm>>) target(%arg6 : memref<8000xi32, #tpu.memory_space<vmem>>) target_semaphore(%run_scoped3A : memref<!tpu.dma_semaphore, #tpu.memory_space<semaphore_mem>>)
      %dma_wait3A = arith.constant 152000 : i32
      %dma_wait3A_264 = tpu.memref_slice %arg2[%dma_wait3A] : memref<160000xi32, #tpu.memory_space<hbm>> -> memref<8000xi32, #tpu.memory_space<hbm>>
      %dma_wait3A_265 = arith.constant 152000 : i32
      %dma_wait3A_266 = tpu.memref_slice %arg2[%dma_wait3A_265] : memref<160000xi32, #tpu.memory_space<hbm>> -> memref<8000xi32, #tpu.memory_space<hbm>>
      tpu.wait_dma2 semaphore(%run_scoped3A : memref<!tpu.dma_semaphore, #tpu.memory_space<semaphore_mem>>) src(%dma_wait3A_266 : memref<8000xi32, #tpu.memory_space<hbm>>) dst(%arg6 : memref<8000xi32, #tpu.memory_space<vmem>>)
      tpu.yield
    }) : () -> ()
    "tpu.region"() ({
      %run_scoped3A = tpu.sem_alloc : memref<!tpu.dma_semaphore, #tpu.memory_space<semaphore_mem>>
      %dma_start3A = arith.constant 152000 : i32
      %dma_start3A_261 = tpu.memref_slice %arg3[%dma_start3A] : memref<160000xi32, #tpu.memory_space<hbm>> -> memref<8000xi32, #tpu.memory_space<hbm>>
      %dma_start3A_262 = arith.constant 152000 : i32
      %dma_start3A_263 = tpu.memref_slice %arg3[%dma_start3A_262] : memref<160000xi32, #tpu.memory_space<hbm>> -> memref<8000xi32, #tpu.memory_space<hbm>>
      tpu.enqueue_dma source(%dma_start3A_263 : memref<8000xi32, #tpu.memory_space<hbm>>) target(%arg7 : memref<8000xi32, #tpu.memory_space<vmem>>) target_semaphore(%run_scoped3A : memref<!tpu.dma_semaphore, #tpu.memory_space<semaphore_mem>>)
      %dma_wait3A = arith.constant 152000 : i32
      %dma_wait3A_264 = tpu.memref_slice %arg3[%dma_wait3A] : memref<160000xi32, #tpu.memory_space<hbm>> -> memref<8000xi32, #tpu.memory_space<hbm>>
      %dma_wait3A_265 = arith.constant 152000 : i32
      %dma_wait3A_266 = tpu.memref_slice %arg3[%dma_wait3A_265] : memref<160000xi32, #tpu.memory_space<hbm>> -> memref<8000xi32, #tpu.memory_space<hbm>>
      tpu.wait_dma2 semaphore(%run_scoped3A : memref<!tpu.dma_semaphore, #tpu.memory_space<semaphore_mem>>) src(%dma_wait3A_266 : memref<8000xi32, #tpu.memory_space<hbm>>) dst(%arg7 : memref<8000xi32, #tpu.memory_space<vmem>>)
      tpu.yield
    }) : () -> ()
    %scan3A_149 = arith.constant 0 : i32
    %scan3A_150 = arith.constant 500 : i32
    %scan3A_151 = arith.addi %scan3A_149, %scan3A_150 : i32
    %scan3A_152 = arith.constant 1 : i32
    %scan3A_153:2 = scf.for %scan3A_261 = %scan3A_149 to %scan3A_151 step %scan3A_152 iter_args(%scan3A_262 = %scan3A_147#0, %scan3A_263 = %scan3A_147#1) -> (i32, i32)  : i32 {
      %mul3A_264 = arith.constant 16 : i32
      %mul3A_265 = arith.muli %scan3A_261, %mul3A_264 : i32
      %get3A = arith.index_cast %mul3A_265 : i32 to index
      %get3A_266 = tpu.vector_load %arg6[%get3A] {strides = array<i32>} : memref<8000xi32, #tpu.memory_space<vmem>>, vector<16xi32>,
      %mul3A_267 = arith.constant 16 : i32
      %mul3A_268 = arith.muli %scan3A_261, %mul3A_267 : i32
      %get3A_269 = arith.index_cast %mul3A_268 : i32 to index
      %get3A_270 = tpu.vector_load %arg7[%get3A_269] {strides = array<i32>} : memref<8000xi32, #tpu.memory_space<vmem>>, vector<16xi32>,
      %ne3A_271 = arith.cmpi ne, %get3A_266, %get3A_270 : vector<16xi32>
      %ge3A = arith.cmpi sge, %get3A_266, %mul3A_29 : vector<16xi32>
      %and3A_272 = arith.andi %ne3A_271, %ge3A : vector<16xi1>
      %lt3A = arith.cmpi slt, %get3A_266, %add3A_32 : vector<16xi32>
      %and3A_273 = arith.andi %and3A_272, %lt3A : vector<16xi1>
      %ge3A_274 = arith.cmpi sge, %get3A_270, %mul3A_29 : vector<16xi32>
      %and3A_275 = arith.andi %ne3A_271, %ge3A_274 : vector<16xi1>
      %lt3A_276 = arith.cmpi slt, %get3A_270, %add3A_32 : vector<16xi32>
      %and3A_277 = arith.andi %and3A_275, %lt3A_276 : vector<16xi1>
      %mul3A_278 = arith.constant 10240 : i32
      %mul3A_279 = vector.broadcast %mul3A_278 : i32 to vector<16xi32>
      %mul3A_280 = arith.muli %get3A_266, %mul3A_279 : vector<16xi32>
      %add3A_281 = arith.addi %mul3A_280, %get3A_270 : vector<16xi32>
      %mul3A_282 = arith.constant 10240 : i32
      %mul3A_283 = vector.broadcast %mul3A_282 : i32 to vector<16xi32>
      %mul3A_284 = arith.muli %get3A_270, %mul3A_283 : vector<16xi32>
      %add3A_285 = arith.addi %mul3A_284, %get3A_266 : vector<16xi32>
      %convert_element_type3A = arith.extui %and3A_273 : vector<16xi1> to vector<16xi32>
      %broadcast_in_dim3A_286 = arith.constant true
      %broadcast_in_dim3A_287 = vector.broadcast %broadcast_in_dim3A_286 : i1 to vector<16xi1>
      %masked_cumsum3A = tpu.scan <sum>, %convert_element_type3A masked %broadcast_in_dim3A_287 : vector<16xi32>, vector<16xi1> -> vector<16xi32>
      %convert_element_type3A_288 = arith.extui %and3A_277 : vector<16xi1> to vector<16xi32>
      %broadcast_in_dim3A_289 = arith.constant true
      %broadcast_in_dim3A_290 = vector.broadcast %broadcast_in_dim3A_289 : i1 to vector<16xi1>
      %masked_cumsum3A_291 = tpu.scan <sum>, %convert_element_type3A_288 masked %broadcast_in_dim3A_290 : vector<16xi32>, vector<16xi1> -> vector<16xi32>
      %add3A_292 = vector.broadcast %scan3A_262 : i32 to vector<16xi32>
      %add3A_293 = arith.addi %add3A_292, %masked_cumsum3A : vector<16xi32>
      %sub3A_294 = arith.constant 1 : i32
      %sub3A_295 = vector.broadcast %sub3A_294 : i32 to vector<16xi32>
      %sub3A_296 = arith.subi %add3A_293, %sub3A_295 : vector<16xi32>
      %jit3A_297 = arith.constant 24592 : i32
      %broadcast_in_dim3A_298 = vector.broadcast %jit3A_297 : i32 to vector<16xi32>
      %select_n3A_299 = arith.select %and3A_273, %sub3A_296, %broadcast_in_dim3A_298 : vector<16xi1>, vector<16xi32>
      tpu.vector_store_idx %arg8[%select_n3A_299], %add3A_281 : memref<24608xi32, #tpu.memory_space<vmem>>[vector<16xi32>], vector<16xi32>,
      %add3A_300 = vector.broadcast %scan3A_263 : i32 to vector<16xi32>
      %add3A_301 = arith.addi %add3A_300, %masked_cumsum3A_291 : vector<16xi32>
      %sub3A_302 = arith.constant 1 : i32
      %sub3A_303 = vector.broadcast %sub3A_302 : i32 to vector<16xi32>
      %sub3A_304 = arith.subi %add3A_301, %sub3A_303 : vector<16xi32>
      %jit3A_305 = arith.constant 24592 : i32
      %broadcast_in_dim3A_306 = vector.broadcast %jit3A_305 : i32 to vector<16xi32>
      %select_n3A_307 = arith.select %and3A_277, %sub3A_304, %broadcast_in_dim3A_306 : vector<16xi1>, vector<16xi32>
      tpu.vector_store_idx %arg9[%select_n3A_307], %add3A_285 : memref<24608xi32, #tpu.memory_space<vmem>>[vector<16xi32>], vector<16xi32>,
      %convert_element_type3A_308 = arith.extui %and3A_273 : vector<16xi1> to vector<16xi32>
      %reduce_sum3A = arith.constant true
      %reduce_sum3A_309 = vector.broadcast %reduce_sum3A : i1 to vector<16xi1>
      %reduce_sum3A_310 = tpu.scan <sum>, %convert_element_type3A_308 masked %reduce_sum3A_309 : vector<16xi32>, vector<16xi1> -> vector<16xi32>
      %reduce_sum3A_311 = vector.extract %reduce_sum3A_310[15] : i32 from vector<16xi32>
      %add3A_312 = arith.addi %scan3A_262, %reduce_sum3A_311 : i32
      %convert_element_type3A_313 = arith.extui %and3A_277 : vector<16xi1> to vector<16xi32>
      %reduce_sum3A_314 = arith.constant true
      %reduce_sum3A_315 = vector.broadcast %reduce_sum3A_314 : i1 to vector<16xi1>
      %reduce_sum3A_316 = tpu.scan <sum>, %convert_element_type3A_313 masked %reduce_sum3A_315 : vector<16xi32>, vector<16xi1> -> vector<16xi32>
      %reduce_sum3A_317 = vector.extract %reduce_sum3A_316[15] : i32 from vector<16xi32>
      %add3A_318 = arith.addi %scan3A_263, %reduce_sum3A_317 : i32
      scf.yield %add3A_312, %add3A_318 : i32, i32
    }
    %scan3A_154 = arith.constant 500 : i32
    %swap3A_155 = arith.index_cast %scan3A_153#0 : i32 to index
    %swap3A_156 = tpu.vector_load %arg8[%swap3A_155] {strides = array<i32>} : memref<24608xi32, #tpu.memory_space<vmem>>, vector<16xi32>,
    tpu.vector_store %arg8[%swap3A_155], %broadcast_in_dim3A {strides = array<i32>} : memref<24608xi32, #tpu.memory_space<vmem>>, vector<16xi32>,
    %swap3A_157 = arith.index_cast %scan3A_153#1 : i32 to index
    %swap3A_158 = tpu.vector_load %arg9[%swap3A_157] {strides = array<i32>} : memref<24608xi32, #tpu.memory_space<vmem>>, vector<16xi32>,
    tpu.vector_store %arg9[%swap3A_157], %broadcast_in_dim3A {strides = array<i32>} : memref<24608xi32, #tpu.memory_space<vmem>>, vector<16xi32>,
    %scan3A_159 = arith.constant 0 : i32
    %scan3A_160 = arith.constant 0 : i32
    %scan3A_161 = arith.constant 100 : i32
    %scan3A_162 = arith.addi %scan3A_160, %scan3A_161 : i32
    %scan3A_163 = arith.constant 1 : i32
    %scan3A_164 = scf.for %scan3A_261 = %scan3A_160 to %scan3A_162 step %scan3A_163 iter_args(%scan3A_262 = %scan3A_159) -> (i32)  : i32 {
      %dma_wait3A = tpu.memref_slice %arg4[%mul3A_6] : memref<104857600xf32, #tpu.memory_space<hbm>> -> memref<32768xf32, #tpu.memory_space<hbm>>
      %dma_wait3A_263 = tpu.memref_slice %arg4[%mul3A_6] : memref<104857600xf32, #tpu.memory_space<hbm>> -> memref<32768xf32, #tpu.memory_space<hbm>>
      tpu.wait_dma2 semaphore(%arg11 : memref<!tpu.dma_semaphore, #tpu.memory_space<semaphore_mem>>) src(%arg5 : memref<32768xf32, #tpu.memory_space<vmem>>) dst(%dma_wait3A_263 : memref<32768xf32, #tpu.memory_space<hbm>>)
      %scan3A_264 = arith.constant 0 : i32
      scf.yield %scan3A_264 : i32
    }
    %scan3A_165 = arith.constant 100 : i32
    %add3A_166 = arith.constant 15 : i32
    %add3A_167 = arith.addi %scan3A_153#0, %add3A_166 : i32
    %jit3A = arith.constant 16 : i32
    %div3A = arith.divsi %add3A_167, %jit3A : i32
    %sign3A = arith.constant 0 : i32
    %sign3A_168 = arith.cmpi sgt, %add3A_167, %sign3A : i32
    %sign3A_169 = arith.extui %sign3A_168 : i1 to i32
    %sign3A_170 = arith.constant 0 : i32
    %sign3A_171 = arith.cmpi slt, %add3A_167, %sign3A_170 : i32
    %sign3A_172 = arith.extui %sign3A_171 : i1 to i32
    %sign3A_173 = arith.subi %sign3A_169, %sign3A_172 : i32
    %sign3A_174 = arith.constant 0 : i32
    %sign3A_175 = arith.cmpi sgt, %jit3A, %sign3A_174 : i32
    %sign3A_176 = arith.extui %sign3A_175 : i1 to i32
    %sign3A_177 = arith.constant 0 : i32
    %sign3A_178 = arith.cmpi slt, %jit3A, %sign3A_177 : i32
    %sign3A_179 = arith.extui %sign3A_178 : i1 to i32
    %sign3A_180 = arith.subi %sign3A_176, %sign3A_179 : i32
    %ne3A = arith.cmpi ne, %sign3A_173, %sign3A_180 : i32
    %rem3A = arith.remsi %add3A_167, %jit3A : i32
    %ne3A_181 = arith.constant 0 : i32
    %ne3A_182 = arith.cmpi ne, %rem3A, %ne3A_181 : i32
    %and3A = arith.andi %ne3A, %ne3A_182 : i1
    %sub3A_183 = arith.constant 1 : i32
    %sub3A_184 = arith.subi %div3A, %sub3A_183 : i32
    %select_n3A = arith.select %and3A, %sub3A_184, %div3A : i32
    %while3A = arith.constant 0 : i32
    %while3A_185 = arith.constant 0 : i32
    %while3A_186 = arith.subi %select_n3A, %while3A : i32
    %while3A_187 = arith.addi %while3A, %while3A_186 : i32
    %while3A_188 = arith.constant 1 : i32
    %while3A_189 = arith.divsi %while3A_186, %while3A_188 : i32
    %while3A_190 = arith.muli %while3A_189, %while3A_188 : i32
    %while3A_191 = arith.addi %while3A, %while3A_190 : i32
    %while3A_192 = arith.constant 1 : i32
    %while3A_193 = scf.for %while3A_261 = %while3A to %while3A_191 step %while3A_192 iter_args(%while3A_262 = %while3A_185) -> (i32)  : i32 {
      %ge3A = arith.constant 8 : i32
      %ge3A_263 = arith.cmpi sge, %while3A_261, %ge3A : i32
      %convert_element_type3A = arith.extui %ge3A_263 : i1 to i32
      %cond3A = arith.constant 0 : i32
      %cond3A_264 = arith.cmpi ne, %convert_element_type3A, %cond3A : i32
      scf.if %cond3A_264 {
        %dma_wait3A = arith.constant 0 : i32
        %dma_wait3A_270 = tpu.memref_slice %arg4[%dma_wait3A] : memref<104857600xf32, #tpu.memory_space<hbm>> -> memref<104857600xf32, #tpu.memory_space<hbm>>
        tpu.wait_indirect_dma semaphore(%arg12 : memref<!tpu.dma_semaphore, #tpu.memory_space<semaphore_mem>>) src(%arg10 : memref<16xf32, #tpu.memory_space<vmem>>) dst(%dma_wait3A_270 : memref<104857600xf32, #tpu.memory_space<hbm>>)
      } else {
      }
      %mul3A_265 = arith.constant 16 : i32
      %mul3A_266 = arith.muli %while3A_261, %mul3A_265 : i32
      %get3A = arith.index_cast %mul3A_266 : i32 to index
      %get3A_267 = tpu.vector_load %arg8[%get3A] {strides = array<i32>} : memref<24608xi32, #tpu.memory_space<vmem>>, vector<16xi32>,
      %dma_start3A = arith.constant 0 : i32
      %dma_start3A_268 = tpu.memref_slice %arg4[%dma_start3A] : memref<104857600xf32, #tpu.memory_space<hbm>> -> memref<104857600xf32, #tpu.memory_space<hbm>>
      tpu.enqueue_indirect_dma source(%arg10 : memref<16xf32, #tpu.memory_space<vmem>>) target(%dma_start3A_268 : memref<104857600xf32, #tpu.memory_space<hbm>>) offsets(%get3A_267 : vector<16xi32>) semaphore(%arg12 : memref<!tpu.dma_semaphore, #tpu.memory_space<semaphore_mem>>)
      %while3A_269 = arith.constant 0 : i32
      scf.yield %while3A_269 : i32
    }
    %while3A_194 = arith.constant 1 : i32
    %while3A_195 = scf.for %while3A_261 = %while3A_191 to %while3A_187 step %while3A_194 iter_args(%while3A_262 = %while3A_193) -> (i32)  : i32 {
      %ge3A = arith.constant 8 : i32
      %ge3A_263 = arith.cmpi sge, %while3A_261, %ge3A : i32
      %convert_element_type3A = arith.extui %ge3A_263 : i1 to i32
      %cond3A = arith.constant 0 : i32
      %cond3A_264 = arith.cmpi ne, %convert_element_type3A, %cond3A : i32
      scf.if %cond3A_264 {
        %dma_wait3A = arith.constant 0 : i32
        %dma_wait3A_270 = tpu.memref_slice %arg4[%dma_wait3A] : memref<104857600xf32, #tpu.memory_space<hbm>> -> memref<104857600xf32, #tpu.memory_space<hbm>>
        tpu.wait_indirect_dma semaphore(%arg12 : memref<!tpu.dma_semaphore, #tpu.memory_space<semaphore_mem>>) src(%arg10 : memref<16xf32, #tpu.memory_space<vmem>>) dst(%dma_wait3A_270 : memref<104857600xf32, #tpu.memory_space<hbm>>)
      } else {
      }
      %mul3A_265 = arith.constant 16 : i32
      %mul3A_266 = arith.muli %while3A_261, %mul3A_265 : i32
      %get3A = arith.index_cast %mul3A_266 : i32 to index
      %get3A_267 = tpu.vector_load %arg8[%get3A] {strides = array<i32>} : memref<24608xi32, #tpu.memory_space<vmem>>, vector<16xi32>,
      %dma_start3A = arith.constant 0 : i32
      %dma_start3A_268 = tpu.memref_slice %arg4[%dma_start3A] : memref<104857600xf32, #tpu.memory_space<hbm>> -> memref<104857600xf32, #tpu.memory_space<hbm>>
      tpu.enqueue_indirect_dma source(%arg10 : memref<16xf32, #tpu.memory_space<vmem>>) target(%dma_start3A_268 : memref<104857600xf32, #tpu.memory_space<hbm>>) offsets(%get3A_267 : vector<16xi32>) semaphore(%arg12 : memref<!tpu.dma_semaphore, #tpu.memory_space<semaphore_mem>>)
      %while3A_269 = arith.constant 0 : i32
      scf.yield %while3A_269 : i32
    }
    %min3A = arith.constant 8 : i32
    %min3A_196 = arith.minsi %select_n3A, %min3A : i32
    %while3A_197 = arith.constant 0 : i32
    %while3A_198 = arith.constant 0 : i32
    %while3A_199 = arith.subi %min3A_196, %while3A_197 : i32
    %while3A_200 = arith.addi %while3A_197, %while3A_199 : i32
    %while3A_201 = arith.constant 1 : i32
    %while3A_202 = arith.divsi %while3A_199, %while3A_201 : i32
    %while3A_203 = arith.muli %while3A_202, %while3A_201 : i32
    %while3A_204 = arith.addi %while3A_197, %while3A_203 : i32
    %while3A_205 = arith.constant 1 : i32
    %while3A_206 = scf.for %while3A_261 = %while3A_197 to %while3A_204 step %while3A_205 iter_args(%while3A_262 = %while3A_198) -> (i32)  : i32 {
      %dma_wait3A = arith.constant 0 : i32
      %dma_wait3A_263 = tpu.memref_slice %arg4[%dma_wait3A] : memref<104857600xf32, #tpu.memory_space<hbm>> -> memref<104857600xf32, #tpu.memory_space<hbm>>
      tpu.wait_indirect_dma semaphore(%arg12 : memref<!tpu.dma_semaphore, #tpu.memory_space<semaphore_mem>>) src(%arg10 : memref<16xf32, #tpu.memory_space<vmem>>) dst(%dma_wait3A_263 : memref<104857600xf32, #tpu.memory_space<hbm>>)
      %while3A_264 = arith.constant 0 : i32
      scf.yield %while3A_264 : i32
    }
    %while3A_207 = arith.constant 1 : i32
    %while3A_208 = scf.for %while3A_261 = %while3A_204 to %while3A_200 step %while3A_207 iter_args(%while3A_262 = %while3A_206) -> (i32)  : i32 {
      %dma_wait3A = arith.constant 0 : i32
      %dma_wait3A_263 = tpu.memref_slice %arg4[%dma_wait3A] : memref<104857600xf32, #tpu.memory_space<hbm>> -> memref<104857600xf32, #tpu.memory_space<hbm>>
      tpu.wait_indirect_dma semaphore(%arg12 : memref<!tpu.dma_semaphore, #tpu.memory_space<semaphore_mem>>) src(%arg10 : memref<16xf32, #tpu.memory_space<vmem>>) dst(%dma_wait3A_263 : memref<104857600xf32, #tpu.memory_space<hbm>>)
      %while3A_264 = arith.constant 0 : i32
      scf.yield %while3A_264 : i32
    }
    %add3A_209 = arith.constant 15 : i32
    %add3A_210 = arith.addi %scan3A_153#1, %add3A_209 : i32
    %jit3A_211 = arith.constant 16 : i32
    %div3A_212 = arith.divsi %add3A_210, %jit3A_211 : i32
    %sign3A_213 = arith.constant 0 : i32
    %sign3A_214 = arith.cmpi sgt, %add3A_210, %sign3A_213 : i32
    %sign3A_215 = arith.extui %sign3A_214 : i1 to i32
    %sign3A_216 = arith.constant 0 : i32
    %sign3A_217 = arith.cmpi slt, %add3A_210, %sign3A_216 : i32
    %sign3A_218 = arith.extui %sign3A_217 : i1 to i32
    %sign3A_219 = arith.subi %sign3A_215, %sign3A_218 : i32
    %sign3A_220 = arith.constant 0 : i32
    %sign3A_221 = arith.cmpi sgt, %jit3A_211, %sign3A_220 : i32
    %sign3A_222 = arith.extui %sign3A_221 : i1 to i32
    %sign3A_223 = arith.constant 0 : i32
    %sign3A_224 = arith.cmpi slt, %jit3A_211, %sign3A_223 : i32
    %sign3A_225 = arith.extui %sign3A_224 : i1 to i32
    %sign3A_226 = arith.subi %sign3A_222, %sign3A_225 : i32
    %ne3A_227 = arith.cmpi ne, %sign3A_219, %sign3A_226 : i32
    %rem3A_228 = arith.remsi %add3A_210, %jit3A_211 : i32
    %ne3A_229 = arith.constant 0 : i32
    %ne3A_230 = arith.cmpi ne, %rem3A_228, %ne3A_229 : i32
    %and3A_231 = arith.andi %ne3A_227, %ne3A_230 : i1
    %sub3A_232 = arith.constant 1 : i32
    %sub3A_233 = arith.subi %div3A_212, %sub3A_232 : i32
    %select_n3A_234 = arith.select %and3A_231, %sub3A_233, %div3A_212 : i32
    %while3A_235 = arith.constant 0 : i32
    %while3A_236 = arith.constant 0 : i32
    %while3A_237 = arith.subi %select_n3A_234, %while3A_235 : i32
    %while3A_238 = arith.addi %while3A_235, %while3A_237 : i32
    %while3A_239 = arith.constant 1 : i32
    %while3A_240 = arith.divsi %while3A_237, %while3A_239 : i32
    %while3A_241 = arith.muli %while3A_240, %while3A_239 : i32
    %while3A_242 = arith.addi %while3A_235, %while3A_241 : i32
    %while3A_243 = arith.constant 1 : i32
    %while3A_244 = scf.for %while3A_261 = %while3A_235 to %while3A_242 step %while3A_243 iter_args(%while3A_262 = %while3A_236) -> (i32)  : i32 {
      %ge3A = arith.constant 8 : i32
      %ge3A_263 = arith.cmpi sge, %while3A_261, %ge3A : i32
      %convert_element_type3A = arith.extui %ge3A_263 : i1 to i32
      %cond3A = arith.constant 0 : i32
      %cond3A_264 = arith.cmpi ne, %convert_element_type3A, %cond3A : i32
      scf.if %cond3A_264 {
        %dma_wait3A = arith.constant 0 : i32
        %dma_wait3A_270 = tpu.memref_slice %arg4[%dma_wait3A] : memref<104857600xf32, #tpu.memory_space<hbm>> -> memref<104857600xf32, #tpu.memory_space<hbm>>
        tpu.wait_indirect_dma semaphore(%arg12 : memref<!tpu.dma_semaphore, #tpu.memory_space<semaphore_mem>>) src(%arg10 : memref<16xf32, #tpu.memory_space<vmem>>) dst(%dma_wait3A_270 : memref<104857600xf32, #tpu.memory_space<hbm>>)
      } else {
      }
      %mul3A_265 = arith.constant 16 : i32
      %mul3A_266 = arith.muli %while3A_261, %mul3A_265 : i32
      %get3A = arith.index_cast %mul3A_266 : i32 to index
      %get3A_267 = tpu.vector_load %arg9[%get3A] {strides = array<i32>} : memref<24608xi32, #tpu.memory_space<vmem>>, vector<16xi32>,
      %dma_start3A = arith.constant 0 : i32
      %dma_start3A_268 = tpu.memref_slice %arg4[%dma_start3A] : memref<104857600xf32, #tpu.memory_space<hbm>> -> memref<104857600xf32, #tpu.memory_space<hbm>>
      tpu.enqueue_indirect_dma source(%arg10 : memref<16xf32, #tpu.memory_space<vmem>>) target(%dma_start3A_268 : memref<104857600xf32, #tpu.memory_space<hbm>>) offsets(%get3A_267 : vector<16xi32>) semaphore(%arg12 : memref<!tpu.dma_semaphore, #tpu.memory_space<semaphore_mem>>)
      %while3A_269 = arith.constant 0 : i32
      scf.yield %while3A_269 : i32
    }
    %while3A_245 = arith.constant 1 : i32
    %while3A_246 = scf.for %while3A_261 = %while3A_242 to %while3A_238 step %while3A_245 iter_args(%while3A_262 = %while3A_244) -> (i32)  : i32 {
      %ge3A = arith.constant 8 : i32
      %ge3A_263 = arith.cmpi sge, %while3A_261, %ge3A : i32
      %convert_element_type3A = arith.extui %ge3A_263 : i1 to i32
      %cond3A = arith.constant 0 : i32
      %cond3A_264 = arith.cmpi ne, %convert_element_type3A, %cond3A : i32
      scf.if %cond3A_264 {
        %dma_wait3A = arith.constant 0 : i32
        %dma_wait3A_270 = tpu.memref_slice %arg4[%dma_wait3A] : memref<104857600xf32, #tpu.memory_space<hbm>> -> memref<104857600xf32, #tpu.memory_space<hbm>>
        tpu.wait_indirect_dma semaphore(%arg12 : memref<!tpu.dma_semaphore, #tpu.memory_space<semaphore_mem>>) src(%arg10 : memref<16xf32, #tpu.memory_space<vmem>>) dst(%dma_wait3A_270 : memref<104857600xf32, #tpu.memory_space<hbm>>)
      } else {
      }
      %mul3A_265 = arith.constant 16 : i32
      %mul3A_266 = arith.muli %while3A_261, %mul3A_265 : i32
      %get3A = arith.index_cast %mul3A_266 : i32 to index
      %get3A_267 = tpu.vector_load %arg9[%get3A] {strides = array<i32>} : memref<24608xi32, #tpu.memory_space<vmem>>, vector<16xi32>,
      %dma_start3A = arith.constant 0 : i32
      %dma_start3A_268 = tpu.memref_slice %arg4[%dma_start3A] : memref<104857600xf32, #tpu.memory_space<hbm>> -> memref<104857600xf32, #tpu.memory_space<hbm>>
      tpu.enqueue_indirect_dma source(%arg10 : memref<16xf32, #tpu.memory_space<vmem>>) target(%dma_start3A_268 : memref<104857600xf32, #tpu.memory_space<hbm>>) offsets(%get3A_267 : vector<16xi32>) semaphore(%arg12 : memref<!tpu.dma_semaphore, #tpu.memory_space<semaphore_mem>>)
      %while3A_269 = arith.constant 0 : i32
      scf.yield %while3A_269 : i32
    }
    %min3A_247 = arith.constant 8 : i32
    %min3A_248 = arith.minsi %select_n3A_234, %min3A_247 : i32
    %while3A_249 = arith.constant 0 : i32
    %while3A_250 = arith.constant 0 : i32
    %while3A_251 = arith.subi %min3A_248, %while3A_249 : i32
    %while3A_252 = arith.addi %while3A_249, %while3A_251 : i32
    %while3A_253 = arith.constant 1 : i32
    %while3A_254 = arith.divsi %while3A_251, %while3A_253 : i32
    %while3A_255 = arith.muli %while3A_254, %while3A_253 : i32
    %while3A_256 = arith.addi %while3A_249, %while3A_255 : i32
    %while3A_257 = arith.constant 1 : i32
    %while3A_258 = scf.for %while3A_261 = %while3A_249 to %while3A_256 step %while3A_257 iter_args(%while3A_262 = %while3A_250) -> (i32)  : i32 {
      %dma_wait3A = arith.constant 0 : i32
      %dma_wait3A_263 = tpu.memref_slice %arg4[%dma_wait3A] : memref<104857600xf32, #tpu.memory_space<hbm>> -> memref<104857600xf32, #tpu.memory_space<hbm>>
      tpu.wait_indirect_dma semaphore(%arg12 : memref<!tpu.dma_semaphore, #tpu.memory_space<semaphore_mem>>) src(%arg10 : memref<16xf32, #tpu.memory_space<vmem>>) dst(%dma_wait3A_263 : memref<104857600xf32, #tpu.memory_space<hbm>>)
      %while3A_264 = arith.constant 0 : i32
      scf.yield %while3A_264 : i32
    }
    %while3A_259 = arith.constant 1 : i32
    %while3A_260 = scf.for %while3A_261 = %while3A_256 to %while3A_252 step %while3A_259 iter_args(%while3A_262 = %while3A_258) -> (i32)  : i32 {
      %dma_wait3A = arith.constant 0 : i32
      %dma_wait3A_263 = tpu.memref_slice %arg4[%dma_wait3A] : memref<104857600xf32, #tpu.memory_space<hbm>> -> memref<104857600xf32, #tpu.memory_space<hbm>>
      tpu.wait_indirect_dma semaphore(%arg12 : memref<!tpu.dma_semaphore, #tpu.memory_space<semaphore_mem>>) src(%arg10 : memref<16xf32, #tpu.memory_space<vmem>>) dst(%dma_wait3A_263 : memref<104857600xf32, #tpu.memory_space<hbm>>)
      %while3A_264 = arith.constant 0 : i32
      scf.yield %while3A_264 : i32
    }
    "tpu.region"() ({
      %run_scoped3A = tpu.sem_alloc : memref<!tpu.dma_semaphore, #tpu.memory_space<semaphore_mem>>
      %dma_start3A = arith.constant 0 : i32
      %dma_start3A_261 = tpu.memref_slice %arg5[%dma_start3A] : memref<32768xf32, #tpu.memory_space<vmem>> -> memref<16xf32, #tpu.memory_space<vmem>>
      %dma_start3A_262 = tpu.memref_slice %arg4[%sub3A_9] : memref<104857600xf32, #tpu.memory_space<hbm>> -> memref<16xf32, #tpu.memory_space<hbm>>
      %dma_start3A_263 = tpu.memref_slice %arg4[%sub3A_9] : memref<104857600xf32, #tpu.memory_space<hbm>> -> memref<16xf32, #tpu.memory_space<hbm>>
      %dma_start3A_264 = arith.constant 0 : i32
      %dma_start3A_265 = tpu.memref_slice %arg5[%dma_start3A_264] : memref<32768xf32, #tpu.memory_space<vmem>> -> memref<16xf32, #tpu.memory_space<vmem>>
      tpu.enqueue_dma source(%dma_start3A_265 : memref<16xf32, #tpu.memory_space<vmem>>) target(%dma_start3A_263 : memref<16xf32, #tpu.memory_space<hbm>>) target_semaphore(%run_scoped3A : memref<!tpu.dma_semaphore, #tpu.memory_space<semaphore_mem>>)
      %dma_wait3A = arith.constant 0 : i32
      %dma_wait3A_266 = tpu.memref_slice %arg5[%dma_wait3A] : memref<32768xf32, #tpu.memory_space<vmem>> -> memref<16xf32, #tpu.memory_space<vmem>>
      %dma_wait3A_267 = tpu.memref_slice %arg4[%sub3A_9] : memref<104857600xf32, #tpu.memory_space<hbm>> -> memref<16xf32, #tpu.memory_space<hbm>>
      %dma_wait3A_268 = tpu.memref_slice %arg4[%sub3A_9] : memref<104857600xf32, #tpu.memory_space<hbm>> -> memref<16xf32, #tpu.memory_space<hbm>>
      %dma_wait3A_269 = arith.constant 0 : i32
      %dma_wait3A_270 = tpu.memref_slice %arg5[%dma_wait3A_269] : memref<32768xf32, #tpu.memory_space<vmem>> -> memref<16xf32, #tpu.memory_space<vmem>>
      tpu.wait_dma2 semaphore(%run_scoped3A : memref<!tpu.dma_semaphore, #tpu.memory_space<semaphore_mem>>) src(%dma_wait3A_270 : memref<16xf32, #tpu.memory_space<vmem>>) dst(%dma_wait3A_268 : memref<16xf32, #tpu.memory_space<hbm>>)
      tpu.yield
    }) : () -> ()
    return
  }
}

module attributes {stable_mosaic.version = 14 : i64} {
  func.func @_embed_body(%arg0: i32, %arg1: memref<1024x128xf32, #tpu.memory_space<vmem>>, %arg2: memref<128x64xf32, #tpu.memory_space<vmem>>, %arg3: memref<1x64xf32, #tpu.memory_space<vmem>>, %arg4: memref<1024x128xf32, #tpu.memory_space<vmem>>) attributes {dimension_semantics = [#tpu.dimension_semantics<arbitrary>], iteration_bounds = array<i64: 10>, scalar_prefetch = 0 : i64, scratch_operands = 0 : i64, tpu.core_type = #tpu.core_type<tc>, window_params = [{transform_indices = @transform_0, window_bounds = array<i64: 1024, 128>}, {pipeline_mode = #tpu.pipeline_mode<synchronous>, transform_indices = @transform_1, window_bounds = array<i64: 128, 64>}, {pipeline_mode = #tpu.pipeline_mode<synchronous>, transform_indices = @transform_2, window_bounds = array<i64: 1, 64>}, {transform_indices = @transform_3, window_bounds = array<i64: 1024, 128>}]} {
    %get3A = arith.constant 0 : index
    %get3A_0 = arith.constant 0 : index
    %get3A_1 = vector.load %arg1[%get3A, %get3A_0] : memref<1024x128xf32, #tpu.memory_space<vmem>>, vector<1024x128xf32>
    %get3A_2 = arith.constant 0 : index
    %get3A_3 = arith.constant 0 : index
    %get3A_4 = vector.load %arg2[%get3A_2, %get3A_3] : memref<128x64xf32, #tpu.memory_space<vmem>>, vector<128x64xf32>
    %dot_general3A = arith.constant dense<0.000000e+00> : vector<1024x64xf32>
    %dot_general3A_5 = tpu.matmul %get3A_1, %get3A_4, %dot_general3A {dimension_numbers = #tpu.dot_dimension_numbers<[1], [0], [0], [1], [0, 0, 1, 1], [], []>, transpose_lhs_hint = false} : vector<1024x128xf32>, vector<128x64xf32>, vector<1024x64xf32> -> vector<1024x64xf32>
    %get3A_6 = arith.constant 0 : index
    %get3A_7 = arith.constant 0 : index
    %get3A_8 = vector.load %arg3[%get3A_6, %get3A_7] : memref<1x64xf32, #tpu.memory_space<vmem>>, vector<1x64xf32>
    %add3A = vector.broadcast %get3A_8 : vector<1x64xf32> to vector<1024x64xf32>
    %add3A_9 = arith.addf %dot_general3A_5, %add3A : vector<1024x64xf32>
    %max3A = arith.constant 0.000000e+00 : f32
    %max3A_10 = vector.broadcast %max3A : f32 to vector<1024x64xf32>
    %max3A_11 = arith.maximumf %add3A_9, %max3A_10 : vector<1024x64xf32>
    %broadcast_in_dim3A = arith.constant 1.000000e+00 : f32
    %broadcast_in_dim3A_12 = vector.broadcast %broadcast_in_dim3A : f32 to vector<1024x1xf32>
    %broadcast_in_dim3A_13 = arith.constant 0.000000e+00 : f32
    %broadcast_in_dim3A_14 = vector.broadcast %broadcast_in_dim3A_13 : f32 to vector<1024x63xf32>
    %concatenate3A = tpu.concatenate %max3A_11, %broadcast_in_dim3A_12, %broadcast_in_dim3A_14 in 1 : vector<1024x64xf32>, vector<1024x1xf32>, vector<1024x63xf32> -> vector<1024x128xf32>
    %swap3A = arith.constant 0 : index
    %swap3A_15 = arith.constant 0 : index
    %swap3A_16 = vector.load %arg4[%swap3A, %swap3A_15] : memref<1024x128xf32, #tpu.memory_space<vmem>>, vector<1024x128xf32>
    tpu.vector_store %arg4[%swap3A, %swap3A_15], %concatenate3A {strides = array<i32>} : memref<1024x128xf32, #tpu.memory_space<vmem>>, vector<1024x128xf32>,
    return
  }
  func.func @transform_0(%arg0: i32) -> (i32, i32) {
    %c0_i32 = arith.constant 0 : i32
    %c0_i32_0 = arith.constant 0 : i32
    return %arg0, %c0_i32 : i32, i32
  }
  func.func @transform_1(%arg0: i32) -> (i32, i32) {
    %c0_i32 = arith.constant 0 : i32
    %c0_i32_0 = arith.constant 0 : i32
    %c0_i32_1 = arith.constant 0 : i32
    return %c0_i32, %c0_i32_0 : i32, i32
  }
  func.func @transform_2(%arg0: i32) -> (i32, i32) {
    %c0_i32 = arith.constant 0 : i32
    %c0_i32_0 = arith.constant 0 : i32
    %c0_i32_1 = arith.constant 0 : i32
    return %c0_i32, %c0_i32_0 : i32, i32
  }
  func.func @transform_3(%arg0: i32) -> (i32, i32) {
    %c0_i32 = arith.constant 0 : i32
    %c0_i32_0 = arith.constant 0 : i32
    return %arg0, %c0_i32 : i32, i32
  }
}

module attributes {stable_mosaic.version = 14 : i64} {
  func.func @_cast_body(%arg0: i32, %arg1: memref<2621440xf32, #tpu.memory_space<vmem>>, %arg2: memref<256x10240xbf16, #tpu.memory_space<vmem>>) attributes {dimension_semantics = [#tpu.dimension_semantics<arbitrary>], iteration_bounds = array<i64: 40>, scalar_prefetch = 0 : i64, scratch_operands = 0 : i64, tpu.core_type = #tpu.core_type<tc>, window_params = [{transform_indices = @transform_0, window_bounds = array<i64: 2621440>}, {transform_indices = @transform_1, window_bounds = array<i64: 256, 10240>}]} {
    %get3A = arith.constant 0 : index
    %get3A_0 = vector.load %arg1[%get3A] : memref<2621440xf32, #tpu.memory_space<vmem>>, vector<2621440xf32>
    %reshape3A = vector.shape_cast %get3A_0 : vector<2621440xf32> to vector<256x10240xf32>
    %convert_element_type3A = arith.truncf %reshape3A : vector<256x10240xf32> to vector<256x10240xbf16>
    %swap3A = arith.constant 0 : index
    %swap3A_1 = arith.constant 0 : index
    %swap3A_2 = vector.load %arg2[%swap3A, %swap3A_1] : memref<256x10240xbf16, #tpu.memory_space<vmem>>, vector<256x10240xbf16>
    tpu.vector_store %arg2[%swap3A, %swap3A_1], %convert_element_type3A {strides = array<i32>} : memref<256x10240xbf16, #tpu.memory_space<vmem>>, vector<256x10240xbf16>,
    return
  }
  func.func @transform_0(%arg0: i32) -> i32 {
    %c0_i32 = arith.constant 0 : i32
    return %arg0 : i32
  }
  func.func @transform_1(%arg0: i32) -> (i32, i32) {
    %c0_i32 = arith.constant 0 : i32
    %c0_i32_0 = arith.constant 0 : i32
    return %arg0, %c0_i32 : i32, i32
  }
}

module attributes {stable_mosaic.version = 14 : i64} {
  func.func @_mask2_body(%arg0: i32, %arg1: i32, %arg2: i32, %arg3: memref<1024x2048xbf16, #tpu.memory_space<vmem>>, %arg4: memref<2048x1024xbf16, #tpu.memory_space<vmem>>, %arg5: memref<1024x1024xbf16, #tpu.memory_space<vmem>>, %arg6: memref<1024x1024xbf16, #tpu.memory_space<vmem>>, %arg7: memref<1024x1024xf32, #tpu.memory_space<vmem>>) attributes {dimension_semantics = [#tpu.dimension_semantics<parallel>, #tpu.dimension_semantics<parallel>, #tpu.dimension_semantics<arbitrary>], iteration_bounds = array<i64: 5, 11, 5>, scalar_prefetch = 0 : i64, scratch_operands = 1 : i64, tpu.core_type = #tpu.core_type<tc>, window_params = [{transform_indices = @transform_0, window_bounds = array<i64: 1024, 2048>}, {transform_indices = @transform_1, window_bounds = array<i64: 2048, 1024>}, {transform_indices = @transform_2, window_bounds = array<i64: 1024, 1024>}, {transform_indices = @transform_3, window_bounds = array<i64: 1024, 1024>}]} {
    %eq3A = arith.constant 0 : i32
    %eq3A_0 = arith.cmpi eq, %arg2, %eq3A : i32
    %convert_element_type3A = arith.extui %eq3A_0 : i1 to i32
    %cond3A = arith.constant 0 : i32
    %cond3A_1 = arith.cmpi ne, %convert_element_type3A, %cond3A : i32
    scf.if %cond3A_1 {
      %broadcast_in_dim3A = arith.constant 0.000000e+00 : f32
      %broadcast_in_dim3A_18 = vector.broadcast %broadcast_in_dim3A : f32 to vector<1024x1024xf32>
      %swap3A_19 = arith.constant 0 : index
      %swap3A_20 = arith.constant 0 : index
      %swap3A_21 = vector.load %arg7[%swap3A_19, %swap3A_20] : memref<1024x1024xf32, #tpu.memory_space<vmem>>, vector<1024x1024xf32>
      tpu.vector_store %arg7[%swap3A_19, %swap3A_20], %broadcast_in_dim3A_18 {strides = array<i32>} : memref<1024x1024xf32, #tpu.memory_space<vmem>>, vector<1024x1024xf32>,
    } else {
    }
    %get3A = arith.constant 0 : index
    %get3A_2 = arith.constant 0 : index
    %get3A_3 = vector.load %arg7[%get3A, %get3A_2] : memref<1024x1024xf32, #tpu.memory_space<vmem>>, vector<1024x1024xf32>
    %get3A_4 = arith.constant 0 : index
    %get3A_5 = arith.constant 0 : index
    %get3A_6 = vector.load %arg3[%get3A_4, %get3A_5] : memref<1024x2048xbf16, #tpu.memory_space<vmem>>, vector<1024x2048xbf16>
    %get3A_7 = arith.constant 0 : index
    %get3A_8 = arith.constant 0 : index
    %get3A_9 = vector.load %arg4[%get3A_7, %get3A_8] : memref<2048x1024xbf16, #tpu.memory_space<vmem>>, vector<2048x1024xbf16>
    %dot_general3A = arith.constant dense<0.000000e+00> : vector<1024x1024xf32>
    %dot_general3A_10 = tpu.matmul %get3A_6, %get3A_9, %dot_general3A {dimension_numbers = #tpu.dot_dimension_numbers<[1], [0], [0], [1], [0, 0, 1, 1], [], []>, transpose_lhs_hint = false} : vector<1024x2048xbf16>, vector<2048x1024xbf16>, vector<1024x1024xf32> -> vector<1024x1024xf32>
    %add3A = arith.addf %get3A_3, %dot_general3A_10 : vector<1024x1024xf32>
    %swap3A = arith.constant 0 : index
    %swap3A_11 = arith.constant 0 : index
    %swap3A_12 = vector.load %arg7[%swap3A, %swap3A_11] : memref<1024x1024xf32, #tpu.memory_space<vmem>>, vector<1024x1024xf32>
    tpu.vector_store %arg7[%swap3A, %swap3A_11], %add3A {strides = array<i32>} : memref<1024x1024xf32, #tpu.memory_space<vmem>>, vector<1024x1024xf32>,
    %eq3A_13 = arith.constant 4 : i32
    %eq3A_14 = arith.cmpi eq, %arg2, %eq3A_13 : i32
    %convert_element_type3A_15 = arith.extui %eq3A_14 : i1 to i32
    %cond3A_16 = arith.constant 0 : i32
    %cond3A_17 = arith.cmpi ne, %convert_element_type3A_15, %cond3A_16 : i32
    scf.if %cond3A_17 {
      %gt3A = arith.cmpi sgt, %arg1, %arg0 : i32
      %sub3A = arith.constant 9 : i32
      %sub3A_18 = arith.subi %sub3A, %arg0 : i32
      %select_n3A = arith.select %gt3A, %arg0, %sub3A_18 : i32
      %gt3A_19 = arith.cmpi sgt, %arg1, %arg0 : i32
      %sub3A_20 = arith.constant 1 : i32
      %sub3A_21 = arith.subi %arg1, %sub3A_20 : i32
      %sub3A_22 = arith.constant 9 : i32
      %sub3A_23 = arith.subi %sub3A_22, %arg1 : i32
      %select_n3A_24 = arith.select %gt3A_19, %sub3A_21, %sub3A_23 : i32
      %get3A_25 = arith.constant 0 : index
      %get3A_26 = arith.constant 0 : index
      %get3A_27 = vector.load %arg7[%get3A_25, %get3A_26] : memref<1024x1024xf32, #tpu.memory_space<vmem>>, vector<1024x1024xf32>
      %gt3A_28 = arith.constant 5.000000e-01 : f32
      %gt3A_29 = vector.broadcast %gt3A_28 : f32 to vector<1024x1024xf32>
      %gt3A_30 = arith.cmpf ogt, %get3A_27, %gt3A_29 : vector<1024x1024xf32>
      %get3A_31 = arith.constant 0 : index
      %get3A_32 = arith.constant 0 : index
      %get3A_33 = vector.load %arg5[%get3A_31, %get3A_32] : memref<1024x1024xbf16, #tpu.memory_space<vmem>>, vector<1024x1024xbf16>
      %lt3A = arith.constant 5.000000e-01 : bf16
      %lt3A_34 = vector.broadcast %lt3A : bf16 to vector<1024x1024xbf16>
      %lt3A_35 = arith.cmpf olt, %get3A_33, %lt3A_34 : vector<1024x1024xbf16>
      %and3A = arith.andi %gt3A_30, %lt3A_35 : vector<1024x1024xi1>
      %mul3A = arith.constant 1024 : i32
      %mul3A_36 = arith.muli %select_n3A, %mul3A : i32
      %iota3A = tpu.iota {dimensions = array<i32: 0>} : vector<1024x1024xi32>
      %add3A_37 = vector.broadcast %mul3A_36 : i32 to vector<1024x1024xi32>
      %add3A_38 = arith.addi %add3A_37, %iota3A : vector<1024x1024xi32>
      %mul3A_39 = arith.constant 1024 : i32
      %mul3A_40 = arith.muli %select_n3A_24, %mul3A_39 : i32
      %iota3A_41 = tpu.iota {dimensions = array<i32: 1>} : vector<1024x1024xi32>
      %add3A_42 = vector.broadcast %mul3A_40 : i32 to vector<1024x1024xi32>
      %add3A_43 = arith.addi %add3A_42, %iota3A_41 : vector<1024x1024xi32>
      %ne3A = arith.cmpi ne, %add3A_38, %add3A_43 : vector<1024x1024xi32>
      %and3A_44 = arith.andi %and3A, %ne3A : vector<1024x1024xi1>
      %convert_element_type3A_45 = arith.extui %and3A_44 : vector<1024x1024xi1> to vector<1024x1024xi32>
      %convert_element_type3A_46 = arith.sitofp %convert_element_type3A_45 : vector<1024x1024xi32> to vector<1024x1024xf32>
      %convert_element_type3A_47 = arith.truncf %convert_element_type3A_46 : vector<1024x1024xf32> to vector<1024x1024xbf16>
      %swap3A_48 = arith.constant 0 : index
      %swap3A_49 = arith.constant 0 : index
      %swap3A_50 = vector.load %arg6[%swap3A_48, %swap3A_49] : memref<1024x1024xbf16, #tpu.memory_space<vmem>>, vector<1024x1024xbf16>
      tpu.vector_store %arg6[%swap3A_48, %swap3A_49], %convert_element_type3A_47 {strides = array<i32>} : memref<1024x1024xbf16, #tpu.memory_space<vmem>>, vector<1024x1024xbf16>,
    } else {
    }
    return
  }
  func.func @transform_0(%arg0: i32, %arg1: i32, %arg2: i32) -> (i32, i32) {
    %gt3A = arith.cmpi sgt, %arg1, %arg0 : i32
    %sub3A = arith.constant 9 : i32
    %sub3A_0 = arith.subi %sub3A, %arg0 : i32
    %select_n3A = arith.select %gt3A, %arg0, %sub3A_0 : i32
    %gt3A_1 = arith.cmpi sgt, %arg1, %arg0 : i32
    %sub3A_2 = arith.constant 1 : i32
    %sub3A_3 = arith.subi %arg1, %sub3A_2 : i32
    %sub3A_4 = arith.constant 9 : i32
    %sub3A_5 = arith.subi %sub3A_4, %arg1 : i32
    %select_n3A_6 = arith.select %gt3A_1, %sub3A_3, %sub3A_5 : i32
    %c0_i32 = arith.constant 0 : i32
    return %select_n3A, %arg2 : i32, i32
  }
  func.func @transform_1(%arg0: i32, %arg1: i32, %arg2: i32) -> (i32, i32) {
    %gt3A = arith.cmpi sgt, %arg1, %arg0 : i32
    %sub3A = arith.constant 9 : i32
    %sub3A_0 = arith.subi %sub3A, %arg0 : i32
    %select_n3A = arith.select %gt3A, %arg0, %sub3A_0 : i32
    %gt3A_1 = arith.cmpi sgt, %arg1, %arg0 : i32
    %sub3A_2 = arith.constant 1 : i32
    %sub3A_3 = arith.subi %arg1, %sub3A_2 : i32
    %sub3A_4 = arith.constant 9 : i32
    %sub3A_5 = arith.subi %sub3A_4, %arg1 : i32
    %select_n3A_6 = arith.select %gt3A_1, %sub3A_3, %sub3A_5 : i32
    %c0_i32 = arith.constant 0 : i32
    return %arg2, %select_n3A_6 : i32, i32
  }
  func.func @transform_2(%arg0: i32, %arg1: i32, %arg2: i32) -> (i32, i32) {
    %gt3A = arith.cmpi sgt, %arg1, %arg0 : i32
    %sub3A = arith.constant 9 : i32
    %sub3A_0 = arith.subi %sub3A, %arg0 : i32
    %select_n3A = arith.select %gt3A, %arg0, %sub3A_0 : i32
    %gt3A_1 = arith.cmpi sgt, %arg1, %arg0 : i32
    %sub3A_2 = arith.constant 1 : i32
    %sub3A_3 = arith.subi %arg1, %sub3A_2 : i32
    %sub3A_4 = arith.constant 9 : i32
    %sub3A_5 = arith.subi %sub3A_4, %arg1 : i32
    %select_n3A_6 = arith.select %gt3A_1, %sub3A_3, %sub3A_5 : i32
    %c0_i32 = arith.constant 0 : i32
    return %select_n3A, %select_n3A_6 : i32, i32
  }
  func.func @transform_3(%arg0: i32, %arg1: i32, %arg2: i32) -> (i32, i32) {
    %gt3A = arith.cmpi sgt, %arg1, %arg0 : i32
    %sub3A = arith.constant 9 : i32
    %sub3A_0 = arith.subi %sub3A, %arg0 : i32
    %select_n3A = arith.select %gt3A, %arg0, %sub3A_0 : i32
    %gt3A_1 = arith.cmpi sgt, %arg1, %arg0 : i32
    %sub3A_2 = arith.constant 1 : i32
    %sub3A_3 = arith.subi %arg1, %sub3A_2 : i32
    %sub3A_4 = arith.constant 9 : i32
    %sub3A_5 = arith.subi %sub3A_4, %arg1 : i32
    %select_n3A_6 = arith.select %gt3A_1, %sub3A_3, %sub3A_5 : i32
    %c0_i32 = arith.constant 0 : i32
    return %select_n3A, %select_n3A_6 : i32, i32
  }
}

module attributes {stable_mosaic.version = 14 : i64} {
  func.func @_layer_body(%arg0: i32, %arg1: i32, %arg2: memref<1024x1024xbf16, #tpu.memory_space<vmem>>, %arg3: memref<1024x1024xbf16, #tpu.memory_space<vmem>>, %arg4: memref<1024x128xf32, #tpu.memory_space<vmem>>, %arg5: memref<1024x128xf32, #tpu.memory_space<vmem>>, %arg6: memref<64x64xf32, #tpu.memory_space<vmem>>, %arg7: memref<64x64xf32, #tpu.memory_space<vmem>>, %arg8: memref<64x64xf32, #tpu.memory_space<vmem>>, %arg9: memref<1x64xf32, #tpu.memory_space<vmem>>, %arg10: memref<1024x128xf32, #tpu.memory_space<vmem>>, %arg11: memref<1024x128xf32, #tpu.memory_space<vmem>>, %arg12: memref<1024x128xf32, #tpu.memory_space<vmem>>) attributes {dimension_semantics = [#tpu.dimension_semantics<parallel>, #tpu.dimension_semantics<arbitrary>], iteration_bounds = array<i64: 10, 10>, scalar_prefetch = 0 : i64, scratch_operands = 2 : i64, tpu.core_type = #tpu.core_type<tc>, window_params = [{transform_indices = @transform_0, window_bounds = array<i64: 1024, 1024>}, {transform_indices = @transform_1, window_bounds = array<i64: 1024, 1024>}, {transform_indices = @transform_2, window_bounds = array<i64: 1024, 128>}, {transform_indices = @transform_3, window_bounds = array<i64: 1024, 128>}, {pipeline_mode = #tpu.pipeline_mode<synchronous>, transform_indices = @transform_4, window_bounds = array<i64: 64, 64>}, {pipeline_mode = #tpu.pipeline_mode<synchronous>, transform_indices = @transform_5, window_bounds = array<i64: 64, 64>}, {pipeline_mode = #tpu.pipeline_mode<synchronous>, transform_indices = @transform_6, window_bounds = array<i64: 64, 64>}, {pipeline_mode = #tpu.pipeline_mode<synchronous>, transform_indices = @transform_7, window_bounds = array<i64: 1, 64>}, {transform_indices = @transform_8, window_bounds = array<i64: 1024, 128>}]} {
    %eq3A = arith.constant 0 : i32
    %eq3A_0 = arith.cmpi eq, %arg1, %eq3A : i32
    %convert_element_type3A = arith.extui %eq3A_0 : i1 to i32
    %cond3A = arith.constant 0 : i32
    %cond3A_1 = arith.cmpi ne, %convert_element_type3A, %cond3A : i32
    scf.if %cond3A_1 {
      %broadcast_in_dim3A = arith.constant 0.000000e+00 : f32
      %broadcast_in_dim3A_29 = vector.broadcast %broadcast_in_dim3A : f32 to vector<1024x128xf32>
      %swap3A_30 = arith.constant 0 : index
      %swap3A_31 = arith.constant 0 : index
      %swap3A_32 = vector.load %arg11[%swap3A_30, %swap3A_31] : memref<1024x128xf32, #tpu.memory_space<vmem>>, vector<1024x128xf32>
      tpu.vector_store %arg11[%swap3A_30, %swap3A_31], %broadcast_in_dim3A_29 {strides = array<i32>} : memref<1024x128xf32, #tpu.memory_space<vmem>>, vector<1024x128xf32>,
      %broadcast_in_dim3A_33 = arith.constant 0.000000e+00 : f32
      %broadcast_in_dim3A_34 = vector.broadcast %broadcast_in_dim3A_33 : f32 to vector<1024x128xf32>
      %swap3A_35 = arith.constant 0 : index
      %swap3A_36 = arith.constant 0 : index
      %swap3A_37 = vector.load %arg12[%swap3A_35, %swap3A_36] : memref<1024x128xf32, #tpu.memory_space<vmem>>, vector<1024x128xf32>
      tpu.vector_store %arg12[%swap3A_35, %swap3A_36], %broadcast_in_dim3A_34 {strides = array<i32>} : memref<1024x128xf32, #tpu.memory_space<vmem>>, vector<1024x128xf32>,
    } else {
    }
    %get3A = arith.constant 0 : index
    %get3A_2 = arith.constant 0 : index
    %get3A_3 = vector.load %arg4[%get3A, %get3A_2] : memref<1024x128xf32, #tpu.memory_space<vmem>>, vector<1024x128xf32>
    %get3A_4 = arith.constant 0 : index
    %get3A_5 = arith.constant 0 : index
    %get3A_6 = vector.load %arg11[%get3A_4, %get3A_5] : memref<1024x128xf32, #tpu.memory_space<vmem>>, vector<1024x128xf32>
    %get3A_7 = arith.constant 0 : index
    %get3A_8 = arith.constant 0 : index
    %get3A_9 = vector.load %arg2[%get3A_7, %get3A_8] : memref<1024x1024xbf16, #tpu.memory_space<vmem>>, vector<1024x1024xbf16>
    %convert_element_type3A_10 = arith.extf %get3A_9 : vector<1024x1024xbf16> to vector<1024x1024xf32>
    %dot_general3A = arith.constant dense<0.000000e+00> : vector<1024x128xf32>
    %dot_general3A_11 = tpu.matmul %convert_element_type3A_10, %get3A_3, %dot_general3A {dimension_numbers = #tpu.dot_dimension_numbers<[1], [0], [0], [1], [0, 0, 1, 1], [], []>, transpose_lhs_hint = false} : vector<1024x1024xf32>, vector<1024x128xf32>, vector<1024x128xf32> -> vector<1024x128xf32>
    %add3A = arith.addf %get3A_6, %dot_general3A_11 : vector<1024x128xf32>
    %swap3A = arith.constant 0 : index
    %swap3A_12 = arith.constant 0 : index
    %swap3A_13 = vector.load %arg11[%swap3A, %swap3A_12] : memref<1024x128xf32, #tpu.memory_space<vmem>>, vector<1024x128xf32>
    tpu.vector_store %arg11[%swap3A, %swap3A_12], %add3A {strides = array<i32>} : memref<1024x128xf32, #tpu.memory_space<vmem>>, vector<1024x128xf32>,
    %get3A_14 = arith.constant 0 : index
    %get3A_15 = arith.constant 0 : index
    %get3A_16 = vector.load %arg3[%get3A_14, %get3A_15] : memref<1024x1024xbf16, #tpu.memory_space<vmem>>, vector<1024x1024xbf16>
    %convert_element_type3A_17 = arith.extf %get3A_16 : vector<1024x1024xbf16> to vector<1024x1024xf32>
    %ge3A = arith.cmpi sge, %arg1, %arg0 : i32
    %convert_element_type3A_18 = arith.extui %ge3A : i1 to i32
    %cond3A_19 = arith.constant 0 : i32
    %cond3A_20 = arith.cmpi ne, %convert_element_type3A_18, %cond3A_19 : i32
    scf.if %cond3A_20 {
      %get3A_29 = arith.constant 0 : index
      %get3A_30 = arith.constant 0 : index
      %get3A_31 = vector.load %arg12[%get3A_29, %get3A_30] : memref<1024x128xf32, #tpu.memory_space<vmem>>, vector<1024x128xf32>
      %dot_general3A_32 = arith.constant dense<0.000000e+00> : vector<1024x128xf32>
      %dot_general3A_33 = tpu.matmul %convert_element_type3A_17, %get3A_3, %dot_general3A_32 {dimension_numbers = #tpu.dot_dimension_numbers<[1], [0], [0], [1], [0, 0, 1, 1], [], []>, transpose_lhs_hint = false} : vector<1024x1024xf32>, vector<1024x128xf32>, vector<1024x128xf32> -> vector<1024x128xf32>
      %add3A_34 = arith.addf %get3A_31, %dot_general3A_33 : vector<1024x128xf32>
      %swap3A_35 = arith.constant 0 : index
      %swap3A_36 = arith.constant 0 : index
      %swap3A_37 = vector.load %arg12[%swap3A_35, %swap3A_36] : memref<1024x128xf32, #tpu.memory_space<vmem>>, vector<1024x128xf32>
      tpu.vector_store %arg12[%swap3A_35, %swap3A_36], %add3A_34 {strides = array<i32>} : memref<1024x128xf32, #tpu.memory_space<vmem>>, vector<1024x128xf32>,
    } else {
    }
    %lt3A = arith.cmpi slt, %arg1, %arg0 : i32
    %convert_element_type3A_21 = arith.extui %lt3A : i1 to i32
    %cond3A_22 = arith.constant 0 : i32
    %cond3A_23 = arith.cmpi ne, %convert_element_type3A_21, %cond3A_22 : i32
    scf.if %cond3A_23 {
      %get3A_29 = arith.constant 0 : index
      %get3A_30 = arith.constant 0 : index
      %get3A_31 = vector.load %arg12[%get3A_29, %get3A_30] : memref<1024x128xf32, #tpu.memory_space<vmem>>, vector<1024x128xf32>
      %dot_general3A_32 = arith.constant dense<0.000000e+00> : vector<1024x128xf32>
      %dot_general3A_33 = tpu.matmul %convert_element_type3A_17, %get3A_3, %dot_general3A_32 {dimension_numbers = #tpu.dot_dimension_numbers<[0], [0], [1], [1], [0, 1, 1, 1], [], []>, transpose_lhs_hint = false} : vector<1024x1024xf32>, vector<1024x128xf32>, vector<1024x128xf32> -> vector<1024x128xf32>
      %add3A_34 = arith.addf %get3A_31, %dot_general3A_33 : vector<1024x128xf32>
      %swap3A_35 = arith.constant 0 : index
      %swap3A_36 = arith.constant 0 : index
      %swap3A_37 = vector.load %arg12[%swap3A_35, %swap3A_36] : memref<1024x128xf32, #tpu.memory_space<vmem>>, vector<1024x128xf32>
      tpu.vector_store %arg12[%swap3A_35, %swap3A_36], %add3A_34 {strides = array<i32>} : memref<1024x128xf32, #tpu.memory_space<vmem>>, vector<1024x128xf32>,
    } else {
    }
    %eq3A_24 = arith.constant 9 : i32
    %eq3A_25 = arith.cmpi eq, %arg1, %eq3A_24 : i32
    %convert_element_type3A_26 = arith.extui %eq3A_25 : i1 to i32
    %cond3A_27 = arith.constant 0 : i32
    %cond3A_28 = arith.cmpi ne, %convert_element_type3A_26, %cond3A_27 : i32
    scf.if %cond3A_28 {
      %get3A_29 = arith.constant 0 : index
      %get3A_30 = arith.constant 0 : index
      %get3A_31 = vector.load %arg11[%get3A_29, %get3A_30] : memref<1024x128xf32, #tpu.memory_space<vmem>>, vector<1024x128xf32>
      %get3A_32 = arith.constant 0 : index
      %get3A_33 = arith.constant 0 : index
      %get3A_34 = vector.load %arg12[%get3A_32, %get3A_33] : memref<1024x128xf32, #tpu.memory_space<vmem>>, vector<1024x128xf32>
      %slice3A = vector.extract_strided_slice %get3A_31 {offsets = [0, 0], sizes = [1024, 64], strides = [1, 1]} : vector<1024x128xf32> to vector<1024x64xf32>
      %slice3A_35 = vector.extract_strided_slice %get3A_31 {offsets = [0, 64], sizes = [1024, 1], strides = [1, 1]} : vector<1024x128xf32> to vector<1024x1xf32>
      %max3A = arith.constant 1.000000e+00 : f32
      %max3A_36 = vector.broadcast %max3A : f32 to vector<1024x1xf32>
      %max3A_37 = arith.maximumf %slice3A_35, %max3A_36 : vector<1024x1xf32>
      %div3A = vector.broadcast %max3A_37 : vector<1024x1xf32> to vector<1024x64xf32>
      %div3A_38 = arith.divf %slice3A, %div3A : vector<1024x64xf32>
      %slice3A_39 = vector.extract_strided_slice %get3A_34 {offsets = [0, 0], sizes = [1024, 64], strides = [1, 1]} : vector<1024x128xf32> to vector<1024x64xf32>
      %slice3A_40 = vector.extract_strided_slice %get3A_34 {offsets = [0, 64], sizes = [1024, 1], strides = [1, 1]} : vector<1024x128xf32> to vector<1024x1xf32>
      %max3A_41 = arith.constant 1.000000e+00 : f32
      %max3A_42 = vector.broadcast %max3A_41 : f32 to vector<1024x1xf32>
      %max3A_43 = arith.maximumf %slice3A_40, %max3A_42 : vector<1024x1xf32>
      %div3A_44 = vector.broadcast %max3A_43 : vector<1024x1xf32> to vector<1024x64xf32>
      %div3A_45 = arith.divf %slice3A_39, %div3A_44 : vector<1024x64xf32>
      %get3A_46 = arith.constant 0 : index
      %get3A_47 = arith.constant 0 : index
      %get3A_48 = vector.load %arg5[%get3A_46, %get3A_47] : memref<1024x128xf32, #tpu.memory_space<vmem>>, vector<1024x64xf32>
      %get3A_49 = arith.constant 0 : index
      %get3A_50 = arith.constant 0 : index
      %get3A_51 = vector.load %arg6[%get3A_49, %get3A_50] : memref<64x64xf32, #tpu.memory_space<vmem>>, vector<64x64xf32>
      %dot_general3A_52 = arith.constant dense<0.000000e+00> : vector<1024x64xf32>
      %dot_general3A_53 = tpu.matmul %get3A_48, %get3A_51, %dot_general3A_52 {dimension_numbers = #tpu.dot_dimension_numbers<[1], [0], [0], [1], [0, 0, 1, 1], [], []>, transpose_lhs_hint = false} : vector<1024x64xf32>, vector<64x64xf32>, vector<1024x64xf32> -> vector<1024x64xf32>
      %get3A_54 = arith.constant 0 : index
      %get3A_55 = arith.constant 0 : index
      %get3A_56 = vector.load %arg7[%get3A_54, %get3A_55] : memref<64x64xf32, #tpu.memory_space<vmem>>, vector<64x64xf32>
      %dot_general3A_57 = arith.constant dense<0.000000e+00> : vector<1024x64xf32>
      %dot_general3A_58 = tpu.matmul %div3A_38, %get3A_56, %dot_general3A_57 {dimension_numbers = #tpu.dot_dimension_numbers<[1], [0], [0], [1], [0, 0, 1, 1], [], []>, transpose_lhs_hint = false} : vector<1024x64xf32>, vector<64x64xf32>, vector<1024x64xf32> -> vector<1024x64xf32>
      %add3A_59 = arith.addf %dot_general3A_53, %dot_general3A_58 : vector<1024x64xf32>
      %get3A_60 = arith.constant 0 : index
      %get3A_61 = arith.constant 0 : index
      %get3A_62 = vector.load %arg8[%get3A_60, %get3A_61] : memref<64x64xf32, #tpu.memory_space<vmem>>, vector<64x64xf32>
      %dot_general3A_63 = arith.constant dense<0.000000e+00> : vector<1024x64xf32>
      %dot_general3A_64 = tpu.matmul %div3A_45, %get3A_62, %dot_general3A_63 {dimension_numbers = #tpu.dot_dimension_numbers<[1], [0], [0], [1], [0, 0, 1, 1], [], []>, transpose_lhs_hint = false} : vector<1024x64xf32>, vector<64x64xf32>, vector<1024x64xf32> -> vector<1024x64xf32>
      %add3A_65 = arith.addf %add3A_59, %dot_general3A_64 : vector<1024x64xf32>
      %get3A_66 = arith.constant 0 : index
      %get3A_67 = arith.constant 0 : index
      %get3A_68 = vector.load %arg9[%get3A_66, %get3A_67] : memref<1x64xf32, #tpu.memory_space<vmem>>, vector<1x64xf32>
      %add3A_69 = vector.broadcast %get3A_68 : vector<1x64xf32> to vector<1024x64xf32>
      %add3A_70 = arith.addf %add3A_65, %add3A_69 : vector<1024x64xf32>
      %max3A_71 = arith.constant 0.000000e+00 : f32
      %max3A_72 = vector.broadcast %max3A_71 : f32 to vector<1024x64xf32>
      %max3A_73 = arith.maximumf %add3A_70, %max3A_72 : vector<1024x64xf32>
      %broadcast_in_dim3A = arith.constant 1.000000e+00 : f32
      %broadcast_in_dim3A_74 = vector.broadcast %broadcast_in_dim3A : f32 to vector<1024x1xf32>
      %broadcast_in_dim3A_75 = arith.constant 0.000000e+00 : f32
      %broadcast_in_dim3A_76 = vector.broadcast %broadcast_in_dim3A_75 : f32 to vector<1024x63xf32>
      %concatenate3A = tpu.concatenate %max3A_73, %broadcast_in_dim3A_74, %broadcast_in_dim3A_76 in 1 : vector<1024x64xf32>, vector<1024x1xf32>, vector<1024x63xf32> -> vector<1024x128xf32>
      %swap3A_77 = arith.constant 0 : index
      %swap3A_78 = arith.constant 0 : index
      %swap3A_79 = vector.load %arg10[%swap3A_77, %swap3A_78] : memref<1024x128xf32, #tpu.memory_space<vmem>>, vector<1024x128xf32>
      tpu.vector_store %arg10[%swap3A_77, %swap3A_78], %concatenate3A {strides = array<i32>} : memref<1024x128xf32, #tpu.memory_space<vmem>>, vector<1024x128xf32>,
    } else {
    }
    return
  }
  func.func @transform_0(%arg0: i32, %arg1: i32) -> (i32, i32) {
    %c0_i32 = arith.constant 0 : i32
    return %arg0, %arg1 : i32, i32
  }
  func.func @transform_1(%arg0: i32, %arg1: i32) -> (i32, i32) {
    %min3A = arith.minsi %arg0, %arg1 : i32
    %max3A = arith.maxsi %arg0, %arg1 : i32
    %c0_i32 = arith.constant 0 : i32
    return %min3A, %max3A : i32, i32
  }
  func.func @transform_2(%arg0: i32, %arg1: i32) -> (i32, i32) {
    %c0_i32 = arith.constant 0 : i32
    %c0_i32_0 = arith.constant 0 : i32
    return %arg1, %c0_i32 : i32, i32
  }
  func.func @transform_3(%arg0: i32, %arg1: i32) -> (i32, i32) {
    %c0_i32 = arith.constant 0 : i32
    %c0_i32_0 = arith.constant 0 : i32
    return %arg0, %c0_i32 : i32, i32
  }
  func.func @transform_4(%arg0: i32, %arg1: i32) -> (i32, i32) {
    %c0_i32 = arith.constant 0 : i32
    %c0_i32_0 = arith.constant 0 : i32
    %c0_i32_1 = arith.constant 0 : i32
    return %c0_i32, %c0_i32_0 : i32, i32
  }
  func.func @transform_5(%arg0: i32, %arg1: i32) -> (i32, i32) {
    %c0_i32 = arith.constant 0 : i32
    %c0_i32_0 = arith.constant 0 : i32
    %c0_i32_1 = arith.constant 0 : i32
    return %c0_i32, %c0_i32_0 : i32, i32
  }
  func.func @transform_6(%arg0: i32, %arg1: i32) -> (i32, i32) {
    %c0_i32 = arith.constant 0 : i32
    %c0_i32_0 = arith.constant 0 : i32
    %c0_i32_1 = arith.constant 0 : i32
    return %c0_i32, %c0_i32_0 : i32, i32
  }
  func.func @transform_7(%arg0: i32, %arg1: i32) -> (i32, i32) {
    %c0_i32 = arith.constant 0 : i32
    %c0_i32_0 = arith.constant 0 : i32
    %c0_i32_1 = arith.constant 0 : i32
    return %c0_i32, %c0_i32_0 : i32, i32
  }
  func.func @transform_8(%arg0: i32, %arg1: i32) -> (i32, i32) {
    %c0_i32 = arith.constant 0 : i32
    %c0_i32_0 = arith.constant 0 : i32
    return %arg0, %c0_i32 : i32, i32
  }
}

module attributes {stable_mosaic.version = 14 : i64} {
  func.func @_cls_body(%arg0: i32, %arg1: memref<1024x128xf32, #tpu.memory_space<vmem>>, %arg2: memref<1024x128xf32, #tpu.memory_space<vmem>>, %arg3: memref<1024x128xf32, #tpu.memory_space<vmem>>, %arg4: memref<64x40xf32, #tpu.memory_space<vmem>>, %arg5: memref<64x40xf32, #tpu.memory_space<vmem>>, %arg6: memref<64x40xf32, #tpu.memory_space<vmem>>, %arg7: memref<1x40xf32, #tpu.memory_space<vmem>>, %arg8: memref<1024x40xf32, #tpu.memory_space<vmem>>) attributes {dimension_semantics = [#tpu.dimension_semantics<arbitrary>], iteration_bounds = array<i64: 10>, scalar_prefetch = 0 : i64, scratch_operands = 0 : i64, tpu.core_type = #tpu.core_type<tc>, window_params = [{transform_indices = @transform_0, window_bounds = array<i64: 1024, 128>}, {transform_indices = @transform_1, window_bounds = array<i64: 1024, 128>}, {transform_indices = @transform_2, window_bounds = array<i64: 1024, 128>}, {pipeline_mode = #tpu.pipeline_mode<synchronous>, transform_indices = @transform_3, window_bounds = array<i64: 64, 40>}, {pipeline_mode = #tpu.pipeline_mode<synchronous>, transform_indices = @transform_4, window_bounds = array<i64: 64, 40>}, {pipeline_mode = #tpu.pipeline_mode<synchronous>, transform_indices = @transform_5, window_bounds = array<i64: 64, 40>}, {pipeline_mode = #tpu.pipeline_mode<synchronous>, transform_indices = @transform_6, window_bounds = array<i64: 1, 40>}, {transform_indices = @transform_7, window_bounds = array<i64: 1024, 40>}]} {
    %get3A = arith.constant 0 : index
    %get3A_0 = arith.constant 0 : index
    %get3A_1 = vector.load %arg1[%get3A, %get3A_0] : memref<1024x128xf32, #tpu.memory_space<vmem>>, vector<1024x64xf32>
    %get3A_2 = arith.constant 0 : index
    %get3A_3 = arith.constant 0 : index
    %get3A_4 = vector.load %arg4[%get3A_2, %get3A_3] : memref<64x40xf32, #tpu.memory_space<vmem>>, vector<64x40xf32>
    %dot_general3A = arith.constant dense<0.000000e+00> : vector<1024x40xf32>
    %dot_general3A_5 = tpu.matmul %get3A_1, %get3A_4, %dot_general3A {dimension_numbers = #tpu.dot_dimension_numbers<[1], [0], [0], [1], [0, 0, 1, 1], [], []>, transpose_lhs_hint = false} : vector<1024x64xf32>, vector<64x40xf32>, vector<1024x40xf32> -> vector<1024x40xf32>
    %get3A_6 = arith.constant 0 : index
    %get3A_7 = arith.constant 0 : index
    %get3A_8 = vector.load %arg2[%get3A_6, %get3A_7] : memref<1024x128xf32, #tpu.memory_space<vmem>>, vector<1024x64xf32>
    %get3A_9 = arith.constant 0 : index
    %get3A_10 = arith.constant 0 : index
    %get3A_11 = vector.load %arg5[%get3A_9, %get3A_10] : memref<64x40xf32, #tpu.memory_space<vmem>>, vector<64x40xf32>
    %dot_general3A_12 = arith.constant dense<0.000000e+00> : vector<1024x40xf32>
    %dot_general3A_13 = tpu.matmul %get3A_8, %get3A_11, %dot_general3A_12 {dimension_numbers = #tpu.dot_dimension_numbers<[1], [0], [0], [1], [0, 0, 1, 1], [], []>, transpose_lhs_hint = false} : vector<1024x64xf32>, vector<64x40xf32>, vector<1024x40xf32> -> vector<1024x40xf32>
    %add3A = arith.addf %dot_general3A_5, %dot_general3A_13 : vector<1024x40xf32>
    %get3A_14 = arith.constant 0 : index
    %get3A_15 = arith.constant 0 : index
    %get3A_16 = vector.load %arg3[%get3A_14, %get3A_15] : memref<1024x128xf32, #tpu.memory_space<vmem>>, vector<1024x64xf32>
    %get3A_17 = arith.constant 0 : index
    %get3A_18 = arith.constant 0 : index
    %get3A_19 = vector.load %arg6[%get3A_17, %get3A_18] : memref<64x40xf32, #tpu.memory_space<vmem>>, vector<64x40xf32>
    %dot_general3A_20 = arith.constant dense<0.000000e+00> : vector<1024x40xf32>
    %dot_general3A_21 = tpu.matmul %get3A_16, %get3A_19, %dot_general3A_20 {dimension_numbers = #tpu.dot_dimension_numbers<[1], [0], [0], [1], [0, 0, 1, 1], [], []>, transpose_lhs_hint = false} : vector<1024x64xf32>, vector<64x40xf32>, vector<1024x40xf32> -> vector<1024x40xf32>
    %add3A_22 = arith.addf %add3A, %dot_general3A_21 : vector<1024x40xf32>
    %get3A_23 = arith.constant 0 : index
    %get3A_24 = arith.constant 0 : index
    %get3A_25 = vector.load %arg7[%get3A_23, %get3A_24] : memref<1x40xf32, #tpu.memory_space<vmem>>, vector<1x40xf32>
    %add3A_26 = vector.broadcast %get3A_25 : vector<1x40xf32> to vector<1024x40xf32>
    %add3A_27 = arith.addf %add3A_22, %add3A_26 : vector<1024x40xf32>
    %swap3A = arith.constant 0 : index
    %swap3A_28 = arith.constant 0 : index
    %swap3A_29 = vector.load %arg8[%swap3A, %swap3A_28] : memref<1024x40xf32, #tpu.memory_space<vmem>>, vector<1024x40xf32>
    tpu.vector_store %arg8[%swap3A, %swap3A_28], %add3A_27 {strides = array<i32>} : memref<1024x40xf32, #tpu.memory_space<vmem>>, vector<1024x40xf32>,
    return
  }
  func.func @transform_0(%arg0: i32) -> (i32, i32) {
    %c0_i32 = arith.constant 0 : i32
    %c0_i32_0 = arith.constant 0 : i32
    return %arg0, %c0_i32 : i32, i32
  }
  func.func @transform_1(%arg0: i32) -> (i32, i32) {
    %c0_i32 = arith.constant 0 : i32
    %c0_i32_0 = arith.constant 0 : i32
    return %arg0, %c0_i32 : i32, i32
  }
  func.func @transform_2(%arg0: i32) -> (i32, i32) {
    %c0_i32 = arith.constant 0 : i32
    %c0_i32_0 = arith.constant 0 : i32
    return %arg0, %c0_i32 : i32, i32
  }
  func.func @transform_3(%arg0: i32) -> (i32, i32) {
    %c0_i32 = arith.constant 0 : i32
    %c0_i32_0 = arith.constant 0 : i32
    %c0_i32_1 = arith.constant 0 : i32
    return %c0_i32, %c0_i32_0 : i32, i32
  }
  func.func @transform_4(%arg0: i32) -> (i32, i32) {
    %c0_i32 = arith.constant 0 : i32
    %c0_i32_0 = arith.constant 0 : i32
    %c0_i32_1 = arith.constant 0 : i32
    return %c0_i32, %c0_i32_0 : i32, i32
  }
  func.func @transform_5(%arg0: i32) -> (i32, i32) {
    %c0_i32 = arith.constant 0 : i32
    %c0_i32_0 = arith.constant 0 : i32
    %c0_i32_1 = arith.constant 0 : i32
    return %c0_i32, %c0_i32_0 : i32, i32
  }
  func.func @transform_6(%arg0: i32) -> (i32, i32) {
    %c0_i32 = arith.constant 0 : i32
    %c0_i32_0 = arith.constant 0 : i32
    %c0_i32_1 = arith.constant 0 : i32
    return %c0_i32, %c0_i32_0 : i32, i32
  }
  func.func @transform_7(%arg0: i32) -> (i32, i32) {
    %c0_i32 = arith.constant 0 : i32
    %c0_i32_0 = arith.constant 0 : i32
    return %arg0, %c0_i32 : i32, i32
  }
}

</mosaic_0001>

<sc_bundles>
// kernel: kernel.9.cloned.1.call-start
scs
__scs_entry_jumppad:
0x0: {  	(pc) =	sbr.rel $0x88, $3  }
0x1: {  	(tag) =	ssettag $0x0;
	lr =	simm.s32 $0x1  }
0x2: {  	[smem:$0x3F97] =	sst lr;
	_ =	strace $0xD0000000  }
0x3: {  	_ = 	snop  }
0x4: {  	_ = 	snop  }
0x5: {  	_ = 	snop  }
0x6: {  	_ = 	snop  }
0x7: {  	_ = 	snop  }
__scs_overlays_trampoline_lowered:
0x8: {  	[smem:$0x3FA6] =	sst s0  }
0x9: {  	[smem:$0x3FA7] =	sst s1  }
0xa: {  	[smem:$0x3FA8] =	sst s2  }
0xb: {  	[smem:$0x3FA9] =	sst s3  }
0xc: {  	[smem:$0x3FAA] =	sst s4  }
0xd: {  	[smem:$0x3FAB] =	sst s5  }
0xe: {  	[smem:$0x3FAC] =	sst s6  }
0xf: {  	[smem:$0x3FAD] =	sst s7  }
0x10: {  	[smem:$0x3FAE] =	sst s8  }
0x11: {  	[smem:$0x3FAF] =	sst s9;
	s0 =	simm.s32 @!p0 $0x0  }
0x12: {  	s1 =	sld [smem:$0x3F95];
	s0 =	simm.s32 @p0 $0x1  }
0x13: {  	[smem:$0x3FB0] =	sst s0;
	s0 =	simm.s32 @!p1 $0x0  }
0x14: {  	s2 =	sld [smem:$0x3F94];
	s0 =	simm.s32 @p1 $0x1  }
0x15: {  	[smem:$0x3FB1] =	sst s0;
	s0 =	simm.s32 @!p2 $0x0  }
0x16: {  	s3 =	sld [smem:$0x3FDB];
	s0 =	simm.s32 @p2 $0x1  }
0x17: {  	s4 =	simm.s32 $0x1BF5;
	[smem:$0x3FB3] =	sst s0  }
0x18: {  	s0 =	sld [smem:$0x3F96];
	_ =	swait.ge [sflag:s4], $0x0  }
0x19: {  	s7 =	sld [smem:$0x3F97]  }
0x1a: {  	s8 =	sadd.s32 $0xFFFFE003, lr  }
0x1b: {  	s9 =	sadd.s32 $0xFFFFFEF7, lr;
	s5 =	simm.s32 $0xFFFFFFFF;
	p2 =	slt.u32 s8, $0xFFFFF086  }
0x1c: {  	p1 =	slt.u32 s9, $0xF7A;
	s5 =	simm.s32 @!p2 $0x0  }
0x1d: {  	s5 =	simm.s32 @p1 $0x1;
	p0 =	seq.s32 s7, s2  }
0x1e: {  	s7 =	smul.u32 @!p0 $0xF7A, s2;
	p2 =	seq.s32 @!p0 s5, $0x0  }
0x1f: {  	s9 =	smul.u32 $0xF7A, s1;
	s8 =	simm.s32 @!p0 $0x1BF5;
	p2 =	por !p2, p0  }
0x20: {  	[sflag:s8] =	ssyncset.s32 @!p0 $0xFFFFF086;
	s6 =	sadd.s32 @!p0 s3, s7;
	s7 =	simm.s32 @!p0 $0x108  }
0x21: {  	s3 =	sadd.s32 s3, s9;
	s6 =	sadd.s32 @!p0 $0x88, s6;
	s7 =	simm.s32 @p2 $0x1082  }
0x22: {  	[simem:s7], [sflag:s8] =	dma.local @!p0 [hbm:s6], $0xF7A  }
0x23: {  	s9 =	sor.u32 $0xD0000000, s2;
	s6 =	simm.s32 $0x108;
	_ =	swait.ge @!p0 [sflag:s8], $0x0  }
0x24: {  	s3 =	sadd.s32 $0x88, s3;
	s6 =	simm.s32 @!p1 $0x1082;
	[sflag:s4] =	ssyncset.s32 $0xFFFFF086  }
0x25: {  	[simem:s6], [sflag:s4] =	dma.local [hbm:s3], $0xF7A  }
0x26: {  	[smem:$0x3F97] =	sst s1;
	(tag) =	ssettag s2;
	_ =	strace s9  }
0x27: {  	s1 =	sld [smem:$0x3FA7]  }
0x28: {  	s2 =	sld [smem:$0x3FA8]  }
0x29: {  	s4 =	sld [smem:$0x3FAA]  }
0x2a: {  	p0 =	seq.s32 s5, $0x0;
	s5 =	sld [smem:$0x3FAB]  }
0x2b: {  	s6 =	sld [smem:$0x3FAC]  }
0x2c: {  	s7 =	sld [smem:$0x3FAD]  }
0x2d: {  	s3 =	simm.s32 $0x108;
	s8 =	sld [smem:$0x3FAE]  }
0x2e: {  	s3 =	simm.s32 @!p0 $0x1082;
	s9 =	sld [smem:$0x3FAF]  }
0x2f: {  	lr =	sadd.s32 s0, s3;
	s0 =	sld [smem:$0x3FA6]  }
0x30: {  	s3 =	sld [smem:$0x3FA9]  }
0x31: {  	[smem:$0x3FB2] =	sst s10  }
0x32: {  	s10 =	sld [smem:$0x3FB0];
	_ =	sdelay $0x3  }
0x33: {  	p0 =	seq.s32 s10, $0x1;
	s10 =	sld [smem:$0x3FB2];
	_ =	sdelay $0x3  }
0x34: {  	[smem:$0x3FB2] =	sst s10  }
0x35: {  	s10 =	sld [smem:$0x3FB1];
	_ =	sdelay $0x3  }
0x36: {  	p1 =	seq.s32 s10, $0x1;
	s10 =	sld [smem:$0x3FB2];
	_ =	sdelay $0x3  }
0x37: {  	[smem:$0x3FB2] =	sst s10  }
0x38: {  	s10 =	sld [smem:$0x3FB3]  }
0x39: {  	_ = 	snop;
	(pc) =	sbr.ind lr, $3  }
0x3a: {  	_ = 	snop  }
0x3b: {  	_ = 	snop  }
0x3c: {  	p2 =	seq.s32 s10, $0x1;
	s10 =	sld [smem:$0x3FB2]  }
0x3d: {  	_ =	shalt  }
0x3e: {  	_ =	shalt  }
0x3f: {  	_ =	shalt  }
0x40: {  	_ =	shalt  }
0x41: {  	_ =	shalt  }
0x42: {  	_ =	shalt  }
0x43: {  	_ =	shalt  }
0x44: {  	_ =	shalt  }
0x45: {  	_ =	shalt  }
0x46: {  	_ =	shalt  }
0x47: {  	_ =	shalt  }
0x48: {  	_ =	shalt  }
0x49: {  	_ =	shalt  }
0x4a: {  	_ =	shalt  }
0x4b: {  	_ =	shalt  }
0x4c: {  	_ =	shalt  }
0x4d: {  	_ =	shalt  }
0x4e: {  	_ =	shalt  }
0x4f: {  	_ =	shalt  }
0x50: {  	_ =	shalt  }
0x51: {  	_ =	shalt  }
0x52: {  	_ =	shalt  }
0x53: {  	_ =	shalt  }
0x54: {  	_ =	shalt  }
0x55: {  	_ =	shalt  }
0x56: {  	_ =	shalt  }
0x57: {  	_ =	shalt  }
0x58: {  	_ =	shalt  }
0x59: {  	_ =	shalt  }
0x5a: {  	_ =	shalt  }
0x5b: {  	_ =	shalt  }
0x5c: {  	_ =	shalt  }
0x5d: {  	_ =	shalt  }
0x5e: {  	_ =	shalt  }
0x5f: {  	_ =	shalt  }
0x60: {  	_ =	shalt  }
0x61: {  	_ =	shalt  }
0x62: {  	_ =	shalt  }
0x63: {  	_ =	shalt  }
0x64: {  	_ =	shalt  }
0x65: {  	_ =	shalt  }
0x66: {  	_ =	shalt  }
0x67: {  	_ =	shalt  }
0x68: {  	_ =	shalt  }
0x69: {  	_ =	shalt  }
0x6a: {  	_ =	shalt  }
0x6b: {  	_ =	shalt  }
0x6c: {  	_ =	shalt  }
0x6d: {  	_ =	shalt  }
0x6e: {  	_ =	shalt  }
0x6f: {  	_ =	shalt  }
0x70: {  	_ =	shalt  }
0x71: {  	_ =	shalt  }
0x72: {  	_ =	shalt  }
0x73: {  	_ =	shalt  }
0x74: {  	_ =	shalt  }
0x75: {  	_ =	shalt  }
0x76: {  	_ =	shalt  }
0x77: {  	_ =	shalt  }
0x78: {  	_ =	shalt  }
0x79: {  	_ =	shalt  }
0x7a: {  	_ =	shalt  }
0x7b: {  	_ =	shalt  }
0x7c: {  	_ =	shalt  }
0x7d: {  	_ =	shalt  }
0x7e: {  	_ =	shalt  }
0x7f: {  	_ =	shalt  }
0x80: {  	_ =	shalt  }
0x81: {  	_ =	shalt  }
0x82: {  	_ =	shalt  }
0x83: {  	_ =	shalt  }
0x84: {  	_ =	shalt  }
0x85: {  	_ =	shalt  }
0x86: {  	_ =	shalt  }
0x87: {  	_ =	shalt  }
.Lfunc_end0:
.L_simem_size_0:
called_computation_lowered:
.L_overlay_start_0:
0x88: {  	s2 =	sld [smem:$0x3FD9]  }
0x89: {  	s3 =	sld [smem:$0x3FFE];
	_ =	sdelay $0x1  }
0x8a: {  	s1 =	srdreg.scid  }
0x8b: {  	s0 =	sand.u32 $0x1, s1  }
0x8c: {  	s17 =	sshll.u32 s0, $0xA;
	s2 =	sadd.s32 s3, s2  }
0x8d: {  	s2 =	sadd.s32 s2, s17  }
0x8e: {  	[smem:$0x3FBE] =	sst s2  }
0x8f: {  	_ = 	snop  }
0x90: {  	s2 =	sld [smem:$0x3FD0];
	(tm) =	ssettm $0x1  }
0x91: {  	s18 =	sld [smem:$0x3FFB];
	_ =	sdelay $0x3  }
0x92: {  	_ =	strace s18  }
0x93: {  	s3 =	sld [smem:$0x3FFC];
	_ =	sdelay $0x3  }
0x94: {  	_ =	strace s3  }
0x95: {  	s3 =	sld [smem:$0x3FFD];
	_ =	sdelay $0x3  }
0x96: {  	_ =	strace s3  }
0x97: {  	_ =	strace $0x8FFFFFFF  }
0x98: {  	s19 =	sld [smem:$0x3FDB];
	_ =	sdelay $0x1  }
0x99: {  	s4 =	simm.s32 $_scs_section_size  }
0x9a: {  	s5 =	simm.s32 $_size__tile_overlayer_lowered;
	s6 =	simm.s32 $_tile_overlayer_lowered  }
0x9b: {  	s22 =	simm.s32 $0x1BFF;
	s21 =	sshll.u32 s6, $0x1;
	s3 =	sadd.s32 s4, s19  }
0x9c: {  	s7 =	simm.s32 $0x0;
	s20 =	sshll.u32 s5, $0x1;
	s5 =	sadd.s32 s21, s3  }
0x9d: {  	[timem:s7], [sflag:s22] =	dma.local [hbm:s5], s20  }
0x9e: {  	_ =	swait.ge [sflag:s22], s20  }
0x9f: {  	s4 =	ssub.s32 $0x0, s20;
	[sflag:s22] =	ssyncset.done $0x0  }
0xa0: {  	[sflag:s22] =	ssyncadd.s32 s4;
	_ =	sdelay $0x1  }
0xa1: {  	s23 =	simm.s32 $0x1B8B  }
0xa2: {  	_ =	swait.ge [sflag:s23], $0x1  }
0xa3: {  	[sflag:s23] =	ssyncset.done $0x0  }
0xa4: {  	s25 =	simm.s32 $0x1B8E;
	s24 =	sld [smem:$0x3FFE];
	[sflag:s23] =	ssyncadd.s32 $0xFFFFFFFF  }
0xa5: {  	s26 =	simm.s32 $execute0_lowered;
	[smem:$0x3FD2] =	sst s25  }
0xa6: {  	s5 =	sshll.u32 s26, $0x1;
	_ =	strace $0x80000046;
	[dreg:$0x1] =	wrdreg $0xFFFFFFFF  }
0xa7: {  	s28 =	simm.s32 $_size_execute0_lowered;
	s3 =	sadd.s32 s3, s5;
	[dreg:$0x0] =	wrdreg $0x0  }
0xa8: {  	s5 =	sshll.u32 s28, $0x1;
	[dreg:$0x2] =	wrdreg s3  }
0xa9: {  	[dreg:$0x3] =	wrdreg s5  }
0xaa: {  	[dreg:$0x4] =	wrdreg $0xC0  }
0xab: {  	_ =	task [dreg:s7], $0x5FFFF  }
0xac: {  	[dreg:$0x1] =	wrdreg $0xFFFFFFFF  }
0xad: {  	[dreg:$0x0] =	wrdreg $0x60  }
0xae: {  	[dreg:$0x2] =	wrdreg s24  }
0xaf: {  	[dreg:$0x3] =	wrdreg s2  }
0xb0: {  	[dreg:$0x4] =	wrdreg $0x9  }
0xb1: {  	_ =	task.clear_ibuf [dreg:s7], $0x5FFFF;
	_ =	strace $0x90000046  }
0xb2: {  	s29 =	simm.s32 $0x9;
	_ =	strace $0x80000048  }
0xb3: {  	_ =	swait.ge [sflag:s29], $0x1  }
0xb4: {  	[sflag:s29] =	ssyncadd.s32 $0xFFFFFFFF  }
0xb5: {  	_ =	strace $0x90000048  }
0xb6: {  	_ =	sfence  }
0xb7: {  	s30 =	sld [smem:$0x0];
	_ =	sdelay $0x2  }
0xb8: {  	s31 =	sshll.u32 s1, $0xD;
	s1 =	sshrl.u32 s1, $0x2  }
0xb9: {  	s3 =	sand.u32 $0x4000, s31;
	s1 =	sadd.s32 s1, s30  }
0xba: {  	s0 =	sor.u32 s3, s0;
	s1 =	sshll.u32 s1, $0x11  }
0xbb: {  	s0 =	sor.u32 s1, s0  }
0xbc: {  	s0 =	sadd.s32 $0x8F2B, s0  }
0xbd: {  	[sflag:s0] =	ssyncadd.remote.s32 $0x1  }
0xbe: {  	_ =	sfence.sel $0xFFFF  }
0xbf: {  	[dreg:$0x0] =	wrdreg $0xFFFFFFFF;
	(pc) =	sbr.abs _section_cstart, $3  }
0xc0: {  	[dreg:$0x1] =	wrdreg $0xFFFFFFFF  }
0xc1: {  	_ =	task.clear_ibuf [dreg:s7], $0x2FFFF;
	_ =	strace $0x9FFFFFFF  }
0xc2: {  	(tm) =	ssettm $0x7FFFFFFF  }
0xc3: {  	_ =	shalt  }
tec
execute0_lowered:
.L_overlay_start_1:
0x0: {  	(tag) =	ssettag $0x1  }
0x1: {  	s0 =	rddreg [dreg:$0x0]  }
0x2: {  	s17 =	rddreg [dreg:$0x1];
	s3 =	simm.s32 $0x0  }
0x3: {  	[smem:$0x7FF] =	sst s3;
	s5 =	sadd.s32 $0x2C00, s0  }
0x4: {  	s22 =	sadd.s32 $0x2FE8, s0;
	_ =	strace $0x80000047;
	[dreg:$0x3] =	wrdreg s5  }
0x5: {  	s23 =	sadd.s32 $0x33D0, s0;
	[dreg:$0x4] =	wrdreg s22  }
0x6: {  	s24 =	sadd.s32 $0x37B8, s0;
	[dreg:$0x5] =	wrdreg s23  }
0x7: {  	s25 =	sadd.s32 $0x3BA0, s0;
	[dreg:$0x6] =	wrdreg s24  }
0x8: {  	s26 =	sadd.s32 $0x3F88, s0;
	[dreg:$0x7] =	wrdreg s25  }
0x9: {  	s29 =	sadd.s32 $0x4370, s0;
	[dreg:$0x8] =	wrdreg s26  }
0xa: {  	s30 =	sadd.s32 $0x4758, s0;
	[dreg:$0x9] =	wrdreg s29  }
0xb: {  	s31 =	sadd.s32 $0x4B40, s0;
	[dreg:$0xa] =	wrdreg s30  }
0xc: {  	s9 =	sadd.s32 $0x56F8, s0;
	[dreg:$0xb] =	wrdreg s31  }
0xd: {  	s1 =	srdreg.scid;
	s10 =	sadd.s32 $0x5AE0, s0;
	[dreg:$0xe] =	wrdreg s9  }
0xe: {  	s8 =	stileid.u32;
	s11 =	sadd.s32 $0x5EC8, s0;
	[dreg:$0xf] =	wrdreg s10  }
0xf: {  	s1 =	sand.u32 $0x1, s1;
	s12 =	sadd.s32 $0x62B0, s0;
	[dreg:$0x10] =	wrdreg s11  }
0x10: {  	s2 =	sshll.u32 s8, $0x1;
	s13 =	sadd.s32 $0x6698, s0;
	[dreg:$0x11] =	wrdreg s12  }
0x11: {  	s14 =	sadd.s32 $0x6A80, s0;
	s15 =	sadd.s32 $0x6E68, s0;
	[dreg:$0x12] =	wrdreg s13  }
0x12: {  	s16 =	sadd.s32 $0x7250, s0;
	s4 =	ssub.s32 $0x2, s1;
	[dreg:$0x13] =	wrdreg s14  }
0x13: {  	s2 =	sor.u32 s1, s2;
	s5 =	sadd.s32 $0x7C00, s0;
	[dreg:$0x14] =	wrdreg s15  }
0x14: {  	s1 =	smul.u32 $0x320000, s1;
	[dreg:$0x15] =	wrdreg s16;
	s24 =	sadd.s32 $0x3E8, s17  }
0x15: {  	s25 =	sadd.s32 $0x7D0, s17;
	s26 =	sadd.s32 $0xBB8, s17;
	s29 =	sadd.s32 $0xFA0, s17  }
0x16: {  	s30 =	sadd.s32 $0x1388, s17;
	s31 =	sadd.s32 $0x1770, s17;
	s9 =	sadd.s32 $0x2AF8, s17  }
0x17: {  	s10 =	sadd.s32 $0x2EE0, s17;
	s11 =	sadd.s32 $0x32C8, s17;
	[dreg:$0x19] =	wrdreg s24  }
0x18: {  	s12 =	sadd.s32 $0x36B0, s17;
	s13 =	sadd.s32 $0x3A98, s17;
	[dreg:$0x1a] =	wrdreg s25  }
0x19: {  	s14 =	sadd.s32 $0x3E80, s17;
	s15 =	sadd.s32 $0x4268, s17;
	[dreg:$0x1b] =	wrdreg s26  }
0x1a: {  	s16 =	sadd.s32 $0x4650, s17;
	s7 =	smul.u32 $0x320000, s2;
	[dreg:$0x1c] =	wrdreg s29  }
0x1b: {  	s6 =	sshrl.u32 s4, $0x1;
	s18 =	smul.u32 $0x140, s2;
	[dreg:$0x1d] =	wrdreg s30  }
0x1c: {  	[dreg:$0x1e] =	wrdreg s31;
	s24 =	simm.s32 $0x18000;
	s25 =	simm.s32 $0x2  }
0x1d: {  	s26 =	simm.s32 $0x0;
	s4 =	ssub.s32 s4, s6;
	s6 =	sadd.s32 $0x4F28, s0  }
0x1e: {  	s21 =	sor.u32 $0x27F0, s7;
	[dreg:$0xc] =	wrdreg s6;
	s7 =	smul.u32 $0x640000, s8  }
0x1f: {  	s8 =	sadd.s32 $0x5310, s0;
	s0 =	sadd.s32 $0x7638, s0;
	s23 =	smax.u32 s4, $0x1  }
0x20: {  	s4 =	sadd.s32 $0x1B58, s17;
	s6 =	sadd.s32 $0x1F40, s17;
	[dreg:$0xd] =	wrdreg s8  }
0x21: {  	v0 =	vmov s18;
	s18 =	simm.s32 $0x8000;
	s19 =	sshrl.u32 s21, $0x3;
	[dreg:$0x16] =	wrdreg s0  }
.Ltmp0:
0x22: {  	[dreg:$0x18] =	wrdreg s23;
	s8 =	sadd.s32 $0x2710, s17;
	(pc) =	sbr.rel .LBB2_1-.Ltmp0, $4  }
0x23: {  	v1 =	vmov s21;
	s21 =	simm.s32 $0xBF00;
	s23 =	simm.s32 $0x1;
	s1 =	sadd.s32 s1, s7  }
0x24: {  	s20 =	sadd.s32 s5, s19;
	s7 =	sadd.s32 $0x2328, s17;
	s17 =	sadd.s32 $0x4A38, s17  }
0x25: {  	v3 =	vimm.f32 $0.0e+00;
	s19 =	simm.s32 $0x3;
	[dreg:$0x17] =	wrdreg s20;
	s22 =	sshrl.u32 s1, $0x3  }
0x26: {  	v4 =	vimm.f32 $1.000000000e+00;
	v5 =	vimm.s32 $0x0;
	v2 =	vadd.s32 $0x140, v0;
	s20 =	simm.s32 $0x9F80;
	s28 =	sadd.s32 s22, s5;
	s22 =	simm.s32 $0x11F80  }
.LBB2_58:
0x27: {  	[sflag:s25] =	ssyncadd.s32 $0xFFFFFFF0  }
.LBB2_59:
0x28: {  	s0 =	rddreg [dreg:$0x17]  }
0x29: {  	[hbm4b:s0+s3] =	stream.linear.scatter [tilespmem:s3], [sflag:$0x3], $0x10, $0x38;
	[tilespmem:$0x18080] =	vst v63  }
0x2a: {  	_ =	swait.ge [sflag:s19], $0x10  }
0x2b: {  	s26 =	sadd.s32 $0x1, s26;
	s31 =	rddreg [dreg:$0x18]  }
0x2c: {  	p0 =	sne.s32 s26, s31  }
.Ltmp1:
0x2d: {  	_ = 	snop;
	(pc) =	sbr.rel @!p0 .LBB2_60-.Ltmp1, $3  }
0x2e: {  	_ =	sdelay $0x1  }
0x2f: {  	[sflag:s19] =	ssyncset.done $0x0  }
0x30: {  	[sflag:s19] =	ssyncadd.s32 $0xFFFFFFF0  }
.LBB2_1:
0x31: {  	s0 =	simm.s32 $0x40;
	s29 =	simm.s32 $0x0  }
.LBB2_2:
0x32: {  	p0 =	sne.s32 s0, $0x1FFC0;
	[tilespmem:s29+$0x0] =	vst v3;
	s29 =	smov.u32 s0;
	s0 =	sadd.s32 $0x40, s0  }
.Ltmp2:
0x33: {  	(pc) =	sbr.rel @p0 .LBB2_2-.Ltmp2, $2  }
0x34: {  	_ =	sdelay $0x2  }
0x35: {  	s29 =	sshra.s32 s29, $0x2  }
0x36: {  	[tilespmem:s29+$0x0] =	vst v3  }
0x37: {  	s0 =	simm.s32 $0x1000;
	s29 =	sadd.s32 $0x0, s28;
	[tilespmem:$0x18000] =	vst v4  }
.LBB2_4:
0x38: {  	[hbm4b:s29+s3] =	stream.linear.scatter [tilespmem:s3], [sflag:$0x1], $0x8000, $0x38;
	[tilespmem:$0x18080] =	vst v63  }
0x39: {  	s29 =	smov.u32 s0;
	p0 =	sne.s32 s0, $0x63000  }
.Ltmp3:
0x3a: {  	s0 =	sadd.s32 $0x1000, s0;
	(pc) =	sbr.rel @p0 .LBB2_4-.Ltmp3, $2  }
0x3b: {  	_ =	sdelay $0x2  }
0x3c: {  	s29 =	sadd.s32 s29, s28  }
0x3d: {  	[hbm4b:s29+s3] =	stream.linear.scatter [tilespmem:s3], [sflag:$0x1], $0x8000, $0x38;
	[tilespmem:$0x18080] =	vst v63  }
0x3e: {  	s29 =	simm.s32 $0x0;
	s0 =	rddreg [dreg:$0x3]  }
0x3f: {  	[tilespmem:s18], [sflag:$0x3] =	stream.linear.gather [hbm4b:s0+s29], $0x1F40, $0x38;
	[tilespmem:$0x18080] =	vst v63  }
0x40: {  	_ =	swait.ge [sflag:s19], $0x1F40  }
0x41: {  	[sflag:s19] =	ssyncset.done $0x0  }
0x42: {  	[sflag:s19] =	ssyncadd.s32 $0xFFFFE0C0  }
0x43: {  	s2 =	rddreg [dreg:$0x1]  }
0x44: {  	[tilespmem:s20], [sflag:$0x3] =	stream.linear.gather [hbm4b:s2+s29], $0x1F40, $0x38;
	[tilespmem:$0x18080] =	vst v63  }
0x45: {  	_ =	swait.ge [sflag:s19], $0x1F40  }
0x46: {  	[sflag:s19] =	ssyncset.done $0x0  }
0x47: {  	s1 =	simm.s32 $0x0;
	[sflag:s19] =	ssyncadd.s32 $0xFFFFE0C0  }
0x48: {  	v6 =	vld [tilespmem:s1+$0x8000]  }
0x49: {  	v7 =	vld [tilespmem:s1+$0x9F80];
	_ =	sdelay $0x3  }
0x4a: {  	vm0 =	vge.s32 v6, v0;
	vm1 =	vlt.s32 v6, v2  }
0x4b: {  	vm2 =	vne.s32 v6, v7;
	vm0 =	vmand vm0, vm1  }
0x4c: {  	vm3 =	vlt.s32 v7, v2;
	vm1 =	vge.s32 v7, v0;
	vm0 =	vmand vm0, vm2  }
0x4d: {  	vm1 =	vmand vm1, vm3;
	v8 =	vsel vm0, $0x1, v5  }
0x4e: {  	vm1 =	vmand vm2, vm1;
	(xrf0) =	vadd.scan.msk.s32 $0xffff, v8  }
0x4f: {  	v8 =	vsel vm1, $0x1, v5  }
0x50: {  	(xrf0) =	vadd.scan.msk.s32 $0xffff, v8;
	_ =	sdelay $0x1  }
0x51: {  	v8 =	vmov s29  }
0x52: {  	v8 =	vadd.s32 $0xFFFFFFFF, v8  }
0x53: {  	v8 =	vbroadcast v8, $0x0;
	v9, _, _ =	vpop (xrf0)  }
0x54: {  	(v2sf) =	vpush v9, $0xF  }
0x55: {  	v9 =	vadd.s32 v9, v8;
	v10, _, _ =	vpop (xrf0)  }
0x56: {  	v9 =	vnsel vm0, $0x6010, v9;
	v8 =	vadd.s32 v10, v8  }
0x57: {  	(v2sf) =	vpush v10, $0xF;
	v8 =	vnsel vm1, $0x6010, v8  }
0x58: {  	v11 =	vmul.u32 $0x2800, v6  }
0x59: {  	v12 =	vmul.u32 $0x2800, v7  }
0x5a: {  	v7 =	vadd.s32 v7, v11  }
0x5b: {  	v6 =	vadd.s32 v6, v12;
	[tilespmem:v9+s21+$0x0] =	vst.idx.msk $0xffff, v7  }
0x5c: {  	s2 =	simm.s32 $0x10;
	[tilespmem:v8+s22+$0x0] =	vst.idx.msk $0xffff, v6  }
0x5d: {  	v8 =	vld [tilespmem:s2+$0x8000]  }
0x5e: {  	v6 =	vld [tilespmem:s2+$0x9F80];
	_ =	sdelay $0x3  }
0x5f: {  	vm0 =	vge.s32 v8, v0;
	vm2 =	vlt.s32 v8, v2;
	v7 =	vmul.u32 $0x2800, v8  }
0x60: {  	s31 =	simm.s32 $0x80;
	s30 =	simm.s32 $0x0;
	vm1 =	vne.s32 v8, v6;
	vm0 =	vmand vm0, vm2;
	vm2 =	vge.s32 v6, v0;
	s0 =	spop (v2sf)  }
.LBB2_6:
0x61: {  	p0 =	sne.s32 s31, $0x7CC0  }
0x62: {  	vm0 =	vmand vm0, vm1;
	vm3 =	vlt.s32 v6, v2;
	v9 =	vmul.u32 $0x2800, v6;
	s29 =	sadd.s32 s29, s0;
	s0 =	smov.u32 s31;
	s31 =	sadd.s32 $0x40, s31  }
0x63: {  	vm2 =	vmand vm2, vm3;
	v10 =	vsel vm0, $0x1, v5;
	v11 =	vmov s29;
	s1 =	spop (v2sf)  }
0x64: {  	vm1 =	vmand vm1, vm2;
	v8 =	vadd.s32 v8, v9;
	(xrf0) =	vadd.scan.msk.s32 $0xffff, v10;
	s30 =	sadd.s32 s30, s1  }
0x65: {  	v9 =	vsel vm1, $0x1, v5;
	v10 =	vmov s30  }
0x66: {  	v10 =	vadd.s32 $0xFFFFFFFF, v10;
	(xrf0) =	vadd.scan.msk.s32 $0xffff, v9;
	_ =	sdelay $0x1  }
0x67: {  	v9 =	vadd.s32 $0xFFFFFFFF, v11  }
0x68: {  	v9 =	vbroadcast v9, $0x0  }
0x69: {  	v11, _, _ =	vpop (xrf0)  }
0x6a: {  	v10 =	vbroadcast v10, $0x0;
	v9 =	vadd.s32 v11, v9;
	(v2sf) =	vpush v11, $0xF  }
0x6b: {  	v9 =	vnsel vm0, $0x6010, v9;
	v11, _, _ =	vpop (xrf0)  }
0x6c: {  	v10 =	vadd.s32 v11, v10;
	(v2sf) =	vpush v11, $0xF  }
0x6d: {  	v10 =	vnsel vm1, $0x6010, v10;
	_ =	sdelay $0x1  }
0x6e: {  	v6 =	vadd.s32 v6, v7  }
0x6f: {  	[tilespmem:v9+s21+$0x0] =	vst.idx.msk $0xffff, v6;
	_ =	sdelay $0x1  }
0x70: {  	s0 =	sshra.s32 s0, $0x2;
	[tilespmem:v10+s22+$0x0] =	vst.idx.msk $0xffff, v8  }
0x71: {  	v8 =	vld [tilespmem:s0+$0x8000]  }
0x72: {  	v6 =	vld [tilespmem:s0+$0x9F80]  }
.Ltmp4:
0x73: {  	(pc) =	sbr.rel @p0 .LBB2_6-.Ltmp4, $3  }
0x74: {  	_ =	sdelay $0x1  }
0x75: {  	vm0 =	vge.s32 v8, v0;
	vm2 =	vlt.s32 v8, v2;
	v7 =	vmul.u32 $0x2800, v8  }
0x76: {  	vm1 =	vne.s32 v8, v6;
	vm0 =	vmand vm0, vm2;
	vm2 =	vge.s32 v6, v0;
	s0 =	spop (v2sf)  }
0x77: {  	vm3 =	vlt.s32 v6, v2  }
0x78: {  	vm0 =	vmand vm0, vm1;
	vm2 =	vmand vm2, vm3  }
0x79: {  	v9 =	vsel vm0, $0x1, v5;
	vm1 =	vmand vm1, vm2  }
0x7a: {  	(xrf0) =	vadd.scan.msk.s32 $0xffff, v9;
	v9 =	vsel vm1, $0x1, v5  }
0x7b: {  	(xrf0) =	vadd.scan.msk.s32 $0xffff, v9;
	_ =	sdelay $0x4  }
0x7c: {  	v9, _, _ =	vpop (xrf0)  }
0x7d: {  	(v2sf) =	vpush v9, $0xF;
	v10, _, _ =	vpop (xrf0)  }
0x7e: {  	s0 =	sadd.s32 s29, s0;
	s1 =	spop (v2sf);
	(v2sf) =	vpush v10, $0xF  }
0x7f: {  	v11 =	vmov s0;
	s1 =	sadd.s32 s30, s1  }
0x80: {  	v11 =	vadd.s32 $0xFFFFFFFF, v11;
	v12 =	vmov s1  }
0x81: {  	v11 =	vbroadcast v11, $0x0;
	v12 =	vadd.s32 $0xFFFFFFFF, v12  }
0x82: {  	v12 =	vbroadcast v12, $0x0  }
0x83: {  	v9 =	vadd.s32 v9, v11  }
0x84: {  	v9 =	vnsel vm0, $0x6010, v9;
	v10 =	vadd.s32 v10, v12  }
0x85: {  	v10 =	vnsel vm1, $0x6010, v10;
	_ =	sdelay $0x1  }
0x86: {  	v11 =	vmul.u32 $0x2800, v6  }
0x87: {  	v6 =	vadd.s32 v6, v7  }
0x88: {  	v7 =	vadd.s32 v8, v11;
	[tilespmem:v9+s21+$0x0] =	vst.idx.msk $0xffff, v6  }
0x89: {  	s2 =	rddreg [dreg:$0x4];
	s30 =	simm.s32 $0x0;
	[tilespmem:v10+s22+$0x0] =	vst.idx.msk $0xffff, v7  }
0x8a: {  	[tilespmem:s18], [sflag:$0x3] =	stream.linear.gather [hbm4b:s2+s30], $0x1F40, $0x38;
	[tilespmem:$0x18080] =	vst v63  }
0x8b: {  	s29 =	spop (v2sf)  }
0x8c: {  	s31 =	spop (v2sf)  }
0x8d: {  	_ =	swait.ge [sflag:s19], $0x1F40  }
0x8e: {  	[sflag:s19] =	ssyncset.done $0x0  }
0x8f: {  	s2 =	rddreg [dreg:$0x19];
	[sflag:s19] =	ssyncadd.s32 $0xFFFFE0C0  }
0x90: {  	[tilespmem:s20], [sflag:$0x3] =	stream.linear.gather [hbm4b:s2+s30], $0x1F40, $0x38;
	[tilespmem:$0x18080] =	vst v63  }
0x91: {  	_ =	swait.ge [sflag:s19], $0x1F40  }
0x92: {  	[sflag:s19] =	ssyncset.done $0x0  }
0x93: {  	s30 =	simm.s32 $0x0;
	[sflag:s19] =	ssyncadd.s32 $0xFFFFE0C0  }
0x94: {  	v6 =	vld [tilespmem:s30+$0x8000]  }
0x95: {  	v7 =	vld [tilespmem:s30+$0x9F80];
	_ =	sdelay $0x3  }
0x96: {  	vm0 =	vge.s32 v6, v0;
	vm1 =	vlt.s32 v6, v2  }
0x97: {  	vm2 =	vne.s32 v6, v7;
	vm0 =	vmand vm0, vm1  }
0x98: {  	vm3 =	vlt.s32 v7, v2;
	vm1 =	vge.s32 v7, v0;
	vm0 =	vmand vm0, vm2  }
0x99: {  	vm1 =	vmand vm1, vm3;
	v8 =	vsel vm0, $0x1, v5  }
0x9a: {  	vm1 =	vmand vm2, vm1;
	(xrf0) =	vadd.scan.msk.s32 $0xffff, v8  }
0x9b: {  	v8 =	vsel vm1, $0x1, v5  }
0x9c: {  	(xrf0) =	vadd.scan.msk.s32 $0xffff, v8  }
0x9d: {  	s30 =	sadd.s32 s0, s29  }
0x9e: {  	s29 =	sadd.s32 s1, s31;
	v8 =	vmov s30  }
0x9f: {  	v9 =	vmov s29;
	v8 =	vadd.s32 $0xFFFFFFFF, v8  }
0xa0: {  	v9 =	vadd.s32 $0xFFFFFFFF, v9;
	v8 =	vbroadcast v8, $0x0;
	v10, _, _ =	vpop (xrf0)  }
0xa1: {  	v9 =	vbroadcast v9, $0x0;
	(v2sf) =	vpush v10, $0xF  }
0xa2: {  	v8 =	vadd.s32 v10, v8;
	v10, _, _ =	vpop (xrf0)  }
0xa3: {  	v8 =	vnsel vm0, $0x6010, v8;
	v9 =	vadd.s32 v10, v9  }
0xa4: {  	(v2sf) =	vpush v10, $0xF;
	v9 =	vnsel vm1, $0x6010, v9  }
0xa5: {  	v11 =	vmul.u32 $0x2800, v6  }
0xa6: {  	v63 =	vmul.u32 $0x2800, v7  }
0xa7: {  	v7 =	vadd.s32 v7, v11  }
0xa8: {  	v6 =	vadd.s32 v6, v63;
	[tilespmem:v8+s21+$0x0] =	vst.idx.msk $0xffff, v7  }
0xa9: {  	s2 =	simm.s32 $0x10;
	[tilespmem:v9+s22+$0x0] =	vst.idx.msk $0xffff, v6  }
0xaa: {  	v8 =	vld [tilespmem:s2+$0x8000]  }
0xab: {  	v6 =	vld [tilespmem:s2+$0x9F80];
	_ =	sdelay $0x3  }
0xac: {  	vm0 =	vge.s32 v8, v0;
	vm2 =	vlt.s32 v8, v2;
	v7 =	vmul.u32 $0x2800, v8  }
0xad: {  	s31 =	simm.s32 $0x80;
	vm1 =	vne.s32 v8, v6;
	vm0 =	vmand vm0, vm2;
	vm2 =	vge.s32 v6, v0;
	s0 =	spop (v2sf)  }
.LBB2_8:
0xae: {  	p0 =	sne.s32 s31, $0x7CC0  }
0xaf: {  	vm0 =	vmand vm0, vm1;
	vm3 =	vlt.s32 v6, v2;
	v9 =	vmul.u32 $0x2800, v6;
	s30 =	sadd.s32 s30, s0;
	s0 =	smov.u32 s31;
	s31 =	sadd.s32 $0x40, s31  }
0xb0: {  	vm2 =	vmand vm2, vm3;
	v10 =	vsel vm0, $0x1, v5;
	v11 =	vmov s30;
	s1 =	spop (v2sf)  }
0xb1: {  	vm1 =	vmand vm1, vm2;
	v8 =	vadd.s32 v8, v9;
	(xrf0) =	vadd.scan.msk.s32 $0xffff, v10;
	s29 =	sadd.s32 s29, s1  }
0xb2: {  	v9 =	vsel vm1, $0x1, v5;
	v10 =	vmov s29  }
0xb3: {  	v10 =	vadd.s32 $0xFFFFFFFF, v10;
	(xrf0) =	vadd.scan.msk.s32 $0xffff, v9;
	_ =	sdelay $0x1  }
0xb4: {  	v9 =	vadd.s32 $0xFFFFFFFF, v11  }
0xb5: {  	v9 =	vbroadcast v9, $0x0  }
0xb6: {  	v11, _, _ =	vpop (xrf0)  }
0xb7: {  	v10 =	vbroadcast v10, $0x0;
	v9 =	vadd.s32 v11, v9;
	(v2sf) =	vpush v11, $0xF  }
0xb8: {  	v9 =	vnsel vm0, $0x6010, v9;
	v11, _, _ =	vpop (xrf0)  }
0xb9: {  	v10 =	vadd.s32 v11, v10;
	(v2sf) =	vpush v11, $0xF  }
0xba: {  	v10 =	vnsel vm1, $0x6010, v10;
	_ =	sdelay $0x1  }
0xbb: {  	v6 =	vadd.s32 v6, v7  }
0xbc: {  	[tilespmem:v9+s21+$0x0] =	vst.idx.msk $0xffff, v6;
	_ =	sdelay $0x1  }
0xbd: {  	s0 =	sshra.s32 s0, $0x2;
	[tilespmem:v10+s22+$0x0] =	vst.idx.msk $0xffff, v8  }
0xbe: {  	v8 =	vld [tilespmem:s0+$0x8000]  }
0xbf: {  	v6 =	vld [tilespmem:s0+$0x9F80]  }
.Ltmp5:
0xc0: {  	(pc) =	sbr.rel @p0 .LBB2_8-.Ltmp5, $3  }
0xc1: {  	_ =	sdelay $0x1  }
0xc2: {  	vm0 =	vge.s32 v8, v0;
	vm2 =	vlt.s32 v8, v2;
	v7 =	vmul.u32 $0x2800, v8  }
0xc3: {  	vm1 =	vne.s32 v8, v6;
	vm0 =	vmand vm0, vm2;
	vm2 =	vge.s32 v6, v0;
	s0 =	spop (v2sf)  }
0xc4: {  	vm3 =	vlt.s32 v6, v2  }
0xc5: {  	vm0 =	vmand vm0, vm1;
	vm2 =	vmand vm2, vm3  }
0xc6: {  	v9 =	vsel vm0, $0x1, v5;
	vm1 =	vmand vm1, vm2  }
0xc7: {  	(xrf0) =	vadd.scan.msk.s32 $0xffff, v9;
	v9 =	vsel vm1, $0x1, v5  }
0xc8: {  	(xrf0) =	vadd.scan.msk.s32 $0xffff, v9;
	_ =	sdelay $0x4  }
0xc9: {  	v9, _, _ =	vpop (xrf0)  }
0xca: {  	(v2sf) =	vpush v9, $0xF;
	v10, _, _ =	vpop (xrf0)  }
0xcb: {  	s0 =	sadd.s32 s30, s0;
	s1 =	spop (v2sf);
	(v2sf) =	vpush v10, $0xF  }
0xcc: {  	v11 =	vmov s0;
	s1 =	sadd.s32 s29, s1  }
0xcd: {  	v11 =	vadd.s32 $0xFFFFFFFF, v11;
	v12 =	vmov s1  }
0xce: {  	v11 =	vbroadcast v11, $0x0;
	v12 =	vadd.s32 $0xFFFFFFFF, v12  }
0xcf: {  	v12 =	vbroadcast v12, $0x0  }
0xd0: {  	v9 =	vadd.s32 v9, v11  }
0xd1: {  	v9 =	vnsel vm0, $0x6010, v9;
	v10 =	vadd.s32 v10, v12  }
0xd2: {  	v10 =	vnsel vm1, $0x6010, v10;
	_ =	sdelay $0x1  }
0xd3: {  	v11 =	vmul.u32 $0x2800, v6  }
0xd4: {  	v6 =	vadd.s32 v6, v7  }
0xd5: {  	v7 =	vadd.s32 v8, v11;
	[tilespmem:v9+s21+$0x0] =	vst.idx.msk $0xffff, v6  }
0xd6: {  	s30 =	simm.s32 $0x0;
	s2 =	rddreg [dreg:$0x5];
	[tilespmem:v10+s22+$0x0] =	vst.idx.msk $0xffff, v7  }
0xd7: {  	[tilespmem:s18], [sflag:$0x3] =	stream.linear.gather [hbm4b:s2+s30], $0x1F40, $0x38;
	[tilespmem:$0x18080] =	vst v63  }
0xd8: {  	s29 =	spop (v2sf)  }
0xd9: {  	s31 =	spop (v2sf)  }
0xda: {  	_ =	swait.ge [sflag:s19], $0x1F40  }
0xdb: {  	[sflag:s19] =	ssyncset.done $0x0  }
0xdc: {  	s2 =	rddreg [dreg:$0x1a];
	[sflag:s19] =	ssyncadd.s32 $0xFFFFE0C0  }
0xdd: {  	[tilespmem:s20], [sflag:$0x3] =	stream.linear.gather [hbm4b:s2+s30], $0x1F40, $0x38;
	[tilespmem:$0x18080] =	vst v63  }
0xde: {  	_ =	swait.ge [sflag:s19], $0x1F40  }
0xdf: {  	[sflag:s19] =	ssyncset.done $0x0  }
0xe0: {  	s30 =	simm.s32 $0x0;
	[sflag:s19] =	ssyncadd.s32 $0xFFFFE0C0  }
0xe1: {  	v6 =	vld [tilespmem:s30+$0x8000]  }
0xe2: {  	v7 =	vld [tilespmem:s30+$0x9F80];
	_ =	sdelay $0x3  }
0xe3: {  	vm0 =	vge.s32 v6, v0;
	vm1 =	vlt.s32 v6, v2  }
0xe4: {  	vm2 =	vne.s32 v6, v7;
	vm0 =	vmand vm0, vm1  }
0xe5: {  	vm3 =	vlt.s32 v7, v2;
	vm1 =	vge.s32 v7, v0;
	vm0 =	vmand vm0, vm2  }
0xe6: {  	vm1 =	vmand vm1, vm3;
	v8 =	vsel vm0, $0x1, v5  }
0xe7: {  	vm1 =	vmand vm2, vm1;
	(xrf0) =	vadd.scan.msk.s32 $0xffff, v8  }
0xe8: {  	v8 =	vsel vm1, $0x1, v5  }
0xe9: {  	(xrf0) =	vadd.scan.msk.s32 $0xffff, v8  }
0xea: {  	s30 =	sadd.s32 s0, s29  }
0xeb: {  	s29 =	sadd.s32 s1, s31;
	v8 =	vmov s30  }
0xec: {  	v9 =	vmov s29;
	v8 =	vadd.s32 $0xFFFFFFFF, v8  }
0xed: {  	v9 =	vadd.s32 $0xFFFFFFFF, v9;
	v8 =	vbroadcast v8, $0x0;
	v10, _, _ =	vpop (xrf0)  }
0xee: {  	v9 =	vbroadcast v9, $0x0;
	(v2sf) =	vpush v10, $0xF  }
0xef: {  	v8 =	vadd.s32 v10, v8;
	v10, _, _ =	vpop (xrf0)  }
0xf0: {  	v8 =	vnsel vm0, $0x6010, v8;
	v9 =	vadd.s32 v10, v9  }
0xf1: {  	(v2sf) =	vpush v10, $0xF;
	v9 =	vnsel vm1, $0x6010, v9  }
0xf2: {  	v11 =	vmul.u32 $0x2800, v6  }
0xf3: {  	v63 =	vmul.u32 $0x2800, v7  }
0xf4: {  	v7 =	vadd.s32 v7, v11  }
0xf5: {  	v6 =	vadd.s32 v6, v63;
	[tilespmem:v8+s21+$0x0] =	vst.idx.msk $0xffff, v7  }
0xf6: {  	s2 =	simm.s32 $0x10;
	[tilespmem:v9+s22+$0x0] =	vst.idx.msk $0xffff, v6  }
0xf7: {  	v8 =	vld [tilespmem:s2+$0x8000]  }
0xf8: {  	v6 =	vld [tilespmem:s2+$0x9F80];
	_ =	sdelay $0x3  }
0xf9: {  	vm0 =	vge.s32 v8, v0;
	vm2 =	vlt.s32 v8, v2;
	v7 =	vmul.u32 $0x2800, v8  }
0xfa: {  	s31 =	simm.s32 $0x80;
	vm1 =	vne.s32 v8, v6;
	vm0 =	vmand vm0, vm2;
	vm2 =	vge.s32 v6, v0;
	s0 =	spop (v2sf)  }
.LBB2_10:
0xfb: {  	p0 =	sne.s32 s31, $0x7CC0  }
0xfc: {  	vm0 =	vmand vm0, vm1;
	vm3 =	vlt.s32 v6, v2;
	v9 =	vmul.u32 $0x2800, v6;
	s30 =	sadd.s32 s30, s0;
	s0 =	smov.u32 s31;
	s31 =	sadd.s32 $0x40, s31  }
0xfd: {  	vm2 =	vmand vm2, vm3;
	v10 =	vsel vm0, $0x1, v5;
	v11 =	vmov s30;
	s1 =	spop (v2sf)  }
0xfe: {  	vm1 =	vmand vm1, vm2;
	v8 =	vadd.s32 v8, v9;
	(xrf0) =	vadd.scan.msk.s32 $0xffff, v10;
	s29 =	sadd.s32 s29, s1  }
0xff: {  	v9 =	vsel vm1, $0x1, v5;
	v10 =	vmov s29  }
0x100: {  	v10 =	vadd.s32 $0xFFFFFFFF, v10;
	(xrf0) =	vadd.scan.msk.s32 $0xffff, v9;
	_ =	sdelay $0x1  }
0x101: {  	v9 =	vadd.s32 $0xFFFFFFFF, v11  }
0x102: {  	v9 =	vbroadcast v9, $0x0  }
0x103: {  	v11, _, _ =	vpop (xrf0)  }
0x104: {  	v10 =	vbroadcast v10, $0x0;
	v9 =	vadd.s32 v11, v9;
	(v2sf) =	vpush v11, $0xF  }
0x105: {  	v9 =	vnsel vm0, $0x6010, v9;
	v11, _, _ =	vpop (xrf0)  }
0x106: {  	v10 =	vadd.s32 v11, v10;
	(v2sf) =	vpush v11, $0xF  }
0x107: {  	v10 =	vnsel vm1, $0x6010, v10;
	_ =	sdelay $0x1  }
0x108: {  	v6 =	vadd.s32 v6, v7  }
0x109: {  	[tilespmem:v9+s21+$0x0] =	vst.idx.msk $0xffff, v6;
	_ =	sdelay $0x1  }
0x10a: {  	s0 =	sshra.s32 s0, $0x2;
	[tilespmem:v10+s22+$0x0] =	vst.idx.msk $0xffff, v8  }
0x10b: {  	v8 =	vld [tilespmem:s0+$0x8000]  }
0x10c: {  	v6 =	vld [tilespmem:s0+$0x9F80]  }
.Ltmp6:
0x10d: {  	(pc) =	sbr.rel @p0 .LBB2_10-.Ltmp6, $3  }
0x10e: {  	_ =	sdelay $0x1  }
0x10f: {  	vm0 =	vge.s32 v8, v0;
	vm2 =	vlt.s32 v8, v2;
	v7 =	vmul.u32 $0x2800, v8  }
0x110: {  	vm1 =	vne.s32 v8, v6;
	vm0 =	vmand vm0, vm2;
	vm2 =	vge.s32 v6, v0;
	s0 =	spop (v2sf)  }
0x111: {  	vm3 =	vlt.s32 v6, v2  }
0x112: {  	vm0 =	vmand vm0, vm1;
	vm2 =	vmand vm2, vm3  }
0x113: {  	v9 =	vsel vm0, $0x1, v5;
	vm1 =	vmand vm1, vm2  }
0x114: {  	(xrf0) =	vadd.scan.msk.s32 $0xffff, v9;
	v9 =	vsel vm1, $0x1, v5  }
0x115: {  	(xrf0) =	vadd.scan.msk.s32 $0xffff, v9;
	_ =	sdelay $0x4  }
0x116: {  	v9, _, _ =	vpop (xrf0)  }
0x117: {  	(v2sf) =	vpush v9, $0xF;
	v10, _, _ =	vpop (xrf0)  }
0x118: {  	s0 =	sadd.s32 s30, s0;
	s1 =	spop (v2sf);
	(v2sf) =	vpush v10, $0xF  }
0x119: {  	v11 =	vmov s0;
	s1 =	sadd.s32 s29, s1  }
0x11a: {  	v11 =	vadd.s32 $0xFFFFFFFF, v11;
	v12 =	vmov s1  }
0x11b: {  	v11 =	vbroadcast v11, $0x0;
	v12 =	vadd.s32 $0xFFFFFFFF, v12  }
0x11c: {  	v12 =	vbroadcast v12, $0x0  }
0x11d: {  	v9 =	vadd.s32 v9, v11  }
0x11e: {  	v9 =	vnsel vm0, $0x6010, v9;
	v10 =	vadd.s32 v10, v12  }
0x11f: {  	v10 =	vnsel vm1, $0x6010, v10;
	_ =	sdelay $0x1  }
0x120: {  	v11 =	vmul.u32 $0x2800, v6  }
0x121: {  	v6 =	vadd.s32 v6, v7  }
0x122: {  	v7 =	vadd.s32 v8, v11;
	[tilespmem:v9+s21+$0x0] =	vst.idx.msk $0xffff, v6  }
0x123: {  	s30 =	simm.s32 $0x0;
	s2 =	rddreg [dreg:$0x6];
	[tilespmem:v10+s22+$0x0] =	vst.idx.msk $0xffff, v7  }
0x124: {  	[tilespmem:s18], [sflag:$0x3] =	stream.linear.gather [hbm4b:s2+s30], $0x1F40, $0x38;
	[tilespmem:$0x18080] =	vst v63  }
0x125: {  	s29 =	spop (v2sf)  }
0x126: {  	s31 =	spop (v2sf)  }
0x127: {  	_ =	swait.ge [sflag:s19], $0x1F40  }
0x128: {  	[sflag:s19] =	ssyncset.done $0x0  }
0x129: {  	s2 =	rddreg [dreg:$0x1b];
	[sflag:s19] =	ssyncadd.s32 $0xFFFFE0C0  }
0x12a: {  	[tilespmem:s20], [sflag:$0x3] =	stream.linear.gather [hbm4b:s2+s30], $0x1F40, $0x38;
	[tilespmem:$0x18080] =	vst v63  }
0x12b: {  	_ =	swait.ge [sflag:s19], $0x1F40  }
0x12c: {  	[sflag:s19] =	ssyncset.done $0x0  }
0x12d: {  	s30 =	simm.s32 $0x0;
	[sflag:s19] =	ssyncadd.s32 $0xFFFFE0C0  }
0x12e: {  	v6 =	vld [tilespmem:s30+$0x8000]  }
0x12f: {  	v7 =	vld [tilespmem:s30+$0x9F80];
	_ =	sdelay $0x3  }
0x130: {  	vm0 =	vge.s32 v6, v0;
	vm1 =	vlt.s32 v6, v2  }
0x131: {  	vm2 =	vne.s32 v6, v7;
	vm0 =	vmand vm0, vm1  }
0x132: {  	vm3 =	vlt.s32 v7, v2;
	vm1 =	vge.s32 v7, v0;
	vm0 =	vmand vm0, vm2  }
0x133: {  	vm1 =	vmand vm1, vm3;
	v8 =	vsel vm0, $0x1, v5  }
0x134: {  	vm1 =	vmand vm2, vm1;
	(xrf0) =	vadd.scan.msk.s32 $0xffff, v8  }
0x135: {  	v8 =	vsel vm1, $0x1, v5  }
0x136: {  	(xrf0) =	vadd.scan.msk.s32 $0xffff, v8  }
0x137: {  	s30 =	sadd.s32 s0, s29  }
0x138: {  	s29 =	sadd.s32 s1, s31;
	v8 =	vmov s30  }
0x139: {  	v9 =	vmov s29;
	v8 =	vadd.s32 $0xFFFFFFFF, v8  }
0x13a: {  	v9 =	vadd.s32 $0xFFFFFFFF, v9;
	v8 =	vbroadcast v8, $0x0;
	v10, _, _ =	vpop (xrf0)  }
0x13b: {  	v9 =	vbroadcast v9, $0x0;
	(v2sf) =	vpush v10, $0xF  }
0x13c: {  	v8 =	vadd.s32 v10, v8;
	v10, _, _ =	vpop (xrf0)  }
0x13d: {  	v8 =	vnsel vm0, $0x6010, v8;
	v9 =	vadd.s32 v10, v9  }
0x13e: {  	(v2sf) =	vpush v10, $0xF;
	v9 =	vnsel vm1, $0x6010, v9  }
0x13f: {  	v11 =	vmul.u32 $0x2800, v6  }
0x140: {  	v63 =	vmul.u32 $0x2800, v7  }
0x141: {  	v7 =	vadd.s32 v7, v11  }
0x142: {  	v6 =	vadd.s32 v6, v63;
	[tilespmem:v8+s21+$0x0] =	vst.idx.msk $0xffff, v7  }
0x143: {  	s2 =	simm.s32 $0x10;
	[tilespmem:v9+s22+$0x0] =	vst.idx.msk $0xffff, v6  }
0x144: {  	v8 =	vld [tilespmem:s2+$0x8000]  }
0x145: {  	v6 =	vld [tilespmem:s2+$0x9F80];
	_ =	sdelay $0x3  }
0x146: {  	vm0 =	vge.s32 v8, v0;
	vm2 =	vlt.s32 v8, v2;
	v7 =	vmul.u32 $0x2800, v8  }
0x147: {  	s31 =	simm.s32 $0x80;
	vm1 =	vne.s32 v8, v6;
	vm0 =	vmand vm0, vm2;
	vm2 =	vge.s32 v6, v0;
	s0 =	spop (v2sf)  }
.LBB2_12:
0x148: {  	p0 =	sne.s32 s31, $0x7CC0  }
0x149: {  	vm0 =	vmand vm0, vm1;
	vm3 =	vlt.s32 v6, v2;
	v9 =	vmul.u32 $0x2800, v6;
	s30 =	sadd.s32 s30, s0;
	s0 =	smov.u32 s31;
	s31 =	sadd.s32 $0x40, s31  }
0x14a: {  	vm2 =	vmand vm2, vm3;
	v10 =	vsel vm0, $0x1, v5;
	v11 =	vmov s30;
	s1 =	spop (v2sf)  }
0x14b: {  	vm1 =	vmand vm1, vm2;
	v8 =	vadd.s32 v8, v9;
	(xrf0) =	vadd.scan.msk.s32 $0xffff, v10;
	s29 =	sadd.s32 s29, s1  }
0x14c: {  	v9 =	vsel vm1, $0x1, v5;
	v10 =	vmov s29  }
0x14d: {  	v10 =	vadd.s32 $0xFFFFFFFF, v10;
	(xrf0) =	vadd.scan.msk.s32 $0xffff, v9;
	_ =	sdelay $0x1  }
0x14e: {  	v9 =	vadd.s32 $0xFFFFFFFF, v11  }
0x14f: {  	v9 =	vbroadcast v9, $0x0  }
0x150: {  	v11, _, _ =	vpop (xrf0)  }
0x151: {  	v10 =	vbroadcast v10, $0x0;
	v9 =	vadd.s32 v11, v9;
	(v2sf) =	vpush v11, $0xF  }
0x152: {  	v9 =	vnsel vm0, $0x6010, v9;
	v11, _, _ =	vpop (xrf0)  }
0x153: {  	v10 =	vadd.s32 v11, v10;
	(v2sf) =	vpush v11, $0xF  }
0x154: {  	v10 =	vnsel vm1, $0x6010, v10;
	_ =	sdelay $0x1  }
0x155: {  	v6 =	vadd.s32 v6, v7  }
0x156: {  	[tilespmem:v9+s21+$0x0] =	vst.idx.msk $0xffff, v6;
	_ =	sdelay $0x1  }
0x157: {  	s0 =	sshra.s32 s0, $0x2;
	[tilespmem:v10+s22+$0x0] =	vst.idx.msk $0xffff, v8  }
0x158: {  	v8 =	vld [tilespmem:s0+$0x8000]  }
0x159: {  	v6 =	vld [tilespmem:s0+$0x9F80]  }
.Ltmp7:
0x15a: {  	(pc) =	sbr.rel @p0 .LBB2_12-.Ltmp7, $3  }
0x15b: {  	_ =	sdelay $0x1  }
0x15c: {  	vm0 =	vge.s32 v8, v0;
	vm2 =	vlt.s32 v8, v2;
	v7 =	vmul.u32 $0x2800, v8  }
0x15d: {  	vm1 =	vne.s32 v8, v6;
	vm0 =	vmand vm0, vm2;
	vm2 =	vge.s32 v6, v0;
	s0 =	spop (v2sf)  }
0x15e: {  	vm3 =	vlt.s32 v6, v2  }
0x15f: {  	vm0 =	vmand vm0, vm1;
	vm2 =	vmand vm2, vm3  }
0x160: {  	v9 =	vsel vm0, $0x1, v5;
	vm1 =	vmand vm1, vm2  }
0x161: {  	(xrf0) =	vadd.scan.msk.s32 $0xffff, v9;
	v9 =	vsel vm1, $0x1, v5  }
0x162: {  	(xrf0) =	vadd.scan.msk.s32 $0xffff, v9;
	_ =	sdelay $0x4  }
0x163: {  	v9, _, _ =	vpop (xrf0)  }
0x164: {  	(v2sf) =	vpush v9, $0xF;
	v10, _, _ =	vpop (xrf0)  }
0x165: {  	s0 =	sadd.s32 s30, s0;
	s1 =	spop (v2sf);
	(v2sf) =	vpush v10, $0xF  }
0x166: {  	v11 =	vmov s0;
	s1 =	sadd.s32 s29, s1  }
0x167: {  	v11 =	vadd.s32 $0xFFFFFFFF, v11;
	v12 =	vmov s1  }
0x168: {  	v11 =	vbroadcast v11, $0x0;
	v12 =	vadd.s32 $0xFFFFFFFF, v12  }
0x169: {  	v12 =	vbroadcast v12, $0x0  }
0x16a: {  	v9 =	vadd.s32 v9, v11  }
0x16b: {  	v9 =	vnsel vm0, $0x6010, v9;
	v10 =	vadd.s32 v10, v12  }
0x16c: {  	v10 =	vnsel vm1, $0x6010, v10;
	_ =	sdelay $0x1  }
0x16d: {  	v11 =	vmul.u32 $0x2800, v6  }
0x16e: {  	v6 =	vadd.s32 v6, v7  }
0x16f: {  	v7 =	vadd.s32 v8, v11;
	[tilespmem:v9+s21+$0x0] =	vst.idx.msk $0xffff, v6  }
0x170: {  	s30 =	simm.s32 $0x0;
	s2 =	rddreg [dreg:$0x7];
	[tilespmem:v10+s22+$0x0] =	vst.idx.msk $0xffff, v7  }
0x171: {  	[tilespmem:s18], [sflag:$0x3] =	stream.linear.gather [hbm4b:s2+s30], $0x1F40, $0x38;
	[tilespmem:$0x18080] =	vst v63  }
0x172: {  	s29 =	spop (v2sf)  }
0x173: {  	s31 =	spop (v2sf)  }
0x174: {  	_ =	swait.ge [sflag:s19], $0x1F40  }
0x175: {  	[sflag:s19] =	ssyncset.done $0x0  }
0x176: {  	s2 =	rddreg [dreg:$0x1c];
	[sflag:s19] =	ssyncadd.s32 $0xFFFFE0C0  }
0x177: {  	[tilespmem:s20], [sflag:$0x3] =	stream.linear.gather [hbm4b:s2+s30], $0x1F40, $0x38;
	[tilespmem:$0x18080] =	vst v63  }
0x178: {  	_ =	swait.ge [sflag:s19], $0x1F40  }
0x179: {  	[sflag:s19] =	ssyncset.done $0x0  }
0x17a: {  	s30 =	simm.s32 $0x0;
	[sflag:s19] =	ssyncadd.s32 $0xFFFFE0C0  }
0x17b: {  	v6 =	vld [tilespmem:s30+$0x8000]  }
0x17c: {  	v7 =	vld [tilespmem:s30+$0x9F80];
	_ =	sdelay $0x3  }
0x17d: {  	vm0 =	vge.s32 v6, v0;
	vm1 =	vlt.s32 v6, v2  }
0x17e: {  	vm2 =	vne.s32 v6, v7;
	vm0 =	vmand vm0, vm1  }
0x17f: {  	vm3 =	vlt.s32 v7, v2;
	vm1 =	vge.s32 v7, v0;
	vm0 =	vmand vm0, vm2  }
0x180: {  	vm1 =	vmand vm1, vm3;
	v8 =	vsel vm0, $0x1, v5  }
0x181: {  	vm1 =	vmand vm2, vm1;
	(xrf0) =	vadd.scan.msk.s32 $0xffff, v8  }
0x182: {  	v8 =	vsel vm1, $0x1, v5  }
0x183: {  	(xrf0) =	vadd.scan.msk.s32 $0xffff, v8  }
0x184: {  	s30 =	sadd.s32 s0, s29  }
0x185: {  	s29 =	sadd.s32 s1, s31;
	v8 =	vmov s30  }
0x186: {  	v9 =	vmov s29;
	v8 =	vadd.s32 $0xFFFFFFFF, v8  }
0x187: {  	v9 =	vadd.s32 $0xFFFFFFFF, v9;
	v8 =	vbroadcast v8, $0x0;
	v10, _, _ =	vpop (xrf0)  }
0x188: {  	v9 =	vbroadcast v9, $0x0;
	(v2sf) =	vpush v10, $0xF  }
0x189: {  	v8 =	vadd.s32 v10, v8;
	v10, _, _ =	vpop (xrf0)  }
0x18a: {  	v8 =	vnsel vm0, $0x6010, v8;
	v9 =	vadd.s32 v10, v9  }
0x18b: {  	(v2sf) =	vpush v10, $0xF;
	v9 =	vnsel vm1, $0x6010, v9  }
0x18c: {  	v11 =	vmul.u32 $0x2800, v6  }
0x18d: {  	v63 =	vmul.u32 $0x2800, v7  }
0x18e: {  	v7 =	vadd.s32 v7, v11  }
0x18f: {  	v6 =	vadd.s32 v6, v63;
	[tilespmem:v8+s21+$0x0] =	vst.idx.msk $0xffff, v7  }
0x190: {  	s2 =	simm.s32 $0x10;
	[tilespmem:v9+s22+$0x0] =	vst.idx.msk $0xffff, v6  }
0x191: {  	v8 =	vld [tilespmem:s2+$0x8000]  }
0x192: {  	v6 =	vld [tilespmem:s2+$0x9F80];
	_ =	sdelay $0x3  }
0x193: {  	vm0 =	vge.s32 v8, v0;
	vm2 =	vlt.s32 v8, v2;
	v7 =	vmul.u32 $0x2800, v8  }
0x194: {  	s31 =	simm.s32 $0x80;
	vm1 =	vne.s32 v8, v6;
	vm0 =	vmand vm0, vm2;
	vm2 =	vge.s32 v6, v0;
	s0 =	spop (v2sf)  }
.LBB2_14:
0x195: {  	p0 =	sne.s32 s31, $0x7CC0  }
0x196: {  	vm0 =	vmand vm0, vm1;
	vm3 =	vlt.s32 v6, v2;
	v9 =	vmul.u32 $0x2800, v6;
	s30 =	sadd.s32 s30, s0;
	s0 =	smov.u32 s31;
	s31 =	sadd.s32 $0x40, s31  }
0x197: {  	vm2 =	vmand vm2, vm3;
	v10 =	vsel vm0, $0x1, v5;
	v11 =	vmov s30;
	s1 =	spop (v2sf)  }
0x198: {  	vm1 =	vmand vm1, vm2;
	v8 =	vadd.s32 v8, v9;
	(xrf0) =	vadd.scan.msk.s32 $0xffff, v10;
	s29 =	sadd.s32 s29, s1  }
0x199: {  	v9 =	vsel vm1, $0x1, v5;
	v10 =	vmov s29  }
0x19a: {  	v10 =	vadd.s32 $0xFFFFFFFF, v10;
	(xrf0) =	vadd.scan.msk.s32 $0xffff, v9;
	_ =	sdelay $0x1  }
0x19b: {  	v9 =	vadd.s32 $0xFFFFFFFF, v11  }
0x19c: {  	v9 =	vbroadcast v9, $0x0  }
0x19d: {  	v11, _, _ =	vpop (xrf0)  }
0x19e: {  	v10 =	vbroadcast v10, $0x0;
	v9 =	vadd.s32 v11, v9;
	(v2sf) =	vpush v11, $0xF  }
0x19f: {  	v9 =	vnsel vm0, $0x6010, v9;
	v11, _, _ =	vpop (xrf0)  }
0x1a0: {  	v10 =	vadd.s32 v11, v10;
	(v2sf) =	vpush v11, $0xF  }
0x1a1: {  	v10 =	vnsel vm1, $0x6010, v10;
	_ =	sdelay $0x1  }
0x1a2: {  	v6 =	vadd.s32 v6, v7  }
0x1a3: {  	[tilespmem:v9+s21+$0x0] =	vst.idx.msk $0xffff, v6;
	_ =	sdelay $0x1  }
0x1a4: {  	s0 =	sshra.s32 s0, $0x2;
	[tilespmem:v10+s22+$0x0] =	vst.idx.msk $0xffff, v8  }
0x1a5: {  	v8 =	vld [tilespmem:s0+$0x8000]  }
0x1a6: {  	v6 =	vld [tilespmem:s0+$0x9F80]  }
.Ltmp8:
0x1a7: {  	(pc) =	sbr.rel @p0 .LBB2_14-.Ltmp8, $3  }
0x1a8: {  	_ =	sdelay $0x1  }
0x1a9: {  	vm0 =	vge.s32 v8, v0;
	vm2 =	vlt.s32 v8, v2;
	v7 =	vmul.u32 $0x2800, v8  }
0x1aa: {  	vm1 =	vne.s32 v8, v6;
	vm0 =	vmand vm0, vm2;
	vm2 =	vge.s32 v6, v0;
	s0 =	spop (v2sf)  }
0x1ab: {  	vm3 =	vlt.s32 v6, v2  }
0x1ac: {  	vm0 =	vmand vm0, vm1;
	vm2 =	vmand vm2, vm3  }
0x1ad: {  	v9 =	vsel vm0, $0x1, v5;
	vm1 =	vmand vm1, vm2  }
0x1ae: {  	(xrf0) =	vadd.scan.msk.s32 $0xffff, v9;
	v9 =	vsel vm1, $0x1, v5  }
0x1af: {  	(xrf0) =	vadd.scan.msk.s32 $0xffff, v9;
	_ =	sdelay $0x4  }
0x1b0: {  	v9, _, _ =	vpop (xrf0)  }
0x1b1: {  	(v2sf) =	vpush v9, $0xF;
	v10, _, _ =	vpop (xrf0)  }
0x1b2: {  	s0 =	sadd.s32 s30, s0;
	s1 =	spop (v2sf);
	(v2sf) =	vpush v10, $0xF  }
0x1b3: {  	v11 =	vmov s0;
	s1 =	sadd.s32 s29, s1  }
0x1b4: {  	v11 =	vadd.s32 $0xFFFFFFFF, v11;
	v12 =	vmov s1  }
0x1b5: {  	v11 =	vbroadcast v11, $0x0;
	v12 =	vadd.s32 $0xFFFFFFFF, v12  }
0x1b6: {  	v12 =	vbroadcast v12, $0x0  }
0x1b7: {  	v9 =	vadd.s32 v9, v11  }
0x1b8: {  	v9 =	vnsel vm0, $0x6010, v9;
	v10 =	vadd.s32 v10, v12  }
0x1b9: {  	v10 =	vnsel vm1, $0x6010, v10;
	_ =	sdelay $0x1  }
0x1ba: {  	v11 =	vmul.u32 $0x2800, v6  }
0x1bb: {  	v6 =	vadd.s32 v6, v7  }
0x1bc: {  	v7 =	vadd.s32 v8, v11;
	[tilespmem:v9+s21+$0x0] =	vst.idx.msk $0xffff, v6  }
0x1bd: {  	s30 =	simm.s32 $0x0;
	s2 =	rddreg [dreg:$0x8];
	[tilespmem:v10+s22+$0x0] =	vst.idx.msk $0xffff, v7  }
0x1be: {  	[tilespmem:s18], [sflag:$0x3] =	stream.linear.gather [hbm4b:s2+s30], $0x1F40, $0x38;
	[tilespmem:$0x18080] =	vst v63  }
0x1bf: {  	s29 =	spop (v2sf)  }
0x1c0: {  	s31 =	spop (v2sf)  }
0x1c1: {  	_ =	swait.ge [sflag:s19], $0x1F40  }
0x1c2: {  	[sflag:s19] =	ssyncset.done $0x0  }
0x1c3: {  	s2 =	rddreg [dreg:$0x1d];
	[sflag:s19] =	ssyncadd.s32 $0xFFFFE0C0  }
0x1c4: {  	[tilespmem:s20], [sflag:$0x3] =	stream.linear.gather [hbm4b:s2+s30], $0x1F40, $0x38;
	[tilespmem:$0x18080] =	vst v63  }
0x1c5: {  	_ =	swait.ge [sflag:s19], $0x1F40  }
0x1c6: {  	[sflag:s19] =	ssyncset.done $0x0  }
0x1c7: {  	s30 =	simm.s32 $0x0;
	[sflag:s19] =	ssyncadd.s32 $0xFFFFE0C0  }
0x1c8: {  	v6 =	vld [tilespmem:s30+$0x8000]  }
0x1c9: {  	v7 =	vld [tilespmem:s30+$0x9F80];
	_ =	sdelay $0x3  }
0x1ca: {  	vm0 =	vge.s32 v6, v0;
	vm1 =	vlt.s32 v6, v2  }
0x1cb: {  	vm2 =	vne.s32 v6, v7;
	vm0 =	vmand vm0, vm1  }
0x1cc: {  	vm3 =	vlt.s32 v7, v2;
	vm1 =	vge.s32 v7, v0;
	vm0 =	vmand vm0, vm2  }
0x1cd: {  	vm1 =	vmand vm1, vm3;
	v8 =	vsel vm0, $0x1, v5  }
0x1ce: {  	vm1 =	vmand vm2, vm1;
	(xrf0) =	vadd.scan.msk.s32 $0xffff, v8  }
0x1cf: {  	v8 =	vsel vm1, $0x1, v5  }
0x1d0: {  	(xrf0) =	vadd.scan.msk.s32 $0xffff, v8  }
0x1d1: {  	s30 =	sadd.s32 s0, s29  }
0x1d2: {  	s29 =	sadd.s32 s1, s31;
	v8 =	vmov s30  }
0x1d3: {  	v9 =	vmov s29;
	v8 =	vadd.s32 $0xFFFFFFFF, v8  }
0x1d4: {  	v9 =	vadd.s32 $0xFFFFFFFF, v9;
	v8 =	vbroadcast v8, $0x0;
	v10, _, _ =	vpop (xrf0)  }
0x1d5: {  	v9 =	vbroadcast v9, $0x0;
	(v2sf) =	vpush v10, $0xF  }
0x1d6: {  	v8 =	vadd.s32 v10, v8;
	v10, _, _ =	vpop (xrf0)  }
0x1d7: {  	v8 =	vnsel vm0, $0x6010, v8;
	v9 =	vadd.s32 v10, v9  }
0x1d8: {  	(v2sf) =	vpush v10, $0xF;
	v9 =	vnsel vm1, $0x6010, v9  }
0x1d9: {  	v11 =	vmul.u32 $0x2800, v6  }
0x1da: {  	v63 =	vmul.u32 $0x2800, v7  }
0x1db: {  	v7 =	vadd.s32 v7, v11  }
0x1dc: {  	v6 =	vadd.s32 v6, v63;
	[tilespmem:v8+s21+$0x0] =	vst.idx.msk $0xffff, v7  }
0x1dd: {  	s2 =	simm.s32 $0x10;
	[tilespmem:v9+s22+$0x0] =	vst.idx.msk $0xffff, v6  }
0x1de: {  	v8 =	vld [tilespmem:s2+$0x8000]  }
0x1df: {  	v6 =	vld [tilespmem:s2+$0x9F80];
	_ =	sdelay $0x3  }
0x1e0: {  	vm0 =	vge.s32 v8, v0;
	vm2 =	vlt.s32 v8, v2;
	v7 =	vmul.u32 $0x2800, v8  }
0x1e1: {  	s31 =	simm.s32 $0x80;
	vm1 =	vne.s32 v8, v6;
	vm0 =	vmand vm0, vm2;
	vm2 =	vge.s32 v6, v0;
	s0 =	spop (v2sf)  }
.LBB2_16:
0x1e2: {  	p0 =	sne.s32 s31, $0x7CC0  }
0x1e3: {  	vm0 =	vmand vm0, vm1;
	vm3 =	vlt.s32 v6, v2;
	v9 =	vmul.u32 $0x2800, v6;
	s30 =	sadd.s32 s30, s0;
	s0 =	smov.u32 s31;
	s31 =	sadd.s32 $0x40, s31  }
0x1e4: {  	vm2 =	vmand vm2, vm3;
	v10 =	vsel vm0, $0x1, v5;
	v11 =	vmov s30;
	s1 =	spop (v2sf)  }
0x1e5: {  	vm1 =	vmand vm1, vm2;
	v8 =	vadd.s32 v8, v9;
	(xrf0) =	vadd.scan.msk.s32 $0xffff, v10;
	s29 =	sadd.s32 s29, s1  }
0x1e6: {  	v9 =	vsel vm1, $0x1, v5;
	v10 =	vmov s29  }
0x1e7: {  	v10 =	vadd.s32 $0xFFFFFFFF, v10;
	(xrf0) =	vadd.scan.msk.s32 $0xffff, v9;
	_ =	sdelay $0x1  }
0x1e8: {  	v9 =	vadd.s32 $0xFFFFFFFF, v11  }
0x1e9: {  	v9 =	vbroadcast v9, $0x0  }
0x1ea: {  	v11, _, _ =	vpop (xrf0)  }
0x1eb: {  	v10 =	vbroadcast v10, $0x0;
	v9 =	vadd.s32 v11, v9;
	(v2sf) =	vpush v11, $0xF  }
0x1ec: {  	v9 =	vnsel vm0, $0x6010, v9;
	v11, _, _ =	vpop (xrf0)  }
0x1ed: {  	v10 =	vadd.s32 v11, v10;
	(v2sf) =	vpush v11, $0xF  }
0x1ee: {  	v10 =	vnsel vm1, $0x6010, v10;
	_ =	sdelay $0x1  }
0x1ef: {  	v6 =	vadd.s32 v6, v7  }
0x1f0: {  	[tilespmem:v9+s21+$0x0] =	vst.idx.msk $0xffff, v6;
	_ =	sdelay $0x1  }
0x1f1: {  	s0 =	sshra.s32 s0, $0x2;
	[tilespmem:v10+s22+$0x0] =	vst.idx.msk $0xffff, v8  }
0x1f2: {  	v8 =	vld [tilespmem:s0+$0x8000]  }
0x1f3: {  	v6 =	vld [tilespmem:s0+$0x9F80]  }
.Ltmp9:
0x1f4: {  	(pc) =	sbr.rel @p0 .LBB2_16-.Ltmp9, $3  }
0x1f5: {  	_ =	sdelay $0x1  }
0x1f6: {  	vm0 =	vge.s32 v8, v0;
	vm2 =	vlt.s32 v8, v2;
	v7 =	vmul.u32 $0x2800, v8  }
0x1f7: {  	vm1 =	vne.s32 v8, v6;
	vm0 =	vmand vm0, vm2;
	vm2 =	vge.s32 v6, v0;
	s0 =	spop (v2sf)  }
0x1f8: {  	vm3 =	vlt.s32 v6, v2  }
0x1f9: {  	vm0 =	vmand vm0, vm1;
	vm2 =	vmand vm2, vm3  }
0x1fa: {  	v9 =	vsel vm0, $0x1, v5;
	vm1 =	vmand vm1, vm2  }
0x1fb: {  	(xrf0) =	vadd.scan.msk.s32 $0xffff, v9;
	v9 =	vsel vm1, $0x1, v5  }
0x1fc: {  	(xrf0) =	vadd.scan.msk.s32 $0xffff, v9;
	_ =	sdelay $0x4  }
0x1fd: {  	v9, _, _ =	vpop (xrf0)  }
0x1fe: {  	(v2sf) =	vpush v9, $0xF;
	v10, _, _ =	vpop (xrf0)  }
0x1ff: {  	s0 =	sadd.s32 s30, s0;
	s1 =	spop (v2sf);
	(v2sf) =	vpush v10, $0xF  }
0x200: {  	v11 =	vmov s0;
	s1 =	sadd.s32 s29, s1  }
0x201: {  	v11 =	vadd.s32 $0xFFFFFFFF, v11;
	v12 =	vmov s1  }
0x202: {  	v11 =	vbroadcast v11, $0x0;
	v12 =	vadd.s32 $0xFFFFFFFF, v12  }
0x203: {  	v12 =	vbroadcast v12, $0x0  }
0x204: {  	v9 =	vadd.s32 v9, v11  }
0x205: {  	v9 =	vnsel vm0, $0x6010, v9;
	v10 =	vadd.s32 v10, v12  }
0x206: {  	v10 =	vnsel vm1, $0x6010, v10;
	_ =	sdelay $0x1  }
0x207: {  	v11 =	vmul.u32 $0x2800, v6  }
0x208: {  	v6 =	vadd.s32 v6, v7  }
0x209: {  	v7 =	vadd.s32 v8, v11;
	[tilespmem:v9+s21+$0x0] =	vst.idx.msk $0xffff, v6  }
0x20a: {  	s30 =	simm.s32 $0x0;
	s2 =	rddreg [dreg:$0x9];
	[tilespmem:v10+s22+$0x0] =	vst.idx.msk $0xffff, v7  }
0x20b: {  	[tilespmem:s18], [sflag:$0x3] =	stream.linear.gather [hbm4b:s2+s30], $0x1F40, $0x38;
	[tilespmem:$0x18080] =	vst v63  }
0x20c: {  	s29 =	spop (v2sf)  }
0x20d: {  	s31 =	spop (v2sf)  }
0x20e: {  	_ =	swait.ge [sflag:s19], $0x1F40  }
0x20f: {  	[sflag:s19] =	ssyncset.done $0x0  }
0x210: {  	s2 =	rddreg [dreg:$0x1e];
	[sflag:s19] =	ssyncadd.s32 $0xFFFFE0C0  }
0x211: {  	[tilespmem:s20], [sflag:$0x3] =	stream.linear.gather [hbm4b:s2+s30], $0x1F40, $0x38;
	[tilespmem:$0x18080] =	vst v63  }
0x212: {  	_ =	swait.ge [sflag:s19], $0x1F40  }
0x213: {  	[sflag:s19] =	ssyncset.done $0x0  }
0x214: {  	s30 =	simm.s32 $0x0;
	[sflag:s19] =	ssyncadd.s32 $0xFFFFE0C0  }
0x215: {  	v6 =	vld [tilespmem:s30+$0x8000]  }
0x216: {  	v7 =	vld [tilespmem:s30+$0x9F80];
	_ =	sdelay $0x3  }
0x217: {  	vm0 =	vge.s32 v6, v0;
	vm1 =	vlt.s32 v6, v2  }
0x218: {  	vm2 =	vne.s32 v6, v7;
	vm0 =	vmand vm0, vm1  }
0x219: {  	vm3 =	vlt.s32 v7, v2;
	vm1 =	vge.s32 v7, v0;
	vm0 =	vmand vm0, vm2  }
0x21a: {  	vm1 =	vmand vm1, vm3;
	v8 =	vsel vm0, $0x1, v5  }
0x21b: {  	vm1 =	vmand vm2, vm1;
	(xrf0) =	vadd.scan.msk.s32 $0xffff, v8  }
0x21c: {  	v8 =	vsel vm1, $0x1, v5  }
0x21d: {  	(xrf0) =	vadd.scan.msk.s32 $0xffff, v8  }
0x21e: {  	s30 =	sadd.s32 s0, s29  }
0x21f: {  	s29 =	sadd.s32 s1, s31;
	v8 =	vmov s30  }
0x220: {  	v9 =	vmov s29;
	v8 =	vadd.s32 $0xFFFFFFFF, v8  }
0x221: {  	v9 =	vadd.s32 $0xFFFFFFFF, v9;
	v8 =	vbroadcast v8, $0x0;
	v10, _, _ =	vpop (xrf0)  }
0x222: {  	v9 =	vbroadcast v9, $0x0;
	(v2sf) =	vpush v10, $0xF  }
0x223: {  	v8 =	vadd.s32 v10, v8;
	v10, _, _ =	vpop (xrf0)  }
0x224: {  	v8 =	vnsel vm0, $0x6010, v8;
	v9 =	vadd.s32 v10, v9  }
0x225: {  	(v2sf) =	vpush v10, $0xF;
	v9 =	vnsel vm1, $0x6010, v9  }
0x226: {  	v11 =	vmul.u32 $0x2800, v6  }
0x227: {  	v63 =	vmul.u32 $0x2800, v7  }
0x228: {  	v7 =	vadd.s32 v7, v11  }
0x229: {  	v6 =	vadd.s32 v6, v63;
	[tilespmem:v8+s21+$0x0] =	vst.idx.msk $0xffff, v7  }
0x22a: {  	s2 =	simm.s32 $0x10;
	[tilespmem:v9+s22+$0x0] =	vst.idx.msk $0xffff, v6  }
0x22b: {  	v8 =	vld [tilespmem:s2+$0x8000]  }
0x22c: {  	v6 =	vld [tilespmem:s2+$0x9F80];
	_ =	sdelay $0x3  }
0x22d: {  	vm0 =	vge.s32 v8, v0;
	vm2 =	vlt.s32 v8, v2;
	v7 =	vmul.u32 $0x2800, v8  }
0x22e: {  	s31 =	simm.s32 $0x80;
	vm1 =	vne.s32 v8, v6;
	vm0 =	vmand vm0, vm2;
	vm2 =	vge.s32 v6, v0;
	s0 =	spop (v2sf)  }
.LBB2_18:
0x22f: {  	p0 =	sne.s32 s31, $0x7CC0  }
0x230: {  	vm0 =	vmand vm0, vm1;
	vm3 =	vlt.s32 v6, v2;
	v9 =	vmul.u32 $0x2800, v6;
	s30 =	sadd.s32 s30, s0;
	s0 =	smov.u32 s31;
	s31 =	sadd.s32 $0x40, s31  }
0x231: {  	vm2 =	vmand vm2, vm3;
	v10 =	vsel vm0, $0x1, v5;
	v11 =	vmov s30;
	s1 =	spop (v2sf)  }
0x232: {  	vm1 =	vmand vm1, vm2;
	v8 =	vadd.s32 v8, v9;
	(xrf0) =	vadd.scan.msk.s32 $0xffff, v10;
	s29 =	sadd.s32 s29, s1  }
0x233: {  	v9 =	vsel vm1, $0x1, v5;
	v10 =	vmov s29  }
0x234: {  	v10 =	vadd.s32 $0xFFFFFFFF, v10;
	(xrf0) =	vadd.scan.msk.s32 $0xffff, v9;
	_ =	sdelay $0x1  }
0x235: {  	v9 =	vadd.s32 $0xFFFFFFFF, v11  }
0x236: {  	v9 =	vbroadcast v9, $0x0  }
0x237: {  	v11, _, _ =	vpop (xrf0)  }
0x238: {  	v10 =	vbroadcast v10, $0x0;
	v9 =	vadd.s32 v11, v9;
	(v2sf) =	vpush v11, $0xF  }
0x239: {  	v9 =	vnsel vm0, $0x6010, v9;
	v11, _, _ =	vpop (xrf0)  }
0x23a: {  	v10 =	vadd.s32 v11, v10;
	(v2sf) =	vpush v11, $0xF  }
0x23b: {  	v10 =	vnsel vm1, $0x6010, v10;
	_ =	sdelay $0x1  }
0x23c: {  	v6 =	vadd.s32 v6, v7  }
0x23d: {  	[tilespmem:v9+s21+$0x0] =	vst.idx.msk $0xffff, v6;
	_ =	sdelay $0x1  }
0x23e: {  	s0 =	sshra.s32 s0, $0x2;
	[tilespmem:v10+s22+$0x0] =	vst.idx.msk $0xffff, v8  }
0x23f: {  	v8 =	vld [tilespmem:s0+$0x8000]  }
0x240: {  	v6 =	vld [tilespmem:s0+$0x9F80]  }
.Ltmp10:
0x241: {  	(pc) =	sbr.rel @p0 .LBB2_18-.Ltmp10, $3  }
0x242: {  	_ =	sdelay $0x1  }
0x243: {  	vm0 =	vge.s32 v8, v0;
	vm2 =	vlt.s32 v8, v2;
	v7 =	vmul.u32 $0x2800, v8  }
0x244: {  	vm1 =	vne.s32 v8, v6;
	vm0 =	vmand vm0, vm2;
	vm2 =	vge.s32 v6, v0;
	s0 =	spop (v2sf)  }
0x245: {  	vm3 =	vlt.s32 v6, v2  }
0x246: {  	vm0 =	vmand vm0, vm1;
	vm2 =	vmand vm2, vm3  }
0x247: {  	v9 =	vsel vm0, $0x1, v5;
	vm1 =	vmand vm1, vm2  }
0x248: {  	(xrf0) =	vadd.scan.msk.s32 $0xffff, v9;
	v9 =	vsel vm1, $0x1, v5  }
0x249: {  	(xrf0) =	vadd.scan.msk.s32 $0xffff, v9;
	_ =	sdelay $0x4  }
0x24a: {  	v9, _, _ =	vpop (xrf0)  }
0x24b: {  	(v2sf) =	vpush v9, $0xF;
	v10, _, _ =	vpop (xrf0)  }
0x24c: {  	s0 =	sadd.s32 s30, s0;
	s1 =	spop (v2sf);
	(v2sf) =	vpush v10, $0xF  }
0x24d: {  	v11 =	vmov s0;
	s1 =	sadd.s32 s29, s1  }
0x24e: {  	v11 =	vadd.s32 $0xFFFFFFFF, v11;
	v12 =	vmov s1  }
0x24f: {  	v11 =	vbroadcast v11, $0x0;
	v12 =	vadd.s32 $0xFFFFFFFF, v12  }
0x250: {  	v12 =	vbroadcast v12, $0x0  }
0x251: {  	v9 =	vadd.s32 v9, v11  }
0x252: {  	v9 =	vnsel vm0, $0x6010, v9;
	v10 =	vadd.s32 v10, v12  }
0x253: {  	v10 =	vnsel vm1, $0x6010, v10;
	_ =	sdelay $0x1  }
0x254: {  	v11 =	vmul.u32 $0x2800, v6  }
0x255: {  	v6 =	vadd.s32 v6, v7  }
0x256: {  	v7 =	vadd.s32 v8, v11;
	[tilespmem:v9+s21+$0x0] =	vst.idx.msk $0xffff, v6  }
0x257: {  	s30 =	simm.s32 $0x0;
	s2 =	rddreg [dreg:$0xa];
	[tilespmem:v10+s22+$0x0] =	vst.idx.msk $0xffff, v7  }
0x258: {  	[tilespmem:s18], [sflag:$0x3] =	stream.linear.gather [hbm4b:s2+s30], $0x1F40, $0x38;
	[tilespmem:$0x18080] =	vst v63  }
0x259: {  	s29 =	spop (v2sf)  }
0x25a: {  	s31 =	spop (v2sf)  }
0x25b: {  	_ =	swait.ge [sflag:s19], $0x1F40  }
0x25c: {  	[sflag:s19] =	ssyncset.done $0x0  }
0x25d: {  	[sflag:s19] =	ssyncadd.s32 $0xFFFFE0C0  }
0x25e: {  	[tilespmem:s20], [sflag:$0x3] =	stream.linear.gather [hbm4b:s4+s30], $0x1F40, $0x38;
	[tilespmem:$0x18080] =	vst v63  }
0x25f: {  	_ =	swait.ge [sflag:s19], $0x1F40  }
0x260: {  	[sflag:s19] =	ssyncset.done $0x0  }
0x261: {  	s30 =	simm.s32 $0x0;
	[sflag:s19] =	ssyncadd.s32 $0xFFFFE0C0  }
0x262: {  	v6 =	vld [tilespmem:s30+$0x8000]  }
0x263: {  	v7 =	vld [tilespmem:s30+$0x9F80];
	_ =	sdelay $0x3  }
0x264: {  	vm0 =	vge.s32 v6, v0;
	vm1 =	vlt.s32 v6, v2  }
0x265: {  	vm2 =	vne.s32 v6, v7;
	vm0 =	vmand vm0, vm1  }
0x266: {  	vm3 =	vlt.s32 v7, v2;
	vm1 =	vge.s32 v7, v0;
	vm0 =	vmand vm0, vm2  }
0x267: {  	vm1 =	vmand vm1, vm3;
	v8 =	vsel vm0, $0x1, v5  }
0x268: {  	vm1 =	vmand vm2, vm1;
	(xrf0) =	vadd.scan.msk.s32 $0xffff, v8  }
0x269: {  	v8 =	vsel vm1, $0x1, v5  }
0x26a: {  	(xrf0) =	vadd.scan.msk.s32 $0xffff, v8  }
0x26b: {  	s30 =	sadd.s32 s0, s29  }
0x26c: {  	s29 =	sadd.s32 s1, s31;
	v8 =	vmov s30  }
0x26d: {  	v9 =	vmov s29;
	v8 =	vadd.s32 $0xFFFFFFFF, v8  }
0x26e: {  	v9 =	vadd.s32 $0xFFFFFFFF, v9;
	v8 =	vbroadcast v8, $0x0;
	v10, _, _ =	vpop (xrf0)  }
0x26f: {  	v9 =	vbroadcast v9, $0x0;
	(v2sf) =	vpush v10, $0xF  }
0x270: {  	v8 =	vadd.s32 v10, v8;
	v10, _, _ =	vpop (xrf0)  }
0x271: {  	v8 =	vnsel vm0, $0x6010, v8;
	v9 =	vadd.s32 v10, v9  }
0x272: {  	(v2sf) =	vpush v10, $0xF;
	v9 =	vnsel vm1, $0x6010, v9  }
0x273: {  	v11 =	vmul.u32 $0x2800, v6  }
0x274: {  	v63 =	vmul.u32 $0x2800, v7  }
0x275: {  	v7 =	vadd.s32 v7, v11  }
0x276: {  	v6 =	vadd.s32 v6, v63;
	[tilespmem:v8+s21+$0x0] =	vst.idx.msk $0xffff, v7  }
0x277: {  	s2 =	simm.s32 $0x10;
	[tilespmem:v9+s22+$0x0] =	vst.idx.msk $0xffff, v6  }
0x278: {  	v8 =	vld [tilespmem:s2+$0x8000]  }
0x279: {  	v6 =	vld [tilespmem:s2+$0x9F80];
	_ =	sdelay $0x3  }
0x27a: {  	vm0 =	vge.s32 v8, v0;
	vm2 =	vlt.s32 v8, v2;
	v7 =	vmul.u32 $0x2800, v8  }
0x27b: {  	s31 =	simm.s32 $0x80;
	vm1 =	vne.s32 v8, v6;
	vm0 =	vmand vm0, vm2;
	vm2 =	vge.s32 v6, v0;
	s0 =	spop (v2sf)  }
.LBB2_20:
0x27c: {  	p0 =	sne.s32 s31, $0x7CC0  }
0x27d: {  	vm0 =	vmand vm0, vm1;
	vm3 =	vlt.s32 v6, v2;
	v9 =	vmul.u32 $0x2800, v6;
	s30 =	sadd.s32 s30, s0;
	s0 =	smov.u32 s31;
	s31 =	sadd.s32 $0x40, s31  }
0x27e: {  	vm2 =	vmand vm2, vm3;
	v10 =	vsel vm0, $0x1, v5;
	v11 =	vmov s30;
	s1 =	spop (v2sf)  }
0x27f: {  	vm1 =	vmand vm1, vm2;
	v8 =	vadd.s32 v8, v9;
	(xrf0) =	vadd.scan.msk.s32 $0xffff, v10;
	s29 =	sadd.s32 s29, s1  }
0x280: {  	v9 =	vsel vm1, $0x1, v5;
	v10 =	vmov s29  }
0x281: {  	v10 =	vadd.s32 $0xFFFFFFFF, v10;
	(xrf0) =	vadd.scan.msk.s32 $0xffff, v9;
	_ =	sdelay $0x1  }
0x282: {  	v9 =	vadd.s32 $0xFFFFFFFF, v11  }
0x283: {  	v9 =	vbroadcast v9, $0x0  }
0x284: {  	v11, _, _ =	vpop (xrf0)  }
0x285: {  	v10 =	vbroadcast v10, $0x0;
	v9 =	vadd.s32 v11, v9;
	(v2sf) =	vpush v11, $0xF  }
0x286: {  	v9 =	vnsel vm0, $0x6010, v9;
	v11, _, _ =	vpop (xrf0)  }
0x287: {  	v10 =	vadd.s32 v11, v10;
	(v2sf) =	vpush v11, $0xF  }
0x288: {  	v10 =	vnsel vm1, $0x6010, v10;
	_ =	sdelay $0x1  }
0x289: {  	v6 =	vadd.s32 v6, v7  }
0x28a: {  	[tilespmem:v9+s21+$0x0] =	vst.idx.msk $0xffff, v6;
	_ =	sdelay $0x1  }
0x28b: {  	s0 =	sshra.s32 s0, $0x2;
	[tilespmem:v10+s22+$0x0] =	vst.idx.msk $0xffff, v8  }
0x28c: {  	v8 =	vld [tilespmem:s0+$0x8000]  }
0x28d: {  	v6 =	vld [tilespmem:s0+$0x9F80]  }
.Ltmp11:
0x28e: {  	(pc) =	sbr.rel @p0 .LBB2_20-.Ltmp11, $3  }
0x28f: {  	_ =	sdelay $0x1  }
0x290: {  	vm0 =	vge.s32 v8, v0;
	vm2 =	vlt.s32 v8, v2;
	v7 =	vmul.u32 $0x2800, v8  }
0x291: {  	vm1 =	vne.s32 v8, v6;
	vm0 =	vmand vm0, vm2;
	vm2 =	vge.s32 v6, v0;
	s0 =	spop (v2sf)  }
0x292: {  	vm3 =	vlt.s32 v6, v2  }
0x293: {  	vm0 =	vmand vm0, vm1;
	vm2 =	vmand vm2, vm3  }
0x294: {  	v9 =	vsel vm0, $0x1, v5;
	vm1 =	vmand vm1, vm2  }
0x295: {  	(xrf0) =	vadd.scan.msk.s32 $0xffff, v9;
	v9 =	vsel vm1, $0x1, v5  }
0x296: {  	(xrf0) =	vadd.scan.msk.s32 $0xffff, v9;
	_ =	sdelay $0x4  }
0x297: {  	v9, _, _ =	vpop (xrf0)  }
0x298: {  	(v2sf) =	vpush v9, $0xF;
	v10, _, _ =	vpop (xrf0)  }
0x299: {  	s0 =	sadd.s32 s30, s0;
	s1 =	spop (v2sf);
	(v2sf) =	vpush v10, $0xF  }
0x29a: {  	v11 =	vmov s0;
	s1 =	sadd.s32 s29, s1  }
0x29b: {  	v11 =	vadd.s32 $0xFFFFFFFF, v11;
	v12 =	vmov s1  }
0x29c: {  	v11 =	vbroadcast v11, $0x0;
	v12 =	vadd.s32 $0xFFFFFFFF, v12  }
0x29d: {  	v12 =	vbroadcast v12, $0x0  }
0x29e: {  	v9 =	vadd.s32 v9, v11  }
0x29f: {  	v9 =	vnsel vm0, $0x6010, v9;
	v10 =	vadd.s32 v10, v12  }
0x2a0: {  	v10 =	vnsel vm1, $0x6010, v10;
	_ =	sdelay $0x1  }
0x2a1: {  	v11 =	vmul.u32 $0x2800, v6  }
0x2a2: {  	v6 =	vadd.s32 v6, v7  }
0x2a3: {  	v7 =	vadd.s32 v8, v11;
	[tilespmem:v9+s21+$0x0] =	vst.idx.msk $0xffff, v6  }
0x2a4: {  	s30 =	simm.s32 $0x0;
	s2 =	rddreg [dreg:$0xb];
	[tilespmem:v10+s22+$0x0] =	vst.idx.msk $0xffff, v7  }
0x2a5: {  	[tilespmem:s18], [sflag:$0x3] =	stream.linear.gather [hbm4b:s2+s30], $0x1F40, $0x38;
	[tilespmem:$0x18080] =	vst v63  }
0x2a6: {  	s29 =	spop (v2sf)  }
0x2a7: {  	s31 =	spop (v2sf)  }
0x2a8: {  	_ =	swait.ge [sflag:s19], $0x1F40  }
0x2a9: {  	[sflag:s19] =	ssyncset.done $0x0  }
0x2aa: {  	[sflag:s19] =	ssyncadd.s32 $0xFFFFE0C0  }
0x2ab: {  	[tilespmem:s20], [sflag:$0x3] =	stream.linear.gather [hbm4b:s6+s30], $0x1F40, $0x38;
	[tilespmem:$0x18080] =	vst v63  }
0x2ac: {  	_ =	swait.ge [sflag:s19], $0x1F40  }
0x2ad: {  	[sflag:s19] =	ssyncset.done $0x0  }
0x2ae: {  	s30 =	simm.s32 $0x0;
	[sflag:s19] =	ssyncadd.s32 $0xFFFFE0C0  }
0x2af: {  	v6 =	vld [tilespmem:s30+$0x8000]  }
0x2b0: {  	v7 =	vld [tilespmem:s30+$0x9F80];
	_ =	sdelay $0x3  }
0x2b1: {  	vm0 =	vge.s32 v6, v0;
	vm1 =	vlt.s32 v6, v2  }
0x2b2: {  	vm2 =	vne.s32 v6, v7;
	vm0 =	vmand vm0, vm1  }
0x2b3: {  	vm3 =	vlt.s32 v7, v2;
	vm1 =	vge.s32 v7, v0;
	vm0 =	vmand vm0, vm2  }
0x2b4: {  	vm1 =	vmand vm1, vm3;
	v8 =	vsel vm0, $0x1, v5  }
0x2b5: {  	vm1 =	vmand vm2, vm1;
	(xrf0) =	vadd.scan.msk.s32 $0xffff, v8  }
0x2b6: {  	v8 =	vsel vm1, $0x1, v5  }
0x2b7: {  	(xrf0) =	vadd.scan.msk.s32 $0xffff, v8  }
0x2b8: {  	s30 =	sadd.s32 s0, s29  }
0x2b9: {  	s29 =	sadd.s32 s1, s31;
	v8 =	vmov s30  }
0x2ba: {  	v9 =	vmov s29;
	v8 =	vadd.s32 $0xFFFFFFFF, v8  }
0x2bb: {  	v9 =	vadd.s32 $0xFFFFFFFF, v9;
	v8 =	vbroadcast v8, $0x0;
	v10, _, _ =	vpop (xrf0)  }
0x2bc: {  	v9 =	vbroadcast v9, $0x0;
	(v2sf) =	vpush v10, $0xF  }
0x2bd: {  	v8 =	vadd.s32 v10, v8;
	v10, _, _ =	vpop (xrf0)  }
0x2be: {  	v8 =	vnsel vm0, $0x6010, v8;
	v9 =	vadd.s32 v10, v9  }
0x2bf: {  	(v2sf) =	vpush v10, $0xF;
	v9 =	vnsel vm1, $0x6010, v9  }
0x2c0: {  	v11 =	vmul.u32 $0x2800, v6  }
0x2c1: {  	v63 =	vmul.u32 $0x2800, v7  }
0x2c2: {  	v7 =	vadd.s32 v7, v11  }
0x2c3: {  	v6 =	vadd.s32 v6, v63;
	[tilespmem:v8+s21+$0x0] =	vst.idx.msk $0xffff, v7  }
0x2c4: {  	s2 =	simm.s32 $0x10;
	[tilespmem:v9+s22+$0x0] =	vst.idx.msk $0xffff, v6  }
0x2c5: {  	v8 =	vld [tilespmem:s2+$0x8000]  }
0x2c6: {  	v6 =	vld [tilespmem:s2+$0x9F80];
	_ =	sdelay $0x3  }
0x2c7: {  	vm0 =	vge.s32 v8, v0;
	vm2 =	vlt.s32 v8, v2;
	v7 =	vmul.u32 $0x2800, v8  }
0x2c8: {  	s31 =	simm.s32 $0x80;
	vm1 =	vne.s32 v8, v6;
	vm0 =	vmand vm0, vm2;
	vm2 =	vge.s32 v6, v0;
	s0 =	spop (v2sf)  }
.LBB2_22:
0x2c9: {  	p0 =	sne.s32 s31, $0x7CC0  }
0x2ca: {  	vm0 =	vmand vm0, vm1;
	vm3 =	vlt.s32 v6, v2;
	v9 =	vmul.u32 $0x2800, v6;
	s30 =	sadd.s32 s30, s0;
	s0 =	smov.u32 s31;
	s31 =	sadd.s32 $0x40, s31  }
0x2cb: {  	vm2 =	vmand vm2, vm3;
	v10 =	vsel vm0, $0x1, v5;
	v11 =	vmov s30;
	s1 =	spop (v2sf)  }
0x2cc: {  	vm1 =	vmand vm1, vm2;
	v8 =	vadd.s32 v8, v9;
	(xrf0) =	vadd.scan.msk.s32 $0xffff, v10;
	s29 =	sadd.s32 s29, s1  }
0x2cd: {  	v9 =	vsel vm1, $0x1, v5;
	v10 =	vmov s29  }
0x2ce: {  	v10 =	vadd.s32 $0xFFFFFFFF, v10;
	(xrf0) =	vadd.scan.msk.s32 $0xffff, v9;
	_ =	sdelay $0x1  }
0x2cf: {  	v9 =	vadd.s32 $0xFFFFFFFF, v11  }
0x2d0: {  	v9 =	vbroadcast v9, $0x0  }
0x2d1: {  	v11, _, _ =	vpop (xrf0)  }
0x2d2: {  	v10 =	vbroadcast v10, $0x0;
	v9 =	vadd.s32 v11, v9;
	(v2sf) =	vpush v11, $0xF  }
0x2d3: {  	v9 =	vnsel vm0, $0x6010, v9;
	v11, _, _ =	vpop (xrf0)  }
0x2d4: {  	v10 =	vadd.s32 v11, v10;
	(v2sf) =	vpush v11, $0xF  }
0x2d5: {  	v10 =	vnsel vm1, $0x6010, v10;
	_ =	sdelay $0x1  }
0x2d6: {  	v6 =	vadd.s32 v6, v7  }
0x2d7: {  	[tilespmem:v9+s21+$0x0] =	vst.idx.msk $0xffff, v6;
	_ =	sdelay $0x1  }
0x2d8: {  	s0 =	sshra.s32 s0, $0x2;
	[tilespmem:v10+s22+$0x0] =	vst.idx.msk $0xffff, v8  }
0x2d9: {  	v8 =	vld [tilespmem:s0+$0x8000]  }
0x2da: {  	v6 =	vld [tilespmem:s0+$0x9F80]  }
.Ltmp12:
0x2db: {  	(pc) =	sbr.rel @p0 .LBB2_22-.Ltmp12, $3  }
0x2dc: {  	_ =	sdelay $0x1  }
0x2dd: {  	vm0 =	vge.s32 v8, v0;
	vm2 =	vlt.s32 v8, v2;
	v7 =	vmul.u32 $0x2800, v8  }
0x2de: {  	vm1 =	vne.s32 v8, v6;
	vm0 =	vmand vm0, vm2;
	vm2 =	vge.s32 v6, v0;
	s0 =	spop (v2sf)  }
0x2df: {  	vm3 =	vlt.s32 v6, v2  }
0x2e0: {  	vm0 =	vmand vm0, vm1;
	vm2 =	vmand vm2, vm3  }
0x2e1: {  	v9 =	vsel vm0, $0x1, v5;
	vm1 =	vmand vm1, vm2  }
0x2e2: {  	(xrf0) =	vadd.scan.msk.s32 $0xffff, v9;
	v9 =	vsel vm1, $0x1, v5  }
0x2e3: {  	(xrf0) =	vadd.scan.msk.s32 $0xffff, v9;
	_ =	sdelay $0x4  }
0x2e4: {  	v9, _, _ =	vpop (xrf0)  }
0x2e5: {  	(v2sf) =	vpush v9, $0xF;
	v10, _, _ =	vpop (xrf0)  }
0x2e6: {  	s0 =	sadd.s32 s30, s0;
	s1 =	spop (v2sf);
	(v2sf) =	vpush v10, $0xF  }
0x2e7: {  	v11 =	vmov s0;
	s1 =	sadd.s32 s29, s1  }
0x2e8: {  	v11 =	vadd.s32 $0xFFFFFFFF, v11;
	v12 =	vmov s1  }
0x2e9: {  	v11 =	vbroadcast v11, $0x0;
	v12 =	vadd.s32 $0xFFFFFFFF, v12  }
0x2ea: {  	v12 =	vbroadcast v12, $0x0  }
0x2eb: {  	v9 =	vadd.s32 v9, v11  }
0x2ec: {  	v9 =	vnsel vm0, $0x6010, v9;
	v10 =	vadd.s32 v10, v12  }
0x2ed: {  	v10 =	vnsel vm1, $0x6010, v10;
	_ =	sdelay $0x1  }
0x2ee: {  	v11 =	vmul.u32 $0x2800, v6  }
0x2ef: {  	v6 =	vadd.s32 v6, v7  }
0x2f0: {  	v7 =	vadd.s32 v8, v11;
	[tilespmem:v9+s21+$0x0] =	vst.idx.msk $0xffff, v6  }
0x2f1: {  	s30 =	simm.s32 $0x0;
	s2 =	rddreg [dreg:$0xc];
	[tilespmem:v10+s22+$0x0] =	vst.idx.msk $0xffff, v7  }
0x2f2: {  	[tilespmem:s18], [sflag:$0x3] =	stream.linear.gather [hbm4b:s2+s30], $0x1F40, $0x38;
	[tilespmem:$0x18080] =	vst v63  }
0x2f3: {  	s29 =	spop (v2sf)  }
0x2f4: {  	s31 =	spop (v2sf)  }
0x2f5: {  	_ =	swait.ge [sflag:s19], $0x1F40  }
0x2f6: {  	[sflag:s19] =	ssyncset.done $0x0  }
0x2f7: {  	[sflag:s19] =	ssyncadd.s32 $0xFFFFE0C0  }
0x2f8: {  	[tilespmem:s20], [sflag:$0x3] =	stream.linear.gather [hbm4b:s7+s30], $0x1F40, $0x38;
	[tilespmem:$0x18080] =	vst v63  }
0x2f9: {  	_ =	swait.ge [sflag:s19], $0x1F40  }
0x2fa: {  	[sflag:s19] =	ssyncset.done $0x0  }
0x2fb: {  	s30 =	simm.s32 $0x0;
	[sflag:s19] =	ssyncadd.s32 $0xFFFFE0C0  }
0x2fc: {  	v6 =	vld [tilespmem:s30+$0x8000]  }
0x2fd: {  	v7 =	vld [tilespmem:s30+$0x9F80];
	_ =	sdelay $0x3  }
0x2fe: {  	vm0 =	vge.s32 v6, v0;
	vm1 =	vlt.s32 v6, v2  }
0x2ff: {  	vm2 =	vne.s32 v6, v7;
	vm0 =	vmand vm0, vm1  }
0x300: {  	vm3 =	vlt.s32 v7, v2;
	vm1 =	vge.s32 v7, v0;
	vm0 =	vmand vm0, vm2  }
0x301: {  	vm1 =	vmand vm1, vm3;
	v8 =	vsel vm0, $0x1, v5  }
0x302: {  	vm1 =	vmand vm2, vm1;
	(xrf0) =	vadd.scan.msk.s32 $0xffff, v8  }
0x303: {  	v8 =	vsel vm1, $0x1, v5  }
0x304: {  	(xrf0) =	vadd.scan.msk.s32 $0xffff, v8  }
0x305: {  	s30 =	sadd.s32 s0, s29  }
0x306: {  	s29 =	sadd.s32 s1, s31;
	v8 =	vmov s30  }
0x307: {  	v9 =	vmov s29;
	v8 =	vadd.s32 $0xFFFFFFFF, v8  }
0x308: {  	v9 =	vadd.s32 $0xFFFFFFFF, v9;
	v8 =	vbroadcast v8, $0x0;
	v10, _, _ =	vpop (xrf0)  }
0x309: {  	v9 =	vbroadcast v9, $0x0;
	(v2sf) =	vpush v10, $0xF  }
0x30a: {  	v8 =	vadd.s32 v10, v8;
	v10, _, _ =	vpop (xrf0)  }
0x30b: {  	v8 =	vnsel vm0, $0x6010, v8;
	v9 =	vadd.s32 v10, v9  }
0x30c: {  	(v2sf) =	vpush v10, $0xF;
	v9 =	vnsel vm1, $0x6010, v9  }
0x30d: {  	v11 =	vmul.u32 $0x2800, v6  }
0x30e: {  	v63 =	vmul.u32 $0x2800, v7  }
0x30f: {  	v7 =	vadd.s32 v7, v11  }
0x310: {  	v6 =	vadd.s32 v6, v63;
	[tilespmem:v8+s21+$0x0] =	vst.idx.msk $0xffff, v7  }
0x311: {  	s2 =	simm.s32 $0x10;
	[tilespmem:v9+s22+$0x0] =	vst.idx.msk $0xffff, v6  }
0x312: {  	v8 =	vld [tilespmem:s2+$0x8000]  }
0x313: {  	v6 =	vld [tilespmem:s2+$0x9F80];
	_ =	sdelay $0x3  }
0x314: {  	vm0 =	vge.s32 v8, v0;
	vm2 =	vlt.s32 v8, v2;
	v7 =	vmul.u32 $0x2800, v8  }
0x315: {  	s31 =	simm.s32 $0x80;
	vm1 =	vne.s32 v8, v6;
	vm0 =	vmand vm0, vm2;
	vm2 =	vge.s32 v6, v0;
	s0 =	spop (v2sf)  }
.LBB2_24:
0x316: {  	p0 =	sne.s32 s31, $0x7CC0  }
0x317: {  	vm0 =	vmand vm0, vm1;
	vm3 =	vlt.s32 v6, v2;
	v9 =	vmul.u32 $0x2800, v6;
	s30 =	sadd.s32 s30, s0;
	s0 =	smov.u32 s31;
	s31 =	sadd.s32 $0x40, s31  }
0x318: {  	vm2 =	vmand vm2, vm3;
	v10 =	vsel vm0, $0x1, v5;
	v11 =	vmov s30;
	s1 =	spop (v2sf)  }
0x319: {  	vm1 =	vmand vm1, vm2;
	v8 =	vadd.s32 v8, v9;
	(xrf0) =	vadd.scan.msk.s32 $0xffff, v10;
	s29 =	sadd.s32 s29, s1  }
0x31a: {  	v9 =	vsel vm1, $0x1, v5;
	v10 =	vmov s29  }
0x31b: {  	v10 =	vadd.s32 $0xFFFFFFFF, v10;
	(xrf0) =	vadd.scan.msk.s32 $0xffff, v9;
	_ =	sdelay $0x1  }
0x31c: {  	v9 =	vadd.s32 $0xFFFFFFFF, v11  }
0x31d: {  	v9 =	vbroadcast v9, $0x0  }
0x31e: {  	v11, _, _ =	vpop (xrf0)  }
0x31f: {  	v10 =	vbroadcast v10, $0x0;
	v9 =	vadd.s32 v11, v9;
	(v2sf) =	vpush v11, $0xF  }
0x320: {  	v9 =	vnsel vm0, $0x6010, v9;
	v11, _, _ =	vpop (xrf0)  }
0x321: {  	v10 =	vadd.s32 v11, v10;
	(v2sf) =	vpush v11, $0xF  }
0x322: {  	v10 =	vnsel vm1, $0x6010, v10;
	_ =	sdelay $0x1  }
0x323: {  	v6 =	vadd.s32 v6, v7  }
0x324: {  	[tilespmem:v9+s21+$0x0] =	vst.idx.msk $0xffff, v6;
	_ =	sdelay $0x1  }
0x325: {  	s0 =	sshra.s32 s0, $0x2;
	[tilespmem:v10+s22+$0x0] =	vst.idx.msk $0xffff, v8  }
0x326: {  	v8 =	vld [tilespmem:s0+$0x8000]  }
0x327: {  	v6 =	vld [tilespmem:s0+$0x9F80]  }
.Ltmp13:
0x328: {  	(pc) =	sbr.rel @p0 .LBB2_24-.Ltmp13, $3  }
0x329: {  	_ =	sdelay $0x1  }
0x32a: {  	vm0 =	vge.s32 v8, v0;
	vm2 =	vlt.s32 v8, v2;
	v7 =	vmul.u32 $0x2800, v8  }
0x32b: {  	vm1 =	vne.s32 v8, v6;
	vm0 =	vmand vm0, vm2;
	vm2 =	vge.s32 v6, v0;
	s0 =	spop (v2sf)  }
0x32c: {  	vm3 =	vlt.s32 v6, v2  }
0x32d: {  	vm0 =	vmand vm0, vm1;
	vm2 =	vmand vm2, vm3  }
0x32e: {  	v9 =	vsel vm0, $0x1, v5;
	vm1 =	vmand vm1, vm2  }
0x32f: {  	(xrf0) =	vadd.scan.msk.s32 $0xffff, v9;
	v9 =	vsel vm1, $0x1, v5  }
0x330: {  	(xrf0) =	vadd.scan.msk.s32 $0xffff, v9;
	_ =	sdelay $0x4  }
0x331: {  	v9, _, _ =	vpop (xrf0)  }
0x332: {  	(v2sf) =	vpush v9, $0xF;
	v10, _, _ =	vpop (xrf0)  }
0x333: {  	s0 =	sadd.s32 s30, s0;
	s1 =	spop (v2sf);
	(v2sf) =	vpush v10, $0xF  }
0x334: {  	v11 =	vmov s0;
	s1 =	sadd.s32 s29, s1  }
0x335: {  	v11 =	vadd.s32 $0xFFFFFFFF, v11;
	v12 =	vmov s1  }
0x336: {  	v11 =	vbroadcast v11, $0x0;
	v12 =	vadd.s32 $0xFFFFFFFF, v12  }
0x337: {  	v12 =	vbroadcast v12, $0x0  }
0x338: {  	v9 =	vadd.s32 v9, v11  }
0x339: {  	v9 =	vnsel vm0, $0x6010, v9;
	v10 =	vadd.s32 v10, v12  }
0x33a: {  	v10 =	vnsel vm1, $0x6010, v10;
	_ =	sdelay $0x1  }
0x33b: {  	v11 =	vmul.u32 $0x2800, v6  }
0x33c: {  	v6 =	vadd.s32 v6, v7  }
0x33d: {  	v7 =	vadd.s32 v8, v11;
	[tilespmem:v9+s21+$0x0] =	vst.idx.msk $0xffff, v6  }
0x33e: {  	s30 =	simm.s32 $0x0;
	s2 =	rddreg [dreg:$0xd];
	[tilespmem:v10+s22+$0x0] =	vst.idx.msk $0xffff, v7  }
0x33f: {  	[tilespmem:s18], [sflag:$0x3] =	stream.linear.gather [hbm4b:s2+s30], $0x1F40, $0x38;
	[tilespmem:$0x18080] =	vst v63  }
0x340: {  	s29 =	spop (v2sf)  }
0x341: {  	s31 =	spop (v2sf)  }
0x342: {  	_ =	swait.ge [sflag:s19], $0x1F40  }
0x343: {  	[sflag:s19] =	ssyncset.done $0x0  }
0x344: {  	[sflag:s19] =	ssyncadd.s32 $0xFFFFE0C0  }
0x345: {  	[tilespmem:s20], [sflag:$0x3] =	stream.linear.gather [hbm4b:s8+s30], $0x1F40, $0x38;
	[tilespmem:$0x18080] =	vst v63  }
0x346: {  	_ =	swait.ge [sflag:s19], $0x1F40  }
0x347: {  	[sflag:s19] =	ssyncset.done $0x0  }
0x348: {  	s30 =	simm.s32 $0x0;
	[sflag:s19] =	ssyncadd.s32 $0xFFFFE0C0  }
0x349: {  	v6 =	vld [tilespmem:s30+$0x8000]  }
0x34a: {  	v7 =	vld [tilespmem:s30+$0x9F80];
	_ =	sdelay $0x3  }
0x34b: {  	vm0 =	vge.s32 v6, v0;
	vm1 =	vlt.s32 v6, v2  }
0x34c: {  	vm2 =	vne.s32 v6, v7;
	vm0 =	vmand vm0, vm1  }
0x34d: {  	vm3 =	vlt.s32 v7, v2;
	vm1 =	vge.s32 v7, v0;
	vm0 =	vmand vm0, vm2  }
0x34e: {  	vm1 =	vmand vm1, vm3;
	v8 =	vsel vm0, $0x1, v5  }
0x34f: {  	vm1 =	vmand vm2, vm1;
	(xrf0) =	vadd.scan.msk.s32 $0xffff, v8  }
0x350: {  	v8 =	vsel vm1, $0x1, v5  }
0x351: {  	(xrf0) =	vadd.scan.msk.s32 $0xffff, v8  }
0x352: {  	s30 =	sadd.s32 s0, s29  }
0x353: {  	s29 =	sadd.s32 s1, s31;
	v8 =	vmov s30  }
0x354: {  	v9 =	vmov s29;
	v8 =	vadd.s32 $0xFFFFFFFF, v8  }
0x355: {  	v9 =	vadd.s32 $0xFFFFFFFF, v9;
	v8 =	vbroadcast v8, $0x0;
	v10, _, _ =	vpop (xrf0)  }
0x356: {  	v9 =	vbroadcast v9, $0x0;
	(v2sf) =	vpush v10, $0xF  }
0x357: {  	v8 =	vadd.s32 v10, v8;
	v10, _, _ =	vpop (xrf0)  }
0x358: {  	v8 =	vnsel vm0, $0x6010, v8;
	v9 =	vadd.s32 v10, v9  }
0x359: {  	(v2sf) =	vpush v10, $0xF;
	v9 =	vnsel vm1, $0x6010, v9  }
0x35a: {  	v11 =	vmul.u32 $0x2800, v6  }
0x35b: {  	v63 =	vmul.u32 $0x2800, v7  }
0x35c: {  	v7 =	vadd.s32 v7, v11  }
0x35d: {  	v6 =	vadd.s32 v6, v63;
	[tilespmem:v8+s21+$0x0] =	vst.idx.msk $0xffff, v7  }
0x35e: {  	s2 =	simm.s32 $0x10;
	[tilespmem:v9+s22+$0x0] =	vst.idx.msk $0xffff, v6  }
0x35f: {  	v8 =	vld [tilespmem:s2+$0x8000]  }
0x360: {  	v6 =	vld [tilespmem:s2+$0x9F80];
	_ =	sdelay $0x3  }
0x361: {  	vm0 =	vge.s32 v8, v0;
	vm2 =	vlt.s32 v8, v2;
	v7 =	vmul.u32 $0x2800, v8  }
0x362: {  	s31 =	simm.s32 $0x80;
	vm1 =	vne.s32 v8, v6;
	vm0 =	vmand vm0, vm2;
	vm2 =	vge.s32 v6, v0;
	s0 =	spop (v2sf)  }
.LBB2_26:
0x363: {  	p0 =	sne.s32 s31, $0x7CC0  }
0x364: {  	vm0 =	vmand vm0, vm1;
	vm3 =	vlt.s32 v6, v2;
	v9 =	vmul.u32 $0x2800, v6;
	s30 =	sadd.s32 s30, s0;
	s0 =	smov.u32 s31;
	s31 =	sadd.s32 $0x40, s31  }
0x365: {  	vm2 =	vmand vm2, vm3;
	v10 =	vsel vm0, $0x1, v5;
	v11 =	vmov s30;
	s1 =	spop (v2sf)  }
0x366: {  	vm1 =	vmand vm1, vm2;
	v8 =	vadd.s32 v8, v9;
	(xrf0) =	vadd.scan.msk.s32 $0xffff, v10;
	s29 =	sadd.s32 s29, s1  }
0x367: {  	v9 =	vsel vm1, $0x1, v5;
	v10 =	vmov s29  }
0x368: {  	v10 =	vadd.s32 $0xFFFFFFFF, v10;
	(xrf0) =	vadd.scan.msk.s32 $0xffff, v9;
	_ =	sdelay $0x1  }
0x369: {  	v9 =	vadd.s32 $0xFFFFFFFF, v11  }
0x36a: {  	v9 =	vbroadcast v9, $0x0  }
0x36b: {  	v11, _, _ =	vpop (xrf0)  }
0x36c: {  	v10 =	vbroadcast v10, $0x0;
	v9 =	vadd.s32 v11, v9;
	(v2sf) =	vpush v11, $0xF  }
0x36d: {  	v9 =	vnsel vm0, $0x6010, v9;
	v11, _, _ =	vpop (xrf0)  }
0x36e: {  	v10 =	vadd.s32 v11, v10;
	(v2sf) =	vpush v11, $0xF  }
0x36f: {  	v10 =	vnsel vm1, $0x6010, v10;
	_ =	sdelay $0x1  }
0x370: {  	v6 =	vadd.s32 v6, v7  }
0x371: {  	[tilespmem:v9+s21+$0x0] =	vst.idx.msk $0xffff, v6;
	_ =	sdelay $0x1  }
0x372: {  	s0 =	sshra.s32 s0, $0x2;
	[tilespmem:v10+s22+$0x0] =	vst.idx.msk $0xffff, v8  }
0x373: {  	v8 =	vld [tilespmem:s0+$0x8000]  }
0x374: {  	v6 =	vld [tilespmem:s0+$0x9F80]  }
.Ltmp14:
0x375: {  	(pc) =	sbr.rel @p0 .LBB2_26-.Ltmp14, $3  }
0x376: {  	_ =	sdelay $0x1  }
0x377: {  	vm0 =	vge.s32 v8, v0;
	vm2 =	vlt.s32 v8, v2;
	v7 =	vmul.u32 $0x2800, v8  }
0x378: {  	vm1 =	vne.s32 v8, v6;
	vm0 =	vmand vm0, vm2;
	vm2 =	vge.s32 v6, v0;
	s0 =	spop (v2sf)  }
0x379: {  	vm3 =	vlt.s32 v6, v2  }
0x37a: {  	vm0 =	vmand vm0, vm1;
	vm2 =	vmand vm2, vm3  }
0x37b: {  	v9 =	vsel vm0, $0x1, v5;
	vm1 =	vmand vm1, vm2  }
0x37c: {  	(xrf0) =	vadd.scan.msk.s32 $0xffff, v9;
	v9 =	vsel vm1, $0x1, v5  }
0x37d: {  	(xrf0) =	vadd.scan.msk.s32 $0xffff, v9;
	_ =	sdelay $0x4  }
0x37e: {  	v9, _, _ =	vpop (xrf0)  }
0x37f: {  	(v2sf) =	vpush v9, $0xF;
	v10, _, _ =	vpop (xrf0)  }
0x380: {  	s0 =	sadd.s32 s30, s0;
	s1 =	spop (v2sf);
	(v2sf) =	vpush v10, $0xF  }
0x381: {  	v11 =	vmov s0;
	s1 =	sadd.s32 s29, s1  }
0x382: {  	v11 =	vadd.s32 $0xFFFFFFFF, v11;
	v12 =	vmov s1  }
0x383: {  	v11 =	vbroadcast v11, $0x0;
	v12 =	vadd.s32 $0xFFFFFFFF, v12  }
0x384: {  	v12 =	vbroadcast v12, $0x0  }
0x385: {  	v9 =	vadd.s32 v9, v11  }
0x386: {  	v9 =	vnsel vm0, $0x6010, v9;
	v10 =	vadd.s32 v10, v12  }
0x387: {  	v10 =	vnsel vm1, $0x6010, v10;
	_ =	sdelay $0x1  }
0x388: {  	v11 =	vmul.u32 $0x2800, v6  }
0x389: {  	v6 =	vadd.s32 v6, v7  }
0x38a: {  	v7 =	vadd.s32 v8, v11;
	[tilespmem:v9+s21+$0x0] =	vst.idx.msk $0xffff, v6  }
0x38b: {  	s30 =	simm.s32 $0x0;
	s2 =	rddreg [dreg:$0xe];
	[tilespmem:v10+s22+$0x0] =	vst.idx.msk $0xffff, v7  }
0x38c: {  	[tilespmem:s18], [sflag:$0x3] =	stream.linear.gather [hbm4b:s2+s30], $0x1F40, $0x38;
	[tilespmem:$0x18080] =	vst v63  }
0x38d: {  	s29 =	spop (v2sf)  }
0x38e: {  	s31 =	spop (v2sf)  }
0x38f: {  	_ =	swait.ge [sflag:s19], $0x1F40  }
0x390: {  	[sflag:s19] =	ssyncset.done $0x0  }
0x391: {  	[sflag:s19] =	ssyncadd.s32 $0xFFFFE0C0  }
0x392: {  	[tilespmem:s20], [sflag:$0x3] =	stream.linear.gather [hbm4b:s9+s30], $0x1F40, $0x38;
	[tilespmem:$0x18080] =	vst v63  }
0x393: {  	_ =	swait.ge [sflag:s19], $0x1F40  }
0x394: {  	[sflag:s19] =	ssyncset.done $0x0  }
0x395: {  	s30 =	simm.s32 $0x0;
	[sflag:s19] =	ssyncadd.s32 $0xFFFFE0C0  }
0x396: {  	v6 =	vld [tilespmem:s30+$0x8000]  }
0x397: {  	v7 =	vld [tilespmem:s30+$0x9F80];
	_ =	sdelay $0x3  }
0x398: {  	vm0 =	vge.s32 v6, v0;
	vm1 =	vlt.s32 v6, v2  }
0x399: {  	vm2 =	vne.s32 v6, v7;
	vm0 =	vmand vm0, vm1  }
0x39a: {  	vm3 =	vlt.s32 v7, v2;
	vm1 =	vge.s32 v7, v0;
	vm0 =	vmand vm0, vm2  }
0x39b: {  	vm1 =	vmand vm1, vm3;
	v8 =	vsel vm0, $0x1, v5  }
0x39c: {  	vm1 =	vmand vm2, vm1;
	(xrf0) =	vadd.scan.msk.s32 $0xffff, v8  }
0x39d: {  	v8 =	vsel vm1, $0x1, v5  }
0x39e: {  	(xrf0) =	vadd.scan.msk.s32 $0xffff, v8  }
0x39f: {  	s30 =	sadd.s32 s0, s29  }
0x3a0: {  	s29 =	sadd.s32 s1, s31;
	v8 =	vmov s30  }
0x3a1: {  	v9 =	vmov s29;
	v8 =	vadd.s32 $0xFFFFFFFF, v8  }
0x3a2: {  	v9 =	vadd.s32 $0xFFFFFFFF, v9;
	v8 =	vbroadcast v8, $0x0;
	v10, _, _ =	vpop (xrf0)  }
0x3a3: {  	v9 =	vbroadcast v9, $0x0;
	(v2sf) =	vpush v10, $0xF  }
0x3a4: {  	v8 =	vadd.s32 v10, v8;
	v10, _, _ =	vpop (xrf0)  }
0x3a5: {  	v8 =	vnsel vm0, $0x6010, v8;
	v9 =	vadd.s32 v10, v9  }
0x3a6: {  	(v2sf) =	vpush v10, $0xF;
	v9 =	vnsel vm1, $0x6010, v9  }
0x3a7: {  	v11 =	vmul.u32 $0x2800, v6  }
0x3a8: {  	v63 =	vmul.u32 $0x2800, v7  }
0x3a9: {  	v7 =	vadd.s32 v7, v11  }
0x3aa: {  	v6 =	vadd.s32 v6, v63;
	[tilespmem:v8+s21+$0x0] =	vst.idx.msk $0xffff, v7  }
0x3ab: {  	s2 =	simm.s32 $0x10;
	[tilespmem:v9+s22+$0x0] =	vst.idx.msk $0xffff, v6  }
0x3ac: {  	v8 =	vld [tilespmem:s2+$0x8000]  }
0x3ad: {  	v6 =	vld [tilespmem:s2+$0x9F80];
	_ =	sdelay $0x3  }
0x3ae: {  	vm0 =	vge.s32 v8, v0;
	vm2 =	vlt.s32 v8, v2;
	v7 =	vmul.u32 $0x2800, v8  }
0x3af: {  	s31 =	simm.s32 $0x80;
	vm1 =	vne.s32 v8, v6;
	vm0 =	vmand vm0, vm2;
	vm2 =	vge.s32 v6, v0;
	s0 =	spop (v2sf)  }
.LBB2_28:
0x3b0: {  	p0 =	sne.s32 s31, $0x7CC0  }
0x3b1: {  	vm0 =	vmand vm0, vm1;
	vm3 =	vlt.s32 v6, v2;
	v9 =	vmul.u32 $0x2800, v6;
	s30 =	sadd.s32 s30, s0;
	s0 =	smov.u32 s31;
	s31 =	sadd.s32 $0x40, s31  }
0x3b2: {  	vm2 =	vmand vm2, vm3;
	v10 =	vsel vm0, $0x1, v5;
	v11 =	vmov s30;
	s1 =	spop (v2sf)  }
0x3b3: {  	vm1 =	vmand vm1, vm2;
	v8 =	vadd.s32 v8, v9;
	(xrf0) =	vadd.scan.msk.s32 $0xffff, v10;
	s29 =	sadd.s32 s29, s1  }
0x3b4: {  	v9 =	vsel vm1, $0x1, v5;
	v10 =	vmov s29  }
0x3b5: {  	v10 =	vadd.s32 $0xFFFFFFFF, v10;
	(xrf0) =	vadd.scan.msk.s32 $0xffff, v9;
	_ =	sdelay $0x1  }
0x3b6: {  	v9 =	vadd.s32 $0xFFFFFFFF, v11  }
0x3b7: {  	v9 =	vbroadcast v9, $0x0  }
0x3b8: {  	v11, _, _ =	vpop (xrf0)  }
0x3b9: {  	v10 =	vbroadcast v10, $0x0;
	v9 =	vadd.s32 v11, v9;
	(v2sf) =	vpush v11, $0xF  }
0x3ba: {  	v9 =	vnsel vm0, $0x6010, v9;
	v11, _, _ =	vpop (xrf0)  }
0x3bb: {  	v10 =	vadd.s32 v11, v10;
	(v2sf) =	vpush v11, $0xF  }
0x3bc: {  	v10 =	vnsel vm1, $0x6010, v10;
	_ =	sdelay $0x1  }
0x3bd: {  	v6 =	vadd.s32 v6, v7  }
0x3be: {  	[tilespmem:v9+s21+$0x0] =	vst.idx.msk $0xffff, v6;
	_ =	sdelay $0x1  }
0x3bf: {  	s0 =	sshra.s32 s0, $0x2;
	[tilespmem:v10+s22+$0x0] =	vst.idx.msk $0xffff, v8  }
0x3c0: {  	v8 =	vld [tilespmem:s0+$0x8000]  }
0x3c1: {  	v6 =	vld [tilespmem:s0+$0x9F80]  }
.Ltmp15:
0x3c2: {  	(pc) =	sbr.rel @p0 .LBB2_28-.Ltmp15, $3  }
0x3c3: {  	_ =	sdelay $0x1  }
0x3c4: {  	vm0 =	vge.s32 v8, v0;
	vm2 =	vlt.s32 v8, v2;
	v7 =	vmul.u32 $0x2800, v8  }
0x3c5: {  	vm1 =	vne.s32 v8, v6;
	vm0 =	vmand vm0, vm2;
	vm2 =	vge.s32 v6, v0;
	s0 =	spop (v2sf)  }
0x3c6: {  	vm3 =	vlt.s32 v6, v2  }
0x3c7: {  	vm0 =	vmand vm0, vm1;
	vm2 =	vmand vm2, vm3  }
0x3c8: {  	v9 =	vsel vm0, $0x1, v5;
	vm1 =	vmand vm1, vm2  }
0x3c9: {  	(xrf0) =	vadd.scan.msk.s32 $0xffff, v9;
	v9 =	vsel vm1, $0x1, v5  }
0x3ca: {  	(xrf0) =	vadd.scan.msk.s32 $0xffff, v9;
	_ =	sdelay $0x4  }
0x3cb: {  	v9, _, _ =	vpop (xrf0)  }
0x3cc: {  	(v2sf) =	vpush v9, $0xF;
	v10, _, _ =	vpop (xrf0)  }
0x3cd: {  	s0 =	sadd.s32 s30, s0;
	s1 =	spop (v2sf);
	(v2sf) =	vpush v10, $0xF  }
0x3ce: {  	v11 =	vmov s0;
	s1 =	sadd.s32 s29, s1  }
0x3cf: {  	v11 =	vadd.s32 $0xFFFFFFFF, v11;
	v12 =	vmov s1  }
0x3d0: {  	v11 =	vbroadcast v11, $0x0;
	v12 =	vadd.s32 $0xFFFFFFFF, v12  }
0x3d1: {  	v12 =	vbroadcast v12, $0x0  }
0x3d2: {  	v9 =	vadd.s32 v9, v11  }
0x3d3: {  	v9 =	vnsel vm0, $0x6010, v9;
	v10 =	vadd.s32 v10, v12  }
0x3d4: {  	v10 =	vnsel vm1, $0x6010, v10;
	_ =	sdelay $0x1  }
0x3d5: {  	v11 =	vmul.u32 $0x2800, v6  }
0x3d6: {  	v6 =	vadd.s32 v6, v7  }
0x3d7: {  	v7 =	vadd.s32 v8, v11;
	[tilespmem:v9+s21+$0x0] =	vst.idx.msk $0xffff, v6  }
0x3d8: {  	s30 =	simm.s32 $0x0;
	s2 =	rddreg [dreg:$0xf];
	[tilespmem:v10+s22+$0x0] =	vst.idx.msk $0xffff, v7  }
0x3d9: {  	[tilespmem:s18], [sflag:$0x3] =	stream.linear.gather [hbm4b:s2+s30], $0x1F40, $0x38;
	[tilespmem:$0x18080] =	vst v63  }
0x3da: {  	s29 =	spop (v2sf)  }
0x3db: {  	s31 =	spop (v2sf)  }
0x3dc: {  	_ =	swait.ge [sflag:s19], $0x1F40  }
0x3dd: {  	[sflag:s19] =	ssyncset.done $0x0  }
0x3de: {  	[sflag:s19] =	ssyncadd.s32 $0xFFFFE0C0  }
0x3df: {  	[tilespmem:s20], [sflag:$0x3] =	stream.linear.gather [hbm4b:s10+s30], $0x1F40, $0x38;
	[tilespmem:$0x18080] =	vst v63  }
0x3e0: {  	_ =	swait.ge [sflag:s19], $0x1F40  }
0x3e1: {  	[sflag:s19] =	ssyncset.done $0x0  }
0x3e2: {  	s30 =	simm.s32 $0x0;
	[sflag:s19] =	ssyncadd.s32 $0xFFFFE0C0  }
0x3e3: {  	v6 =	vld [tilespmem:s30+$0x8000]  }
0x3e4: {  	v7 =	vld [tilespmem:s30+$0x9F80];
	_ =	sdelay $0x3  }
0x3e5: {  	vm0 =	vge.s32 v6, v0;
	vm1 =	vlt.s32 v6, v2  }
0x3e6: {  	vm2 =	vne.s32 v6, v7;
	vm0 =	vmand vm0, vm1  }
0x3e7: {  	vm3 =	vlt.s32 v7, v2;
	vm1 =	vge.s32 v7, v0;
	vm0 =	vmand vm0, vm2  }
0x3e8: {  	vm1 =	vmand vm1, vm3;
	v8 =	vsel vm0, $0x1, v5  }
0x3e9: {  	vm1 =	vmand vm2, vm1;
	(xrf0) =	vadd.scan.msk.s32 $0xffff, v8  }
0x3ea: {  	v8 =	vsel vm1, $0x1, v5  }
0x3eb: {  	(xrf0) =	vadd.scan.msk.s32 $0xffff, v8  }
0x3ec: {  	s30 =	sadd.s32 s0, s29  }
0x3ed: {  	s29 =	sadd.s32 s1, s31;
	v8 =	vmov s30  }
0x3ee: {  	v9 =	vmov s29;
	v8 =	vadd.s32 $0xFFFFFFFF, v8  }
0x3ef: {  	v9 =	vadd.s32 $0xFFFFFFFF, v9;
	v8 =	vbroadcast v8, $0x0;
	v10, _, _ =	vpop (xrf0)  }
0x3f0: {  	v9 =	vbroadcast v9, $0x0;
	(v2sf) =	vpush v10, $0xF  }
0x3f1: {  	v8 =	vadd.s32 v10, v8;
	v10, _, _ =	vpop (xrf0)  }
0x3f2: {  	v8 =	vnsel vm0, $0x6010, v8;
	v9 =	vadd.s32 v10, v9  }
0x3f3: {  	(v2sf) =	vpush v10, $0xF;
	v9 =	vnsel vm1, $0x6010, v9  }
0x3f4: {  	v11 =	vmul.u32 $0x2800, v6  }
0x3f5: {  	v63 =	vmul.u32 $0x2800, v7  }
0x3f6: {  	v7 =	vadd.s32 v7, v11  }
0x3f7: {  	v6 =	vadd.s32 v6, v63;
	[tilespmem:v8+s21+$0x0] =	vst.idx.msk $0xffff, v7  }
0x3f8: {  	s2 =	simm.s32 $0x10;
	[tilespmem:v9+s22+$0x0] =	vst.idx.msk $0xffff, v6  }
0x3f9: {  	v8 =	vld [tilespmem:s2+$0x8000]  }
0x3fa: {  	v6 =	vld [tilespmem:s2+$0x9F80];
	_ =	sdelay $0x3  }
0x3fb: {  	vm0 =	vge.s32 v8, v0;
	vm2 =	vlt.s32 v8, v2;
	v7 =	vmul.u32 $0x2800, v8  }
0x3fc: {  	s31 =	simm.s32 $0x80;
	vm1 =	vne.s32 v8, v6;
	vm0 =	vmand vm0, vm2;
	vm2 =	vge.s32 v6, v0;
	s0 =	spop (v2sf)  }
.LBB2_30:
0x3fd: {  	p0 =	sne.s32 s31, $0x7CC0  }
0x3fe: {  	vm0 =	vmand vm0, vm1;
	vm3 =	vlt.s32 v6, v2;
	v9 =	vmul.u32 $0x2800, v6;
	s30 =	sadd.s32 s30, s0;
	s0 =	smov.u32 s31;
	s31 =	sadd.s32 $0x40, s31  }
0x3ff: {  	vm2 =	vmand vm2, vm3;
	v10 =	vsel vm0, $0x1, v5;
	v11 =	vmov s30;
	s1 =	spop (v2sf)  }
0x400: {  	vm1 =	vmand vm1, vm2;
	v8 =	vadd.s32 v8, v9;
	(xrf0) =	vadd.scan.msk.s32 $0xffff, v10;
	s29 =	sadd.s32 s29, s1  }
0x401: {  	v9 =	vsel vm1, $0x1, v5;
	v10 =	vmov s29  }
0x402: {  	v10 =	vadd.s32 $0xFFFFFFFF, v10;
	(xrf0) =	vadd.scan.msk.s32 $0xffff, v9;
	_ =	sdelay $0x1  }
0x403: {  	v9 =	vadd.s32 $0xFFFFFFFF, v11  }
0x404: {  	v9 =	vbroadcast v9, $0x0  }
0x405: {  	v11, _, _ =	vpop (xrf0)  }
0x406: {  	v10 =	vbroadcast v10, $0x0;
	v9 =	vadd.s32 v11, v9;
	(v2sf) =	vpush v11, $0xF  }
0x407: {  	v9 =	vnsel vm0, $0x6010, v9;
	v11, _, _ =	vpop (xrf0)  }
0x408: {  	v10 =	vadd.s32 v11, v10;
	(v2sf) =	vpush v11, $0xF  }
0x409: {  	v10 =	vnsel vm1, $0x6010, v10;
	_ =	sdelay $0x1  }
0x40a: {  	v6 =	vadd.s32 v6, v7  }
0x40b: {  	[tilespmem:v9+s21+$0x0] =	vst.idx.msk $0xffff, v6;
	_ =	sdelay $0x1  }
0x40c: {  	s0 =	sshra.s32 s0, $0x2;
	[tilespmem:v10+s22+$0x0] =	vst.idx.msk $0xffff, v8  }
0x40d: {  	v8 =	vld [tilespmem:s0+$0x8000]  }
0x40e: {  	v6 =	vld [tilespmem:s0+$0x9F80]  }
.Ltmp16:
0x40f: {  	(pc) =	sbr.rel @p0 .LBB2_30-.Ltmp16, $3  }
0x410: {  	_ =	sdelay $0x1  }
0x411: {  	vm0 =	vge.s32 v8, v0;
	vm2 =	vlt.s32 v8, v2;
	v7 =	vmul.u32 $0x2800, v8  }
0x412: {  	vm1 =	vne.s32 v8, v6;
	vm0 =	vmand vm0, vm2;
	vm2 =	vge.s32 v6, v0;
	s0 =	spop (v2sf)  }
0x413: {  	vm3 =	vlt.s32 v6, v2  }
0x414: {  	vm0 =	vmand vm0, vm1;
	vm2 =	vmand vm2, vm3  }
0x415: {  	v9 =	vsel vm0, $0x1, v5;
	vm1 =	vmand vm1, vm2  }
0x416: {  	(xrf0) =	vadd.scan.msk.s32 $0xffff, v9;
	v9 =	vsel vm1, $0x1, v5  }
0x417: {  	(xrf0) =	vadd.scan.msk.s32 $0xffff, v9;
	_ =	sdelay $0x4  }
0x418: {  	v9, _, _ =	vpop (xrf0)  }
0x419: {  	(v2sf) =	vpush v9, $0xF;
	v10, _, _ =	vpop (xrf0)  }
0x41a: {  	s0 =	sadd.s32 s30, s0;
	s1 =	spop (v2sf);
	(v2sf) =	vpush v10, $0xF  }
0x41b: {  	v11 =	vmov s0;
	s1 =	sadd.s32 s29, s1  }
0x41c: {  	v11 =	vadd.s32 $0xFFFFFFFF, v11;
	v12 =	vmov s1  }
0x41d: {  	v11 =	vbroadcast v11, $0x0;
	v12 =	vadd.s32 $0xFFFFFFFF, v12  }
0x41e: {  	v12 =	vbroadcast v12, $0x0  }
0x41f: {  	v9 =	vadd.s32 v9, v11  }
0x420: {  	v9 =	vnsel vm0, $0x6010, v9;
	v10 =	vadd.s32 v10, v12  }
0x421: {  	v10 =	vnsel vm1, $0x6010, v10;
	_ =	sdelay $0x1  }
0x422: {  	v11 =	vmul.u32 $0x2800, v6  }
0x423: {  	v6 =	vadd.s32 v6, v7  }
0x424: {  	v7 =	vadd.s32 v8, v11;
	[tilespmem:v9+s21+$0x0] =	vst.idx.msk $0xffff, v6  }
0x425: {  	s30 =	simm.s32 $0x0;
	s2 =	rddreg [dreg:$0x10];
	[tilespmem:v10+s22+$0x0] =	vst.idx.msk $0xffff, v7  }
0x426: {  	[tilespmem:s18], [sflag:$0x3] =	stream.linear.gather [hbm4b:s2+s30], $0x1F40, $0x38;
	[tilespmem:$0x18080] =	vst v63  }
0x427: {  	s29 =	spop (v2sf)  }
0x428: {  	s31 =	spop (v2sf)  }
0x429: {  	_ =	swait.ge [sflag:s19], $0x1F40  }
0x42a: {  	[sflag:s19] =	ssyncset.done $0x0  }
0x42b: {  	[sflag:s19] =	ssyncadd.s32 $0xFFFFE0C0  }
0x42c: {  	[tilespmem:s20], [sflag:$0x3] =	stream.linear.gather [hbm4b:s11+s30], $0x1F40, $0x38;
	[tilespmem:$0x18080] =	vst v63  }
0x42d: {  	_ =	swait.ge [sflag:s19], $0x1F40  }
0x42e: {  	[sflag:s19] =	ssyncset.done $0x0  }
0x42f: {  	s30 =	simm.s32 $0x0;
	[sflag:s19] =	ssyncadd.s32 $0xFFFFE0C0  }
0x430: {  	v6 =	vld [tilespmem:s30+$0x8000]  }
0x431: {  	v7 =	vld [tilespmem:s30+$0x9F80];
	_ =	sdelay $0x3  }
0x432: {  	vm0 =	vge.s32 v6, v0;
	vm1 =	vlt.s32 v6, v2  }
0x433: {  	vm2 =	vne.s32 v6, v7;
	vm0 =	vmand vm0, vm1  }
0x434: {  	vm3 =	vlt.s32 v7, v2;
	vm1 =	vge.s32 v7, v0;
	vm0 =	vmand vm0, vm2  }
0x435: {  	vm1 =	vmand vm1, vm3;
	v8 =	vsel vm0, $0x1, v5  }
0x436: {  	vm1 =	vmand vm2, vm1;
	(xrf0) =	vadd.scan.msk.s32 $0xffff, v8  }
0x437: {  	v8 =	vsel vm1, $0x1, v5  }
0x438: {  	(xrf0) =	vadd.scan.msk.s32 $0xffff, v8  }
0x439: {  	s30 =	sadd.s32 s0, s29  }
0x43a: {  	s29 =	sadd.s32 s1, s31;
	v8 =	vmov s30  }
0x43b: {  	v9 =	vmov s29;
	v8 =	vadd.s32 $0xFFFFFFFF, v8  }
0x43c: {  	v9 =	vadd.s32 $0xFFFFFFFF, v9;
	v8 =	vbroadcast v8, $0x0;
	v10, _, _ =	vpop (xrf0)  }
0x43d: {  	v9 =	vbroadcast v9, $0x0;
	(v2sf) =	vpush v10, $0xF  }
0x43e: {  	v8 =	vadd.s32 v10, v8;
	v10, _, _ =	vpop (xrf0)  }
0x43f: {  	v8 =	vnsel vm0, $0x6010, v8;
	v9 =	vadd.s32 v10, v9  }
0x440: {  	(v2sf) =	vpush v10, $0xF;
	v9 =	vnsel vm1, $0x6010, v9  }
0x441: {  	v11 =	vmul.u32 $0x2800, v6  }
0x442: {  	v63 =	vmul.u32 $0x2800, v7  }
0x443: {  	v7 =	vadd.s32 v7, v11  }
0x444: {  	v6 =	vadd.s32 v6, v63;
	[tilespmem:v8+s21+$0x0] =	vst.idx.msk $0xffff, v7  }
0x445: {  	s2 =	simm.s32 $0x10;
	[tilespmem:v9+s22+$0x0] =	vst.idx.msk $0xffff, v6  }
0x446: {  	v8 =	vld [tilespmem:s2+$0x8000]  }
0x447: {  	v6 =	vld [tilespmem:s2+$0x9F80];
	_ =	sdelay $0x3  }
0x448: {  	vm0 =	vge.s32 v8, v0;
	vm2 =	vlt.s32 v8, v2;
	v7 =	vmul.u32 $0x2800, v8  }
0x449: {  	s31 =	simm.s32 $0x80;
	vm1 =	vne.s32 v8, v6;
	vm0 =	vmand vm0, vm2;
	vm2 =	vge.s32 v6, v0;
	s0 =	spop (v2sf)  }
.LBB2_32:
0x44a: {  	p0 =	sne.s32 s31, $0x7CC0  }
0x44b: {  	vm0 =	vmand vm0, vm1;
	vm3 =	vlt.s32 v6, v2;
	v9 =	vmul.u32 $0x2800, v6;
	s30 =	sadd.s32 s30, s0;
	s0 =	smov.u32 s31;
	s31 =	sadd.s32 $0x40, s31  }
0x44c: {  	vm2 =	vmand vm2, vm3;
	v10 =	vsel vm0, $0x1, v5;
	v11 =	vmov s30;
	s1 =	spop (v2sf)  }
0x44d: {  	vm1 =	vmand vm1, vm2;
	v8 =	vadd.s32 v8, v9;
	(xrf0) =	vadd.scan.msk.s32 $0xffff, v10;
	s29 =	sadd.s32 s29, s1  }
0x44e: {  	v9 =	vsel vm1, $0x1, v5;
	v10 =	vmov s29  }
0x44f: {  	v10 =	vadd.s32 $0xFFFFFFFF, v10;
	(xrf0) =	vadd.scan.msk.s32 $0xffff, v9;
	_ =	sdelay $0x1  }
0x450: {  	v9 =	vadd.s32 $0xFFFFFFFF, v11  }
0x451: {  	v9 =	vbroadcast v9, $0x0  }
0x452: {  	v11, _, _ =	vpop (xrf0)  }
0x453: {  	v10 =	vbroadcast v10, $0x0;
	v9 =	vadd.s32 v11, v9;
	(v2sf) =	vpush v11, $0xF  }
0x454: {  	v9 =	vnsel vm0, $0x6010, v9;
	v11, _, _ =	vpop (xrf0)  }
0x455: {  	v10 =	vadd.s32 v11, v10;
	(v2sf) =	vpush v11, $0xF  }
0x456: {  	v10 =	vnsel vm1, $0x6010, v10;
	_ =	sdelay $0x1  }
0x457: {  	v6 =	vadd.s32 v6, v7  }
0x458: {  	[tilespmem:v9+s21+$0x0] =	vst.idx.msk $0xffff, v6;
	_ =	sdelay $0x1  }
0x459: {  	s0 =	sshra.s32 s0, $0x2;
	[tilespmem:v10+s22+$0x0] =	vst.idx.msk $0xffff, v8  }
0x45a: {  	v8 =	vld [tilespmem:s0+$0x8000]  }
0x45b: {  	v6 =	vld [tilespmem:s0+$0x9F80]  }
.Ltmp17:
0x45c: {  	(pc) =	sbr.rel @p0 .LBB2_32-.Ltmp17, $3  }
0x45d: {  	_ =	sdelay $0x1  }
0x45e: {  	vm0 =	vge.s32 v8, v0;
	vm2 =	vlt.s32 v8, v2;
	v7 =	vmul.u32 $0x2800, v8  }
0x45f: {  	vm1 =	vne.s32 v8, v6;
	vm0 =	vmand vm0, vm2;
	vm2 =	vge.s32 v6, v0;
	s0 =	spop (v2sf)  }
0x460: {  	vm3 =	vlt.s32 v6, v2  }
0x461: {  	vm0 =	vmand vm0, vm1;
	vm2 =	vmand vm2, vm3  }
0x462: {  	v9 =	vsel vm0, $0x1, v5;
	vm1 =	vmand vm1, vm2  }
0x463: {  	(xrf0) =	vadd.scan.msk.s32 $0xffff, v9;
	v9 =	vsel vm1, $0x1, v5  }
0x464: {  	(xrf0) =	vadd.scan.msk.s32 $0xffff, v9;
	_ =	sdelay $0x4  }
0x465: {  	v9, _, _ =	vpop (xrf0)  }
0x466: {  	(v2sf) =	vpush v9, $0xF;
	v10, _, _ =	vpop (xrf0)  }
0x467: {  	s0 =	sadd.s32 s30, s0;
	s1 =	spop (v2sf);
	(v2sf) =	vpush v10, $0xF  }
0x468: {  	v11 =	vmov s0;
	s1 =	sadd.s32 s29, s1  }
0x469: {  	v11 =	vadd.s32 $0xFFFFFFFF, v11;
	v12 =	vmov s1  }
0x46a: {  	v11 =	vbroadcast v11, $0x0;
	v12 =	vadd.s32 $0xFFFFFFFF, v12  }
0x46b: {  	v12 =	vbroadcast v12, $0x0  }
0x46c: {  	v9 =	vadd.s32 v9, v11  }
0x46d: {  	v9 =	vnsel vm0, $0x6010, v9;
	v10 =	vadd.s32 v10, v12  }
0x46e: {  	v10 =	vnsel vm1, $0x6010, v10;
	_ =	sdelay $0x1  }
0x46f: {  	v11 =	vmul.u32 $0x2800, v6  }
0x470: {  	v6 =	vadd.s32 v6, v7  }
0x471: {  	v7 =	vadd.s32 v8, v11;
	[tilespmem:v9+s21+$0x0] =	vst.idx.msk $0xffff, v6  }
0x472: {  	s30 =	simm.s32 $0x0;
	s2 =	rddreg [dreg:$0x11];
	[tilespmem:v10+s22+$0x0] =	vst.idx.msk $0xffff, v7  }
0x473: {  	[tilespmem:s18], [sflag:$0x3] =	stream.linear.gather [hbm4b:s2+s30], $0x1F40, $0x38;
	[tilespmem:$0x18080] =	vst v63  }
0x474: {  	s29 =	spop (v2sf)  }
0x475: {  	s31 =	spop (v2sf)  }
0x476: {  	_ =	swait.ge [sflag:s19], $0x1F40  }
0x477: {  	[sflag:s19] =	ssyncset.done $0x0  }
0x478: {  	[sflag:s19] =	ssyncadd.s32 $0xFFFFE0C0  }
0x479: {  	[tilespmem:s20], [sflag:$0x3] =	stream.linear.gather [hbm4b:s12+s30], $0x1F40, $0x38;
	[tilespmem:$0x18080] =	vst v63  }
0x47a: {  	_ =	swait.ge [sflag:s19], $0x1F40  }
0x47b: {  	[sflag:s19] =	ssyncset.done $0x0  }
0x47c: {  	s30 =	simm.s32 $0x0;
	[sflag:s19] =	ssyncadd.s32 $0xFFFFE0C0  }
0x47d: {  	v6 =	vld [tilespmem:s30+$0x8000]  }
0x47e: {  	v7 =	vld [tilespmem:s30+$0x9F80];
	_ =	sdelay $0x3  }
0x47f: {  	vm0 =	vge.s32 v6, v0;
	vm1 =	vlt.s32 v6, v2  }
0x480: {  	vm2 =	vne.s32 v6, v7;
	vm0 =	vmand vm0, vm1  }
0x481: {  	vm3 =	vlt.s32 v7, v2;
	vm1 =	vge.s32 v7, v0;
	vm0 =	vmand vm0, vm2  }
0x482: {  	vm1 =	vmand vm1, vm3;
	v8 =	vsel vm0, $0x1, v5  }
0x483: {  	vm1 =	vmand vm2, vm1;
	(xrf0) =	vadd.scan.msk.s32 $0xffff, v8  }
0x484: {  	v8 =	vsel vm1, $0x1, v5  }
0x485: {  	(xrf0) =	vadd.scan.msk.s32 $0xffff, v8  }
0x486: {  	s30 =	sadd.s32 s0, s29  }
0x487: {  	s29 =	sadd.s32 s1, s31;
	v8 =	vmov s30  }
0x488: {  	v9 =	vmov s29;
	v8 =	vadd.s32 $0xFFFFFFFF, v8  }
0x489: {  	v9 =	vadd.s32 $0xFFFFFFFF, v9;
	v8 =	vbroadcast v8, $0x0;
	v10, _, _ =	vpop (xrf0)  }
0x48a: {  	v9 =	vbroadcast v9, $0x0;
	(v2sf) =	vpush v10, $0xF  }
0x48b: {  	v8 =	vadd.s32 v10, v8;
	v10, _, _ =	vpop (xrf0)  }
0x48c: {  	v8 =	vnsel vm0, $0x6010, v8;
	v9 =	vadd.s32 v10, v9  }
0x48d: {  	(v2sf) =	vpush v10, $0xF;
	v9 =	vnsel vm1, $0x6010, v9  }
0x48e: {  	v11 =	vmul.u32 $0x2800, v6  }
0x48f: {  	v63 =	vmul.u32 $0x2800, v7  }
0x490: {  	v7 =	vadd.s32 v7, v11  }
0x491: {  	v6 =	vadd.s32 v6, v63;
	[tilespmem:v8+s21+$0x0] =	vst.idx.msk $0xffff, v7  }
0x492: {  	s2 =	simm.s32 $0x10;
	[tilespmem:v9+s22+$0x0] =	vst.idx.msk $0xffff, v6  }
0x493: {  	v8 =	vld [tilespmem:s2+$0x8000]  }
0x494: {  	v6 =	vld [tilespmem:s2+$0x9F80];
	_ =	sdelay $0x3  }
0x495: {  	vm0 =	vge.s32 v8, v0;
	vm2 =	vlt.s32 v8, v2;
	v7 =	vmul.u32 $0x2800, v8  }
0x496: {  	s31 =	simm.s32 $0x80;
	vm1 =	vne.s32 v8, v6;
	vm0 =	vmand vm0, vm2;
	vm2 =	vge.s32 v6, v0;
	s0 =	spop (v2sf)  }
.LBB2_34:
0x497: {  	p0 =	sne.s32 s31, $0x7CC0  }
0x498: {  	vm0 =	vmand vm0, vm1;
	vm3 =	vlt.s32 v6, v2;
	v9 =	vmul.u32 $0x2800, v6;
	s30 =	sadd.s32 s30, s0;
	s0 =	smov.u32 s31;
	s31 =	sadd.s32 $0x40, s31  }
0x499: {  	vm2 =	vmand vm2, vm3;
	v10 =	vsel vm0, $0x1, v5;
	v11 =	vmov s30;
	s1 =	spop (v2sf)  }
0x49a: {  	vm1 =	vmand vm1, vm2;
	v8 =	vadd.s32 v8, v9;
	(xrf0) =	vadd.scan.msk.s32 $0xffff, v10;
	s29 =	sadd.s32 s29, s1  }
0x49b: {  	v9 =	vsel vm1, $0x1, v5;
	v10 =	vmov s29  }
0x49c: {  	v10 =	vadd.s32 $0xFFFFFFFF, v10;
	(xrf0) =	vadd.scan.msk.s32 $0xffff, v9;
	_ =	sdelay $0x1  }
0x49d: {  	v9 =	vadd.s32 $0xFFFFFFFF, v11  }
0x49e: {  	v9 =	vbroadcast v9, $0x0  }
0x49f: {  	v11, _, _ =	vpop (xrf0)  }
0x4a0: {  	v10 =	vbroadcast v10, $0x0;
	v9 =	vadd.s32 v11, v9;
	(v2sf) =	vpush v11, $0xF  }
0x4a1: {  	v9 =	vnsel vm0, $0x6010, v9;
	v11, _, _ =	vpop (xrf0)  }
0x4a2: {  	v10 =	vadd.s32 v11, v10;
	(v2sf) =	vpush v11, $0xF  }
0x4a3: {  	v10 =	vnsel vm1, $0x6010, v10;
	_ =	sdelay $0x1  }
0x4a4: {  	v6 =	vadd.s32 v6, v7  }
0x4a5: {  	[tilespmem:v9+s21+$0x0] =	vst.idx.msk $0xffff, v6;
	_ =	sdelay $0x1  }
0x4a6: {  	s0 =	sshra.s32 s0, $0x2;
	[tilespmem:v10+s22+$0x0] =	vst.idx.msk $0xffff, v8  }
0x4a7: {  	v8 =	vld [tilespmem:s0+$0x8000]  }
0x4a8: {  	v6 =	vld [tilespmem:s0+$0x9F80]  }
.Ltmp18:
0x4a9: {  	(pc) =	sbr.rel @p0 .LBB2_34-.Ltmp18, $3  }
0x4aa: {  	_ =	sdelay $0x1  }
0x4ab: {  	vm0 =	vge.s32 v8, v0;
	vm2 =	vlt.s32 v8, v2;
	v7 =	vmul.u32 $0x2800, v8  }
0x4ac: {  	vm1 =	vne.s32 v8, v6;
	vm0 =	vmand vm0, vm2;
	vm2 =	vge.s32 v6, v0;
	s0 =	spop (v2sf)  }
0x4ad: {  	vm3 =	vlt.s32 v6, v2  }
0x4ae: {  	vm0 =	vmand vm0, vm1;
	vm2 =	vmand vm2, vm3  }
0x4af: {  	v9 =	vsel vm0, $0x1, v5;
	vm1 =	vmand vm1, vm2  }
0x4b0: {  	(xrf0) =	vadd.scan.msk.s32 $0xffff, v9;
	v9 =	vsel vm1, $0x1, v5  }
0x4b1: {  	(xrf0) =	vadd.scan.msk.s32 $0xffff, v9;
	_ =	sdelay $0x4  }
0x4b2: {  	v9, _, _ =	vpop (xrf0)  }
0x4b3: {  	(v2sf) =	vpush v9, $0xF;
	v10, _, _ =	vpop (xrf0)  }
0x4b4: {  	s0 =	sadd.s32 s30, s0;
	s1 =	spop (v2sf);
	(v2sf) =	vpush v10, $0xF  }
0x4b5: {  	v11 =	vmov s0;
	s1 =	sadd.s32 s29, s1  }
0x4b6: {  	v11 =	vadd.s32 $0xFFFFFFFF, v11;
	v12 =	vmov s1  }
0x4b7: {  	v11 =	vbroadcast v11, $0x0;
	v12 =	vadd.s32 $0xFFFFFFFF, v12  }
0x4b8: {  	v12 =	vbroadcast v12, $0x0  }
0x4b9: {  	v9 =	vadd.s32 v9, v11  }
0x4ba: {  	v9 =	vnsel vm0, $0x6010, v9;
	v10 =	vadd.s32 v10, v12  }
0x4bb: {  	v10 =	vnsel vm1, $0x6010, v10;
	_ =	sdelay $0x1  }
0x4bc: {  	v11 =	vmul.u32 $0x2800, v6  }
0x4bd: {  	v6 =	vadd.s32 v6, v7  }
0x4be: {  	v7 =	vadd.s32 v8, v11;
	[tilespmem:v9+s21+$0x0] =	vst.idx.msk $0xffff, v6  }
0x4bf: {  	s30 =	simm.s32 $0x0;
	s2 =	rddreg [dreg:$0x12];
	[tilespmem:v10+s22+$0x0] =	vst.idx.msk $0xffff, v7  }
0x4c0: {  	[tilespmem:s18], [sflag:$0x3] =	stream.linear.gather [hbm4b:s2+s30], $0x1F40, $0x38;
	[tilespmem:$0x18080] =	vst v63  }
0x4c1: {  	s29 =	spop (v2sf)  }
0x4c2: {  	s31 =	spop (v2sf)  }
0x4c3: {  	_ =	swait.ge [sflag:s19], $0x1F40  }
0x4c4: {  	[sflag:s19] =	ssyncset.done $0x0  }
0x4c5: {  	[sflag:s19] =	ssyncadd.s32 $0xFFFFE0C0  }
0x4c6: {  	[tilespmem:s20], [sflag:$0x3] =	stream.linear.gather [hbm4b:s13+s30], $0x1F40, $0x38;
	[tilespmem:$0x18080] =	vst v63  }
0x4c7: {  	_ =	swait.ge [sflag:s19], $0x1F40  }
0x4c8: {  	[sflag:s19] =	ssyncset.done $0x0  }
0x4c9: {  	s30 =	simm.s32 $0x0;
	[sflag:s19] =	ssyncadd.s32 $0xFFFFE0C0  }
0x4ca: {  	v6 =	vld [tilespmem:s30+$0x8000]  }
0x4cb: {  	v7 =	vld [tilespmem:s30+$0x9F80];
	_ =	sdelay $0x3  }
0x4cc: {  	vm0 =	vge.s32 v6, v0;
	vm1 =	vlt.s32 v6, v2  }
0x4cd: {  	vm2 =	vne.s32 v6, v7;
	vm0 =	vmand vm0, vm1  }
0x4ce: {  	vm3 =	vlt.s32 v7, v2;
	vm1 =	vge.s32 v7, v0;
	vm0 =	vmand vm0, vm2  }
0x4cf: {  	vm1 =	vmand vm1, vm3;
	v8 =	vsel vm0, $0x1, v5  }
0x4d0: {  	vm1 =	vmand vm2, vm1;
	(xrf0) =	vadd.scan.msk.s32 $0xffff, v8  }
0x4d1: {  	v8 =	vsel vm1, $0x1, v5  }
0x4d2: {  	(xrf0) =	vadd.scan.msk.s32 $0xffff, v8  }
0x4d3: {  	s30 =	sadd.s32 s0, s29  }
0x4d4: {  	s29 =	sadd.s32 s1, s31;
	v8 =	vmov s30  }
0x4d5: {  	v9 =	vmov s29;
	v8 =	vadd.s32 $0xFFFFFFFF, v8  }
0x4d6: {  	v9 =	vadd.s32 $0xFFFFFFFF, v9;
	v8 =	vbroadcast v8, $0x0;
	v10, _, _ =	vpop (xrf0)  }
0x4d7: {  	v9 =	vbroadcast v9, $0x0;
	(v2sf) =	vpush v10, $0xF  }
0x4d8: {  	v8 =	vadd.s32 v10, v8;
	v10, _, _ =	vpop (xrf0)  }
0x4d9: {  	v8 =	vnsel vm0, $0x6010, v8;
	v9 =	vadd.s32 v10, v9  }
0x4da: {  	(v2sf) =	vpush v10, $0xF;
	v9 =	vnsel vm1, $0x6010, v9  }
0x4db: {  	v11 =	vmul.u32 $0x2800, v6  }
0x4dc: {  	v63 =	vmul.u32 $0x2800, v7  }
0x4dd: {  	v7 =	vadd.s32 v7, v11  }
0x4de: {  	v6 =	vadd.s32 v6, v63;
	[tilespmem:v8+s21+$0x0] =	vst.idx.msk $0xffff, v7  }
0x4df: {  	s2 =	simm.s32 $0x10;
	[tilespmem:v9+s22+$0x0] =	vst.idx.msk $0xffff, v6  }
0x4e0: {  	v8 =	vld [tilespmem:s2+$0x8000]  }
0x4e1: {  	v6 =	vld [tilespmem:s2+$0x9F80];
	_ =	sdelay $0x3  }
0x4e2: {  	vm0 =	vge.s32 v8, v0;
	vm2 =	vlt.s32 v8, v2;
	v7 =	vmul.u32 $0x2800, v8  }
0x4e3: {  	s31 =	simm.s32 $0x80;
	vm1 =	vne.s32 v8, v6;
	vm0 =	vmand vm0, vm2;
	vm2 =	vge.s32 v6, v0;
	s0 =	spop (v2sf)  }
.LBB2_36:
0x4e4: {  	p0 =	sne.s32 s31, $0x7CC0  }
0x4e5: {  	vm0 =	vmand vm0, vm1;
	vm3 =	vlt.s32 v6, v2;
	v9 =	vmul.u32 $0x2800, v6;
	s30 =	sadd.s32 s30, s0;
	s0 =	smov.u32 s31;
	s31 =	sadd.s32 $0x40, s31  }
0x4e6: {  	vm2 =	vmand vm2, vm3;
	v10 =	vsel vm0, $0x1, v5;
	v11 =	vmov s30;
	s1 =	spop (v2sf)  }
0x4e7: {  	vm1 =	vmand vm1, vm2;
	v8 =	vadd.s32 v8, v9;
	(xrf0) =	vadd.scan.msk.s32 $0xffff, v10;
	s29 =	sadd.s32 s29, s1  }
0x4e8: {  	v9 =	vsel vm1, $0x1, v5;
	v10 =	vmov s29  }
0x4e9: {  	v10 =	vadd.s32 $0xFFFFFFFF, v10;
	(xrf0) =	vadd.scan.msk.s32 $0xffff, v9;
	_ =	sdelay $0x1  }
0x4ea: {  	v9 =	vadd.s32 $0xFFFFFFFF, v11  }
0x4eb: {  	v9 =	vbroadcast v9, $0x0  }
0x4ec: {  	v11, _, _ =	vpop (xrf0)  }
0x4ed: {  	v10 =	vbroadcast v10, $0x0;
	v9 =	vadd.s32 v11, v9;
	(v2sf) =	vpush v11, $0xF  }
0x4ee: {  	v9 =	vnsel vm0, $0x6010, v9;
	v11, _, _ =	vpop (xrf0)  }
0x4ef: {  	v10 =	vadd.s32 v11, v10;
	(v2sf) =	vpush v11, $0xF  }
0x4f0: {  	v10 =	vnsel vm1, $0x6010, v10;
	_ =	sdelay $0x1  }
0x4f1: {  	v6 =	vadd.s32 v6, v7  }
0x4f2: {  	[tilespmem:v9+s21+$0x0] =	vst.idx.msk $0xffff, v6;
	_ =	sdelay $0x1  }
0x4f3: {  	s0 =	sshra.s32 s0, $0x2;
	[tilespmem:v10+s22+$0x0] =	vst.idx.msk $0xffff, v8  }
0x4f4: {  	v8 =	vld [tilespmem:s0+$0x8000]  }
0x4f5: {  	v6 =	vld [tilespmem:s0+$0x9F80]  }
.Ltmp19:
0x4f6: {  	(pc) =	sbr.rel @p0 .LBB2_36-.Ltmp19, $3  }
0x4f7: {  	_ =	sdelay $0x1  }
0x4f8: {  	vm0 =	vge.s32 v8, v0;
	vm2 =	vlt.s32 v8, v2;
	v7 =	vmul.u32 $0x2800, v8  }
0x4f9: {  	vm1 =	vne.s32 v8, v6;
	vm0 =	vmand vm0, vm2;
	vm2 =	vge.s32 v6, v0;
	s0 =	spop (v2sf)  }
0x4fa: {  	vm3 =	vlt.s32 v6, v2  }
0x4fb: {  	vm0 =	vmand vm0, vm1;
	vm2 =	vmand vm2, vm3  }
0x4fc: {  	v9 =	vsel vm0, $0x1, v5;
	vm1 =	vmand vm1, vm2  }
0x4fd: {  	(xrf0) =	vadd.scan.msk.s32 $0xffff, v9;
	v9 =	vsel vm1, $0x1, v5  }
0x4fe: {  	(xrf0) =	vadd.scan.msk.s32 $0xffff, v9;
	_ =	sdelay $0x4  }
0x4ff: {  	v9, _, _ =	vpop (xrf0)  }
0x500: {  	(v2sf) =	vpush v9, $0xF;
	v10, _, _ =	vpop (xrf0)  }
0x501: {  	s0 =	sadd.s32 s30, s0;
	s1 =	spop (v2sf);
	(v2sf) =	vpush v10, $0xF  }
0x502: {  	v11 =	vmov s0;
	s1 =	sadd.s32 s29, s1  }
0x503: {  	v11 =	vadd.s32 $0xFFFFFFFF, v11;
	v12 =	vmov s1  }
0x504: {  	v11 =	vbroadcast v11, $0x0;
	v12 =	vadd.s32 $0xFFFFFFFF, v12  }
0x505: {  	v12 =	vbroadcast v12, $0x0  }
0x506: {  	v9 =	vadd.s32 v9, v11  }
0x507: {  	v9 =	vnsel vm0, $0x6010, v9;
	v10 =	vadd.s32 v10, v12  }
0x508: {  	v10 =	vnsel vm1, $0x6010, v10;
	_ =	sdelay $0x1  }
0x509: {  	v11 =	vmul.u32 $0x2800, v6  }
0x50a: {  	v6 =	vadd.s32 v6, v7  }
0x50b: {  	v7 =	vadd.s32 v8, v11;
	[tilespmem:v9+s21+$0x0] =	vst.idx.msk $0xffff, v6  }
0x50c: {  	s30 =	simm.s32 $0x0;
	s2 =	rddreg [dreg:$0x13];
	[tilespmem:v10+s22+$0x0] =	vst.idx.msk $0xffff, v7  }
0x50d: {  	[tilespmem:s18], [sflag:$0x3] =	stream.linear.gather [hbm4b:s2+s30], $0x1F40, $0x38;
	[tilespmem:$0x18080] =	vst v63  }
0x50e: {  	s29 =	spop (v2sf)  }
0x50f: {  	s31 =	spop (v2sf)  }
0x510: {  	_ =	swait.ge [sflag:s19], $0x1F40  }
0x511: {  	[sflag:s19] =	ssyncset.done $0x0  }
0x512: {  	[sflag:s19] =	ssyncadd.s32 $0xFFFFE0C0  }
0x513: {  	[tilespmem:s20], [sflag:$0x3] =	stream.linear.gather [hbm4b:s14+s30], $0x1F40, $0x38;
	[tilespmem:$0x18080] =	vst v63  }
0x514: {  	_ =	swait.ge [sflag:s19], $0x1F40  }
0x515: {  	[sflag:s19] =	ssyncset.done $0x0  }
0x516: {  	s30 =	simm.s32 $0x0;
	[sflag:s19] =	ssyncadd.s32 $0xFFFFE0C0  }
0x517: {  	v6 =	vld [tilespmem:s30+$0x8000]  }
0x518: {  	v7 =	vld [tilespmem:s30+$0x9F80];
	_ =	sdelay $0x3  }
0x519: {  	vm0 =	vge.s32 v6, v0;
	vm1 =	vlt.s32 v6, v2  }
0x51a: {  	vm2 =	vne.s32 v6, v7;
	vm0 =	vmand vm0, vm1  }
0x51b: {  	vm3 =	vlt.s32 v7, v2;
	vm1 =	vge.s32 v7, v0;
	vm0 =	vmand vm0, vm2  }
0x51c: {  	vm1 =	vmand vm1, vm3;
	v8 =	vsel vm0, $0x1, v5  }
0x51d: {  	vm1 =	vmand vm2, vm1;
	(xrf0) =	vadd.scan.msk.s32 $0xffff, v8  }
0x51e: {  	v8 =	vsel vm1, $0x1, v5  }
0x51f: {  	(xrf0) =	vadd.scan.msk.s32 $0xffff, v8  }
0x520: {  	s30 =	sadd.s32 s0, s29  }
0x521: {  	s29 =	sadd.s32 s1, s31;
	v8 =	vmov s30  }
0x522: {  	v9 =	vmov s29;
	v8 =	vadd.s32 $0xFFFFFFFF, v8  }
0x523: {  	v9 =	vadd.s32 $0xFFFFFFFF, v9;
	v8 =	vbroadcast v8, $0x0;
	v10, _, _ =	vpop (xrf0)  }
0x524: {  	v9 =	vbroadcast v9, $0x0;
	(v2sf) =	vpush v10, $0xF  }
0x525: {  	v8 =	vadd.s32 v10, v8;
	v10, _, _ =	vpop (xrf0)  }
0x526: {  	v8 =	vnsel vm0, $0x6010, v8;
	v9 =	vadd.s32 v10, v9  }
0x527: {  	(v2sf) =	vpush v10, $0xF;
	v9 =	vnsel vm1, $0x6010, v9  }
0x528: {  	v11 =	vmul.u32 $0x2800, v6  }
0x529: {  	v63 =	vmul.u32 $0x2800, v7  }
0x52a: {  	v7 =	vadd.s32 v7, v11  }
0x52b: {  	v6 =	vadd.s32 v6, v63;
	[tilespmem:v8+s21+$0x0] =	vst.idx.msk $0xffff, v7  }
0x52c: {  	s2 =	simm.s32 $0x10;
	[tilespmem:v9+s22+$0x0] =	vst.idx.msk $0xffff, v6  }
0x52d: {  	v8 =	vld [tilespmem:s2+$0x8000]  }
0x52e: {  	v6 =	vld [tilespmem:s2+$0x9F80];
	_ =	sdelay $0x3  }
0x52f: {  	vm0 =	vge.s32 v8, v0;
	vm2 =	vlt.s32 v8, v2;
	v7 =	vmul.u32 $0x2800, v8  }
0x530: {  	s31 =	simm.s32 $0x80;
	vm1 =	vne.s32 v8, v6;
	vm0 =	vmand vm0, vm2;
	vm2 =	vge.s32 v6, v0;
	s0 =	spop (v2sf)  }
.LBB2_38:
0x531: {  	p0 =	sne.s32 s31, $0x7CC0  }
0x532: {  	vm0 =	vmand vm0, vm1;
	vm3 =	vlt.s32 v6, v2;
	v9 =	vmul.u32 $0x2800, v6;
	s30 =	sadd.s32 s30, s0;
	s0 =	smov.u32 s31;
	s31 =	sadd.s32 $0x40, s31  }
0x533: {  	vm2 =	vmand vm2, vm3;
	v10 =	vsel vm0, $0x1, v5;
	v11 =	vmov s30;
	s1 =	spop (v2sf)  }
0x534: {  	vm1 =	vmand vm1, vm2;
	v8 =	vadd.s32 v8, v9;
	(xrf0) =	vadd.scan.msk.s32 $0xffff, v10;
	s29 =	sadd.s32 s29, s1  }
0x535: {  	v9 =	vsel vm1, $0x1, v5;
	v10 =	vmov s29  }
0x536: {  	v10 =	vadd.s32 $0xFFFFFFFF, v10;
	(xrf0) =	vadd.scan.msk.s32 $0xffff, v9;
	_ =	sdelay $0x1  }
0x537: {  	v9 =	vadd.s32 $0xFFFFFFFF, v11  }
0x538: {  	v9 =	vbroadcast v9, $0x0  }
0x539: {  	v11, _, _ =	vpop (xrf0)  }
0x53a: {  	v10 =	vbroadcast v10, $0x0;
	v9 =	vadd.s32 v11, v9;
	(v2sf) =	vpush v11, $0xF  }
0x53b: {  	v9 =	vnsel vm0, $0x6010, v9;
	v11, _, _ =	vpop (xrf0)  }
0x53c: {  	v10 =	vadd.s32 v11, v10;
	(v2sf) =	vpush v11, $0xF  }
0x53d: {  	v10 =	vnsel vm1, $0x6010, v10;
	_ =	sdelay $0x1  }
0x53e: {  	v6 =	vadd.s32 v6, v7  }
0x53f: {  	[tilespmem:v9+s21+$0x0] =	vst.idx.msk $0xffff, v6;
	_ =	sdelay $0x1  }
0x540: {  	s0 =	sshra.s32 s0, $0x2;
	[tilespmem:v10+s22+$0x0] =	vst.idx.msk $0xffff, v8  }
0x541: {  	v8 =	vld [tilespmem:s0+$0x8000]  }
0x542: {  	v6 =	vld [tilespmem:s0+$0x9F80]  }
.Ltmp20:
0x543: {  	(pc) =	sbr.rel @p0 .LBB2_38-.Ltmp20, $3  }
0x544: {  	_ =	sdelay $0x1  }
0x545: {  	vm0 =	vge.s32 v8, v0;
	vm2 =	vlt.s32 v8, v2;
	v7 =	vmul.u32 $0x2800, v8  }
0x546: {  	vm1 =	vne.s32 v8, v6;
	vm0 =	vmand vm0, vm2;
	vm2 =	vge.s32 v6, v0;
	s0 =	spop (v2sf)  }
0x547: {  	vm3 =	vlt.s32 v6, v2  }
0x548: {  	vm0 =	vmand vm0, vm1;
	vm2 =	vmand vm2, vm3  }
0x549: {  	v9 =	vsel vm0, $0x1, v5;
	vm1 =	vmand vm1, vm2  }
0x54a: {  	(xrf0) =	vadd.scan.msk.s32 $0xffff, v9;
	v9 =	vsel vm1, $0x1, v5  }
0x54b: {  	(xrf0) =	vadd.scan.msk.s32 $0xffff, v9;
	_ =	sdelay $0x4  }
0x54c: {  	v9, _, _ =	vpop (xrf0)  }
0x54d: {  	(v2sf) =	vpush v9, $0xF;
	v10, _, _ =	vpop (xrf0)  }
0x54e: {  	s0 =	sadd.s32 s30, s0;
	s1 =	spop (v2sf);
	(v2sf) =	vpush v10, $0xF  }
0x54f: {  	v11 =	vmov s0;
	s1 =	sadd.s32 s29, s1  }
0x550: {  	v11 =	vadd.s32 $0xFFFFFFFF, v11;
	v12 =	vmov s1  }
0x551: {  	v11 =	vbroadcast v11, $0x0;
	v12 =	vadd.s32 $0xFFFFFFFF, v12  }
0x552: {  	v12 =	vbroadcast v12, $0x0  }
0x553: {  	v9 =	vadd.s32 v9, v11  }
0x554: {  	v9 =	vnsel vm0, $0x6010, v9;
	v10 =	vadd.s32 v10, v12  }
0x555: {  	v10 =	vnsel vm1, $0x6010, v10;
	_ =	sdelay $0x1  }
0x556: {  	v11 =	vmul.u32 $0x2800, v6  }
0x557: {  	v6 =	vadd.s32 v6, v7  }
0x558: {  	v7 =	vadd.s32 v8, v11;
	[tilespmem:v9+s21+$0x0] =	vst.idx.msk $0xffff, v6  }
0x559: {  	s30 =	simm.s32 $0x0;
	s2 =	rddreg [dreg:$0x14];
	[tilespmem:v10+s22+$0x0] =	vst.idx.msk $0xffff, v7  }
0x55a: {  	[tilespmem:s18], [sflag:$0x3] =	stream.linear.gather [hbm4b:s2+s30], $0x1F40, $0x38;
	[tilespmem:$0x18080] =	vst v63  }
0x55b: {  	s29 =	spop (v2sf)  }
0x55c: {  	s31 =	spop (v2sf)  }
0x55d: {  	_ =	swait.ge [sflag:s19], $0x1F40  }
0x55e: {  	[sflag:s19] =	ssyncset.done $0x0  }
0x55f: {  	[sflag:s19] =	ssyncadd.s32 $0xFFFFE0C0  }
0x560: {  	[tilespmem:s20], [sflag:$0x3] =	stream.linear.gather [hbm4b:s15+s30], $0x1F40, $0x38;
	[tilespmem:$0x18080] =	vst v63  }
0x561: {  	_ =	swait.ge [sflag:s19], $0x1F40  }
0x562: {  	[sflag:s19] =	ssyncset.done $0x0  }
0x563: {  	s30 =	simm.s32 $0x0;
	[sflag:s19] =	ssyncadd.s32 $0xFFFFE0C0  }
0x564: {  	v6 =	vld [tilespmem:s30+$0x8000]  }
0x565: {  	v7 =	vld [tilespmem:s30+$0x9F80];
	_ =	sdelay $0x3  }
0x566: {  	vm0 =	vge.s32 v6, v0;
	vm1 =	vlt.s32 v6, v2  }
0x567: {  	vm2 =	vne.s32 v6, v7;
	vm0 =	vmand vm0, vm1  }
0x568: {  	vm3 =	vlt.s32 v7, v2;
	vm1 =	vge.s32 v7, v0;
	vm0 =	vmand vm0, vm2  }
0x569: {  	vm1 =	vmand vm1, vm3;
	v8 =	vsel vm0, $0x1, v5  }
0x56a: {  	vm1 =	vmand vm2, vm1;
	(xrf0) =	vadd.scan.msk.s32 $0xffff, v8  }
0x56b: {  	v8 =	vsel vm1, $0x1, v5  }
0x56c: {  	(xrf0) =	vadd.scan.msk.s32 $0xffff, v8  }
0x56d: {  	s30 =	sadd.s32 s0, s29  }
0x56e: {  	s29 =	sadd.s32 s1, s31;
	v8 =	vmov s30  }
0x56f: {  	v9 =	vmov s29;
	v8 =	vadd.s32 $0xFFFFFFFF, v8  }
0x570: {  	v9 =	vadd.s32 $0xFFFFFFFF, v9;
	v8 =	vbroadcast v8, $0x0;
	v10, _, _ =	vpop (xrf0)  }
0x571: {  	v9 =	vbroadcast v9, $0x0;
	(v2sf) =	vpush v10, $0xF  }
0x572: {  	v8 =	vadd.s32 v10, v8;
	v10, _, _ =	vpop (xrf0)  }
0x573: {  	v8 =	vnsel vm0, $0x6010, v8;
	v9 =	vadd.s32 v10, v9  }
0x574: {  	(v2sf) =	vpush v10, $0xF;
	v9 =	vnsel vm1, $0x6010, v9  }
0x575: {  	v11 =	vmul.u32 $0x2800, v6  }
0x576: {  	v63 =	vmul.u32 $0x2800, v7  }
0x577: {  	v7 =	vadd.s32 v7, v11  }
0x578: {  	v6 =	vadd.s32 v6, v63;
	[tilespmem:v8+s21+$0x0] =	vst.idx.msk $0xffff, v7  }
0x579: {  	s2 =	simm.s32 $0x10;
	[tilespmem:v9+s22+$0x0] =	vst.idx.msk $0xffff, v6  }
0x57a: {  	v8 =	vld [tilespmem:s2+$0x8000]  }
0x57b: {  	v6 =	vld [tilespmem:s2+$0x9F80];
	_ =	sdelay $0x3  }
0x57c: {  	vm0 =	vge.s32 v8, v0;
	vm2 =	vlt.s32 v8, v2;
	v7 =	vmul.u32 $0x2800, v8  }
0x57d: {  	s31 =	simm.s32 $0x80;
	vm1 =	vne.s32 v8, v6;
	vm0 =	vmand vm0, vm2;
	vm2 =	vge.s32 v6, v0;
	s0 =	spop (v2sf)  }
.LBB2_40:
0x57e: {  	p0 =	sne.s32 s31, $0x7CC0  }
0x57f: {  	vm0 =	vmand vm0, vm1;
	vm3 =	vlt.s32 v6, v2;
	v9 =	vmul.u32 $0x2800, v6;
	s30 =	sadd.s32 s30, s0;
	s0 =	smov.u32 s31;
	s31 =	sadd.s32 $0x40, s31  }
0x580: {  	vm2 =	vmand vm2, vm3;
	v10 =	vsel vm0, $0x1, v5;
	v11 =	vmov s30;
	s1 =	spop (v2sf)  }
0x581: {  	vm1 =	vmand vm1, vm2;
	v8 =	vadd.s32 v8, v9;
	(xrf0) =	vadd.scan.msk.s32 $0xffff, v10;
	s29 =	sadd.s32 s29, s1  }
0x582: {  	v9 =	vsel vm1, $0x1, v5;
	v10 =	vmov s29  }
0x583: {  	v10 =	vadd.s32 $0xFFFFFFFF, v10;
	(xrf0) =	vadd.scan.msk.s32 $0xffff, v9;
	_ =	sdelay $0x1  }
0x584: {  	v9 =	vadd.s32 $0xFFFFFFFF, v11  }
0x585: {  	v9 =	vbroadcast v9, $0x0  }
0x586: {  	v11, _, _ =	vpop (xrf0)  }
0x587: {  	v10 =	vbroadcast v10, $0x0;
	v9 =	vadd.s32 v11, v9;
	(v2sf) =	vpush v11, $0xF  }
0x588: {  	v9 =	vnsel vm0, $0x6010, v9;
	v11, _, _ =	vpop (xrf0)  }
0x589: {  	v10 =	vadd.s32 v11, v10;
	(v2sf) =	vpush v11, $0xF  }
0x58a: {  	v10 =	vnsel vm1, $0x6010, v10;
	_ =	sdelay $0x1  }
0x58b: {  	v6 =	vadd.s32 v6, v7  }
0x58c: {  	[tilespmem:v9+s21+$0x0] =	vst.idx.msk $0xffff, v6;
	_ =	sdelay $0x1  }
0x58d: {  	s0 =	sshra.s32 s0, $0x2;
	[tilespmem:v10+s22+$0x0] =	vst.idx.msk $0xffff, v8  }
0x58e: {  	v8 =	vld [tilespmem:s0+$0x8000]  }
0x58f: {  	v6 =	vld [tilespmem:s0+$0x9F80]  }
.Ltmp21:
0x590: {  	(pc) =	sbr.rel @p0 .LBB2_40-.Ltmp21, $3  }
0x591: {  	_ =	sdelay $0x1  }
0x592: {  	vm0 =	vge.s32 v8, v0;
	vm2 =	vlt.s32 v8, v2;
	v7 =	vmul.u32 $0x2800, v8  }
0x593: {  	vm1 =	vne.s32 v8, v6;
	vm0 =	vmand vm0, vm2;
	vm2 =	vge.s32 v6, v0;
	s0 =	spop (v2sf)  }
0x594: {  	vm3 =	vlt.s32 v6, v2  }
0x595: {  	vm0 =	vmand vm0, vm1;
	vm2 =	vmand vm2, vm3  }
0x596: {  	v9 =	vsel vm0, $0x1, v5;
	vm1 =	vmand vm1, vm2  }
0x597: {  	(xrf0) =	vadd.scan.msk.s32 $0xffff, v9;
	v9 =	vsel vm1, $0x1, v5  }
0x598: {  	(xrf0) =	vadd.scan.msk.s32 $0xffff, v9;
	_ =	sdelay $0x4  }
0x599: {  	v9, _, _ =	vpop (xrf0)  }
0x59a: {  	(v2sf) =	vpush v9, $0xF;
	v10, _, _ =	vpop (xrf0)  }
0x59b: {  	s0 =	sadd.s32 s30, s0;
	s1 =	spop (v2sf);
	(v2sf) =	vpush v10, $0xF  }
0x59c: {  	v11 =	vmov s0;
	s1 =	sadd.s32 s29, s1  }
0x59d: {  	v11 =	vadd.s32 $0xFFFFFFFF, v11;
	v12 =	vmov s1  }
0x59e: {  	v11 =	vbroadcast v11, $0x0;
	v12 =	vadd.s32 $0xFFFFFFFF, v12  }
0x59f: {  	v12 =	vbroadcast v12, $0x0  }
0x5a0: {  	v9 =	vadd.s32 v9, v11  }
0x5a1: {  	v9 =	vnsel vm0, $0x6010, v9;
	v10 =	vadd.s32 v10, v12  }
0x5a2: {  	v10 =	vnsel vm1, $0x6010, v10;
	_ =	sdelay $0x1  }
0x5a3: {  	v11 =	vmul.u32 $0x2800, v6  }
0x5a4: {  	v6 =	vadd.s32 v6, v7  }
0x5a5: {  	v7 =	vadd.s32 v8, v11;
	[tilespmem:v9+s21+$0x0] =	vst.idx.msk $0xffff, v6  }
0x5a6: {  	s30 =	simm.s32 $0x0;
	s2 =	rddreg [dreg:$0x15];
	[tilespmem:v10+s22+$0x0] =	vst.idx.msk $0xffff, v7  }
0x5a7: {  	[tilespmem:s18], [sflag:$0x3] =	stream.linear.gather [hbm4b:s2+s30], $0x1F40, $0x38;
	[tilespmem:$0x18080] =	vst v63  }
0x5a8: {  	s29 =	spop (v2sf)  }
0x5a9: {  	s31 =	spop (v2sf)  }
0x5aa: {  	_ =	swait.ge [sflag:s19], $0x1F40  }
0x5ab: {  	[sflag:s19] =	ssyncset.done $0x0  }
0x5ac: {  	[sflag:s19] =	ssyncadd.s32 $0xFFFFE0C0  }
0x5ad: {  	[tilespmem:s20], [sflag:$0x3] =	stream.linear.gather [hbm4b:s16+s30], $0x1F40, $0x38;
	[tilespmem:$0x18080] =	vst v63  }
0x5ae: {  	_ =	swait.ge [sflag:s19], $0x1F40  }
0x5af: {  	[sflag:s19] =	ssyncset.done $0x0  }
0x5b0: {  	s30 =	simm.s32 $0x0;
	[sflag:s19] =	ssyncadd.s32 $0xFFFFE0C0  }
0x5b1: {  	v6 =	vld [tilespmem:s30+$0x8000]  }
0x5b2: {  	v7 =	vld [tilespmem:s30+$0x9F80];
	_ =	sdelay $0x3  }
0x5b3: {  	vm0 =	vge.s32 v6, v0;
	vm1 =	vlt.s32 v6, v2  }
0x5b4: {  	vm2 =	vne.s32 v6, v7;
	vm0 =	vmand vm0, vm1  }
0x5b5: {  	vm3 =	vlt.s32 v7, v2;
	vm1 =	vge.s32 v7, v0;
	vm0 =	vmand vm0, vm2  }
0x5b6: {  	vm1 =	vmand vm1, vm3;
	v8 =	vsel vm0, $0x1, v5  }
0x5b7: {  	vm1 =	vmand vm2, vm1;
	(xrf0) =	vadd.scan.msk.s32 $0xffff, v8  }
0x5b8: {  	v8 =	vsel vm1, $0x1, v5  }
0x5b9: {  	(xrf0) =	vadd.scan.msk.s32 $0xffff, v8  }
0x5ba: {  	s30 =	sadd.s32 s0, s29  }
0x5bb: {  	s29 =	sadd.s32 s1, s31;
	v8 =	vmov s30  }
0x5bc: {  	v9 =	vmov s29;
	v8 =	vadd.s32 $0xFFFFFFFF, v8  }
0x5bd: {  	v9 =	vadd.s32 $0xFFFFFFFF, v9;
	v8 =	vbroadcast v8, $0x0;
	v10, _, _ =	vpop (xrf0)  }
0x5be: {  	v9 =	vbroadcast v9, $0x0;
	(v2sf) =	vpush v10, $0xF  }
0x5bf: {  	v8 =	vadd.s32 v10, v8;
	v10, _, _ =	vpop (xrf0)  }
0x5c0: {  	v8 =	vnsel vm0, $0x6010, v8;
	v9 =	vadd.s32 v10, v9  }
0x5c1: {  	(v2sf) =	vpush v10, $0xF;
	v9 =	vnsel vm1, $0x6010, v9  }
0x5c2: {  	v11 =	vmul.u32 $0x2800, v6  }
0x5c3: {  	v63 =	vmul.u32 $0x2800, v7  }
0x5c4: {  	v7 =	vadd.s32 v7, v11  }
0x5c5: {  	v6 =	vadd.s32 v6, v63;
	[tilespmem:v8+s21+$0x0] =	vst.idx.msk $0xffff, v7  }
0x5c6: {  	s2 =	simm.s32 $0x10;
	[tilespmem:v9+s22+$0x0] =	vst.idx.msk $0xffff, v6  }
0x5c7: {  	v8 =	vld [tilespmem:s2+$0x8000]  }
0x5c8: {  	v6 =	vld [tilespmem:s2+$0x9F80];
	_ =	sdelay $0x3  }
0x5c9: {  	vm0 =	vge.s32 v8, v0;
	vm2 =	vlt.s32 v8, v2;
	v7 =	vmul.u32 $0x2800, v8  }
0x5ca: {  	s31 =	simm.s32 $0x80;
	vm1 =	vne.s32 v8, v6;
	vm0 =	vmand vm0, vm2;
	vm2 =	vge.s32 v6, v0;
	s0 =	spop (v2sf)  }
.LBB2_42:
0x5cb: {  	p0 =	sne.s32 s31, $0x7CC0  }
0x5cc: {  	vm0 =	vmand vm0, vm1;
	vm3 =	vlt.s32 v6, v2;
	v9 =	vmul.u32 $0x2800, v6;
	s30 =	sadd.s32 s30, s0;
	s0 =	smov.u32 s31;
	s31 =	sadd.s32 $0x40, s31  }
0x5cd: {  	vm2 =	vmand vm2, vm3;
	v10 =	vsel vm0, $0x1, v5;
	v11 =	vmov s30;
	s1 =	spop (v2sf)  }
0x5ce: {  	vm1 =	vmand vm1, vm2;
	v8 =	vadd.s32 v8, v9;
	(xrf0) =	vadd.scan.msk.s32 $0xffff, v10;
	s29 =	sadd.s32 s29, s1  }
0x5cf: {  	v9 =	vsel vm1, $0x1, v5;
	v10 =	vmov s29  }
0x5d0: {  	v10 =	vadd.s32 $0xFFFFFFFF, v10;
	(xrf0) =	vadd.scan.msk.s32 $0xffff, v9;
	_ =	sdelay $0x1  }
0x5d1: {  	v9 =	vadd.s32 $0xFFFFFFFF, v11  }
0x5d2: {  	v9 =	vbroadcast v9, $0x0  }
0x5d3: {  	v11, _, _ =	vpop (xrf0)  }
0x5d4: {  	v10 =	vbroadcast v10, $0x0;
	v9 =	vadd.s32 v11, v9;
	(v2sf) =	vpush v11, $0xF  }
0x5d5: {  	v9 =	vnsel vm0, $0x6010, v9;
	v11, _, _ =	vpop (xrf0)  }
0x5d6: {  	v10 =	vadd.s32 v11, v10;
	(v2sf) =	vpush v11, $0xF  }
0x5d7: {  	v10 =	vnsel vm1, $0x6010, v10;
	_ =	sdelay $0x1  }
0x5d8: {  	v6 =	vadd.s32 v6, v7  }
0x5d9: {  	[tilespmem:v9+s21+$0x0] =	vst.idx.msk $0xffff, v6;
	_ =	sdelay $0x1  }
0x5da: {  	s0 =	sshra.s32 s0, $0x2;
	[tilespmem:v10+s22+$0x0] =	vst.idx.msk $0xffff, v8  }
0x5db: {  	v8 =	vld [tilespmem:s0+$0x8000]  }
0x5dc: {  	v6 =	vld [tilespmem:s0+$0x9F80]  }
.Ltmp22:
0x5dd: {  	(pc) =	sbr.rel @p0 .LBB2_42-.Ltmp22, $3  }
0x5de: {  	_ =	sdelay $0x1  }
0x5df: {  	vm0 =	vge.s32 v8, v0;
	vm2 =	vlt.s32 v8, v2;
	v7 =	vmul.u32 $0x2800, v8  }
0x5e0: {  	vm1 =	vne.s32 v8, v6;
	vm0 =	vmand vm0, vm2;
	vm2 =	vge.s32 v6, v0;
	s0 =	spop (v2sf)  }
0x5e1: {  	vm3 =	vlt.s32 v6, v2  }
0x5e2: {  	vm0 =	vmand vm0, vm1;
	vm2 =	vmand vm2, vm3  }
0x5e3: {  	v9 =	vsel vm0, $0x1, v5;
	vm1 =	vmand vm1, vm2  }
0x5e4: {  	(xrf0) =	vadd.scan.msk.s32 $0xffff, v9;
	v9 =	vsel vm1, $0x1, v5  }
0x5e5: {  	(xrf0) =	vadd.scan.msk.s32 $0xffff, v9;
	_ =	sdelay $0x4  }
0x5e6: {  	v9, _, _ =	vpop (xrf0)  }
0x5e7: {  	(v2sf) =	vpush v9, $0xF;
	v10, _, _ =	vpop (xrf0)  }
0x5e8: {  	s0 =	sadd.s32 s30, s0;
	s1 =	spop (v2sf);
	(v2sf) =	vpush v10, $0xF  }
0x5e9: {  	v11 =	vmov s0;
	s1 =	sadd.s32 s29, s1  }
0x5ea: {  	v11 =	vadd.s32 $0xFFFFFFFF, v11;
	v12 =	vmov s1  }
0x5eb: {  	v11 =	vbroadcast v11, $0x0;
	v12 =	vadd.s32 $0xFFFFFFFF, v12  }
0x5ec: {  	v12 =	vbroadcast v12, $0x0  }
0x5ed: {  	v9 =	vadd.s32 v9, v11  }
0x5ee: {  	v9 =	vnsel vm0, $0x6010, v9;
	v10 =	vadd.s32 v10, v12  }
0x5ef: {  	v10 =	vnsel vm1, $0x6010, v10;
	_ =	sdelay $0x1  }
0x5f0: {  	v11 =	vmul.u32 $0x2800, v6  }
0x5f1: {  	v6 =	vadd.s32 v6, v7  }
0x5f2: {  	v7 =	vadd.s32 v8, v11;
	[tilespmem:v9+s21+$0x0] =	vst.idx.msk $0xffff, v6  }
0x5f3: {  	s30 =	simm.s32 $0x0;
	s2 =	rddreg [dreg:$0x16];
	[tilespmem:v10+s22+$0x0] =	vst.idx.msk $0xffff, v7  }
0x5f4: {  	[tilespmem:s18], [sflag:$0x3] =	stream.linear.gather [hbm4b:s2+s30], $0x1F40, $0x38;
	[tilespmem:$0x18080] =	vst v63  }
0x5f5: {  	s29 =	spop (v2sf)  }
0x5f6: {  	s31 =	spop (v2sf)  }
0x5f7: {  	_ =	swait.ge [sflag:s19], $0x1F40  }
0x5f8: {  	[sflag:s19] =	ssyncset.done $0x0  }
0x5f9: {  	[sflag:s19] =	ssyncadd.s32 $0xFFFFE0C0  }
0x5fa: {  	[tilespmem:s20], [sflag:$0x3] =	stream.linear.gather [hbm4b:s17+s30], $0x1F40, $0x38;
	[tilespmem:$0x18080] =	vst v63  }
0x5fb: {  	_ =	swait.ge [sflag:s19], $0x1F40  }
0x5fc: {  	[sflag:s19] =	ssyncset.done $0x0  }
0x5fd: {  	s30 =	simm.s32 $0x0;
	[sflag:s19] =	ssyncadd.s32 $0xFFFFE0C0  }
0x5fe: {  	v6 =	vld [tilespmem:s30+$0x8000]  }
0x5ff: {  	v7 =	vld [tilespmem:s30+$0x9F80];
	_ =	sdelay $0x3  }
0x600: {  	vm0 =	vge.s32 v6, v0;
	vm1 =	vlt.s32 v6, v2  }
0x601: {  	vm2 =	vne.s32 v6, v7;
	vm0 =	vmand vm0, vm1  }
0x602: {  	vm3 =	vlt.s32 v7, v2;
	vm1 =	vge.s32 v7, v0;
	vm0 =	vmand vm0, vm2  }
0x603: {  	vm1 =	vmand vm1, vm3;
	v8 =	vsel vm0, $0x1, v5  }
0x604: {  	vm1 =	vmand vm2, vm1;
	(xrf0) =	vadd.scan.msk.s32 $0xffff, v8  }
0x605: {  	v8 =	vsel vm1, $0x1, v5  }
0x606: {  	(xrf0) =	vadd.scan.msk.s32 $0xffff, v8  }
0x607: {  	s30 =	sadd.s32 s0, s29  }
0x608: {  	s29 =	sadd.s32 s1, s31;
	v8 =	vmov s30  }
0x609: {  	v9 =	vmov s29;
	v8 =	vadd.s32 $0xFFFFFFFF, v8  }
0x60a: {  	v9 =	vadd.s32 $0xFFFFFFFF, v9;
	v8 =	vbroadcast v8, $0x0;
	v10, _, _ =	vpop (xrf0)  }
0x60b: {  	v9 =	vbroadcast v9, $0x0;
	(v2sf) =	vpush v10, $0xF  }
0x60c: {  	v8 =	vadd.s32 v10, v8;
	v10, _, _ =	vpop (xrf0)  }
0x60d: {  	v8 =	vnsel vm0, $0x6010, v8;
	v9 =	vadd.s32 v10, v9  }
0x60e: {  	(v2sf) =	vpush v10, $0xF;
	v9 =	vnsel vm1, $0x6010, v9  }
0x60f: {  	v11 =	vmul.u32 $0x2800, v6  }
0x610: {  	v63 =	vmul.u32 $0x2800, v7  }
0x611: {  	v7 =	vadd.s32 v7, v11  }
0x612: {  	v6 =	vadd.s32 v6, v63;
	[tilespmem:v8+s21+$0x0] =	vst.idx.msk $0xffff, v7  }
0x613: {  	s2 =	simm.s32 $0x10;
	[tilespmem:v9+s22+$0x0] =	vst.idx.msk $0xffff, v6  }
0x614: {  	v8 =	vld [tilespmem:s2+$0x8000]  }
0x615: {  	v6 =	vld [tilespmem:s2+$0x9F80];
	_ =	sdelay $0x3  }
0x616: {  	vm0 =	vge.s32 v8, v0;
	vm2 =	vlt.s32 v8, v2;
	v7 =	vmul.u32 $0x2800, v8  }
0x617: {  	s31 =	simm.s32 $0x80;
	vm1 =	vne.s32 v8, v6;
	vm0 =	vmand vm0, vm2;
	vm2 =	vge.s32 v6, v0;
	s0 =	spop (v2sf)  }
.LBB2_44:
0x618: {  	p0 =	sne.s32 s31, $0x7CC0  }
0x619: {  	vm0 =	vmand vm0, vm1;
	vm3 =	vlt.s32 v6, v2;
	v9 =	vmul.u32 $0x2800, v6;
	s30 =	sadd.s32 s30, s0;
	s0 =	smov.u32 s31;
	s31 =	sadd.s32 $0x40, s31  }
0x61a: {  	vm2 =	vmand vm2, vm3;
	v10 =	vsel vm0, $0x1, v5;
	v11 =	vmov s30;
	s1 =	spop (v2sf)  }
0x61b: {  	vm1 =	vmand vm1, vm2;
	v8 =	vadd.s32 v8, v9;
	(xrf0) =	vadd.scan.msk.s32 $0xffff, v10;
	s29 =	sadd.s32 s29, s1  }
0x61c: {  	v9 =	vsel vm1, $0x1, v5;
	v10 =	vmov s29  }
0x61d: {  	v10 =	vadd.s32 $0xFFFFFFFF, v10;
	(xrf0) =	vadd.scan.msk.s32 $0xffff, v9;
	_ =	sdelay $0x1  }
0x61e: {  	v9 =	vadd.s32 $0xFFFFFFFF, v11  }
0x61f: {  	v9 =	vbroadcast v9, $0x0  }
0x620: {  	v11, _, _ =	vpop (xrf0)  }
0x621: {  	v10 =	vbroadcast v10, $0x0;
	v9 =	vadd.s32 v11, v9;
	(v2sf) =	vpush v11, $0xF  }
0x622: {  	v9 =	vnsel vm0, $0x6010, v9;
	v11, _, _ =	vpop (xrf0)  }
0x623: {  	v10 =	vadd.s32 v11, v10;
	(v2sf) =	vpush v11, $0xF  }
0x624: {  	v10 =	vnsel vm1, $0x6010, v10;
	_ =	sdelay $0x1  }
0x625: {  	v6 =	vadd.s32 v6, v7  }
0x626: {  	[tilespmem:v9+s21+$0x0] =	vst.idx.msk $0xffff, v6;
	_ =	sdelay $0x1  }
0x627: {  	s0 =	sshra.s32 s0, $0x2;
	[tilespmem:v10+s22+$0x0] =	vst.idx.msk $0xffff, v8  }
0x628: {  	v8 =	vld [tilespmem:s0+$0x8000]  }
0x629: {  	v6 =	vld [tilespmem:s0+$0x9F80]  }
.Ltmp23:
0x62a: {  	(pc) =	sbr.rel @p0 .LBB2_44-.Ltmp23, $3  }
0x62b: {  	_ =	sdelay $0x1  }
0x62c: {  	vm0 =	vge.s32 v8, v0;
	vm2 =	vlt.s32 v8, v2;
	v7 =	vmul.u32 $0x2800, v8  }
0x62d: {  	vm1 =	vne.s32 v8, v6;
	vm0 =	vmand vm0, vm2;
	vm2 =	vge.s32 v6, v0;
	s0 =	spop (v2sf)  }
0x62e: {  	vm3 =	vlt.s32 v6, v2  }
0x62f: {  	vm0 =	vmand vm0, vm1;
	vm2 =	vmand vm2, vm3  }
0x630: {  	v9 =	vsel vm0, $0x1, v5;
	vm15 =	vmand vm1, vm2  }
0x631: {  	(xrf0) =	vadd.scan.msk.s32 $0xffff, v9;
	v61 =	vsel vm15, $0x1, v5  }
0x632: {  	(xrf0) =	vadd.scan.msk.s32 $0xffff, v61;
	_ =	sdelay $0x4  }
0x633: {  	v62, _, _ =	vpop (xrf0)  }
0x634: {  	(v2sf) =	vpush v62, $0xF;
	v10, _, _ =	vpop (xrf0)  }
0x635: {  	(v2sf) =	vpush v10, $0xF;
	_ =	sdelay $0x2  }
0x636: {  	s0 =	sadd.s32 s30, s0;
	s1 =	spop (v2sf)  }
0x637: {  	v11 =	vmov s0;
	s1 =	sadd.s32 s29, s1  }
0x638: {  	v11 =	vadd.s32 $0xFFFFFFFF, v11;
	v12 =	vmov s1  }
0x639: {  	v11 =	vbroadcast v11, $0x0;
	v12 =	vadd.s32 $0xFFFFFFFF, v12  }
0x63a: {  	v12 =	vbroadcast v12, $0x0  }
0x63b: {  	v9 =	vadd.s32 v62, v11  }
0x63c: {  	v9 =	vnsel vm0, $0x6010, v9;
	v10 =	vadd.s32 v10, v12  }
0x63d: {  	v10 =	vnsel vm15, $0x6010, v10;
	_ =	sdelay $0x1  }
0x63e: {  	v63 =	vmul.u32 $0x2800, v6  }
0x63f: {  	v6 =	vadd.s32 v6, v7  }
0x640: {  	v7 =	vadd.s32 v8, v63;
	[tilespmem:v9+s21+$0x0] =	vst.idx.msk $0xffff, v6;
	s29 =	spop (v2sf)  }
0x641: {  	[tilespmem:v10+s22+$0x0] =	vst.idx.msk $0xffff, v7;
	s0 =	sadd.s32 s0, s29;
	s29 =	spop (v2sf)  }
0x642: {  	[tilespmem:s0+$0xBF00] =	vst v1;
	s29 =	sadd.s32 s1, s29  }
0x643: {  	[tilespmem:s29+$0x11F80] =	vst v1  }
0x644: {  	_ =	swait.ge [sflag:s23], $0x8000  }
0x645: {  	s30 =	simm.s32 $0x63;
	[sflag:s23] =	ssyncset.done $0x0  }
.LBB2_46:
0x646: {  	p0 =	sne.s32 s30, $0x1;
	s30 =	sadd.s32 $0xFFFFFFFF, s30;
	[sflag:s23] =	ssyncadd.s32 $0xFFFF8000  }
.Ltmp24:
0x647: {  	(pc) =	sbr.rel @p0 .LBB2_46-.Ltmp24, $3  }
0x648: {  	_ =	sdelay $0x1  }
0x649: {  	_ =	swait.ge [sflag:s23], $0x8000  }
0x64a: {  	[sflag:s23] =	ssyncset.done $0x0  }
0x64b: {  	s0 =	sadd.s32 $0xF, s0  }
0x64c: {  	s1 =	sand.u32 $0xF, s0  }
0x64d: {  	s30 =	sshra.s32 s0, $0x1F;
	p0 =	slt.s32 s0, $0x1;
	p1 =	sne.s32 s1, $0x0  }
0x64e: {  	s31 =	sshrl.u32 s30, $0x1C;
	p0 =	por !p0, !p1  }
0x64f: {  	s1 =	simm.s32 $0x1;
	s0 =	sadd.s32 s31, s0;
	p0 =	por !p0, !p0  }
0x650: {  	s0 =	sshra.s32 s0, $0x4;
	s1 =	simm.s32 @!p0 $0x0  }
0x651: {  	s30 =	ssub.s32 s0, s1  }
0x652: {  	p0 =	slt.s32 s30, $0x1  }
.Ltmp25:
0x653: {  	_ = 	snop;
	(pc) =	sbr.rel @p0 .LBB2_53-.Ltmp25, $2  }
0x654: {  	_ =	sdelay $0x2  }
0x655: {  	[sflag:s23] =	ssyncadd.s32 $0xFFFF8000  }
0x656: {  	p0 =	por $0x1, $0x1;
	p1 =	sne.s32 s30, $0x1  }
.Ltmp26:
0x657: {  	s0 =	simm.s32 @!p0 $0x2;
	(pc) =	sbr.rel @!p1 .LBB2_50-.Ltmp26, $4  }
0x658: {  	_ =	swait.ge @!p0 [sflag:s0], $0x10  }
0x659: {  	[sflag:s0] =	ssyncset.done @!p0 $0x0  }
0x65a: {  	s31 =	simm.s32 $0xBF00;
	[sflag:s0] =	ssyncadd.s32 @!p0 $0xFFFFFFF0  }
0x65b: {  	s0 =	simm.s32 $0x1;
	v6 =	vld [tilespmem:s31+$0x0]  }
.LBB2_49:
0x65c: {  	_ =	sdelay $0x4  }
0x65d: {  	p0 =	slt.u32 s0, $0x8;
	s0 =	sadd.s32 $0x1, s0  }
0x65e: {  	vm0 =	vmmov $0xffff;
	s1 =	simm.s32 @!p0 $0x2;
	p1 =	sne.s32 s30, s0  }
0x65f: {  	[hbm4b:s5+s3] =	stream.indirect_vreg.scatter [tilespmem:s24], [sflag:$0x2], $0x1, v6, vm0, $0xb8;
	[tilespmem:$0x18080] =	vst v63  }
.Ltmp27:
0x660: {  	_ = 	snop;
	(pc) =	sbr.rel @p1 .LBB2_49-.Ltmp27, $4  }
0x661: {  	_ =	swait.ge @!p0 [sflag:s1], $0x10  }
0x662: {  	[sflag:s1] =	ssyncset.done @!p0 $0x0  }
0x663: {  	s31 =	sadd.s32 $0x10, s31;
	[sflag:s1] =	ssyncadd.s32 @!p0 $0xFFFFFFF0  }
0x664: {  	v6 =	vld [tilespmem:s31+$0x0]  }
.LBB2_50:
0x665: {  	_ =	sdelay $0x3  }
0x666: {  	s0 =	smin.u32 s30, $0x8  }
0x667: {  	p0 =	sne.s32 s0, $0x1  }
.Ltmp28:
0x668: {  	_ = 	snop;
	(pc) =	sbr.rel @!p0 .LBB2_52-.Ltmp28, $4  }
0x669: {  	vm0 =	vmmov $0xffff  }
0x66a: {  	[hbm4b:s5+s3] =	stream.indirect_vreg.scatter [tilespmem:s24], [sflag:$0x2], $0x1, v6, vm0, $0xb8;
	[tilespmem:$0x18080] =	vst v63  }
0x66b: {  	_ =	swait.ge [sflag:s25], $0x10  }
0x66c: {  	s0 =	sadd.s32 $0xFFFFFFFF, s0;
	[sflag:s25] =	ssyncset.done $0x0  }
.LBB2_51:
0x66d: {  	p0 =	sne.s32 s0, $0x1;
	s0 =	sadd.s32 $0xFFFFFFFF, s0;
	[sflag:s25] =	ssyncadd.s32 $0xFFFFFFF0  }
.Ltmp29:
0x66e: {  	(pc) =	sbr.rel @p0 .LBB2_51-.Ltmp29, $3  }
0x66f: {  	_ =	sdelay $0x1  }
0x670: {  	_ =	swait.ge [sflag:s25], $0x10  }
0x671: {  	[sflag:s25] =	ssyncset.done $0x0  }
.LBB2_52:
0x672: {  	[sflag:s25] =	ssyncadd.s32 $0xFFFFFFF0  }
.LBB2_53:
0x673: {  	s0 =	sadd.s32 $0xF, s29  }
0x674: {  	s1 =	sand.u32 $0xF, s0  }
0x675: {  	s29 =	sshra.s32 s0, $0x1F;
	p0 =	slt.s32 s0, $0x1;
	p1 =	sne.s32 s1, $0x0  }
0x676: {  	s31 =	sshrl.u32 s29, $0x1C;
	p0 =	por !p0, !p1  }
0x677: {  	s1 =	simm.s32 $0x1;
	s0 =	sadd.s32 s31, s0;
	p0 =	por !p0, !p0  }
0x678: {  	s0 =	sshra.s32 s0, $0x4;
	s1 =	simm.s32 @!p0 $0x0  }
0x679: {  	s29 =	ssub.s32 s0, s1  }
0x67a: {  	p0 =	slt.s32 s29, $0x1  }
.Ltmp30:
0x67b: {  	_ = 	snop;
	(pc) =	sbr.rel @p0 .LBB2_59-.Ltmp30, $1  }
0x67c: {  	_ =	sdelay $0x3  }
0x67d: {  	p0 =	por $0x1, $0x1;
	p1 =	sne.s32 s29, $0x1  }
.Ltmp31:
0x67e: {  	s0 =	simm.s32 @!p0 $0x2;
	(pc) =	sbr.rel @!p1 .LBB2_56-.Ltmp31, $4  }
0x67f: {  	_ =	swait.ge @!p0 [sflag:s0], $0x10  }
0x680: {  	[sflag:s0] =	ssyncset.done @!p0 $0x0  }
0x681: {  	s30 =	simm.s32 $0x11F80;
	[sflag:s0] =	ssyncadd.s32 @!p0 $0xFFFFFFF0  }
0x682: {  	s0 =	simm.s32 $0x1;
	v6 =	vld [tilespmem:s30+$0x0]  }
.LBB2_55:
0x683: {  	_ =	sdelay $0x4  }
0x684: {  	p0 =	slt.u32 s0, $0x8;
	s0 =	sadd.s32 $0x1, s0  }
0x685: {  	vm0 =	vmmov $0xffff;
	s1 =	simm.s32 @!p0 $0x2;
	p1 =	sne.s32 s29, s0  }
0x686: {  	[hbm4b:s5+s3] =	stream.indirect_vreg.scatter [tilespmem:s24], [sflag:$0x2], $0x1, v6, vm0, $0xb8;
	[tilespmem:$0x18080] =	vst v63  }
.Ltmp32:
0x687: {  	_ = 	snop;
	(pc) =	sbr.rel @p1 .LBB2_55-.Ltmp32, $4  }
0x688: {  	_ =	swait.ge @!p0 [sflag:s1], $0x10  }
0x689: {  	[sflag:s1] =	ssyncset.done @!p0 $0x0  }
0x68a: {  	s30 =	sadd.s32 $0x10, s30;
	[sflag:s1] =	ssyncadd.s32 @!p0 $0xFFFFFFF0  }
0x68b: {  	v6 =	vld [tilespmem:s30+$0x0]  }
.LBB2_56:
0x68c: {  	_ =	sdelay $0x3  }
0x68d: {  	s0 =	smin.u32 s29, $0x8  }
0x68e: {  	p0 =	sne.s32 s0, $0x1  }
.Ltmp33:
0x68f: {  	_ = 	snop;
	(pc) =	sbr.rel @!p0 .LBB2_58-.Ltmp33, $4  }
0x690: {  	vm0 =	vmmov $0xffff  }
0x691: {  	[hbm4b:s5+s3] =	stream.indirect_vreg.scatter [tilespmem:s24], [sflag:$0x2], $0x1, v6, vm0, $0xb8;
	[tilespmem:$0x18080] =	vst v63  }
0x692: {  	_ =	swait.ge [sflag:s25], $0x10  }
0x693: {  	s0 =	sadd.s32 $0xFFFFFFFF, s0;
	[sflag:s25] =	ssyncset.done $0x0  }
.LBB2_57:
0x694: {  	p0 =	sne.s32 s0, $0x1;
	s0 =	sadd.s32 $0xFFFFFFFF, s0;
	[sflag:s25] =	ssyncadd.s32 $0xFFFFFFF0  }
.Ltmp34:
0x695: {  	(pc) =	sbr.rel @p0 .LBB2_57-.Ltmp34, $3  }
0x696: {  	_ =	sdelay $0x1  }
0x697: {  	_ =	swait.ge [sflag:s25], $0x10  }
0x698: {  	[sflag:s25] =	ssyncset.done $0x0  }
.Ltmp35:
0x699: {  	_ = 	snop;
	(pc) =	sbr.rel .LBB2_58-.Ltmp35, $1  }
0x69a: {  	_ =	sdelay $0x3  }
.LBB2_60:
0x69b: {  	_ =	sfence.sel $0x180000  }
0x69c: {  	[bflag:$0x0] =	sbarrier.arrive $0xFFFF  }
0x69d: {  	_ =	strace $0x90000047  }
0x69e: {  	s0 =	stileid.u32;
	[bflag:$0x2] =	sbarrier.arrive $0xFFFF  }
0x69f: {  	p0 =	sne.s32 s0, $0x0;
	s0 =	rddreg [dreg:$0x2]  }
0x6a0: {  	s0 =	sadd.s32 @!p0 $0x100000, s0  }
0x6a1: {  	[sflag:s0] =	ssyncadd.tile.s32 @!p0 $0x1;
	_ =	shalt  }
.Lfunc_end2:
_tile_overlayer_lowered:
.L_overlay_start_2:
0x6a2: {  	(tag) =	ssettag $0x2  }
0x6a3: {  	s0 =	rddreg [dreg:$0x0];
	s2 =	stileid.u32  }
0x6a4: {  	s1 =	rddreg [dreg:$0x1];
	p0 =	sne.s32 s2, $0x0  }
0x6a5: {  	s3 =	rddreg [dreg:$0x2];
	[bflag:$0x3] =	sbarrier.arrive $0xFFFF;
	s2 =	simm.s32 @!p0 $0x1C03  }
0x6a6: {  	[timem:s3], [sflag:s2] =	dma.local @!p0 [hbm:s0], s1  }
0x6a7: {  	s0 =	simm.s32 @!p0 $0x3  }
0x6a8: {  	_ =	swait.ge @!p0 [sflag:s0], s1  }
0x6a9: {  	s1 =	ssub.s32 @!p0 $0x0, s1;
	[sflag:s0] =	ssyncset.done @!p0 $0x0  }
0x6aa: {  	[sflag:s0] =	ssyncadd.s32 @!p0 s1  }
0x6ab: {  	[bflag:$0x3] =	sbarrier.arrive $0xFFFF  }
0x6ac: {  	_ =	shalt  }

</sc_bundles>
